<compile_context>
chip_gen: v7x
topology: tpu7x:2x2x1
jax: 0.10.2.dev20260603
libtpu: 0.0.44.dev20260713+nightly
codegen_flags: <defaults>
</compile_context>

<pallas_src>
import functools

import jax
import jax.numpy as jnp
import numpy as np
from jax import lax
from jax.experimental import pallas as pl
from jax.experimental.pallas import tpu as pltpu
from jax.experimental.pallas import tpu_sc as plsc

_Z_DIM = 64
_MAX_NORM = float(np.sqrt(_Z_DIM))
_PAD_TRAJ = 80

_NC = 2
_NS = 16
_NW = _NC * _NS


def _make_sc_gather(batch, traj_len, z_dim):
    rows_per_w = batch // _NW
    mesh = plsc.VectorSubcoreMesh(core_axis_name="c", subcore_axis_name="s")

    @functools.partial(
        pl.kernel,
        mesh=mesh,
        compiler_params=pltpu.CompilerParams(use_tc_tiling_on_sc=False),
        out_type=jax.ShapeDtypeStruct((batch, _PAD_TRAJ, z_dim), jnp.float32),
        scratch_types=[
            pltpu.VMEM((rows_per_w, traj_len), jnp.int32),
            pltpu.VMEM((2, _PAD_TRAJ, z_dim), jnp.float32),
            pltpu.SemaphoreType.DMA,
            pltpu.SemaphoreType.DMA,
        ],
    )
    def sc_gather(noise_hbm, table_hbm, out_hbm, idx_v, rows_v, sem_a, sem_b):
        wid = lax.axis_index("s") * _NC + lax.axis_index("c")
        b0 = wid * rows_per_w
        pltpu.sync_copy(noise_hbm.at[pl.ds(b0, rows_per_w)], idx_v)
        zeros16 = jnp.zeros((16,), jnp.float32)
        for k in range(2):
            for r in range(traj_len, _PAD_TRAJ):
                for c in range(z_dim // 16):
                    rows_v[k, r, pl.ds(c * 16, 16)] = zeros16
        sems = (sem_a, sem_b)
        pltpu.make_async_copy(
            table_hbm.at[idx_v.at[0]],
            rows_v.at[0, pl.ds(0, traj_len)], sems[0]).start()
        for j in range(rows_per_w):
            if j + 1 < rows_per_w:
                pltpu.make_async_copy(
                    table_hbm.at[idx_v.at[j + 1]],
                    rows_v.at[(j + 1) % 2, pl.ds(0, traj_len)],
                    sems[(j + 1) % 2]).start()
            pltpu.make_async_copy(
                table_hbm.at[idx_v.at[j]],
                rows_v.at[j % 2, pl.ds(0, traj_len)], sems[j % 2]).wait()
            pltpu.sync_copy(rows_v.at[j % 2], out_hbm.at[b0 + j])

    return sc_gather


def _tc_interp_body(nf_ref, te_ref, to_ref, g2_ref, out_ref, *, bb):
    nf_f = nf_ref[0].astype(jnp.float32)
    inv_nf = 1.0 / nf_f
    fh = te_ref.shape[1]
    hp = _PAD_TRAJ // 2
    z = out_ref.shape[-1] // 2

    g2_all = g2_ref[...]
    g2b0 = g2_all.astype(jnp.bfloat16)
    lane_i = lax.broadcasted_iota(jnp.int32, (2 * z, 2 * z), 0)
    col_i = lax.broadcasted_iota(jnp.int32, (2 * z, 2 * z), 1)
    m2 = ((lane_i // z) == (col_i // z)).astype(jnp.bfloat16)
    ss = lax.dot_general(g2b0 * g2b0, m2, (((1,), (0,)), ((), ())),
                         preferred_element_type=jnp.float32)
    scl = jnp.minimum(1.0, _MAX_NORM * lax.rsqrt(jnp.maximum(ss, 1e-24)))
    g2s = (g2_all * scl).astype(jnp.bfloat16)

    j2 = lax.broadcasted_iota(jnp.int32, (hp, fh), 0).astype(jnp.float32)
    je = 2.0 * j2
    jo = je + 1.0
    lane_lo = lax.broadcasted_iota(jnp.int32, (fh, 2 * z), 1) < z

    def hat(jgrid, tf):
        d = (jgrid - tf).astype(jnp.bfloat16)
        one = jnp.bfloat16(1.0)
        zero = jnp.bfloat16(0.0)
        return jnp.maximum(one - jnp.abs(d), zero)

    dims = (((0,), (0,)), ((), ()))
    for b in range(bb):
        g2b = g2s[b * hp:(b + 1) * hp, :]
        g2w = pltpu.roll(g2b, z, 1)
        tfe = te_ref[b:b + 1, :].astype(jnp.float32) * inv_nf
        tfo = to_ref[b:b + 1, :].astype(jnp.float32) * inv_nf
        p = lax.dot_general(hat(je, tfe), g2b, dims,
                            preferred_element_type=jnp.float32)
        q = lax.dot_general(hat(jo, tfe), g2w, dims,
                            preferred_element_type=jnp.float32)
        r = lax.dot_general(hat(je, tfo), g2w, dims,
                            preferred_element_type=jnp.float32)
        s_ = lax.dot_general(hat(jo, tfo), g2b, dims,
                             preferred_element_type=jnp.float32)
        out_ref[b] = jnp.where(lane_lo, p + q, r + s_)


def _make_tc_interp(batch, f_cnt, z_dim, bb):
    hp = _PAD_TRAJ // 2
    fh = f_cnt // 2
    grid = (batch // bb,)
    return pl.pallas_call(
        functools.partial(_tc_interp_body, bb=bb),
        grid=grid,
        compiler_params=pltpu.CompilerParams(
            dimension_semantics=("parallel",)),
        in_specs=[
            pl.BlockSpec(memory_space=pltpu.SMEM),
            pl.BlockSpec((bb, fh), lambda b: (b, 0)),
            pl.BlockSpec((bb, fh), lambda b: (b, 0)),
            pl.BlockSpec((bb * hp, 2 * z_dim), lambda b: (b, 0)),
        ],
        out_specs=pl.BlockSpec((bb, fh, 2 * z_dim), lambda b: (b, 0, 0)),
        out_shape=jax.ShapeDtypeStruct((batch, fh, 2 * z_dim), jnp.float32),
    )


def kernel(c, t, l, num_frames_per_motion, motion_noise, embed_weight):
    batch, f_cnt = t.shape
    traj_len = motion_noise.shape[1]
    z_dim = embed_weight.shape[1]
    noise = motion_noise.astype(jnp.int32)
    gathered = _make_sc_gather(batch, traj_len, z_dim)(noise, embed_weight)
    g2 = gathered.reshape(batch * (_PAD_TRAJ // 2), 2 * z_dim)
    nf = jnp.asarray(num_frames_per_motion, jnp.int32).reshape(1)
    ti = t.astype(jnp.int32)
    te, to = ti[:, 0::2], ti[:, 1::2]
    bb = 16
    out2 = _make_tc_interp(batch, f_cnt, z_dim, bb)(nf, te, to, g2)
    return out2.reshape(batch, f_cnt, z_dim)

# --- scband reference (transcript-rebuilt; emitter-appended) ---
"""Pipeline reference for scband-motion-encoder-20736102105226 (READ-ONLY COPY).

The authoritative reference and input builder live on the scoring server;
editing this copy changes nothing except your own understanding.
"""

import jax, jax.numpy as jnp
import numpy as np

NUM_CODES = 100000
Z_DIM = 64
MAX_NUM_FRAMES = 1024
NFPM = 16
MAX_NORM = float(np.sqrt(Z_DIM))
B = 1024
F = 200
MAX_TRAJ_LEN = int(np.ceil((MAX_NUM_FRAMES - 1) / NFPM)) + 2  # 66


def setup_inputs(seed: int = 0) -> dict:
    key = jax.random.key(seed)
    k1, k2, k3, k4 = jax.random.split(key, 4)
    t = jax.random.randint(k1, (B, F), 0, MAX_NUM_FRAMES)
    l = jax.random.randint(k2, (B,), 0, MAX_NUM_FRAMES)
    motion_noise = jax.random.randint(k3, (B, MAX_TRAJ_LEN), 0, NUM_CODES)
    c = jnp.zeros((B, 0), dtype=jnp.float32)
    embed_weight = jax.random.normal(k4, (NUM_CODES, Z_DIM), dtype=jnp.float32)
    return {
        'c': c,
        't': t,
        'l': l,
        'num_frames_per_motion': NFPM,
        'motion_noise': motion_noise,
        'embed_weight': embed_weight,
    }


def _embed_max_norm(table, idx):
    # nn.Embedding(max_norm=sqrt(z_dim)): rows renormalized at lookup if norm exceeds max_norm
    g = jnp.take(table, idx, axis=0)
    norms = jnp.linalg.norm(g, axis=-1, keepdims=True)
    scale = jnp.minimum(1.0, MAX_NORM / jnp.maximum(norms, 1e-12))
    return g * scale


def reference(c, t, l, num_frames_per_motion, motion_noise, embed_weight):
    batch_size, num_frames = t.shape
    # max_t = max(cfg.max_num_frames - 1, t.max()); t < MAX_NUM_FRAMES so this is static
    max_t = MAX_NUM_FRAMES - 1
    # ceil(max_t / num_frames_per_motion) + 2 equals motion_noise's static trajectory
    # length by construction, so derive the static bound from the shape
    max_traj_len = motion_noise.shape[1]
    # motion_noise supplied -> traj_codes_idx = motion_noise[:batch_size, :max_traj_len]
    traj_codes_idx = motion_noise[:batch_size, :max_traj_len]
    left_idx = jnp.floor(t / num_frames_per_motion).astype(jnp.int32)
    batch_idx = jnp.arange(batch_size)[:, None]
    left_code_idx = traj_codes_idx[batch_idx, left_idx]
    right_code_idx = traj_codes_idx[batch_idx, left_idx + 1]
    left_codes = _embed_max_norm(embed_weight, left_code_idx)
    right_codes = _embed_max_norm(embed_weight, right_code_idx)
    interp_weights = ((t % num_frames_per_motion) / num_frames_per_motion).astype(jnp.float32)[..., None]
    motion_z = left_codes * (1.0 - interp_weights) + right_codes * interp_weights
    return motion_z

if __name__ == "__main__":
    import jax
    _d = setup_inputs()
    print(jax.jit(kernel)(*tuple(_d.values())))

</pallas_src>

<mosaic_0001>
#map = affine_map<(d0, d1) -> (0, 0)>
#map1 = affine_map<(d0, d1) -> (0, 0, 0)>
module attributes {stable_mosaic.version = 14 : i64} {
  func.func @sc_gather(%arg0: i32, %arg1: i32, %arg2: memref<1024x66xi32, #tpu.memory_space<hbm>>, %arg3: memref<100000x64xf32, #tpu.memory_space<hbm>>, %arg4: memref<1024x80x64xf32, #tpu.memory_space<hbm>>, %arg5: memref<32x66xi32, #tpu.memory_space<vmem>>, %arg6: memref<2x80x64xf32, #tpu.memory_space<vmem>>, %arg7: memref<!tpu.dma_semaphore, #tpu.memory_space<semaphore_mem>>, %arg8: memref<!tpu.dma_semaphore, #tpu.memory_space<semaphore_mem>>) attributes {dimension_semantics = [#tpu.dimension_semantics<core_parallel>, #tpu.dimension_semantics<subcore_parallel>], iteration_bounds = array<i64: 2, 16>, scalar_prefetch = 0 : i64, scratch_operands = 4 : i64, tpu.core_type = #tpu.core_type<sc_vector_subcore>, window_params = [{transform_indices = #map}, {transform_indices = #map}, {transform_indices = #map1}]} {
    %mul3A = arith.constant 2 : i32
    %mul3A_0 = arith.muli %arg1, %mul3A : i32
    %add3A = arith.addi %mul3A_0, %arg0 : i32
    %mul3A_1 = arith.constant 32 : i32
    %mul3A_2 = arith.muli %add3A, %mul3A_1 : i32
    "tpu.region"() ({
      %run_scoped3A_1760 = tpu.sem_alloc : memref<!tpu.dma_semaphore, #tpu.memory_space<semaphore_mem>>
      %dma_start3A_1761 = arith.constant 0 : i32
      %dma_start3A_1762 = tpu.memref_slice %arg2[%mul3A_2, %dma_start3A_1761] : memref<1024x66xi32, #tpu.memory_space<hbm>> -> memref<32x66xi32, #tpu.memory_space<hbm>>
      %dma_start3A_1763 = arith.constant 0 : i32
      %dma_start3A_1764 = tpu.memref_slice %arg2[%mul3A_2, %dma_start3A_1763] : memref<1024x66xi32, #tpu.memory_space<hbm>> -> memref<32x66xi32, #tpu.memory_space<hbm>>
      tpu.enqueue_dma source(%dma_start3A_1764 : memref<32x66xi32, #tpu.memory_space<hbm>>) target(%arg5 : memref<32x66xi32, #tpu.memory_space<vmem>>) target_semaphore(%run_scoped3A_1760 : memref<!tpu.dma_semaphore, #tpu.memory_space<semaphore_mem>>)
      %dma_wait3A_1765 = arith.constant 0 : i32
      %dma_wait3A_1766 = tpu.memref_slice %arg2[%mul3A_2, %dma_wait3A_1765] : memref<1024x66xi32, #tpu.memory_space<hbm>> -> memref<32x66xi32, #tpu.memory_space<hbm>>
      %dma_wait3A_1767 = arith.constant 0 : i32
      %dma_wait3A_1768 = tpu.memref_slice %arg2[%mul3A_2, %dma_wait3A_1767] : memref<1024x66xi32, #tpu.memory_space<hbm>> -> memref<32x66xi32, #tpu.memory_space<hbm>>
      tpu.wait_dma2 semaphore(%run_scoped3A_1760 : memref<!tpu.dma_semaphore, #tpu.memory_space<semaphore_mem>>) src(%dma_wait3A_1768 : memref<32x66xi32, #tpu.memory_space<hbm>>) dst(%arg5 : memref<32x66xi32, #tpu.memory_space<vmem>>)
      tpu.yield
    }) : () -> ()
    %broadcast_in_dim3A = arith.constant 0.000000e+00 : f32
    %broadcast_in_dim3A_3 = vector.broadcast %broadcast_in_dim3A : f32 to vector<16xf32>
    %swap3A = arith.constant 0 : i32
    %swap3A_4 = arith.constant 66 : i32
    %swap3A_5 = arith.index_cast %swap3A : i32 to index
    %swap3A_6 = arith.index_cast %swap3A_4 : i32 to index
    %swap3A_7 = arith.constant 0 : index
    %swap3A_8 = tpu.vector_load %arg6[%swap3A_5, %swap3A_6, %swap3A_7] {strides = array<i32>} : memref<2x80x64xf32, #tpu.memory_space<vmem>>, vector<1x1x16xf32>,
    %swap3A_9 = vector.shape_cast %swap3A_8 : vector<1x1x16xf32> to vector<16xf32>
    %swap3A_10 = vector.shape_cast %broadcast_in_dim3A_3 : vector<16xf32> to vector<1x1x16xf32>
    tpu.vector_store %arg6[%swap3A_5, %swap3A_6, %swap3A_7], %swap3A_10 {strides = array<i32>} : memref<2x80x64xf32, #tpu.memory_space<vmem>>, vector<1x1x16xf32>,
    %swap3A_11 = arith.constant 0 : i32
    %swap3A_12 = arith.constant 66 : i32
    %swap3A_13 = arith.index_cast %swap3A_11 : i32 to index
    %swap3A_14 = arith.index_cast %swap3A_12 : i32 to index
    %swap3A_15 = arith.constant 16 : index
    %swap3A_16 = tpu.vector_load %arg6[%swap3A_13, %swap3A_14, %swap3A_15] {strides = array<i32>} : memref<2x80x64xf32, #tpu.memory_space<vmem>>, vector<1x1x16xf32>,
    %swap3A_17 = vector.shape_cast %swap3A_16 : vector<1x1x16xf32> to vector<16xf32>
    %swap3A_18 = vector.shape_cast %broadcast_in_dim3A_3 : vector<16xf32> to vector<1x1x16xf32>
    tpu.vector_store %arg6[%swap3A_13, %swap3A_14, %swap3A_15], %swap3A_18 {strides = array<i32>} : memref<2x80x64xf32, #tpu.memory_space<vmem>>, vector<1x1x16xf32>,
    %swap3A_19 = arith.constant 0 : i32
    %swap3A_20 = arith.constant 66 : i32
    %swap3A_21 = arith.index_cast %swap3A_19 : i32 to index
    %swap3A_22 = arith.index_cast %swap3A_20 : i32 to index
    %swap3A_23 = arith.constant 32 : index
    %swap3A_24 = tpu.vector_load %arg6[%swap3A_21, %swap3A_22, %swap3A_23] {strides = array<i32>} : memref<2x80x64xf32, #tpu.memory_space<vmem>>, vector<1x1x16xf32>,
    %swap3A_25 = vector.shape_cast %swap3A_24 : vector<1x1x16xf32> to vector<16xf32>
    %swap3A_26 = vector.shape_cast %broadcast_in_dim3A_3 : vector<16xf32> to vector<1x1x16xf32>
    tpu.vector_store %arg6[%swap3A_21, %swap3A_22, %swap3A_23], %swap3A_26 {strides = array<i32>} : memref<2x80x64xf32, #tpu.memory_space<vmem>>, vector<1x1x16xf32>,
    %swap3A_27 = arith.constant 0 : i32
    %swap3A_28 = arith.constant 66 : i32
    %swap3A_29 = arith.index_cast %swap3A_27 : i32 to index
    %swap3A_30 = arith.index_cast %swap3A_28 : i32 to index
    %swap3A_31 = arith.constant 48 : index
    %swap3A_32 = tpu.vector_load %arg6[%swap3A_29, %swap3A_30, %swap3A_31] {strides = array<i32>} : memref<2x80x64xf32, #tpu.memory_space<vmem>>, vector<1x1x16xf32>,
    %swap3A_33 = vector.shape_cast %swap3A_32 : vector<1x1x16xf32> to vector<16xf32>
    %swap3A_34 = vector.shape_cast %broadcast_in_dim3A_3 : vector<16xf32> to vector<1x1x16xf32>
    tpu.vector_store %arg6[%swap3A_29, %swap3A_30, %swap3A_31], %swap3A_34 {strides = array<i32>} : memref<2x80x64xf32, #tpu.memory_space<vmem>>, vector<1x1x16xf32>,
    %swap3A_35 = arith.constant 0 : i32
    %swap3A_36 = arith.constant 67 : i32
    %swap3A_37 = arith.index_cast %swap3A_35 : i32 to index
    %swap3A_38 = arith.index_cast %swap3A_36 : i32 to index
    %swap3A_39 = arith.constant 0 : index
    %swap3A_40 = tpu.vector_load %arg6[%swap3A_37, %swap3A_38, %swap3A_39] {strides = array<i32>} : memref<2x80x64xf32, #tpu.memory_space<vmem>>, vector<1x1x16xf32>,
    %swap3A_41 = vector.shape_cast %swap3A_40 : vector<1x1x16xf32> to vector<16xf32>
    %swap3A_42 = vector.shape_cast %broadcast_in_dim3A_3 : vector<16xf32> to vector<1x1x16xf32>
    tpu.vector_store %arg6[%swap3A_37, %swap3A_38, %swap3A_39], %swap3A_42 {strides = array<i32>} : memref<2x80x64xf32, #tpu.memory_space<vmem>>, vector<1x1x16xf32>,
    %swap3A_43 = arith.constant 0 : i32
    %swap3A_44 = arith.constant 67 : i32
    %swap3A_45 = arith.index_cast %swap3A_43 : i32 to index
    %swap3A_46 = arith.index_cast %swap3A_44 : i32 to index
    %swap3A_47 = arith.constant 16 : index
    %swap3A_48 = tpu.vector_load %arg6[%swap3A_45, %swap3A_46, %swap3A_47] {strides = array<i32>} : memref<2x80x64xf32, #tpu.memory_space<vmem>>, vector<1x1x16xf32>,
    %swap3A_49 = vector.shape_cast %swap3A_48 : vector<1x1x16xf32> to vector<16xf32>
    %swap3A_50 = vector.shape_cast %broadcast_in_dim3A_3 : vector<16xf32> to vector<1x1x16xf32>
    tpu.vector_store %arg6[%swap3A_45, %swap3A_46, %swap3A_47], %swap3A_50 {strides = array<i32>} : memref<2x80x64xf32, #tpu.memory_space<vmem>>, vector<1x1x16xf32>,
    %swap3A_51 = arith.constant 0 : i32
    %swap3A_52 = arith.constant 67 : i32
    %swap3A_53 = arith.index_cast %swap3A_51 : i32 to index
    %swap3A_54 = arith.index_cast %swap3A_52 : i32 to index
    %swap3A_55 = arith.constant 32 : index
    %swap3A_56 = tpu.vector_load %arg6[%swap3A_53, %swap3A_54, %swap3A_55] {strides = array<i32>} : memref<2x80x64xf32, #tpu.memory_space<vmem>>, vector<1x1x16xf32>,
    %swap3A_57 = vector.shape_cast %swap3A_56 : vector<1x1x16xf32> to vector<16xf32>
    %swap3A_58 = vector.shape_cast %broadcast_in_dim3A_3 : vector<16xf32> to vector<1x1x16xf32>
    tpu.vector_store %arg6[%swap3A_53, %swap3A_54, %swap3A_55], %swap3A_58 {strides = array<i32>} : memref<2x80x64xf32, #tpu.memory_space<vmem>>, vector<1x1x16xf32>,
    %swap3A_59 = arith.constant 0 : i32
    %swap3A_60 = arith.constant 67 : i32
    %swap3A_61 = arith.index_cast %swap3A_59 : i32 to index
    %swap3A_62 = arith.index_cast %swap3A_60 : i32 to index
    %swap3A_63 = arith.constant 48 : index
    %swap3A_64 = tpu.vector_load %arg6[%swap3A_61, %swap3A_62, %swap3A_63] {strides = array<i32>} : memref<2x80x64xf32, #tpu.memory_space<vmem>>, vector<1x1x16xf32>,
    %swap3A_65 = vector.shape_cast %swap3A_64 : vector<1x1x16xf32> to vector<16xf32>
    %swap3A_66 = vector.shape_cast %broadcast_in_dim3A_3 : vector<16xf32> to vector<1x1x16xf32>
    tpu.vector_store %arg6[%swap3A_61, %swap3A_62, %swap3A_63], %swap3A_66 {strides = array<i32>} : memref<2x80x64xf32, #tpu.memory_space<vmem>>, vector<1x1x16xf32>,
    %swap3A_67 = arith.constant 0 : i32
    %swap3A_68 = arith.constant 68 : i32
    %swap3A_69 = arith.index_cast %swap3A_67 : i32 to index
    %swap3A_70 = arith.index_cast %swap3A_68 : i32 to index
    %swap3A_71 = arith.constant 0 : index
    %swap3A_72 = tpu.vector_load %arg6[%swap3A_69, %swap3A_70, %swap3A_71] {strides = array<i32>} : memref<2x80x64xf32, #tpu.memory_space<vmem>>, vector<1x1x16xf32>,
    %swap3A_73 = vector.shape_cast %swap3A_72 : vector<1x1x16xf32> to vector<16xf32>
    %swap3A_74 = vector.shape_cast %broadcast_in_dim3A_3 : vector<16xf32> to vector<1x1x16xf32>
    tpu.vector_store %arg6[%swap3A_69, %swap3A_70, %swap3A_71], %swap3A_74 {strides = array<i32>} : memref<2x80x64xf32, #tpu.memory_space<vmem>>, vector<1x1x16xf32>,
    %swap3A_75 = arith.constant 0 : i32
    %swap3A_76 = arith.constant 68 : i32
    %swap3A_77 = arith.index_cast %swap3A_75 : i32 to index
    %swap3A_78 = arith.index_cast %swap3A_76 : i32 to index
    %swap3A_79 = arith.constant 16 : index
    %swap3A_80 = tpu.vector_load %arg6[%swap3A_77, %swap3A_78, %swap3A_79] {strides = array<i32>} : memref<2x80x64xf32, #tpu.memory_space<vmem>>, vector<1x1x16xf32>,
    %swap3A_81 = vector.shape_cast %swap3A_80 : vector<1x1x16xf32> to vector<16xf32>
    %swap3A_82 = vector.shape_cast %broadcast_in_dim3A_3 : vector<16xf32> to vector<1x1x16xf32>
    tpu.vector_store %arg6[%swap3A_77, %swap3A_78, %swap3A_79], %swap3A_82 {strides = array<i32>} : memref<2x80x64xf32, #tpu.memory_space<vmem>>, vector<1x1x16xf32>,
    %swap3A_83 = arith.constant 0 : i32
    %swap3A_84 = arith.constant 68 : i32
    %swap3A_85 = arith.index_cast %swap3A_83 : i32 to index
    %swap3A_86 = arith.index_cast %swap3A_84 : i32 to index
    %swap3A_87 = arith.constant 32 : index
    %swap3A_88 = tpu.vector_load %arg6[%swap3A_85, %swap3A_86, %swap3A_87] {strides = array<i32>} : memref<2x80x64xf32, #tpu.memory_space<vmem>>, vector<1x1x16xf32>,
    %swap3A_89 = vector.shape_cast %swap3A_88 : vector<1x1x16xf32> to vector<16xf32>
    %swap3A_90 = vector.shape_cast %broadcast_in_dim3A_3 : vector<16xf32> to vector<1x1x16xf32>
    tpu.vector_store %arg6[%swap3A_85, %swap3A_86, %swap3A_87], %swap3A_90 {strides = array<i32>} : memref<2x80x64xf32, #tpu.memory_space<vmem>>, vector<1x1x16xf32>,
    %swap3A_91 = arith.constant 0 : i32
    %swap3A_92 = arith.constant 68 : i32
    %swap3A_93 = arith.index_cast %swap3A_91 : i32 to index
    %swap3A_94 = arith.index_cast %swap3A_92 : i32 to index
    %swap3A_95 = arith.constant 48 : index
    %swap3A_96 = tpu.vector_load %arg6[%swap3A_93, %swap3A_94, %swap3A_95] {strides = array<i32>} : memref<2x80x64xf32, #tpu.memory_space<vmem>>, vector<1x1x16xf32>,
    %swap3A_97 = vector.shape_cast %swap3A_96 : vector<1x1x16xf32> to vector<16xf32>
    %swap3A_98 = vector.shape_cast %broadcast_in_dim3A_3 : vector<16xf32> to vector<1x1x16xf32>
    tpu.vector_store %arg6[%swap3A_93, %swap3A_94, %swap3A_95], %swap3A_98 {strides = array<i32>} : memref<2x80x64xf32, #tpu.memory_space<vmem>>, vector<1x1x16xf32>,
    %swap3A_99 = arith.constant 0 : i32
    %swap3A_100 = arith.constant 69 : i32
    %swap3A_101 = arith.index_cast %swap3A_99 : i32 to index
    %swap3A_102 = arith.index_cast %swap3A_100 : i32 to index
    %swap3A_103 = arith.constant 0 : index
    %swap3A_104 = tpu.vector_load %arg6[%swap3A_101, %swap3A_102, %swap3A_103] {strides = array<i32>} : memref<2x80x64xf32, #tpu.memory_space<vmem>>, vector<1x1x16xf32>,
    %swap3A_105 = vector.shape_cast %swap3A_104 : vector<1x1x16xf32> to vector<16xf32>
    %swap3A_106 = vector.shape_cast %broadcast_in_dim3A_3 : vector<16xf32> to vector<1x1x16xf32>
    tpu.vector_store %arg6[%swap3A_101, %swap3A_102, %swap3A_103], %swap3A_106 {strides = array<i32>} : memref<2x80x64xf32, #tpu.memory_space<vmem>>, vector<1x1x16xf32>,
    %swap3A_107 = arith.constant 0 : i32
    %swap3A_108 = arith.constant 69 : i32
    %swap3A_109 = arith.index_cast %swap3A_107 : i32 to index
    %swap3A_110 = arith.index_cast %swap3A_108 : i32 to index
    %swap3A_111 = arith.constant 16 : index
    %swap3A_112 = tpu.vector_load %arg6[%swap3A_109, %swap3A_110, %swap3A_111] {strides = array<i32>} : memref<2x80x64xf32, #tpu.memory_space<vmem>>, vector<1x1x16xf32>,
    %swap3A_113 = vector.shape_cast %swap3A_112 : vector<1x1x16xf32> to vector<16xf32>
    %swap3A_114 = vector.shape_cast %broadcast_in_dim3A_3 : vector<16xf32> to vector<1x1x16xf32>
    tpu.vector_store %arg6[%swap3A_109, %swap3A_110, %swap3A_111], %swap3A_114 {strides = array<i32>} : memref<2x80x64xf32, #tpu.memory_space<vmem>>, vector<1x1x16xf32>,
    %swap3A_115 = arith.constant 0 : i32
    %swap3A_116 = arith.constant 69 : i32
    %swap3A_117 = arith.index_cast %swap3A_115 : i32 to index
    %swap3A_118 = arith.index_cast %swap3A_116 : i32 to index
    %swap3A_119 = arith.constant 32 : index
    %swap3A_120 = tpu.vector_load %arg6[%swap3A_117, %swap3A_118, %swap3A_119] {strides = array<i32>} : memref<2x80x64xf32, #tpu.memory_space<vmem>>, vector<1x1x16xf32>,
    %swap3A_121 = vector.shape_cast %swap3A_120 : vector<1x1x16xf32> to vector<16xf32>
    %swap3A_122 = vector.shape_cast %broadcast_in_dim3A_3 : vector<16xf32> to vector<1x1x16xf32>
    tpu.vector_store %arg6[%swap3A_117, %swap3A_118, %swap3A_119], %swap3A_122 {strides = array<i32>} : memref<2x80x64xf32, #tpu.memory_space<vmem>>, vector<1x1x16xf32>,
    %swap3A_123 = arith.constant 0 : i32
    %swap3A_124 = arith.constant 69 : i32
    %swap3A_125 = arith.index_cast %swap3A_123 : i32 to index
    %swap3A_126 = arith.index_cast %swap3A_124 : i32 to index
    %swap3A_127 = arith.constant 48 : index
    %swap3A_128 = tpu.vector_load %arg6[%swap3A_125, %swap3A_126, %swap3A_127] {strides = array<i32>} : memref<2x80x64xf32, #tpu.memory_space<vmem>>, vector<1x1x16xf32>,
    %swap3A_129 = vector.shape_cast %swap3A_128 : vector<1x1x16xf32> to vector<16xf32>
    %swap3A_130 = vector.shape_cast %broadcast_in_dim3A_3 : vector<16xf32> to vector<1x1x16xf32>
    tpu.vector_store %arg6[%swap3A_125, %swap3A_126, %swap3A_127], %swap3A_130 {strides = array<i32>} : memref<2x80x64xf32, #tpu.memory_space<vmem>>, vector<1x1x16xf32>,
    %swap3A_131 = arith.constant 0 : i32
    %swap3A_132 = arith.constant 70 : i32
    %swap3A_133 = arith.index_cast %swap3A_131 : i32 to index
    %swap3A_134 = arith.index_cast %swap3A_132 : i32 to index
    %swap3A_135 = arith.constant 0 : index
    %swap3A_136 = tpu.vector_load %arg6[%swap3A_133, %swap3A_134, %swap3A_135] {strides = array<i32>} : memref<2x80x64xf32, #tpu.memory_space<vmem>>, vector<1x1x16xf32>,
    %swap3A_137 = vector.shape_cast %swap3A_136 : vector<1x1x16xf32> to vector<16xf32>
    %swap3A_138 = vector.shape_cast %broadcast_in_dim3A_3 : vector<16xf32> to vector<1x1x16xf32>
    tpu.vector_store %arg6[%swap3A_133, %swap3A_134, %swap3A_135], %swap3A_138 {strides = array<i32>} : memref<2x80x64xf32, #tpu.memory_space<vmem>>, vector<1x1x16xf32>,
    %swap3A_139 = arith.constant 0 : i32
    %swap3A_140 = arith.constant 70 : i32
    %swap3A_141 = arith.index_cast %swap3A_139 : i32 to index
    %swap3A_142 = arith.index_cast %swap3A_140 : i32 to index
    %swap3A_143 = arith.constant 16 : index
    %swap3A_144 = tpu.vector_load %arg6[%swap3A_141, %swap3A_142, %swap3A_143] {strides = array<i32>} : memref<2x80x64xf32, #tpu.memory_space<vmem>>, vector<1x1x16xf32>,
    %swap3A_145 = vector.shape_cast %swap3A_144 : vector<1x1x16xf32> to vector<16xf32>
    %swap3A_146 = vector.shape_cast %broadcast_in_dim3A_3 : vector<16xf32> to vector<1x1x16xf32>
    tpu.vector_store %arg6[%swap3A_141, %swap3A_142, %swap3A_143], %swap3A_146 {strides = array<i32>} : memref<2x80x64xf32, #tpu.memory_space<vmem>>, vector<1x1x16xf32>,
    %swap3A_147 = arith.constant 0 : i32
    %swap3A_148 = arith.constant 70 : i32
    %swap3A_149 = arith.index_cast %swap3A_147 : i32 to index
    %swap3A_150 = arith.index_cast %swap3A_148 : i32 to index
    %swap3A_151 = arith.constant 32 : index
    %swap3A_152 = tpu.vector_load %arg6[%swap3A_149, %swap3A_150, %swap3A_151] {strides = array<i32>} : memref<2x80x64xf32, #tpu.memory_space<vmem>>, vector<1x1x16xf32>,
    %swap3A_153 = vector.shape_cast %swap3A_152 : vector<1x1x16xf32> to vector<16xf32>
    %swap3A_154 = vector.shape_cast %broadcast_in_dim3A_3 : vector<16xf32> to vector<1x1x16xf32>
    tpu.vector_store %arg6[%swap3A_149, %swap3A_150, %swap3A_151], %swap3A_154 {strides = array<i32>} : memref<2x80x64xf32, #tpu.memory_space<vmem>>, vector<1x1x16xf32>,
    %swap3A_155 = arith.constant 0 : i32
    %swap3A_156 = arith.constant 70 : i32
    %swap3A_157 = arith.index_cast %swap3A_155 : i32 to index
    %swap3A_158 = arith.index_cast %swap3A_156 : i32 to index
    %swap3A_159 = arith.constant 48 : index
    %swap3A_160 = tpu.vector_load %arg6[%swap3A_157, %swap3A_158, %swap3A_159] {strides = array<i32>} : memref<2x80x64xf32, #tpu.memory_space<vmem>>, vector<1x1x16xf32>,
    %swap3A_161 = vector.shape_cast %swap3A_160 : vector<1x1x16xf32> to vector<16xf32>
    %swap3A_162 = vector.shape_cast %broadcast_in_dim3A_3 : vector<16xf32> to vector<1x1x16xf32>
    tpu.vector_store %arg6[%swap3A_157, %swap3A_158, %swap3A_159], %swap3A_162 {strides = array<i32>} : memref<2x80x64xf32, #tpu.memory_space<vmem>>, vector<1x1x16xf32>,
    %swap3A_163 = arith.constant 0 : i32
    %swap3A_164 = arith.constant 71 : i32
    %swap3A_165 = arith.index_cast %swap3A_163 : i32 to index
    %swap3A_166 = arith.index_cast %swap3A_164 : i32 to index
    %swap3A_167 = arith.constant 0 : index
    %swap3A_168 = tpu.vector_load %arg6[%swap3A_165, %swap3A_166, %swap3A_167] {strides = array<i32>} : memref<2x80x64xf32, #tpu.memory_space<vmem>>, vector<1x1x16xf32>,
    %swap3A_169 = vector.shape_cast %swap3A_168 : vector<1x1x16xf32> to vector<16xf32>
    %swap3A_170 = vector.shape_cast %broadcast_in_dim3A_3 : vector<16xf32> to vector<1x1x16xf32>
    tpu.vector_store %arg6[%swap3A_165, %swap3A_166, %swap3A_167], %swap3A_170 {strides = array<i32>} : memref<2x80x64xf32, #tpu.memory_space<vmem>>, vector<1x1x16xf32>,
    %swap3A_171 = arith.constant 0 : i32
    %swap3A_172 = arith.constant 71 : i32
    %swap3A_173 = arith.index_cast %swap3A_171 : i32 to index
    %swap3A_174 = arith.index_cast %swap3A_172 : i32 to index
    %swap3A_175 = arith.constant 16 : index
    %swap3A_176 = tpu.vector_load %arg6[%swap3A_173, %swap3A_174, %swap3A_175] {strides = array<i32>} : memref<2x80x64xf32, #tpu.memory_space<vmem>>, vector<1x1x16xf32>,
    %swap3A_177 = vector.shape_cast %swap3A_176 : vector<1x1x16xf32> to vector<16xf32>
    %swap3A_178 = vector.shape_cast %broadcast_in_dim3A_3 : vector<16xf32> to vector<1x1x16xf32>
    tpu.vector_store %arg6[%swap3A_173, %swap3A_174, %swap3A_175], %swap3A_178 {strides = array<i32>} : memref<2x80x64xf32, #tpu.memory_space<vmem>>, vector<1x1x16xf32>,
    %swap3A_179 = arith.constant 0 : i32
    %swap3A_180 = arith.constant 71 : i32
    %swap3A_181 = arith.index_cast %swap3A_179 : i32 to index
    %swap3A_182 = arith.index_cast %swap3A_180 : i32 to index
    %swap3A_183 = arith.constant 32 : index
    %swap3A_184 = tpu.vector_load %arg6[%swap3A_181, %swap3A_182, %swap3A_183] {strides = array<i32>} : memref<2x80x64xf32, #tpu.memory_space<vmem>>, vector<1x1x16xf32>,
    %swap3A_185 = vector.shape_cast %swap3A_184 : vector<1x1x16xf32> to vector<16xf32>
    %swap3A_186 = vector.shape_cast %broadcast_in_dim3A_3 : vector<16xf32> to vector<1x1x16xf32>
    tpu.vector_store %arg6[%swap3A_181, %swap3A_182, %swap3A_183], %swap3A_186 {strides = array<i32>} : memref<2x80x64xf32, #tpu.memory_space<vmem>>, vector<1x1x16xf32>,
    %swap3A_187 = arith.constant 0 : i32
    %swap3A_188 = arith.constant 71 : i32
    %swap3A_189 = arith.index_cast %swap3A_187 : i32 to index
    %swap3A_190 = arith.index_cast %swap3A_188 : i32 to index
    %swap3A_191 = arith.constant 48 : index
    %swap3A_192 = tpu.vector_load %arg6[%swap3A_189, %swap3A_190, %swap3A_191] {strides = array<i32>} : memref<2x80x64xf32, #tpu.memory_space<vmem>>, vector<1x1x16xf32>,
    %swap3A_193 = vector.shape_cast %swap3A_192 : vector<1x1x16xf32> to vector<16xf32>
    %swap3A_194 = vector.shape_cast %broadcast_in_dim3A_3 : vector<16xf32> to vector<1x1x16xf32>
    tpu.vector_store %arg6[%swap3A_189, %swap3A_190, %swap3A_191], %swap3A_194 {strides = array<i32>} : memref<2x80x64xf32, #tpu.memory_space<vmem>>, vector<1x1x16xf32>,
    %swap3A_195 = arith.constant 0 : i32
    %swap3A_196 = arith.constant 72 : i32
    %swap3A_197 = arith.index_cast %swap3A_195 : i32 to index
    %swap3A_198 = arith.index_cast %swap3A_196 : i32 to index
    %swap3A_199 = arith.constant 0 : index
    %swap3A_200 = tpu.vector_load %arg6[%swap3A_197, %swap3A_198, %swap3A_199] {strides = array<i32>} : memref<2x80x64xf32, #tpu.memory_space<vmem>>, vector<1x1x16xf32>,
    %swap3A_201 = vector.shape_cast %swap3A_200 : vector<1x1x16xf32> to vector<16xf32>
    %swap3A_202 = vector.shape_cast %broadcast_in_dim3A_3 : vector<16xf32> to vector<1x1x16xf32>
    tpu.vector_store %arg6[%swap3A_197, %swap3A_198, %swap3A_199], %swap3A_202 {strides = array<i32>} : memref<2x80x64xf32, #tpu.memory_space<vmem>>, vector<1x1x16xf32>,
    %swap3A_203 = arith.constant 0 : i32
    %swap3A_204 = arith.constant 72 : i32
    %swap3A_205 = arith.index_cast %swap3A_203 : i32 to index
    %swap3A_206 = arith.index_cast %swap3A_204 : i32 to index
    %swap3A_207 = arith.constant 16 : index
    %swap3A_208 = tpu.vector_load %arg6[%swap3A_205, %swap3A_206, %swap3A_207] {strides = array<i32>} : memref<2x80x64xf32, #tpu.memory_space<vmem>>, vector<1x1x16xf32>,
    %swap3A_209 = vector.shape_cast %swap3A_208 : vector<1x1x16xf32> to vector<16xf32>
    %swap3A_210 = vector.shape_cast %broadcast_in_dim3A_3 : vector<16xf32> to vector<1x1x16xf32>
    tpu.vector_store %arg6[%swap3A_205, %swap3A_206, %swap3A_207], %swap3A_210 {strides = array<i32>} : memref<2x80x64xf32, #tpu.memory_space<vmem>>, vector<1x1x16xf32>,
    %swap3A_211 = arith.constant 0 : i32
    %swap3A_212 = arith.constant 72 : i32
    %swap3A_213 = arith.index_cast %swap3A_211 : i32 to index
    %swap3A_214 = arith.index_cast %swap3A_212 : i32 to index
    %swap3A_215 = arith.constant 32 : index
    %swap3A_216 = tpu.vector_load %arg6[%swap3A_213, %swap3A_214, %swap3A_215] {strides = array<i32>} : memref<2x80x64xf32, #tpu.memory_space<vmem>>, vector<1x1x16xf32>,
    %swap3A_217 = vector.shape_cast %swap3A_216 : vector<1x1x16xf32> to vector<16xf32>
    %swap3A_218 = vector.shape_cast %broadcast_in_dim3A_3 : vector<16xf32> to vector<1x1x16xf32>
    tpu.vector_store %arg6[%swap3A_213, %swap3A_214, %swap3A_215], %swap3A_218 {strides = array<i32>} : memref<2x80x64xf32, #tpu.memory_space<vmem>>, vector<1x1x16xf32>,
    %swap3A_219 = arith.constant 0 : i32
    %swap3A_220 = arith.constant 72 : i32
    %swap3A_221 = arith.index_cast %swap3A_219 : i32 to index
    %swap3A_222 = arith.index_cast %swap3A_220 : i32 to index
    %swap3A_223 = arith.constant 48 : index
    %swap3A_224 = tpu.vector_load %arg6[%swap3A_221, %swap3A_222, %swap3A_223] {strides = array<i32>} : memref<2x80x64xf32, #tpu.memory_space<vmem>>, vector<1x1x16xf32>,
    %swap3A_225 = vector.shape_cast %swap3A_224 : vector<1x1x16xf32> to vector<16xf32>
    %swap3A_226 = vector.shape_cast %broadcast_in_dim3A_3 : vector<16xf32> to vector<1x1x16xf32>
    tpu.vector_store %arg6[%swap3A_221, %swap3A_222, %swap3A_223], %swap3A_226 {strides = array<i32>} : memref<2x80x64xf32, #tpu.memory_space<vmem>>, vector<1x1x16xf32>,
    %swap3A_227 = arith.constant 0 : i32
    %swap3A_228 = arith.constant 73 : i32
    %swap3A_229 = arith.index_cast %swap3A_227 : i32 to index
    %swap3A_230 = arith.index_cast %swap3A_228 : i32 to index
    %swap3A_231 = arith.constant 0 : index
    %swap3A_232 = tpu.vector_load %arg6[%swap3A_229, %swap3A_230, %swap3A_231] {strides = array<i32>} : memref<2x80x64xf32, #tpu.memory_space<vmem>>, vector<1x1x16xf32>,
    %swap3A_233 = vector.shape_cast %swap3A_232 : vector<1x1x16xf32> to vector<16xf32>
    %swap3A_234 = vector.shape_cast %broadcast_in_dim3A_3 : vector<16xf32> to vector<1x1x16xf32>
    tpu.vector_store %arg6[%swap3A_229, %swap3A_230, %swap3A_231], %swap3A_234 {strides = array<i32>} : memref<2x80x64xf32, #tpu.memory_space<vmem>>, vector<1x1x16xf32>,
    %swap3A_235 = arith.constant 0 : i32
    %swap3A_236 = arith.constant 73 : i32
    %swap3A_237 = arith.index_cast %swap3A_235 : i32 to index
    %swap3A_238 = arith.index_cast %swap3A_236 : i32 to index
    %swap3A_239 = arith.constant 16 : index
    %swap3A_240 = tpu.vector_load %arg6[%swap3A_237, %swap3A_238, %swap3A_239] {strides = array<i32>} : memref<2x80x64xf32, #tpu.memory_space<vmem>>, vector<1x1x16xf32>,
    %swap3A_241 = vector.shape_cast %swap3A_240 : vector<1x1x16xf32> to vector<16xf32>
    %swap3A_242 = vector.shape_cast %broadcast_in_dim3A_3 : vector<16xf32> to vector<1x1x16xf32>
    tpu.vector_store %arg6[%swap3A_237, %swap3A_238, %swap3A_239], %swap3A_242 {strides = array<i32>} : memref<2x80x64xf32, #tpu.memory_space<vmem>>, vector<1x1x16xf32>,
    %swap3A_243 = arith.constant 0 : i32
    %swap3A_244 = arith.constant 73 : i32
    %swap3A_245 = arith.index_cast %swap3A_243 : i32 to index
    %swap3A_246 = arith.index_cast %swap3A_244 : i32 to index
    %swap3A_247 = arith.constant 32 : index
    %swap3A_248 = tpu.vector_load %arg6[%swap3A_245, %swap3A_246, %swap3A_247] {strides = array<i32>} : memref<2x80x64xf32, #tpu.memory_space<vmem>>, vector<1x1x16xf32>,
    %swap3A_249 = vector.shape_cast %swap3A_248 : vector<1x1x16xf32> to vector<16xf32>
    %swap3A_250 = vector.shape_cast %broadcast_in_dim3A_3 : vector<16xf32> to vector<1x1x16xf32>
    tpu.vector_store %arg6[%swap3A_245, %swap3A_246, %swap3A_247], %swap3A_250 {strides = array<i32>} : memref<2x80x64xf32, #tpu.memory_space<vmem>>, vector<1x1x16xf32>,
    %swap3A_251 = arith.constant 0 : i32
    %swap3A_252 = arith.constant 73 : i32
    %swap3A_253 = arith.index_cast %swap3A_251 : i32 to index
    %swap3A_254 = arith.index_cast %swap3A_252 : i32 to index
    %swap3A_255 = arith.constant 48 : index
    %swap3A_256 = tpu.vector_load %arg6[%swap3A_253, %swap3A_254, %swap3A_255] {strides = array<i32>} : memref<2x80x64xf32, #tpu.memory_space<vmem>>, vector<1x1x16xf32>,
    %swap3A_257 = vector.shape_cast %swap3A_256 : vector<1x1x16xf32> to vector<16xf32>
    %swap3A_258 = vector.shape_cast %broadcast_in_dim3A_3 : vector<16xf32> to vector<1x1x16xf32>
    tpu.vector_store %arg6[%swap3A_253, %swap3A_254, %swap3A_255], %swap3A_258 {strides = array<i32>} : memref<2x80x64xf32, #tpu.memory_space<vmem>>, vector<1x1x16xf32>,
    %swap3A_259 = arith.constant 0 : i32
    %swap3A_260 = arith.constant 74 : i32
    %swap3A_261 = arith.index_cast %swap3A_259 : i32 to index
    %swap3A_262 = arith.index_cast %swap3A_260 : i32 to index
    %swap3A_263 = arith.constant 0 : index
    %swap3A_264 = tpu.vector_load %arg6[%swap3A_261, %swap3A_262, %swap3A_263] {strides = array<i32>} : memref<2x80x64xf32, #tpu.memory_space<vmem>>, vector<1x1x16xf32>,
    %swap3A_265 = vector.shape_cast %swap3A_264 : vector<1x1x16xf32> to vector<16xf32>
    %swap3A_266 = vector.shape_cast %broadcast_in_dim3A_3 : vector<16xf32> to vector<1x1x16xf32>
    tpu.vector_store %arg6[%swap3A_261, %swap3A_262, %swap3A_263], %swap3A_266 {strides = array<i32>} : memref<2x80x64xf32, #tpu.memory_space<vmem>>, vector<1x1x16xf32>,
    %swap3A_267 = arith.constant 0 : i32
    %swap3A_268 = arith.constant 74 : i32
    %swap3A_269 = arith.index_cast %swap3A_267 : i32 to index
    %swap3A_270 = arith.index_cast %swap3A_268 : i32 to index
    %swap3A_271 = arith.constant 16 : index
    %swap3A_272 = tpu.vector_load %arg6[%swap3A_269, %swap3A_270, %swap3A_271] {strides = array<i32>} : memref<2x80x64xf32, #tpu.memory_space<vmem>>, vector<1x1x16xf32>,
    %swap3A_273 = vector.shape_cast %swap3A_272 : vector<1x1x16xf32> to vector<16xf32>
    %swap3A_274 = vector.shape_cast %broadcast_in_dim3A_3 : vector<16xf32> to vector<1x1x16xf32>
    tpu.vector_store %arg6[%swap3A_269, %swap3A_270, %swap3A_271], %swap3A_274 {strides = array<i32>} : memref<2x80x64xf32, #tpu.memory_space<vmem>>, vector<1x1x16xf32>,
    %swap3A_275 = arith.constant 0 : i32
    %swap3A_276 = arith.constant 74 : i32
    %swap3A_277 = arith.index_cast %swap3A_275 : i32 to index
    %swap3A_278 = arith.index_cast %swap3A_276 : i32 to index
    %swap3A_279 = arith.constant 32 : index
    %swap3A_280 = tpu.vector_load %arg6[%swap3A_277, %swap3A_278, %swap3A_279] {strides = array<i32>} : memref<2x80x64xf32, #tpu.memory_space<vmem>>, vector<1x1x16xf32>,
    %swap3A_281 = vector.shape_cast %swap3A_280 : vector<1x1x16xf32> to vector<16xf32>
    %swap3A_282 = vector.shape_cast %broadcast_in_dim3A_3 : vector<16xf32> to vector<1x1x16xf32>
    tpu.vector_store %arg6[%swap3A_277, %swap3A_278, %swap3A_279], %swap3A_282 {strides = array<i32>} : memref<2x80x64xf32, #tpu.memory_space<vmem>>, vector<1x1x16xf32>,
    %swap3A_283 = arith.constant 0 : i32
    %swap3A_284 = arith.constant 74 : i32
    %swap3A_285 = arith.index_cast %swap3A_283 : i32 to index
    %swap3A_286 = arith.index_cast %swap3A_284 : i32 to index
    %swap3A_287 = arith.constant 48 : index
    %swap3A_288 = tpu.vector_load %arg6[%swap3A_285, %swap3A_286, %swap3A_287] {strides = array<i32>} : memref<2x80x64xf32, #tpu.memory_space<vmem>>, vector<1x1x16xf32>,
    %swap3A_289 = vector.shape_cast %swap3A_288 : vector<1x1x16xf32> to vector<16xf32>
    %swap3A_290 = vector.shape_cast %broadcast_in_dim3A_3 : vector<16xf32> to vector<1x1x16xf32>
    tpu.vector_store %arg6[%swap3A_285, %swap3A_286, %swap3A_287], %swap3A_290 {strides = array<i32>} : memref<2x80x64xf32, #tpu.memory_space<vmem>>, vector<1x1x16xf32>,
    %swap3A_291 = arith.constant 0 : i32
    %swap3A_292 = arith.constant 75 : i32
    %swap3A_293 = arith.index_cast %swap3A_291 : i32 to index
    %swap3A_294 = arith.index_cast %swap3A_292 : i32 to index
    %swap3A_295 = arith.constant 0 : index
    %swap3A_296 = tpu.vector_load %arg6[%swap3A_293, %swap3A_294, %swap3A_295] {strides = array<i32>} : memref<2x80x64xf32, #tpu.memory_space<vmem>>, vector<1x1x16xf32>,
    %swap3A_297 = vector.shape_cast %swap3A_296 : vector<1x1x16xf32> to vector<16xf32>
    %swap3A_298 = vector.shape_cast %broadcast_in_dim3A_3 : vector<16xf32> to vector<1x1x16xf32>
    tpu.vector_store %arg6[%swap3A_293, %swap3A_294, %swap3A_295], %swap3A_298 {strides = array<i32>} : memref<2x80x64xf32, #tpu.memory_space<vmem>>, vector<1x1x16xf32>,
    %swap3A_299 = arith.constant 0 : i32
    %swap3A_300 = arith.constant 75 : i32
    %swap3A_301 = arith.index_cast %swap3A_299 : i32 to index
    %swap3A_302 = arith.index_cast %swap3A_300 : i32 to index
    %swap3A_303 = arith.constant 16 : index
    %swap3A_304 = tpu.vector_load %arg6[%swap3A_301, %swap3A_302, %swap3A_303] {strides = array<i32>} : memref<2x80x64xf32, #tpu.memory_space<vmem>>, vector<1x1x16xf32>,
    %swap3A_305 = vector.shape_cast %swap3A_304 : vector<1x1x16xf32> to vector<16xf32>
    %swap3A_306 = vector.shape_cast %broadcast_in_dim3A_3 : vector<16xf32> to vector<1x1x16xf32>
    tpu.vector_store %arg6[%swap3A_301, %swap3A_302, %swap3A_303], %swap3A_306 {strides = array<i32>} : memref<2x80x64xf32, #tpu.memory_space<vmem>>, vector<1x1x16xf32>,
    %swap3A_307 = arith.constant 0 : i32
    %swap3A_308 = arith.constant 75 : i32
    %swap3A_309 = arith.index_cast %swap3A_307 : i32 to index
    %swap3A_310 = arith.index_cast %swap3A_308 : i32 to index
    %swap3A_311 = arith.constant 32 : index
    %swap3A_312 = tpu.vector_load %arg6[%swap3A_309, %swap3A_310, %swap3A_311] {strides = array<i32>} : memref<2x80x64xf32, #tpu.memory_space<vmem>>, vector<1x1x16xf32>,
    %swap3A_313 = vector.shape_cast %swap3A_312 : vector<1x1x16xf32> to vector<16xf32>
    %swap3A_314 = vector.shape_cast %broadcast_in_dim3A_3 : vector<16xf32> to vector<1x1x16xf32>
    tpu.vector_store %arg6[%swap3A_309, %swap3A_310, %swap3A_311], %swap3A_314 {strides = array<i32>} : memref<2x80x64xf32, #tpu.memory_space<vmem>>, vector<1x1x16xf32>,
    %swap3A_315 = arith.constant 0 : i32
    %swap3A_316 = arith.constant 75 : i32
    %swap3A_317 = arith.index_cast %swap3A_315 : i32 to index
    %swap3A_318 = arith.index_cast %swap3A_316 : i32 to index
    %swap3A_319 = arith.constant 48 : index
    %swap3A_320 = tpu.vector_load %arg6[%swap3A_317, %swap3A_318, %swap3A_319] {strides = array<i32>} : memref<2x80x64xf32, #tpu.memory_space<vmem>>, vector<1x1x16xf32>,
    %swap3A_321 = vector.shape_cast %swap3A_320 : vector<1x1x16xf32> to vector<16xf32>
    %swap3A_322 = vector.shape_cast %broadcast_in_dim3A_3 : vector<16xf32> to vector<1x1x16xf32>
    tpu.vector_store %arg6[%swap3A_317, %swap3A_318, %swap3A_319], %swap3A_322 {strides = array<i32>} : memref<2x80x64xf32, #tpu.memory_space<vmem>>, vector<1x1x16xf32>,
    %swap3A_323 = arith.constant 0 : i32
    %swap3A_324 = arith.constant 76 : i32
    %swap3A_325 = arith.index_cast %swap3A_323 : i32 to index
    %swap3A_326 = arith.index_cast %swap3A_324 : i32 to index
    %swap3A_327 = arith.constant 0 : index
    %swap3A_328 = tpu.vector_load %arg6[%swap3A_325, %swap3A_326, %swap3A_327] {strides = array<i32>} : memref<2x80x64xf32, #tpu.memory_space<vmem>>, vector<1x1x16xf32>,
    %swap3A_329 = vector.shape_cast %swap3A_328 : vector<1x1x16xf32> to vector<16xf32>
    %swap3A_330 = vector.shape_cast %broadcast_in_dim3A_3 : vector<16xf32> to vector<1x1x16xf32>
    tpu.vector_store %arg6[%swap3A_325, %swap3A_326, %swap3A_327], %swap3A_330 {strides = array<i32>} : memref<2x80x64xf32, #tpu.memory_space<vmem>>, vector<1x1x16xf32>,
    %swap3A_331 = arith.constant 0 : i32
    %swap3A_332 = arith.constant 76 : i32
    %swap3A_333 = arith.index_cast %swap3A_331 : i32 to index
    %swap3A_334 = arith.index_cast %swap3A_332 : i32 to index
    %swap3A_335 = arith.constant 16 : index
    %swap3A_336 = tpu.vector_load %arg6[%swap3A_333, %swap3A_334, %swap3A_335] {strides = array<i32>} : memref<2x80x64xf32, #tpu.memory_space<vmem>>, vector<1x1x16xf32>,
    %swap3A_337 = vector.shape_cast %swap3A_336 : vector<1x1x16xf32> to vector<16xf32>
    %swap3A_338 = vector.shape_cast %broadcast_in_dim3A_3 : vector<16xf32> to vector<1x1x16xf32>
    tpu.vector_store %arg6[%swap3A_333, %swap3A_334, %swap3A_335], %swap3A_338 {strides = array<i32>} : memref<2x80x64xf32, #tpu.memory_space<vmem>>, vector<1x1x16xf32>,
    %swap3A_339 = arith.constant 0 : i32
    %swap3A_340 = arith.constant 76 : i32
    %swap3A_341 = arith.index_cast %swap3A_339 : i32 to index
    %swap3A_342 = arith.index_cast %swap3A_340 : i32 to index
    %swap3A_343 = arith.constant 32 : index
    %swap3A_344 = tpu.vector_load %arg6[%swap3A_341, %swap3A_342, %swap3A_343] {strides = array<i32>} : memref<2x80x64xf32, #tpu.memory_space<vmem>>, vector<1x1x16xf32>,
    %swap3A_345 = vector.shape_cast %swap3A_344 : vector<1x1x16xf32> to vector<16xf32>
    %swap3A_346 = vector.shape_cast %broadcast_in_dim3A_3 : vector<16xf32> to vector<1x1x16xf32>
    tpu.vector_store %arg6[%swap3A_341, %swap3A_342, %swap3A_343], %swap3A_346 {strides = array<i32>} : memref<2x80x64xf32, #tpu.memory_space<vmem>>, vector<1x1x16xf32>,
    %swap3A_347 = arith.constant 0 : i32
    %swap3A_348 = arith.constant 76 : i32
    %swap3A_349 = arith.index_cast %swap3A_347 : i32 to index
    %swap3A_350 = arith.index_cast %swap3A_348 : i32 to index
    %swap3A_351 = arith.constant 48 : index
    %swap3A_352 = tpu.vector_load %arg6[%swap3A_349, %swap3A_350, %swap3A_351] {strides = array<i32>} : memref<2x80x64xf32, #tpu.memory_space<vmem>>, vector<1x1x16xf32>,
    %swap3A_353 = vector.shape_cast %swap3A_352 : vector<1x1x16xf32> to vector<16xf32>
    %swap3A_354 = vector.shape_cast %broadcast_in_dim3A_3 : vector<16xf32> to vector<1x1x16xf32>
    tpu.vector_store %arg6[%swap3A_349, %swap3A_350, %swap3A_351], %swap3A_354 {strides = array<i32>} : memref<2x80x64xf32, #tpu.memory_space<vmem>>, vector<1x1x16xf32>,
    %swap3A_355 = arith.constant 0 : i32
    %swap3A_356 = arith.constant 77 : i32
    %swap3A_357 = arith.index_cast %swap3A_355 : i32 to index
    %swap3A_358 = arith.index_cast %swap3A_356 : i32 to index
    %swap3A_359 = arith.constant 0 : index
    %swap3A_360 = tpu.vector_load %arg6[%swap3A_357, %swap3A_358, %swap3A_359] {strides = array<i32>} : memref<2x80x64xf32, #tpu.memory_space<vmem>>, vector<1x1x16xf32>,
    %swap3A_361 = vector.shape_cast %swap3A_360 : vector<1x1x16xf32> to vector<16xf32>
    %swap3A_362 = vector.shape_cast %broadcast_in_dim3A_3 : vector<16xf32> to vector<1x1x16xf32>
    tpu.vector_store %arg6[%swap3A_357, %swap3A_358, %swap3A_359], %swap3A_362 {strides = array<i32>} : memref<2x80x64xf32, #tpu.memory_space<vmem>>, vector<1x1x16xf32>,
    %swap3A_363 = arith.constant 0 : i32
    %swap3A_364 = arith.constant 77 : i32
    %swap3A_365 = arith.index_cast %swap3A_363 : i32 to index
    %swap3A_366 = arith.index_cast %swap3A_364 : i32 to index
    %swap3A_367 = arith.constant 16 : index
    %swap3A_368 = tpu.vector_load %arg6[%swap3A_365, %swap3A_366, %swap3A_367] {strides = array<i32>} : memref<2x80x64xf32, #tpu.memory_space<vmem>>, vector<1x1x16xf32>,
    %swap3A_369 = vector.shape_cast %swap3A_368 : vector<1x1x16xf32> to vector<16xf32>
    %swap3A_370 = vector.shape_cast %broadcast_in_dim3A_3 : vector<16xf32> to vector<1x1x16xf32>
    tpu.vector_store %arg6[%swap3A_365, %swap3A_366, %swap3A_367], %swap3A_370 {strides = array<i32>} : memref<2x80x64xf32, #tpu.memory_space<vmem>>, vector<1x1x16xf32>,
    %swap3A_371 = arith.constant 0 : i32
    %swap3A_372 = arith.constant 77 : i32
    %swap3A_373 = arith.index_cast %swap3A_371 : i32 to index
    %swap3A_374 = arith.index_cast %swap3A_372 : i32 to index
    %swap3A_375 = arith.constant 32 : index
    %swap3A_376 = tpu.vector_load %arg6[%swap3A_373, %swap3A_374, %swap3A_375] {strides = array<i32>} : memref<2x80x64xf32, #tpu.memory_space<vmem>>, vector<1x1x16xf32>,
    %swap3A_377 = vector.shape_cast %swap3A_376 : vector<1x1x16xf32> to vector<16xf32>
    %swap3A_378 = vector.shape_cast %broadcast_in_dim3A_3 : vector<16xf32> to vector<1x1x16xf32>
    tpu.vector_store %arg6[%swap3A_373, %swap3A_374, %swap3A_375], %swap3A_378 {strides = array<i32>} : memref<2x80x64xf32, #tpu.memory_space<vmem>>, vector<1x1x16xf32>,
    %swap3A_379 = arith.constant 0 : i32
    %swap3A_380 = arith.constant 77 : i32
    %swap3A_381 = arith.index_cast %swap3A_379 : i32 to index
    %swap3A_382 = arith.index_cast %swap3A_380 : i32 to index
    %swap3A_383 = arith.constant 48 : index
    %swap3A_384 = tpu.vector_load %arg6[%swap3A_381, %swap3A_382, %swap3A_383] {strides = array<i32>} : memref<2x80x64xf32, #tpu.memory_space<vmem>>, vector<1x1x16xf32>,
    %swap3A_385 = vector.shape_cast %swap3A_384 : vector<1x1x16xf32> to vector<16xf32>
    %swap3A_386 = vector.shape_cast %broadcast_in_dim3A_3 : vector<16xf32> to vector<1x1x16xf32>
    tpu.vector_store %arg6[%swap3A_381, %swap3A_382, %swap3A_383], %swap3A_386 {strides = array<i32>} : memref<2x80x64xf32, #tpu.memory_space<vmem>>, vector<1x1x16xf32>,
    %swap3A_387 = arith.constant 0 : i32
    %swap3A_388 = arith.constant 78 : i32
    %swap3A_389 = arith.index_cast %swap3A_387 : i32 to index
    %swap3A_390 = arith.index_cast %swap3A_388 : i32 to index
    %swap3A_391 = arith.constant 0 : index
    %swap3A_392 = tpu.vector_load %arg6[%swap3A_389, %swap3A_390, %swap3A_391] {strides = array<i32>} : memref<2x80x64xf32, #tpu.memory_space<vmem>>, vector<1x1x16xf32>,
    %swap3A_393 = vector.shape_cast %swap3A_392 : vector<1x1x16xf32> to vector<16xf32>
    %swap3A_394 = vector.shape_cast %broadcast_in_dim3A_3 : vector<16xf32> to vector<1x1x16xf32>
    tpu.vector_store %arg6[%swap3A_389, %swap3A_390, %swap3A_391], %swap3A_394 {strides = array<i32>} : memref<2x80x64xf32, #tpu.memory_space<vmem>>, vector<1x1x16xf32>,
    %swap3A_395 = arith.constant 0 : i32
    %swap3A_396 = arith.constant 78 : i32
    %swap3A_397 = arith.index_cast %swap3A_395 : i32 to index
    %swap3A_398 = arith.index_cast %swap3A_396 : i32 to index
    %swap3A_399 = arith.constant 16 : index
    %swap3A_400 = tpu.vector_load %arg6[%swap3A_397, %swap3A_398, %swap3A_399] {strides = array<i32>} : memref<2x80x64xf32, #tpu.memory_space<vmem>>, vector<1x1x16xf32>,
    %swap3A_401 = vector.shape_cast %swap3A_400 : vector<1x1x16xf32> to vector<16xf32>
    %swap3A_402 = vector.shape_cast %broadcast_in_dim3A_3 : vector<16xf32> to vector<1x1x16xf32>
    tpu.vector_store %arg6[%swap3A_397, %swap3A_398, %swap3A_399], %swap3A_402 {strides = array<i32>} : memref<2x80x64xf32, #tpu.memory_space<vmem>>, vector<1x1x16xf32>,
    %swap3A_403 = arith.constant 0 : i32
    %swap3A_404 = arith.constant 78 : i32
    %swap3A_405 = arith.index_cast %swap3A_403 : i32 to index
    %swap3A_406 = arith.index_cast %swap3A_404 : i32 to index
    %swap3A_407 = arith.constant 32 : index
    %swap3A_408 = tpu.vector_load %arg6[%swap3A_405, %swap3A_406, %swap3A_407] {strides = array<i32>} : memref<2x80x64xf32, #tpu.memory_space<vmem>>, vector<1x1x16xf32>,
    %swap3A_409 = vector.shape_cast %swap3A_408 : vector<1x1x16xf32> to vector<16xf32>
    %swap3A_410 = vector.shape_cast %broadcast_in_dim3A_3 : vector<16xf32> to vector<1x1x16xf32>
    tpu.vector_store %arg6[%swap3A_405, %swap3A_406, %swap3A_407], %swap3A_410 {strides = array<i32>} : memref<2x80x64xf32, #tpu.memory_space<vmem>>, vector<1x1x16xf32>,
    %swap3A_411 = arith.constant 0 : i32
    %swap3A_412 = arith.constant 78 : i32
    %swap3A_413 = arith.index_cast %swap3A_411 : i32 to index
    %swap3A_414 = arith.index_cast %swap3A_412 : i32 to index
    %swap3A_415 = arith.constant 48 : index
    %swap3A_416 = tpu.vector_load %arg6[%swap3A_413, %swap3A_414, %swap3A_415] {strides = array<i32>} : memref<2x80x64xf32, #tpu.memory_space<vmem>>, vector<1x1x16xf32>,
    %swap3A_417 = vector.shape_cast %swap3A_416 : vector<1x1x16xf32> to vector<16xf32>
    %swap3A_418 = vector.shape_cast %broadcast_in_dim3A_3 : vector<16xf32> to vector<1x1x16xf32>
    tpu.vector_store %arg6[%swap3A_413, %swap3A_414, %swap3A_415], %swap3A_418 {strides = array<i32>} : memref<2x80x64xf32, #tpu.memory_space<vmem>>, vector<1x1x16xf32>,
    %swap3A_419 = arith.constant 0 : i32
    %swap3A_420 = arith.constant 79 : i32
    %swap3A_421 = arith.index_cast %swap3A_419 : i32 to index
    %swap3A_422 = arith.index_cast %swap3A_420 : i32 to index
    %swap3A_423 = arith.constant 0 : index
    %swap3A_424 = tpu.vector_load %arg6[%swap3A_421, %swap3A_422, %swap3A_423] {strides = array<i32>} : memref<2x80x64xf32, #tpu.memory_space<vmem>>, vector<1x1x16xf32>,
    %swap3A_425 = vector.shape_cast %swap3A_424 : vector<1x1x16xf32> to vector<16xf32>
    %swap3A_426 = vector.shape_cast %broadcast_in_dim3A_3 : vector<16xf32> to vector<1x1x16xf32>
    tpu.vector_store %arg6[%swap3A_421, %swap3A_422, %swap3A_423], %swap3A_426 {strides = array<i32>} : memref<2x80x64xf32, #tpu.memory_space<vmem>>, vector<1x1x16xf32>,
    %swap3A_427 = arith.constant 0 : i32
    %swap3A_428 = arith.constant 79 : i32
    %swap3A_429 = arith.index_cast %swap3A_427 : i32 to index
    %swap3A_430 = arith.index_cast %swap3A_428 : i32 to index
    %swap3A_431 = arith.constant 16 : index
    %swap3A_432 = tpu.vector_load %arg6[%swap3A_429, %swap3A_430, %swap3A_431] {strides = array<i32>} : memref<2x80x64xf32, #tpu.memory_space<vmem>>, vector<1x1x16xf32>,
    %swap3A_433 = vector.shape_cast %swap3A_432 : vector<1x1x16xf32> to vector<16xf32>
    %swap3A_434 = vector.shape_cast %broadcast_in_dim3A_3 : vector<16xf32> to vector<1x1x16xf32>
    tpu.vector_store %arg6[%swap3A_429, %swap3A_430, %swap3A_431], %swap3A_434 {strides = array<i32>} : memref<2x80x64xf32, #tpu.memory_space<vmem>>, vector<1x1x16xf32>,
    %swap3A_435 = arith.constant 0 : i32
    %swap3A_436 = arith.constant 79 : i32
    %swap3A_437 = arith.index_cast %swap3A_435 : i32 to index
    %swap3A_438 = arith.index_cast %swap3A_436 : i32 to index
    %swap3A_439 = arith.constant 32 : index
    %swap3A_440 = tpu.vector_load %arg6[%swap3A_437, %swap3A_438, %swap3A_439] {strides = array<i32>} : memref<2x80x64xf32, #tpu.memory_space<vmem>>, vector<1x1x16xf32>,
    %swap3A_441 = vector.shape_cast %swap3A_440 : vector<1x1x16xf32> to vector<16xf32>
    %swap3A_442 = vector.shape_cast %broadcast_in_dim3A_3 : vector<16xf32> to vector<1x1x16xf32>
    tpu.vector_store %arg6[%swap3A_437, %swap3A_438, %swap3A_439], %swap3A_442 {strides = array<i32>} : memref<2x80x64xf32, #tpu.memory_space<vmem>>, vector<1x1x16xf32>,
    %swap3A_443 = arith.constant 0 : i32
    %swap3A_444 = arith.constant 79 : i32
    %swap3A_445 = arith.index_cast %swap3A_443 : i32 to index
    %swap3A_446 = arith.index_cast %swap3A_444 : i32 to index
    %swap3A_447 = arith.constant 48 : index
    %swap3A_448 = tpu.vector_load %arg6[%swap3A_445, %swap3A_446, %swap3A_447] {strides = array<i32>} : memref<2x80x64xf32, #tpu.memory_space<vmem>>, vector<1x1x16xf32>,
    %swap3A_449 = vector.shape_cast %swap3A_448 : vector<1x1x16xf32> to vector<16xf32>
    %swap3A_450 = vector.shape_cast %broadcast_in_dim3A_3 : vector<16xf32> to vector<1x1x16xf32>
    tpu.vector_store %arg6[%swap3A_445, %swap3A_446, %swap3A_447], %swap3A_450 {strides = array<i32>} : memref<2x80x64xf32, #tpu.memory_space<vmem>>, vector<1x1x16xf32>,
    %swap3A_451 = arith.constant 1 : i32
    %swap3A_452 = arith.constant 66 : i32
    %swap3A_453 = arith.index_cast %swap3A_451 : i32 to index
    %swap3A_454 = arith.index_cast %swap3A_452 : i32 to index
    %swap3A_455 = arith.constant 0 : index
    %swap3A_456 = tpu.vector_load %arg6[%swap3A_453, %swap3A_454, %swap3A_455] {strides = array<i32>} : memref<2x80x64xf32, #tpu.memory_space<vmem>>, vector<1x1x16xf32>,
    %swap3A_457 = vector.shape_cast %swap3A_456 : vector<1x1x16xf32> to vector<16xf32>
    %swap3A_458 = vector.shape_cast %broadcast_in_dim3A_3 : vector<16xf32> to vector<1x1x16xf32>
    tpu.vector_store %arg6[%swap3A_453, %swap3A_454, %swap3A_455], %swap3A_458 {strides = array<i32>} : memref<2x80x64xf32, #tpu.memory_space<vmem>>, vector<1x1x16xf32>,
    %swap3A_459 = arith.constant 1 : i32
    %swap3A_460 = arith.constant 66 : i32
    %swap3A_461 = arith.index_cast %swap3A_459 : i32 to index
    %swap3A_462 = arith.index_cast %swap3A_460 : i32 to index
    %swap3A_463 = arith.constant 16 : index
    %swap3A_464 = tpu.vector_load %arg6[%swap3A_461, %swap3A_462, %swap3A_463] {strides = array<i32>} : memref<2x80x64xf32, #tpu.memory_space<vmem>>, vector<1x1x16xf32>,
    %swap3A_465 = vector.shape_cast %swap3A_464 : vector<1x1x16xf32> to vector<16xf32>
    %swap3A_466 = vector.shape_cast %broadcast_in_dim3A_3 : vector<16xf32> to vector<1x1x16xf32>
    tpu.vector_store %arg6[%swap3A_461, %swap3A_462, %swap3A_463], %swap3A_466 {strides = array<i32>} : memref<2x80x64xf32, #tpu.memory_space<vmem>>, vector<1x1x16xf32>,
    %swap3A_467 = arith.constant 1 : i32
    %swap3A_468 = arith.constant 66 : i32
    %swap3A_469 = arith.index_cast %swap3A_467 : i32 to index
    %swap3A_470 = arith.index_cast %swap3A_468 : i32 to index
    %swap3A_471 = arith.constant 32 : index
    %swap3A_472 = tpu.vector_load %arg6[%swap3A_469, %swap3A_470, %swap3A_471] {strides = array<i32>} : memref<2x80x64xf32, #tpu.memory_space<vmem>>, vector<1x1x16xf32>,
    %swap3A_473 = vector.shape_cast %swap3A_472 : vector<1x1x16xf32> to vector<16xf32>
    %swap3A_474 = vector.shape_cast %broadcast_in_dim3A_3 : vector<16xf32> to vector<1x1x16xf32>
    tpu.vector_store %arg6[%swap3A_469, %swap3A_470, %swap3A_471], %swap3A_474 {strides = array<i32>} : memref<2x80x64xf32, #tpu.memory_space<vmem>>, vector<1x1x16xf32>,
    %swap3A_475 = arith.constant 1 : i32
    %swap3A_476 = arith.constant 66 : i32
    %swap3A_477 = arith.index_cast %swap3A_475 : i32 to index
    %swap3A_478 = arith.index_cast %swap3A_476 : i32 to index
    %swap3A_479 = arith.constant 48 : index
    %swap3A_480 = tpu.vector_load %arg6[%swap3A_477, %swap3A_478, %swap3A_479] {strides = array<i32>} : memref<2x80x64xf32, #tpu.memory_space<vmem>>, vector<1x1x16xf32>,
    %swap3A_481 = vector.shape_cast %swap3A_480 : vector<1x1x16xf32> to vector<16xf32>
    %swap3A_482 = vector.shape_cast %broadcast_in_dim3A_3 : vector<16xf32> to vector<1x1x16xf32>
    tpu.vector_store %arg6[%swap3A_477, %swap3A_478, %swap3A_479], %swap3A_482 {strides = array<i32>} : memref<2x80x64xf32, #tpu.memory_space<vmem>>, vector<1x1x16xf32>,
    %swap3A_483 = arith.constant 1 : i32
    %swap3A_484 = arith.constant 67 : i32
    %swap3A_485 = arith.index_cast %swap3A_483 : i32 to index
    %swap3A_486 = arith.index_cast %swap3A_484 : i32 to index
    %swap3A_487 = arith.constant 0 : index
    %swap3A_488 = tpu.vector_load %arg6[%swap3A_485, %swap3A_486, %swap3A_487] {strides = array<i32>} : memref<2x80x64xf32, #tpu.memory_space<vmem>>, vector<1x1x16xf32>,
    %swap3A_489 = vector.shape_cast %swap3A_488 : vector<1x1x16xf32> to vector<16xf32>
    %swap3A_490 = vector.shape_cast %broadcast_in_dim3A_3 : vector<16xf32> to vector<1x1x16xf32>
    tpu.vector_store %arg6[%swap3A_485, %swap3A_486, %swap3A_487], %swap3A_490 {strides = array<i32>} : memref<2x80x64xf32, #tpu.memory_space<vmem>>, vector<1x1x16xf32>,
    %swap3A_491 = arith.constant 1 : i32
    %swap3A_492 = arith.constant 67 : i32
    %swap3A_493 = arith.index_cast %swap3A_491 : i32 to index
    %swap3A_494 = arith.index_cast %swap3A_492 : i32 to index
    %swap3A_495 = arith.constant 16 : index
    %swap3A_496 = tpu.vector_load %arg6[%swap3A_493, %swap3A_494, %swap3A_495] {strides = array<i32>} : memref<2x80x64xf32, #tpu.memory_space<vmem>>, vector<1x1x16xf32>,
    %swap3A_497 = vector.shape_cast %swap3A_496 : vector<1x1x16xf32> to vector<16xf32>
    %swap3A_498 = vector.shape_cast %broadcast_in_dim3A_3 : vector<16xf32> to vector<1x1x16xf32>
    tpu.vector_store %arg6[%swap3A_493, %swap3A_494, %swap3A_495], %swap3A_498 {strides = array<i32>} : memref<2x80x64xf32, #tpu.memory_space<vmem>>, vector<1x1x16xf32>,
    %swap3A_499 = arith.constant 1 : i32
    %swap3A_500 = arith.constant 67 : i32
    %swap3A_501 = arith.index_cast %swap3A_499 : i32 to index
    %swap3A_502 = arith.index_cast %swap3A_500 : i32 to index
    %swap3A_503 = arith.constant 32 : index
    %swap3A_504 = tpu.vector_load %arg6[%swap3A_501, %swap3A_502, %swap3A_503] {strides = array<i32>} : memref<2x80x64xf32, #tpu.memory_space<vmem>>, vector<1x1x16xf32>,
    %swap3A_505 = vector.shape_cast %swap3A_504 : vector<1x1x16xf32> to vector<16xf32>
    %swap3A_506 = vector.shape_cast %broadcast_in_dim3A_3 : vector<16xf32> to vector<1x1x16xf32>
    tpu.vector_store %arg6[%swap3A_501, %swap3A_502, %swap3A_503], %swap3A_506 {strides = array<i32>} : memref<2x80x64xf32, #tpu.memory_space<vmem>>, vector<1x1x16xf32>,
    %swap3A_507 = arith.constant 1 : i32
    %swap3A_508 = arith.constant 67 : i32
    %swap3A_509 = arith.index_cast %swap3A_507 : i32 to index
    %swap3A_510 = arith.index_cast %swap3A_508 : i32 to index
    %swap3A_511 = arith.constant 48 : index
    %swap3A_512 = tpu.vector_load %arg6[%swap3A_509, %swap3A_510, %swap3A_511] {strides = array<i32>} : memref<2x80x64xf32, #tpu.memory_space<vmem>>, vector<1x1x16xf32>,
    %swap3A_513 = vector.shape_cast %swap3A_512 : vector<1x1x16xf32> to vector<16xf32>
    %swap3A_514 = vector.shape_cast %broadcast_in_dim3A_3 : vector<16xf32> to vector<1x1x16xf32>
    tpu.vector_store %arg6[%swap3A_509, %swap3A_510, %swap3A_511], %swap3A_514 {strides = array<i32>} : memref<2x80x64xf32, #tpu.memory_space<vmem>>, vector<1x1x16xf32>,
    %swap3A_515 = arith.constant 1 : i32
    %swap3A_516 = arith.constant 68 : i32
    %swap3A_517 = arith.index_cast %swap3A_515 : i32 to index
    %swap3A_518 = arith.index_cast %swap3A_516 : i32 to index
    %swap3A_519 = arith.constant 0 : index
    %swap3A_520 = tpu.vector_load %arg6[%swap3A_517, %swap3A_518, %swap3A_519] {strides = array<i32>} : memref<2x80x64xf32, #tpu.memory_space<vmem>>, vector<1x1x16xf32>,
    %swap3A_521 = vector.shape_cast %swap3A_520 : vector<1x1x16xf32> to vector<16xf32>
    %swap3A_522 = vector.shape_cast %broadcast_in_dim3A_3 : vector<16xf32> to vector<1x1x16xf32>
    tpu.vector_store %arg6[%swap3A_517, %swap3A_518, %swap3A_519], %swap3A_522 {strides = array<i32>} : memref<2x80x64xf32, #tpu.memory_space<vmem>>, vector<1x1x16xf32>,
    %swap3A_523 = arith.constant 1 : i32
    %swap3A_524 = arith.constant 68 : i32
    %swap3A_525 = arith.index_cast %swap3A_523 : i32 to index
    %swap3A_526 = arith.index_cast %swap3A_524 : i32 to index
    %swap3A_527 = arith.constant 16 : index
    %swap3A_528 = tpu.vector_load %arg6[%swap3A_525, %swap3A_526, %swap3A_527] {strides = array<i32>} : memref<2x80x64xf32, #tpu.memory_space<vmem>>, vector<1x1x16xf32>,
    %swap3A_529 = vector.shape_cast %swap3A_528 : vector<1x1x16xf32> to vector<16xf32>
    %swap3A_530 = vector.shape_cast %broadcast_in_dim3A_3 : vector<16xf32> to vector<1x1x16xf32>
    tpu.vector_store %arg6[%swap3A_525, %swap3A_526, %swap3A_527], %swap3A_530 {strides = array<i32>} : memref<2x80x64xf32, #tpu.memory_space<vmem>>, vector<1x1x16xf32>,
    %swap3A_531 = arith.constant 1 : i32
    %swap3A_532 = arith.constant 68 : i32
    %swap3A_533 = arith.index_cast %swap3A_531 : i32 to index
    %swap3A_534 = arith.index_cast %swap3A_532 : i32 to index
    %swap3A_535 = arith.constant 32 : index
    %swap3A_536 = tpu.vector_load %arg6[%swap3A_533, %swap3A_534, %swap3A_535] {strides = array<i32>} : memref<2x80x64xf32, #tpu.memory_space<vmem>>, vector<1x1x16xf32>,
    %swap3A_537 = vector.shape_cast %swap3A_536 : vector<1x1x16xf32> to vector<16xf32>
    %swap3A_538 = vector.shape_cast %broadcast_in_dim3A_3 : vector<16xf32> to vector<1x1x16xf32>
    tpu.vector_store %arg6[%swap3A_533, %swap3A_534, %swap3A_535], %swap3A_538 {strides = array<i32>} : memref<2x80x64xf32, #tpu.memory_space<vmem>>, vector<1x1x16xf32>,
    %swap3A_539 = arith.constant 1 : i32
    %swap3A_540 = arith.constant 68 : i32
    %swap3A_541 = arith.index_cast %swap3A_539 : i32 to index
    %swap3A_542 = arith.index_cast %swap3A_540 : i32 to index
    %swap3A_543 = arith.constant 48 : index
    %swap3A_544 = tpu.vector_load %arg6[%swap3A_541, %swap3A_542, %swap3A_543] {strides = array<i32>} : memref<2x80x64xf32, #tpu.memory_space<vmem>>, vector<1x1x16xf32>,
    %swap3A_545 = vector.shape_cast %swap3A_544 : vector<1x1x16xf32> to vector<16xf32>
    %swap3A_546 = vector.shape_cast %broadcast_in_dim3A_3 : vector<16xf32> to vector<1x1x16xf32>
    tpu.vector_store %arg6[%swap3A_541, %swap3A_542, %swap3A_543], %swap3A_546 {strides = array<i32>} : memref<2x80x64xf32, #tpu.memory_space<vmem>>, vector<1x1x16xf32>,
    %swap3A_547 = arith.constant 1 : i32
    %swap3A_548 = arith.constant 69 : i32
    %swap3A_549 = arith.index_cast %swap3A_547 : i32 to index
    %swap3A_550 = arith.index_cast %swap3A_548 : i32 to index
    %swap3A_551 = arith.constant 0 : index
    %swap3A_552 = tpu.vector_load %arg6[%swap3A_549, %swap3A_550, %swap3A_551] {strides = array<i32>} : memref<2x80x64xf32, #tpu.memory_space<vmem>>, vector<1x1x16xf32>,
    %swap3A_553 = vector.shape_cast %swap3A_552 : vector<1x1x16xf32> to vector<16xf32>
    %swap3A_554 = vector.shape_cast %broadcast_in_dim3A_3 : vector<16xf32> to vector<1x1x16xf32>
    tpu.vector_store %arg6[%swap3A_549, %swap3A_550, %swap3A_551], %swap3A_554 {strides = array<i32>} : memref<2x80x64xf32, #tpu.memory_space<vmem>>, vector<1x1x16xf32>,
    %swap3A_555 = arith.constant 1 : i32
    %swap3A_556 = arith.constant 69 : i32
    %swap3A_557 = arith.index_cast %swap3A_555 : i32 to index
    %swap3A_558 = arith.index_cast %swap3A_556 : i32 to index
    %swap3A_559 = arith.constant 16 : index
    %swap3A_560 = tpu.vector_load %arg6[%swap3A_557, %swap3A_558, %swap3A_559] {strides = array<i32>} : memref<2x80x64xf32, #tpu.memory_space<vmem>>, vector<1x1x16xf32>,
    %swap3A_561 = vector.shape_cast %swap3A_560 : vector<1x1x16xf32> to vector<16xf32>
    %swap3A_562 = vector.shape_cast %broadcast_in_dim3A_3 : vector<16xf32> to vector<1x1x16xf32>
    tpu.vector_store %arg6[%swap3A_557, %swap3A_558, %swap3A_559], %swap3A_562 {strides = array<i32>} : memref<2x80x64xf32, #tpu.memory_space<vmem>>, vector<1x1x16xf32>,
    %swap3A_563 = arith.constant 1 : i32
    %swap3A_564 = arith.constant 69 : i32
    %swap3A_565 = arith.index_cast %swap3A_563 : i32 to index
    %swap3A_566 = arith.index_cast %swap3A_564 : i32 to index
    %swap3A_567 = arith.constant 32 : index
    %swap3A_568 = tpu.vector_load %arg6[%swap3A_565, %swap3A_566, %swap3A_567] {strides = array<i32>} : memref<2x80x64xf32, #tpu.memory_space<vmem>>, vector<1x1x16xf32>,
    %swap3A_569 = vector.shape_cast %swap3A_568 : vector<1x1x16xf32> to vector<16xf32>
    %swap3A_570 = vector.shape_cast %broadcast_in_dim3A_3 : vector<16xf32> to vector<1x1x16xf32>
    tpu.vector_store %arg6[%swap3A_565, %swap3A_566, %swap3A_567], %swap3A_570 {strides = array<i32>} : memref<2x80x64xf32, #tpu.memory_space<vmem>>, vector<1x1x16xf32>,
    %swap3A_571 = arith.constant 1 : i32
    %swap3A_572 = arith.constant 69 : i32
    %swap3A_573 = arith.index_cast %swap3A_571 : i32 to index
    %swap3A_574 = arith.index_cast %swap3A_572 : i32 to index
    %swap3A_575 = arith.constant 48 : index
    %swap3A_576 = tpu.vector_load %arg6[%swap3A_573, %swap3A_574, %swap3A_575] {strides = array<i32>} : memref<2x80x64xf32, #tpu.memory_space<vmem>>, vector<1x1x16xf32>,
    %swap3A_577 = vector.shape_cast %swap3A_576 : vector<1x1x16xf32> to vector<16xf32>
    %swap3A_578 = vector.shape_cast %broadcast_in_dim3A_3 : vector<16xf32> to vector<1x1x16xf32>
    tpu.vector_store %arg6[%swap3A_573, %swap3A_574, %swap3A_575], %swap3A_578 {strides = array<i32>} : memref<2x80x64xf32, #tpu.memory_space<vmem>>, vector<1x1x16xf32>,
    %swap3A_579 = arith.constant 1 : i32
    %swap3A_580 = arith.constant 70 : i32
    %swap3A_581 = arith.index_cast %swap3A_579 : i32 to index
    %swap3A_582 = arith.index_cast %swap3A_580 : i32 to index
    %swap3A_583 = arith.constant 0 : index
    %swap3A_584 = tpu.vector_load %arg6[%swap3A_581, %swap3A_582, %swap3A_583] {strides = array<i32>} : memref<2x80x64xf32, #tpu.memory_space<vmem>>, vector<1x1x16xf32>,
    %swap3A_585 = vector.shape_cast %swap3A_584 : vector<1x1x16xf32> to vector<16xf32>
    %swap3A_586 = vector.shape_cast %broadcast_in_dim3A_3 : vector<16xf32> to vector<1x1x16xf32>
    tpu.vector_store %arg6[%swap3A_581, %swap3A_582, %swap3A_583], %swap3A_586 {strides = array<i32>} : memref<2x80x64xf32, #tpu.memory_space<vmem>>, vector<1x1x16xf32>,
    %swap3A_587 = arith.constant 1 : i32
    %swap3A_588 = arith.constant 70 : i32
    %swap3A_589 = arith.index_cast %swap3A_587 : i32 to index
    %swap3A_590 = arith.index_cast %swap3A_588 : i32 to index
    %swap3A_591 = arith.constant 16 : index
    %swap3A_592 = tpu.vector_load %arg6[%swap3A_589, %swap3A_590, %swap3A_591] {strides = array<i32>} : memref<2x80x64xf32, #tpu.memory_space<vmem>>, vector<1x1x16xf32>,
    %swap3A_593 = vector.shape_cast %swap3A_592 : vector<1x1x16xf32> to vector<16xf32>
    %swap3A_594 = vector.shape_cast %broadcast_in_dim3A_3 : vector<16xf32> to vector<1x1x16xf32>
    tpu.vector_store %arg6[%swap3A_589, %swap3A_590, %swap3A_591], %swap3A_594 {strides = array<i32>} : memref<2x80x64xf32, #tpu.memory_space<vmem>>, vector<1x1x16xf32>,
    %swap3A_595 = arith.constant 1 : i32
    %swap3A_596 = arith.constant 70 : i32
    %swap3A_597 = arith.index_cast %swap3A_595 : i32 to index
    %swap3A_598 = arith.index_cast %swap3A_596 : i32 to index
    %swap3A_599 = arith.constant 32 : index
    %swap3A_600 = tpu.vector_load %arg6[%swap3A_597, %swap3A_598, %swap3A_599] {strides = array<i32>} : memref<2x80x64xf32, #tpu.memory_space<vmem>>, vector<1x1x16xf32>,
    %swap3A_601 = vector.shape_cast %swap3A_600 : vector<1x1x16xf32> to vector<16xf32>
    %swap3A_602 = vector.shape_cast %broadcast_in_dim3A_3 : vector<16xf32> to vector<1x1x16xf32>
    tpu.vector_store %arg6[%swap3A_597, %swap3A_598, %swap3A_599], %swap3A_602 {strides = array<i32>} : memref<2x80x64xf32, #tpu.memory_space<vmem>>, vector<1x1x16xf32>,
    %swap3A_603 = arith.constant 1 : i32
    %swap3A_604 = arith.constant 70 : i32
    %swap3A_605 = arith.index_cast %swap3A_603 : i32 to index
    %swap3A_606 = arith.index_cast %swap3A_604 : i32 to index
    %swap3A_607 = arith.constant 48 : index
    %swap3A_608 = tpu.vector_load %arg6[%swap3A_605, %swap3A_606, %swap3A_607] {strides = array<i32>} : memref<2x80x64xf32, #tpu.memory_space<vmem>>, vector<1x1x16xf32>,
    %swap3A_609 = vector.shape_cast %swap3A_608 : vector<1x1x16xf32> to vector<16xf32>
    %swap3A_610 = vector.shape_cast %broadcast_in_dim3A_3 : vector<16xf32> to vector<1x1x16xf32>
    tpu.vector_store %arg6[%swap3A_605, %swap3A_606, %swap3A_607], %swap3A_610 {strides = array<i32>} : memref<2x80x64xf32, #tpu.memory_space<vmem>>, vector<1x1x16xf32>,
    %swap3A_611 = arith.constant 1 : i32
    %swap3A_612 = arith.constant 71 : i32
    %swap3A_613 = arith.index_cast %swap3A_611 : i32 to index
    %swap3A_614 = arith.index_cast %swap3A_612 : i32 to index
    %swap3A_615 = arith.constant 0 : index
    %swap3A_616 = tpu.vector_load %arg6[%swap3A_613, %swap3A_614, %swap3A_615] {strides = array<i32>} : memref<2x80x64xf32, #tpu.memory_space<vmem>>, vector<1x1x16xf32>,
    %swap3A_617 = vector.shape_cast %swap3A_616 : vector<1x1x16xf32> to vector<16xf32>
    %swap3A_618 = vector.shape_cast %broadcast_in_dim3A_3 : vector<16xf32> to vector<1x1x16xf32>
    tpu.vector_store %arg6[%swap3A_613, %swap3A_614, %swap3A_615], %swap3A_618 {strides = array<i32>} : memref<2x80x64xf32, #tpu.memory_space<vmem>>, vector<1x1x16xf32>,
    %swap3A_619 = arith.constant 1 : i32
    %swap3A_620 = arith.constant 71 : i32
    %swap3A_621 = arith.index_cast %swap3A_619 : i32 to index
    %swap3A_622 = arith.index_cast %swap3A_620 : i32 to index
    %swap3A_623 = arith.constant 16 : index
    %swap3A_624 = tpu.vector_load %arg6[%swap3A_621, %swap3A_622, %swap3A_623] {strides = array<i32>} : memref<2x80x64xf32, #tpu.memory_space<vmem>>, vector<1x1x16xf32>,
    %swap3A_625 = vector.shape_cast %swap3A_624 : vector<1x1x16xf32> to vector<16xf32>
    %swap3A_626 = vector.shape_cast %broadcast_in_dim3A_3 : vector<16xf32> to vector<1x1x16xf32>
    tpu.vector_store %arg6[%swap3A_621, %swap3A_622, %swap3A_623], %swap3A_626 {strides = array<i32>} : memref<2x80x64xf32, #tpu.memory_space<vmem>>, vector<1x1x16xf32>,
    %swap3A_627 = arith.constant 1 : i32
    %swap3A_628 = arith.constant 71 : i32
    %swap3A_629 = arith.index_cast %swap3A_627 : i32 to index
    %swap3A_630 = arith.index_cast %swap3A_628 : i32 to index
    %swap3A_631 = arith.constant 32 : index
    %swap3A_632 = tpu.vector_load %arg6[%swap3A_629, %swap3A_630, %swap3A_631] {strides = array<i32>} : memref<2x80x64xf32, #tpu.memory_space<vmem>>, vector<1x1x16xf32>,
    %swap3A_633 = vector.shape_cast %swap3A_632 : vector<1x1x16xf32> to vector<16xf32>
    %swap3A_634 = vector.shape_cast %broadcast_in_dim3A_3 : vector<16xf32> to vector<1x1x16xf32>
    tpu.vector_store %arg6[%swap3A_629, %swap3A_630, %swap3A_631], %swap3A_634 {strides = array<i32>} : memref<2x80x64xf32, #tpu.memory_space<vmem>>, vector<1x1x16xf32>,
    %swap3A_635 = arith.constant 1 : i32
    %swap3A_636 = arith.constant 71 : i32
    %swap3A_637 = arith.index_cast %swap3A_635 : i32 to index
    %swap3A_638 = arith.index_cast %swap3A_636 : i32 to index
    %swap3A_639 = arith.constant 48 : index
    %swap3A_640 = tpu.vector_load %arg6[%swap3A_637, %swap3A_638, %swap3A_639] {strides = array<i32>} : memref<2x80x64xf32, #tpu.memory_space<vmem>>, vector<1x1x16xf32>,
    %swap3A_641 = vector.shape_cast %swap3A_640 : vector<1x1x16xf32> to vector<16xf32>
    %swap3A_642 = vector.shape_cast %broadcast_in_dim3A_3 : vector<16xf32> to vector<1x1x16xf32>
    tpu.vector_store %arg6[%swap3A_637, %swap3A_638, %swap3A_639], %swap3A_642 {strides = array<i32>} : memref<2x80x64xf32, #tpu.memory_space<vmem>>, vector<1x1x16xf32>,
    %swap3A_643 = arith.constant 1 : i32
    %swap3A_644 = arith.constant 72 : i32
    %swap3A_645 = arith.index_cast %swap3A_643 : i32 to index
    %swap3A_646 = arith.index_cast %swap3A_644 : i32 to index
    %swap3A_647 = arith.constant 0 : index
    %swap3A_648 = tpu.vector_load %arg6[%swap3A_645, %swap3A_646, %swap3A_647] {strides = array<i32>} : memref<2x80x64xf32, #tpu.memory_space<vmem>>, vector<1x1x16xf32>,
    %swap3A_649 = vector.shape_cast %swap3A_648 : vector<1x1x16xf32> to vector<16xf32>
    %swap3A_650 = vector.shape_cast %broadcast_in_dim3A_3 : vector<16xf32> to vector<1x1x16xf32>
    tpu.vector_store %arg6[%swap3A_645, %swap3A_646, %swap3A_647], %swap3A_650 {strides = array<i32>} : memref<2x80x64xf32, #tpu.memory_space<vmem>>, vector<1x1x16xf32>,
    %swap3A_651 = arith.constant 1 : i32
    %swap3A_652 = arith.constant 72 : i32
    %swap3A_653 = arith.index_cast %swap3A_651 : i32 to index
    %swap3A_654 = arith.index_cast %swap3A_652 : i32 to index
    %swap3A_655 = arith.constant 16 : index
    %swap3A_656 = tpu.vector_load %arg6[%swap3A_653, %swap3A_654, %swap3A_655] {strides = array<i32>} : memref<2x80x64xf32, #tpu.memory_space<vmem>>, vector<1x1x16xf32>,
    %swap3A_657 = vector.shape_cast %swap3A_656 : vector<1x1x16xf32> to vector<16xf32>
    %swap3A_658 = vector.shape_cast %broadcast_in_dim3A_3 : vector<16xf32> to vector<1x1x16xf32>
    tpu.vector_store %arg6[%swap3A_653, %swap3A_654, %swap3A_655], %swap3A_658 {strides = array<i32>} : memref<2x80x64xf32, #tpu.memory_space<vmem>>, vector<1x1x16xf32>,
    %swap3A_659 = arith.constant 1 : i32
    %swap3A_660 = arith.constant 72 : i32
    %swap3A_661 = arith.index_cast %swap3A_659 : i32 to index
    %swap3A_662 = arith.index_cast %swap3A_660 : i32 to index
    %swap3A_663 = arith.constant 32 : index
    %swap3A_664 = tpu.vector_load %arg6[%swap3A_661, %swap3A_662, %swap3A_663] {strides = array<i32>} : memref<2x80x64xf32, #tpu.memory_space<vmem>>, vector<1x1x16xf32>,
    %swap3A_665 = vector.shape_cast %swap3A_664 : vector<1x1x16xf32> to vector<16xf32>
    %swap3A_666 = vector.shape_cast %broadcast_in_dim3A_3 : vector<16xf32> to vector<1x1x16xf32>
    tpu.vector_store %arg6[%swap3A_661, %swap3A_662, %swap3A_663], %swap3A_666 {strides = array<i32>} : memref<2x80x64xf32, #tpu.memory_space<vmem>>, vector<1x1x16xf32>,
    %swap3A_667 = arith.constant 1 : i32
    %swap3A_668 = arith.constant 72 : i32
    %swap3A_669 = arith.index_cast %swap3A_667 : i32 to index
    %swap3A_670 = arith.index_cast %swap3A_668 : i32 to index
    %swap3A_671 = arith.constant 48 : index
    %swap3A_672 = tpu.vector_load %arg6[%swap3A_669, %swap3A_670, %swap3A_671] {strides = array<i32>} : memref<2x80x64xf32, #tpu.memory_space<vmem>>, vector<1x1x16xf32>,
    %swap3A_673 = vector.shape_cast %swap3A_672 : vector<1x1x16xf32> to vector<16xf32>
    %swap3A_674 = vector.shape_cast %broadcast_in_dim3A_3 : vector<16xf32> to vector<1x1x16xf32>
    tpu.vector_store %arg6[%swap3A_669, %swap3A_670, %swap3A_671], %swap3A_674 {strides = array<i32>} : memref<2x80x64xf32, #tpu.memory_space<vmem>>, vector<1x1x16xf32>,
    %swap3A_675 = arith.constant 1 : i32
    %swap3A_676 = arith.constant 73 : i32
    %swap3A_677 = arith.index_cast %swap3A_675 : i32 to index
    %swap3A_678 = arith.index_cast %swap3A_676 : i32 to index
    %swap3A_679 = arith.constant 0 : index
    %swap3A_680 = tpu.vector_load %arg6[%swap3A_677, %swap3A_678, %swap3A_679] {strides = array<i32>} : memref<2x80x64xf32, #tpu.memory_space<vmem>>, vector<1x1x16xf32>,
    %swap3A_681 = vector.shape_cast %swap3A_680 : vector<1x1x16xf32> to vector<16xf32>
    %swap3A_682 = vector.shape_cast %broadcast_in_dim3A_3 : vector<16xf32> to vector<1x1x16xf32>
    tpu.vector_store %arg6[%swap3A_677, %swap3A_678, %swap3A_679], %swap3A_682 {strides = array<i32>} : memref<2x80x64xf32, #tpu.memory_space<vmem>>, vector<1x1x16xf32>,
    %swap3A_683 = arith.constant 1 : i32
    %swap3A_684 = arith.constant 73 : i32
    %swap3A_685 = arith.index_cast %swap3A_683 : i32 to index
    %swap3A_686 = arith.index_cast %swap3A_684 : i32 to index
    %swap3A_687 = arith.constant 16 : index
    %swap3A_688 = tpu.vector_load %arg6[%swap3A_685, %swap3A_686, %swap3A_687] {strides = array<i32>} : memref<2x80x64xf32, #tpu.memory_space<vmem>>, vector<1x1x16xf32>,
    %swap3A_689 = vector.shape_cast %swap3A_688 : vector<1x1x16xf32> to vector<16xf32>
    %swap3A_690 = vector.shape_cast %broadcast_in_dim3A_3 : vector<16xf32> to vector<1x1x16xf32>
    tpu.vector_store %arg6[%swap3A_685, %swap3A_686, %swap3A_687], %swap3A_690 {strides = array<i32>} : memref<2x80x64xf32, #tpu.memory_space<vmem>>, vector<1x1x16xf32>,
    %swap3A_691 = arith.constant 1 : i32
    %swap3A_692 = arith.constant 73 : i32
    %swap3A_693 = arith.index_cast %swap3A_691 : i32 to index
    %swap3A_694 = arith.index_cast %swap3A_692 : i32 to index
    %swap3A_695 = arith.constant 32 : index
    %swap3A_696 = tpu.vector_load %arg6[%swap3A_693, %swap3A_694, %swap3A_695] {strides = array<i32>} : memref<2x80x64xf32, #tpu.memory_space<vmem>>, vector<1x1x16xf32>,
    %swap3A_697 = vector.shape_cast %swap3A_696 : vector<1x1x16xf32> to vector<16xf32>
    %swap3A_698 = vector.shape_cast %broadcast_in_dim3A_3 : vector<16xf32> to vector<1x1x16xf32>
    tpu.vector_store %arg6[%swap3A_693, %swap3A_694, %swap3A_695], %swap3A_698 {strides = array<i32>} : memref<2x80x64xf32, #tpu.memory_space<vmem>>, vector<1x1x16xf32>,
    %swap3A_699 = arith.constant 1 : i32
    %swap3A_700 = arith.constant 73 : i32
    %swap3A_701 = arith.index_cast %swap3A_699 : i32 to index
    %swap3A_702 = arith.index_cast %swap3A_700 : i32 to index
    %swap3A_703 = arith.constant 48 : index
    %swap3A_704 = tpu.vector_load %arg6[%swap3A_701, %swap3A_702, %swap3A_703] {strides = array<i32>} : memref<2x80x64xf32, #tpu.memory_space<vmem>>, vector<1x1x16xf32>,
    %swap3A_705 = vector.shape_cast %swap3A_704 : vector<1x1x16xf32> to vector<16xf32>
    %swap3A_706 = vector.shape_cast %broadcast_in_dim3A_3 : vector<16xf32> to vector<1x1x16xf32>
    tpu.vector_store %arg6[%swap3A_701, %swap3A_702, %swap3A_703], %swap3A_706 {strides = array<i32>} : memref<2x80x64xf32, #tpu.memory_space<vmem>>, vector<1x1x16xf32>,
    %swap3A_707 = arith.constant 1 : i32
    %swap3A_708 = arith.constant 74 : i32
    %swap3A_709 = arith.index_cast %swap3A_707 : i32 to index
    %swap3A_710 = arith.index_cast %swap3A_708 : i32 to index
    %swap3A_711 = arith.constant 0 : index
    %swap3A_712 = tpu.vector_load %arg6[%swap3A_709, %swap3A_710, %swap3A_711] {strides = array<i32>} : memref<2x80x64xf32, #tpu.memory_space<vmem>>, vector<1x1x16xf32>,
    %swap3A_713 = vector.shape_cast %swap3A_712 : vector<1x1x16xf32> to vector<16xf32>
    %swap3A_714 = vector.shape_cast %broadcast_in_dim3A_3 : vector<16xf32> to vector<1x1x16xf32>
    tpu.vector_store %arg6[%swap3A_709, %swap3A_710, %swap3A_711], %swap3A_714 {strides = array<i32>} : memref<2x80x64xf32, #tpu.memory_space<vmem>>, vector<1x1x16xf32>,
    %swap3A_715 = arith.constant 1 : i32
    %swap3A_716 = arith.constant 74 : i32
    %swap3A_717 = arith.index_cast %swap3A_715 : i32 to index
    %swap3A_718 = arith.index_cast %swap3A_716 : i32 to index
    %swap3A_719 = arith.constant 16 : index
    %swap3A_720 = tpu.vector_load %arg6[%swap3A_717, %swap3A_718, %swap3A_719] {strides = array<i32>} : memref<2x80x64xf32, #tpu.memory_space<vmem>>, vector<1x1x16xf32>,
    %swap3A_721 = vector.shape_cast %swap3A_720 : vector<1x1x16xf32> to vector<16xf32>
    %swap3A_722 = vector.shape_cast %broadcast_in_dim3A_3 : vector<16xf32> to vector<1x1x16xf32>
    tpu.vector_store %arg6[%swap3A_717, %swap3A_718, %swap3A_719], %swap3A_722 {strides = array<i32>} : memref<2x80x64xf32, #tpu.memory_space<vmem>>, vector<1x1x16xf32>,
    %swap3A_723 = arith.constant 1 : i32
    %swap3A_724 = arith.constant 74 : i32
    %swap3A_725 = arith.index_cast %swap3A_723 : i32 to index
    %swap3A_726 = arith.index_cast %swap3A_724 : i32 to index
    %swap3A_727 = arith.constant 32 : index
    %swap3A_728 = tpu.vector_load %arg6[%swap3A_725, %swap3A_726, %swap3A_727] {strides = array<i32>} : memref<2x80x64xf32, #tpu.memory_space<vmem>>, vector<1x1x16xf32>,
    %swap3A_729 = vector.shape_cast %swap3A_728 : vector<1x1x16xf32> to vector<16xf32>
    %swap3A_730 = vector.shape_cast %broadcast_in_dim3A_3 : vector<16xf32> to vector<1x1x16xf32>
    tpu.vector_store %arg6[%swap3A_725, %swap3A_726, %swap3A_727], %swap3A_730 {strides = array<i32>} : memref<2x80x64xf32, #tpu.memory_space<vmem>>, vector<1x1x16xf32>,
    %swap3A_731 = arith.constant 1 : i32
    %swap3A_732 = arith.constant 74 : i32
    %swap3A_733 = arith.index_cast %swap3A_731 : i32 to index
    %swap3A_734 = arith.index_cast %swap3A_732 : i32 to index
    %swap3A_735 = arith.constant 48 : index
    %swap3A_736 = tpu.vector_load %arg6[%swap3A_733, %swap3A_734, %swap3A_735] {strides = array<i32>} : memref<2x80x64xf32, #tpu.memory_space<vmem>>, vector<1x1x16xf32>,
    %swap3A_737 = vector.shape_cast %swap3A_736 : vector<1x1x16xf32> to vector<16xf32>
    %swap3A_738 = vector.shape_cast %broadcast_in_dim3A_3 : vector<16xf32> to vector<1x1x16xf32>
    tpu.vector_store %arg6[%swap3A_733, %swap3A_734, %swap3A_735], %swap3A_738 {strides = array<i32>} : memref<2x80x64xf32, #tpu.memory_space<vmem>>, vector<1x1x16xf32>,
    %swap3A_739 = arith.constant 1 : i32
    %swap3A_740 = arith.constant 75 : i32
    %swap3A_741 = arith.index_cast %swap3A_739 : i32 to index
    %swap3A_742 = arith.index_cast %swap3A_740 : i32 to index
    %swap3A_743 = arith.constant 0 : index
    %swap3A_744 = tpu.vector_load %arg6[%swap3A_741, %swap3A_742, %swap3A_743] {strides = array<i32>} : memref<2x80x64xf32, #tpu.memory_space<vmem>>, vector<1x1x16xf32>,
    %swap3A_745 = vector.shape_cast %swap3A_744 : vector<1x1x16xf32> to vector<16xf32>
    %swap3A_746 = vector.shape_cast %broadcast_in_dim3A_3 : vector<16xf32> to vector<1x1x16xf32>
    tpu.vector_store %arg6[%swap3A_741, %swap3A_742, %swap3A_743], %swap3A_746 {strides = array<i32>} : memref<2x80x64xf32, #tpu.memory_space<vmem>>, vector<1x1x16xf32>,
    %swap3A_747 = arith.constant 1 : i32
    %swap3A_748 = arith.constant 75 : i32
    %swap3A_749 = arith.index_cast %swap3A_747 : i32 to index
    %swap3A_750 = arith.index_cast %swap3A_748 : i32 to index
    %swap3A_751 = arith.constant 16 : index
    %swap3A_752 = tpu.vector_load %arg6[%swap3A_749, %swap3A_750, %swap3A_751] {strides = array<i32>} : memref<2x80x64xf32, #tpu.memory_space<vmem>>, vector<1x1x16xf32>,
    %swap3A_753 = vector.shape_cast %swap3A_752 : vector<1x1x16xf32> to vector<16xf32>
    %swap3A_754 = vector.shape_cast %broadcast_in_dim3A_3 : vector<16xf32> to vector<1x1x16xf32>
    tpu.vector_store %arg6[%swap3A_749, %swap3A_750, %swap3A_751], %swap3A_754 {strides = array<i32>} : memref<2x80x64xf32, #tpu.memory_space<vmem>>, vector<1x1x16xf32>,
    %swap3A_755 = arith.constant 1 : i32
    %swap3A_756 = arith.constant 75 : i32
    %swap3A_757 = arith.index_cast %swap3A_755 : i32 to index
    %swap3A_758 = arith.index_cast %swap3A_756 : i32 to index
    %swap3A_759 = arith.constant 32 : index
    %swap3A_760 = tpu.vector_load %arg6[%swap3A_757, %swap3A_758, %swap3A_759] {strides = array<i32>} : memref<2x80x64xf32, #tpu.memory_space<vmem>>, vector<1x1x16xf32>,
    %swap3A_761 = vector.shape_cast %swap3A_760 : vector<1x1x16xf32> to vector<16xf32>
    %swap3A_762 = vector.shape_cast %broadcast_in_dim3A_3 : vector<16xf32> to vector<1x1x16xf32>
    tpu.vector_store %arg6[%swap3A_757, %swap3A_758, %swap3A_759], %swap3A_762 {strides = array<i32>} : memref<2x80x64xf32, #tpu.memory_space<vmem>>, vector<1x1x16xf32>,
    %swap3A_763 = arith.constant 1 : i32
    %swap3A_764 = arith.constant 75 : i32
    %swap3A_765 = arith.index_cast %swap3A_763 : i32 to index
    %swap3A_766 = arith.index_cast %swap3A_764 : i32 to index
    %swap3A_767 = arith.constant 48 : index
    %swap3A_768 = tpu.vector_load %arg6[%swap3A_765, %swap3A_766, %swap3A_767] {strides = array<i32>} : memref<2x80x64xf32, #tpu.memory_space<vmem>>, vector<1x1x16xf32>,
    %swap3A_769 = vector.shape_cast %swap3A_768 : vector<1x1x16xf32> to vector<16xf32>
    %swap3A_770 = vector.shape_cast %broadcast_in_dim3A_3 : vector<16xf32> to vector<1x1x16xf32>
    tpu.vector_store %arg6[%swap3A_765, %swap3A_766, %swap3A_767], %swap3A_770 {strides = array<i32>} : memref<2x80x64xf32, #tpu.memory_space<vmem>>, vector<1x1x16xf32>,
    %swap3A_771 = arith.constant 1 : i32
    %swap3A_772 = arith.constant 76 : i32
    %swap3A_773 = arith.index_cast %swap3A_771 : i32 to index
    %swap3A_774 = arith.index_cast %swap3A_772 : i32 to index
    %swap3A_775 = arith.constant 0 : index
    %swap3A_776 = tpu.vector_load %arg6[%swap3A_773, %swap3A_774, %swap3A_775] {strides = array<i32>} : memref<2x80x64xf32, #tpu.memory_space<vmem>>, vector<1x1x16xf32>,
    %swap3A_777 = vector.shape_cast %swap3A_776 : vector<1x1x16xf32> to vector<16xf32>
    %swap3A_778 = vector.shape_cast %broadcast_in_dim3A_3 : vector<16xf32> to vector<1x1x16xf32>
    tpu.vector_store %arg6[%swap3A_773, %swap3A_774, %swap3A_775], %swap3A_778 {strides = array<i32>} : memref<2x80x64xf32, #tpu.memory_space<vmem>>, vector<1x1x16xf32>,
    %swap3A_779 = arith.constant 1 : i32
    %swap3A_780 = arith.constant 76 : i32
    %swap3A_781 = arith.index_cast %swap3A_779 : i32 to index
    %swap3A_782 = arith.index_cast %swap3A_780 : i32 to index
    %swap3A_783 = arith.constant 16 : index
    %swap3A_784 = tpu.vector_load %arg6[%swap3A_781, %swap3A_782, %swap3A_783] {strides = array<i32>} : memref<2x80x64xf32, #tpu.memory_space<vmem>>, vector<1x1x16xf32>,
    %swap3A_785 = vector.shape_cast %swap3A_784 : vector<1x1x16xf32> to vector<16xf32>
    %swap3A_786 = vector.shape_cast %broadcast_in_dim3A_3 : vector<16xf32> to vector<1x1x16xf32>
    tpu.vector_store %arg6[%swap3A_781, %swap3A_782, %swap3A_783], %swap3A_786 {strides = array<i32>} : memref<2x80x64xf32, #tpu.memory_space<vmem>>, vector<1x1x16xf32>,
    %swap3A_787 = arith.constant 1 : i32
    %swap3A_788 = arith.constant 76 : i32
    %swap3A_789 = arith.index_cast %swap3A_787 : i32 to index
    %swap3A_790 = arith.index_cast %swap3A_788 : i32 to index
    %swap3A_791 = arith.constant 32 : index
    %swap3A_792 = tpu.vector_load %arg6[%swap3A_789, %swap3A_790, %swap3A_791] {strides = array<i32>} : memref<2x80x64xf32, #tpu.memory_space<vmem>>, vector<1x1x16xf32>,
    %swap3A_793 = vector.shape_cast %swap3A_792 : vector<1x1x16xf32> to vector<16xf32>
    %swap3A_794 = vector.shape_cast %broadcast_in_dim3A_3 : vector<16xf32> to vector<1x1x16xf32>
    tpu.vector_store %arg6[%swap3A_789, %swap3A_790, %swap3A_791], %swap3A_794 {strides = array<i32>} : memref<2x80x64xf32, #tpu.memory_space<vmem>>, vector<1x1x16xf32>,
    %swap3A_795 = arith.constant 1 : i32
    %swap3A_796 = arith.constant 76 : i32
    %swap3A_797 = arith.index_cast %swap3A_795 : i32 to index
    %swap3A_798 = arith.index_cast %swap3A_796 : i32 to index
    %swap3A_799 = arith.constant 48 : index
    %swap3A_800 = tpu.vector_load %arg6[%swap3A_797, %swap3A_798, %swap3A_799] {strides = array<i32>} : memref<2x80x64xf32, #tpu.memory_space<vmem>>, vector<1x1x16xf32>,
    %swap3A_801 = vector.shape_cast %swap3A_800 : vector<1x1x16xf32> to vector<16xf32>
    %swap3A_802 = vector.shape_cast %broadcast_in_dim3A_3 : vector<16xf32> to vector<1x1x16xf32>
    tpu.vector_store %arg6[%swap3A_797, %swap3A_798, %swap3A_799], %swap3A_802 {strides = array<i32>} : memref<2x80x64xf32, #tpu.memory_space<vmem>>, vector<1x1x16xf32>,
    %swap3A_803 = arith.constant 1 : i32
    %swap3A_804 = arith.constant 77 : i32
    %swap3A_805 = arith.index_cast %swap3A_803 : i32 to index
    %swap3A_806 = arith.index_cast %swap3A_804 : i32 to index
    %swap3A_807 = arith.constant 0 : index
    %swap3A_808 = tpu.vector_load %arg6[%swap3A_805, %swap3A_806, %swap3A_807] {strides = array<i32>} : memref<2x80x64xf32, #tpu.memory_space<vmem>>, vector<1x1x16xf32>,
    %swap3A_809 = vector.shape_cast %swap3A_808 : vector<1x1x16xf32> to vector<16xf32>
    %swap3A_810 = vector.shape_cast %broadcast_in_dim3A_3 : vector<16xf32> to vector<1x1x16xf32>
    tpu.vector_store %arg6[%swap3A_805, %swap3A_806, %swap3A_807], %swap3A_810 {strides = array<i32>} : memref<2x80x64xf32, #tpu.memory_space<vmem>>, vector<1x1x16xf32>,
    %swap3A_811 = arith.constant 1 : i32
    %swap3A_812 = arith.constant 77 : i32
    %swap3A_813 = arith.index_cast %swap3A_811 : i32 to index
    %swap3A_814 = arith.index_cast %swap3A_812 : i32 to index
    %swap3A_815 = arith.constant 16 : index
    %swap3A_816 = tpu.vector_load %arg6[%swap3A_813, %swap3A_814, %swap3A_815] {strides = array<i32>} : memref<2x80x64xf32, #tpu.memory_space<vmem>>, vector<1x1x16xf32>,
    %swap3A_817 = vector.shape_cast %swap3A_816 : vector<1x1x16xf32> to vector<16xf32>
    %swap3A_818 = vector.shape_cast %broadcast_in_dim3A_3 : vector<16xf32> to vector<1x1x16xf32>
    tpu.vector_store %arg6[%swap3A_813, %swap3A_814, %swap3A_815], %swap3A_818 {strides = array<i32>} : memref<2x80x64xf32, #tpu.memory_space<vmem>>, vector<1x1x16xf32>,
    %swap3A_819 = arith.constant 1 : i32
    %swap3A_820 = arith.constant 77 : i32
    %swap3A_821 = arith.index_cast %swap3A_819 : i32 to index
    %swap3A_822 = arith.index_cast %swap3A_820 : i32 to index
    %swap3A_823 = arith.constant 32 : index
    %swap3A_824 = tpu.vector_load %arg6[%swap3A_821, %swap3A_822, %swap3A_823] {strides = array<i32>} : memref<2x80x64xf32, #tpu.memory_space<vmem>>, vector<1x1x16xf32>,
    %swap3A_825 = vector.shape_cast %swap3A_824 : vector<1x1x16xf32> to vector<16xf32>
    %swap3A_826 = vector.shape_cast %broadcast_in_dim3A_3 : vector<16xf32> to vector<1x1x16xf32>
    tpu.vector_store %arg6[%swap3A_821, %swap3A_822, %swap3A_823], %swap3A_826 {strides = array<i32>} : memref<2x80x64xf32, #tpu.memory_space<vmem>>, vector<1x1x16xf32>,
    %swap3A_827 = arith.constant 1 : i32
    %swap3A_828 = arith.constant 77 : i32
    %swap3A_829 = arith.index_cast %swap3A_827 : i32 to index
    %swap3A_830 = arith.index_cast %swap3A_828 : i32 to index
    %swap3A_831 = arith.constant 48 : index
    %swap3A_832 = tpu.vector_load %arg6[%swap3A_829, %swap3A_830, %swap3A_831] {strides = array<i32>} : memref<2x80x64xf32, #tpu.memory_space<vmem>>, vector<1x1x16xf32>,
    %swap3A_833 = vector.shape_cast %swap3A_832 : vector<1x1x16xf32> to vector<16xf32>
    %swap3A_834 = vector.shape_cast %broadcast_in_dim3A_3 : vector<16xf32> to vector<1x1x16xf32>
    tpu.vector_store %arg6[%swap3A_829, %swap3A_830, %swap3A_831], %swap3A_834 {strides = array<i32>} : memref<2x80x64xf32, #tpu.memory_space<vmem>>, vector<1x1x16xf32>,
    %swap3A_835 = arith.constant 1 : i32
    %swap3A_836 = arith.constant 78 : i32
    %swap3A_837 = arith.index_cast %swap3A_835 : i32 to index
    %swap3A_838 = arith.index_cast %swap3A_836 : i32 to index
    %swap3A_839 = arith.constant 0 : index
    %swap3A_840 = tpu.vector_load %arg6[%swap3A_837, %swap3A_838, %swap3A_839] {strides = array<i32>} : memref<2x80x64xf32, #tpu.memory_space<vmem>>, vector<1x1x16xf32>,
    %swap3A_841 = vector.shape_cast %swap3A_840 : vector<1x1x16xf32> to vector<16xf32>
    %swap3A_842 = vector.shape_cast %broadcast_in_dim3A_3 : vector<16xf32> to vector<1x1x16xf32>
    tpu.vector_store %arg6[%swap3A_837, %swap3A_838, %swap3A_839], %swap3A_842 {strides = array<i32>} : memref<2x80x64xf32, #tpu.memory_space<vmem>>, vector<1x1x16xf32>,
    %swap3A_843 = arith.constant 1 : i32
    %swap3A_844 = arith.constant 78 : i32
    %swap3A_845 = arith.index_cast %swap3A_843 : i32 to index
    %swap3A_846 = arith.index_cast %swap3A_844 : i32 to index
    %swap3A_847 = arith.constant 16 : index
    %swap3A_848 = tpu.vector_load %arg6[%swap3A_845, %swap3A_846, %swap3A_847] {strides = array<i32>} : memref<2x80x64xf32, #tpu.memory_space<vmem>>, vector<1x1x16xf32>,
    %swap3A_849 = vector.shape_cast %swap3A_848 : vector<1x1x16xf32> to vector<16xf32>
    %swap3A_850 = vector.shape_cast %broadcast_in_dim3A_3 : vector<16xf32> to vector<1x1x16xf32>
    tpu.vector_store %arg6[%swap3A_845, %swap3A_846, %swap3A_847], %swap3A_850 {strides = array<i32>} : memref<2x80x64xf32, #tpu.memory_space<vmem>>, vector<1x1x16xf32>,
    %swap3A_851 = arith.constant 1 : i32
    %swap3A_852 = arith.constant 78 : i32
    %swap3A_853 = arith.index_cast %swap3A_851 : i32 to index
    %swap3A_854 = arith.index_cast %swap3A_852 : i32 to index
    %swap3A_855 = arith.constant 32 : index
    %swap3A_856 = tpu.vector_load %arg6[%swap3A_853, %swap3A_854, %swap3A_855] {strides = array<i32>} : memref<2x80x64xf32, #tpu.memory_space<vmem>>, vector<1x1x16xf32>,
    %swap3A_857 = vector.shape_cast %swap3A_856 : vector<1x1x16xf32> to vector<16xf32>
    %swap3A_858 = vector.shape_cast %broadcast_in_dim3A_3 : vector<16xf32> to vector<1x1x16xf32>
    tpu.vector_store %arg6[%swap3A_853, %swap3A_854, %swap3A_855], %swap3A_858 {strides = array<i32>} : memref<2x80x64xf32, #tpu.memory_space<vmem>>, vector<1x1x16xf32>,
    %swap3A_859 = arith.constant 1 : i32
    %swap3A_860 = arith.constant 78 : i32
    %swap3A_861 = arith.index_cast %swap3A_859 : i32 to index
    %swap3A_862 = arith.index_cast %swap3A_860 : i32 to index
    %swap3A_863 = arith.constant 48 : index
    %swap3A_864 = tpu.vector_load %arg6[%swap3A_861, %swap3A_862, %swap3A_863] {strides = array<i32>} : memref<2x80x64xf32, #tpu.memory_space<vmem>>, vector<1x1x16xf32>,
    %swap3A_865 = vector.shape_cast %swap3A_864 : vector<1x1x16xf32> to vector<16xf32>
    %swap3A_866 = vector.shape_cast %broadcast_in_dim3A_3 : vector<16xf32> to vector<1x1x16xf32>
    tpu.vector_store %arg6[%swap3A_861, %swap3A_862, %swap3A_863], %swap3A_866 {strides = array<i32>} : memref<2x80x64xf32, #tpu.memory_space<vmem>>, vector<1x1x16xf32>,
    %swap3A_867 = arith.constant 1 : i32
    %swap3A_868 = arith.constant 79 : i32
    %swap3A_869 = arith.index_cast %swap3A_867 : i32 to index
    %swap3A_870 = arith.index_cast %swap3A_868 : i32 to index
    %swap3A_871 = arith.constant 0 : index
    %swap3A_872 = tpu.vector_load %arg6[%swap3A_869, %swap3A_870, %swap3A_871] {strides = array<i32>} : memref<2x80x64xf32, #tpu.memory_space<vmem>>, vector<1x1x16xf32>,
    %swap3A_873 = vector.shape_cast %swap3A_872 : vector<1x1x16xf32> to vector<16xf32>
    %swap3A_874 = vector.shape_cast %broadcast_in_dim3A_3 : vector<16xf32> to vector<1x1x16xf32>
    tpu.vector_store %arg6[%swap3A_869, %swap3A_870, %swap3A_871], %swap3A_874 {strides = array<i32>} : memref<2x80x64xf32, #tpu.memory_space<vmem>>, vector<1x1x16xf32>,
    %swap3A_875 = arith.constant 1 : i32
    %swap3A_876 = arith.constant 79 : i32
    %swap3A_877 = arith.index_cast %swap3A_875 : i32 to index
    %swap3A_878 = arith.index_cast %swap3A_876 : i32 to index
    %swap3A_879 = arith.constant 16 : index
    %swap3A_880 = tpu.vector_load %arg6[%swap3A_877, %swap3A_878, %swap3A_879] {strides = array<i32>} : memref<2x80x64xf32, #tpu.memory_space<vmem>>, vector<1x1x16xf32>,
    %swap3A_881 = vector.shape_cast %swap3A_880 : vector<1x1x16xf32> to vector<16xf32>
    %swap3A_882 = vector.shape_cast %broadcast_in_dim3A_3 : vector<16xf32> to vector<1x1x16xf32>
    tpu.vector_store %arg6[%swap3A_877, %swap3A_878, %swap3A_879], %swap3A_882 {strides = array<i32>} : memref<2x80x64xf32, #tpu.memory_space<vmem>>, vector<1x1x16xf32>,
    %swap3A_883 = arith.constant 1 : i32
    %swap3A_884 = arith.constant 79 : i32
    %swap3A_885 = arith.index_cast %swap3A_883 : i32 to index
    %swap3A_886 = arith.index_cast %swap3A_884 : i32 to index
    %swap3A_887 = arith.constant 32 : index
    %swap3A_888 = tpu.vector_load %arg6[%swap3A_885, %swap3A_886, %swap3A_887] {strides = array<i32>} : memref<2x80x64xf32, #tpu.memory_space<vmem>>, vector<1x1x16xf32>,
    %swap3A_889 = vector.shape_cast %swap3A_888 : vector<1x1x16xf32> to vector<16xf32>
    %swap3A_890 = vector.shape_cast %broadcast_in_dim3A_3 : vector<16xf32> to vector<1x1x16xf32>
    tpu.vector_store %arg6[%swap3A_885, %swap3A_886, %swap3A_887], %swap3A_890 {strides = array<i32>} : memref<2x80x64xf32, #tpu.memory_space<vmem>>, vector<1x1x16xf32>,
    %swap3A_891 = arith.constant 1 : i32
    %swap3A_892 = arith.constant 79 : i32
    %swap3A_893 = arith.index_cast %swap3A_891 : i32 to index
    %swap3A_894 = arith.index_cast %swap3A_892 : i32 to index
    %swap3A_895 = arith.constant 48 : index
    %swap3A_896 = tpu.vector_load %arg6[%swap3A_893, %swap3A_894, %swap3A_895] {strides = array<i32>} : memref<2x80x64xf32, #tpu.memory_space<vmem>>, vector<1x1x16xf32>,
    %swap3A_897 = vector.shape_cast %swap3A_896 : vector<1x1x16xf32> to vector<16xf32>
    %swap3A_898 = vector.shape_cast %broadcast_in_dim3A_3 : vector<16xf32> to vector<1x1x16xf32>
    tpu.vector_store %arg6[%swap3A_893, %swap3A_894, %swap3A_895], %swap3A_898 {strides = array<i32>} : memref<2x80x64xf32, #tpu.memory_space<vmem>>, vector<1x1x16xf32>,
    %dma_start3A = arith.constant 0 : i32
    %dma_start3A_899 = arith.constant 0 : i32
    %dma_start3A_900 = arith.constant 0 : i32
    %dma_start3A_901 = arith.constant 0 : i32
    %dma_start3A_902 = tpu.memref_slice %arg6[%dma_start3A_899, %dma_start3A_900, %dma_start3A_901] : memref<2x80x64xf32, #tpu.memory_space<vmem>> -> memref<1x66x64xf32, #tpu.memory_space<vmem>>
    %dma_start3A_903 = tpu.memref_squeeze %dma_start3A_902 : memref<1x66x64xf32, #tpu.memory_space<vmem>> -> memref<66x64xf32, #tpu.memory_space<vmem>>
    %dma_start3A_904 = arith.constant 0 : i32
    %dma_start3A_905 = tpu.memref_slice %arg5[%dma_start3A, %dma_start3A_904] : memref<32x66xi32, #tpu.memory_space<vmem>> -> memref<1x66xi32, #tpu.memory_space<vmem>>
    %dma_start3A_906 = tpu.memref_squeeze %dma_start3A_905 : memref<1x66xi32, #tpu.memory_space<vmem>> -> memref<66xi32, #tpu.memory_space<vmem>>
    %dma_start3A_907 = arith.constant 0 : i32
    %dma_start3A_908 = arith.constant 0 : i32
    %dma_start3A_909 = tpu.memref_slice %arg3[%dma_start3A_907, %dma_start3A_908] : memref<100000x64xf32, #tpu.memory_space<hbm>> -> memref<100000x64xf32, #tpu.memory_space<hbm>>
    tpu.enqueue_indirect_dma source(%dma_start3A_909 : memref<100000x64xf32, #tpu.memory_space<hbm>>) target(%dma_start3A_903 : memref<66x64xf32, #tpu.memory_space<vmem>>) offsets(%dma_start3A_906 : memref<66xi32, #tpu.memory_space<vmem>>) semaphore(%arg7 : memref<!tpu.dma_semaphore, #tpu.memory_space<semaphore_mem>>)
    %dma_start3A_910 = arith.constant 1 : i32
    %dma_start3A_911 = arith.constant 1 : i32
    %dma_start3A_912 = arith.constant 0 : i32
    %dma_start3A_913 = arith.constant 0 : i32
    %dma_start3A_914 = tpu.memref_slice %arg6[%dma_start3A_911, %dma_start3A_912, %dma_start3A_913] : memref<2x80x64xf32, #tpu.memory_space<vmem>> -> memref<1x66x64xf32, #tpu.memory_space<vmem>>
    %dma_start3A_915 = tpu.memref_squeeze %dma_start3A_914 : memref<1x66x64xf32, #tpu.memory_space<vmem>> -> memref<66x64xf32, #tpu.memory_space<vmem>>
    %dma_start3A_916 = arith.constant 0 : i32
    %dma_start3A_917 = tpu.memref_slice %arg5[%dma_start3A_910, %dma_start3A_916] : memref<32x66xi32, #tpu.memory_space<vmem>> -> memref<1x66xi32, #tpu.memory_space<vmem>>
    %dma_start3A_918 = tpu.memref_squeeze %dma_start3A_917 : memref<1x66xi32, #tpu.memory_space<vmem>> -> memref<66xi32, #tpu.memory_space<vmem>>
    %dma_start3A_919 = arith.constant 0 : i32
    %dma_start3A_920 = arith.constant 0 : i32
    %dma_start3A_921 = tpu.memref_slice %arg3[%dma_start3A_919, %dma_start3A_920] : memref<100000x64xf32, #tpu.memory_space<hbm>> -> memref<100000x64xf32, #tpu.memory_space<hbm>>
    tpu.enqueue_indirect_dma source(%dma_start3A_921 : memref<100000x64xf32, #tpu.memory_space<hbm>>) target(%dma_start3A_915 : memref<66x64xf32, #tpu.memory_space<vmem>>) offsets(%dma_start3A_918 : memref<66xi32, #tpu.memory_space<vmem>>) semaphore(%arg8 : memref<!tpu.dma_semaphore, #tpu.memory_space<semaphore_mem>>)
    %dma_wait3A = arith.constant 0 : i32
    %dma_wait3A_922 = arith.constant 0 : i32
    %dma_wait3A_923 = arith.constant 0 : i32
    %dma_wait3A_924 = arith.constant 0 : i32
    %dma_wait3A_925 = tpu.memref_slice %arg6[%dma_wait3A_922, %dma_wait3A_923, %dma_wait3A_924] : memref<2x80x64xf32, #tpu.memory_space<vmem>> -> memref<1x66x64xf32, #tpu.memory_space<vmem>>
    %dma_wait3A_926 = tpu.memref_squeeze %dma_wait3A_925 : memref<1x66x64xf32, #tpu.memory_space<vmem>> -> memref<66x64xf32, #tpu.memory_space<vmem>>
    %dma_wait3A_927 = arith.constant 0 : i32
    %dma_wait3A_928 = tpu.memref_slice %arg5[%dma_wait3A, %dma_wait3A_927] : memref<32x66xi32, #tpu.memory_space<vmem>> -> memref<1x66xi32, #tpu.memory_space<vmem>>
    %dma_wait3A_929 = tpu.memref_squeeze %dma_wait3A_928 : memref<1x66xi32, #tpu.memory_space<vmem>> -> memref<66xi32, #tpu.memory_space<vmem>>
    %dma_wait3A_930 = arith.constant 0 : i32
    %dma_wait3A_931 = arith.constant 0 : i32
    %dma_wait3A_932 = tpu.memref_slice %arg3[%dma_wait3A_930, %dma_wait3A_931] : memref<100000x64xf32, #tpu.memory_space<hbm>> -> memref<100000x64xf32, #tpu.memory_space<hbm>>
    tpu.wait_indirect_dma semaphore(%arg7 : memref<!tpu.dma_semaphore, #tpu.memory_space<semaphore_mem>>) src(%dma_wait3A_932 : memref<100000x64xf32, #tpu.memory_space<hbm>>) dst(%dma_wait3A_926 : memref<66x64xf32, #tpu.memory_space<vmem>>)
    %add3A_933 = arith.constant 0 : i32
    %add3A_934 = arith.addi %mul3A_2, %add3A_933 : i32
    %run_scoped3A = arith.constant 0 : i32
    "tpu.region"() ({
      %run_scoped3A_1760 = tpu.sem_alloc : memref<!tpu.dma_semaphore, #tpu.memory_space<semaphore_mem>>
      %dma_start3A_1761 = arith.constant 0 : i32
      %dma_start3A_1762 = arith.constant 0 : i32
      %dma_start3A_1763 = tpu.memref_slice %arg6[%run_scoped3A, %dma_start3A_1761, %dma_start3A_1762] : memref<2x80x64xf32, #tpu.memory_space<vmem>> -> memref<1x80x64xf32, #tpu.memory_space<vmem>>
      %dma_start3A_1764 = tpu.memref_squeeze %dma_start3A_1763 : memref<1x80x64xf32, #tpu.memory_space<vmem>> -> memref<80x64xf32, #tpu.memory_space<vmem>>
      %dma_start3A_1765 = arith.constant 0 : i32
      %dma_start3A_1766 = arith.constant 0 : i32
      %dma_start3A_1767 = tpu.memref_slice %arg4[%add3A_934, %dma_start3A_1765, %dma_start3A_1766] : memref<1024x80x64xf32, #tpu.memory_space<hbm>> -> memref<1x80x64xf32, #tpu.memory_space<hbm>>
      %dma_start3A_1768 = tpu.memref_squeeze %dma_start3A_1767 : memref<1x80x64xf32, #tpu.memory_space<hbm>> -> memref<80x64xf32, #tpu.memory_space<hbm>>
      %dma_start3A_1769 = arith.constant 0 : i32
      %dma_start3A_1770 = arith.constant 0 : i32
      %dma_start3A_1771 = tpu.memref_slice %arg4[%add3A_934, %dma_start3A_1769, %dma_start3A_1770] : memref<1024x80x64xf32, #tpu.memory_space<hbm>> -> memref<1x80x64xf32, #tpu.memory_space<hbm>>
      %dma_start3A_1772 = tpu.memref_squeeze %dma_start3A_1771 : memref<1x80x64xf32, #tpu.memory_space<hbm>> -> memref<80x64xf32, #tpu.memory_space<hbm>>
      %dma_start3A_1773 = arith.constant 0 : i32
      %dma_start3A_1774 = arith.constant 0 : i32
      %dma_start3A_1775 = tpu.memref_slice %arg6[%run_scoped3A, %dma_start3A_1773, %dma_start3A_1774] : memref<2x80x64xf32, #tpu.memory_space<vmem>> -> memref<1x80x64xf32, #tpu.memory_space<vmem>>
      %dma_start3A_1776 = tpu.memref_squeeze %dma_start3A_1775 : memref<1x80x64xf32, #tpu.memory_space<vmem>> -> memref<80x64xf32, #tpu.memory_space<vmem>>
      tpu.enqueue_dma source(%dma_start3A_1776 : memref<80x64xf32, #tpu.memory_space<vmem>>) target(%dma_start3A_1772 : memref<80x64xf32, #tpu.memory_space<hbm>>) target_semaphore(%run_scoped3A_1760 : memref<!tpu.dma_semaphore, #tpu.memory_space<semaphore_mem>>)
      %dma_wait3A_1777 = arith.constant 0 : i32
      %dma_wait3A_1778 = arith.constant 0 : i32
      %dma_wait3A_1779 = tpu.memref_slice %arg6[%run_scoped3A, %dma_wait3A_1777, %dma_wait3A_1778] : memref<2x80x64xf32, #tpu.memory_space<vmem>> -> memref<1x80x64xf32, #tpu.memory_space<vmem>>
      %dma_wait3A_1780 = tpu.memref_squeeze %dma_wait3A_1779 : memref<1x80x64xf32, #tpu.memory_space<vmem>> -> memref<80x64xf32, #tpu.memory_space<vmem>>
      %dma_wait3A_1781 = arith.constant 0 : i32
      %dma_wait3A_1782 = arith.constant 0 : i32
      %dma_wait3A_1783 = tpu.memref_slice %arg4[%add3A_934, %dma_wait3A_1781, %dma_wait3A_1782] : memref<1024x80x64xf32, #tpu.memory_space<hbm>> -> memref<1x80x64xf32, #tpu.memory_space<hbm>>
      %dma_wait3A_1784 = tpu.memref_squeeze %dma_wait3A_1783 : memref<1x80x64xf32, #tpu.memory_space<hbm>> -> memref<80x64xf32, #tpu.memory_space<hbm>>
      %dma_wait3A_1785 = arith.constant 0 : i32
      %dma_wait3A_1786 = arith.constant 0 : i32
      %dma_wait3A_1787 = tpu.memref_slice %arg4[%add3A_934, %dma_wait3A_1785, %dma_wait3A_1786] : memref<1024x80x64xf32, #tpu.memory_space<hbm>> -> memref<1x80x64xf32, #tpu.memory_space<hbm>>
      %dma_wait3A_1788 = tpu.memref_squeeze %dma_wait3A_1787 : memref<1x80x64xf32, #tpu.memory_space<hbm>> -> memref<80x64xf32, #tpu.memory_space<hbm>>
      %dma_wait3A_1789 = arith.constant 0 : i32
      %dma_wait3A_1790 = arith.constant 0 : i32
      %dma_wait3A_1791 = tpu.memref_slice %arg6[%run_scoped3A, %dma_wait3A_1789, %dma_wait3A_1790] : memref<2x80x64xf32, #tpu.memory_space<vmem>> -> memref<1x80x64xf32, #tpu.memory_space<vmem>>
      %dma_wait3A_1792 = tpu.memref_squeeze %dma_wait3A_1791 : memref<1x80x64xf32, #tpu.memory_space<vmem>> -> memref<80x64xf32, #tpu.memory_space<vmem>>
      tpu.wait_dma2 semaphore(%run_scoped3A_1760 : memref<!tpu.dma_semaphore, #tpu.memory_space<semaphore_mem>>) src(%dma_wait3A_1792 : memref<80x64xf32, #tpu.memory_space<vmem>>) dst(%dma_wait3A_1788 : memref<80x64xf32, #tpu.memory_space<hbm>>)
      tpu.yield
    }) : () -> ()
    %dma_start3A_935 = arith.constant 2 : i32
    %dma_start3A_936 = arith.constant 0 : i32
    %dma_start3A_937 = arith.constant 0 : i32
    %dma_start3A_938 = arith.constant 0 : i32
    %dma_start3A_939 = tpu.memref_slice %arg6[%dma_start3A_936, %dma_start3A_937, %dma_start3A_938] : memref<2x80x64xf32, #tpu.memory_space<vmem>> -> memref<1x66x64xf32, #tpu.memory_space<vmem>>
    %dma_start3A_940 = tpu.memref_squeeze %dma_start3A_939 : memref<1x66x64xf32, #tpu.memory_space<vmem>> -> memref<66x64xf32, #tpu.memory_space<vmem>>
    %dma_start3A_941 = arith.constant 0 : i32
    %dma_start3A_942 = tpu.memref_slice %arg5[%dma_start3A_935, %dma_start3A_941] : memref<32x66xi32, #tpu.memory_space<vmem>> -> memref<1x66xi32, #tpu.memory_space<vmem>>
    %dma_start3A_943 = tpu.memref_squeeze %dma_start3A_942 : memref<1x66xi32, #tpu.memory_space<vmem>> -> memref<66xi32, #tpu.memory_space<vmem>>
    %dma_start3A_944 = arith.constant 0 : i32
    %dma_start3A_945 = arith.constant 0 : i32
    %dma_start3A_946 = tpu.memref_slice %arg3[%dma_start3A_944, %dma_start3A_945] : memref<100000x64xf32, #tpu.memory_space<hbm>> -> memref<100000x64xf32, #tpu.memory_space<hbm>>
    tpu.enqueue_indirect_dma source(%dma_start3A_946 : memref<100000x64xf32, #tpu.memory_space<hbm>>) target(%dma_start3A_940 : memref<66x64xf32, #tpu.memory_space<vmem>>) offsets(%dma_start3A_943 : memref<66xi32, #tpu.memory_space<vmem>>) semaphore(%arg7 : memref<!tpu.dma_semaphore, #tpu.memory_space<semaphore_mem>>)
    %dma_wait3A_947 = arith.constant 1 : i32
    %dma_wait3A_948 = arith.constant 1 : i32
    %dma_wait3A_949 = arith.constant 0 : i32
    %dma_wait3A_950 = arith.constant 0 : i32
    %dma_wait3A_951 = tpu.memref_slice %arg6[%dma_wait3A_948, %dma_wait3A_949, %dma_wait3A_950] : memref<2x80x64xf32, #tpu.memory_space<vmem>> -> memref<1x66x64xf32, #tpu.memory_space<vmem>>
    %dma_wait3A_952 = tpu.memref_squeeze %dma_wait3A_951 : memref<1x66x64xf32, #tpu.memory_space<vmem>> -> memref<66x64xf32, #tpu.memory_space<vmem>>
    %dma_wait3A_953 = arith.constant 0 : i32
    %dma_wait3A_954 = tpu.memref_slice %arg5[%dma_wait3A_947, %dma_wait3A_953] : memref<32x66xi32, #tpu.memory_space<vmem>> -> memref<1x66xi32, #tpu.memory_space<vmem>>
    %dma_wait3A_955 = tpu.memref_squeeze %dma_wait3A_954 : memref<1x66xi32, #tpu.memory_space<vmem>> -> memref<66xi32, #tpu.memory_space<vmem>>
    %dma_wait3A_956 = arith.constant 0 : i32
    %dma_wait3A_957 = arith.constant 0 : i32
    %dma_wait3A_958 = tpu.memref_slice %arg3[%dma_wait3A_956, %dma_wait3A_957] : memref<100000x64xf32, #tpu.memory_space<hbm>> -> memref<100000x64xf32, #tpu.memory_space<hbm>>
    tpu.wait_indirect_dma semaphore(%arg8 : memref<!tpu.dma_semaphore, #tpu.memory_space<semaphore_mem>>) src(%dma_wait3A_958 : memref<100000x64xf32, #tpu.memory_space<hbm>>) dst(%dma_wait3A_952 : memref<66x64xf32, #tpu.memory_space<vmem>>)
    %add3A_959 = arith.constant 1 : i32
    %add3A_960 = arith.addi %mul3A_2, %add3A_959 : i32
    %run_scoped3A_961 = arith.constant 1 : i32
    "tpu.region"() ({
      %run_scoped3A_1760 = tpu.sem_alloc : memref<!tpu.dma_semaphore, #tpu.memory_space<semaphore_mem>>
      %dma_start3A_1761 = arith.constant 0 : i32
      %dma_start3A_1762 = arith.constant 0 : i32
      %dma_start3A_1763 = tpu.memref_slice %arg6[%run_scoped3A_961, %dma_start3A_1761, %dma_start3A_1762] : memref<2x80x64xf32, #tpu.memory_space<vmem>> -> memref<1x80x64xf32, #tpu.memory_space<vmem>>
      %dma_start3A_1764 = tpu.memref_squeeze %dma_start3A_1763 : memref<1x80x64xf32, #tpu.memory_space<vmem>> -> memref<80x64xf32, #tpu.memory_space<vmem>>
      %dma_start3A_1765 = arith.constant 0 : i32
      %dma_start3A_1766 = arith.constant 0 : i32
      %dma_start3A_1767 = tpu.memref_slice %arg4[%add3A_960, %dma_start3A_1765, %dma_start3A_1766] : memref<1024x80x64xf32, #tpu.memory_space<hbm>> -> memref<1x80x64xf32, #tpu.memory_space<hbm>>
      %dma_start3A_1768 = tpu.memref_squeeze %dma_start3A_1767 : memref<1x80x64xf32, #tpu.memory_space<hbm>> -> memref<80x64xf32, #tpu.memory_space<hbm>>
      %dma_start3A_1769 = arith.constant 0 : i32
      %dma_start3A_1770 = arith.constant 0 : i32
      %dma_start3A_1771 = tpu.memref_slice %arg4[%add3A_960, %dma_start3A_1769, %dma_start3A_1770] : memref<1024x80x64xf32, #tpu.memory_space<hbm>> -> memref<1x80x64xf32, #tpu.memory_space<hbm>>
      %dma_start3A_1772 = tpu.memref_squeeze %dma_start3A_1771 : memref<1x80x64xf32, #tpu.memory_space<hbm>> -> memref<80x64xf32, #tpu.memory_space<hbm>>
      %dma_start3A_1773 = arith.constant 0 : i32
      %dma_start3A_1774 = arith.constant 0 : i32
      %dma_start3A_1775 = tpu.memref_slice %arg6[%run_scoped3A_961, %dma_start3A_1773, %dma_start3A_1774] : memref<2x80x64xf32, #tpu.memory_space<vmem>> -> memref<1x80x64xf32, #tpu.memory_space<vmem>>
      %dma_start3A_1776 = tpu.memref_squeeze %dma_start3A_1775 : memref<1x80x64xf32, #tpu.memory_space<vmem>> -> memref<80x64xf32, #tpu.memory_space<vmem>>
      tpu.enqueue_dma source(%dma_start3A_1776 : memref<80x64xf32, #tpu.memory_space<vmem>>) target(%dma_start3A_1772 : memref<80x64xf32, #tpu.memory_space<hbm>>) target_semaphore(%run_scoped3A_1760 : memref<!tpu.dma_semaphore, #tpu.memory_space<semaphore_mem>>)
      %dma_wait3A_1777 = arith.constant 0 : i32
      %dma_wait3A_1778 = arith.constant 0 : i32
      %dma_wait3A_1779 = tpu.memref_slice %arg6[%run_scoped3A_961, %dma_wait3A_1777, %dma_wait3A_1778] : memref<2x80x64xf32, #tpu.memory_space<vmem>> -> memref<1x80x64xf32, #tpu.memory_space<vmem>>
      %dma_wait3A_1780 = tpu.memref_squeeze %dma_wait3A_1779 : memref<1x80x64xf32, #tpu.memory_space<vmem>> -> memref<80x64xf32, #tpu.memory_space<vmem>>
      %dma_wait3A_1781 = arith.constant 0 : i32
      %dma_wait3A_1782 = arith.constant 0 : i32
      %dma_wait3A_1783 = tpu.memref_slice %arg4[%add3A_960, %dma_wait3A_1781, %dma_wait3A_1782] : memref<1024x80x64xf32, #tpu.memory_space<hbm>> -> memref<1x80x64xf32, #tpu.memory_space<hbm>>
      %dma_wait3A_1784 = tpu.memref_squeeze %dma_wait3A_1783 : memref<1x80x64xf32, #tpu.memory_space<hbm>> -> memref<80x64xf32, #tpu.memory_space<hbm>>
      %dma_wait3A_1785 = arith.constant 0 : i32
      %dma_wait3A_1786 = arith.constant 0 : i32
      %dma_wait3A_1787 = tpu.memref_slice %arg4[%add3A_960, %dma_wait3A_1785, %dma_wait3A_1786] : memref<1024x80x64xf32, #tpu.memory_space<hbm>> -> memref<1x80x64xf32, #tpu.memory_space<hbm>>
      %dma_wait3A_1788 = tpu.memref_squeeze %dma_wait3A_1787 : memref<1x80x64xf32, #tpu.memory_space<hbm>> -> memref<80x64xf32, #tpu.memory_space<hbm>>
      %dma_wait3A_1789 = arith.constant 0 : i32
      %dma_wait3A_1790 = arith.constant 0 : i32
      %dma_wait3A_1791 = tpu.memref_slice %arg6[%run_scoped3A_961, %dma_wait3A_1789, %dma_wait3A_1790] : memref<2x80x64xf32, #tpu.memory_space<vmem>> -> memref<1x80x64xf32, #tpu.memory_space<vmem>>
      %dma_wait3A_1792 = tpu.memref_squeeze %dma_wait3A_1791 : memref<1x80x64xf32, #tpu.memory_space<vmem>> -> memref<80x64xf32, #tpu.memory_space<vmem>>
      tpu.wait_dma2 semaphore(%run_scoped3A_1760 : memref<!tpu.dma_semaphore, #tpu.memory_space<semaphore_mem>>) src(%dma_wait3A_1792 : memref<80x64xf32, #tpu.memory_space<vmem>>) dst(%dma_wait3A_1788 : memref<80x64xf32, #tpu.memory_space<hbm>>)
      tpu.yield
    }) : () -> ()
    %dma_start3A_962 = arith.constant 3 : i32
    %dma_start3A_963 = arith.constant 1 : i32
    %dma_start3A_964 = arith.constant 0 : i32
    %dma_start3A_965 = arith.constant 0 : i32
    %dma_start3A_966 = tpu.memref_slice %arg6[%dma_start3A_963, %dma_start3A_964, %dma_start3A_965] : memref<2x80x64xf32, #tpu.memory_space<vmem>> -> memref<1x66x64xf32, #tpu.memory_space<vmem>>
    %dma_start3A_967 = tpu.memref_squeeze %dma_start3A_966 : memref<1x66x64xf32, #tpu.memory_space<vmem>> -> memref<66x64xf32, #tpu.memory_space<vmem>>
    %dma_start3A_968 = arith.constant 0 : i32
    %dma_start3A_969 = tpu.memref_slice %arg5[%dma_start3A_962, %dma_start3A_968] : memref<32x66xi32, #tpu.memory_space<vmem>> -> memref<1x66xi32, #tpu.memory_space<vmem>>
    %dma_start3A_970 = tpu.memref_squeeze %dma_start3A_969 : memref<1x66xi32, #tpu.memory_space<vmem>> -> memref<66xi32, #tpu.memory_space<vmem>>
    %dma_start3A_971 = arith.constant 0 : i32
    %dma_start3A_972 = arith.constant 0 : i32
    %dma_start3A_973 = tpu.memref_slice %arg3[%dma_start3A_971, %dma_start3A_972] : memref<100000x64xf32, #tpu.memory_space<hbm>> -> memref<100000x64xf32, #tpu.memory_space<hbm>>
    tpu.enqueue_indirect_dma source(%dma_start3A_973 : memref<100000x64xf32, #tpu.memory_space<hbm>>) target(%dma_start3A_967 : memref<66x64xf32, #tpu.memory_space<vmem>>) offsets(%dma_start3A_970 : memref<66xi32, #tpu.memory_space<vmem>>) semaphore(%arg8 : memref<!tpu.dma_semaphore, #tpu.memory_space<semaphore_mem>>)
    %dma_wait3A_974 = arith.constant 2 : i32
    %dma_wait3A_975 = arith.constant 0 : i32
    %dma_wait3A_976 = arith.constant 0 : i32
    %dma_wait3A_977 = arith.constant 0 : i32
    %dma_wait3A_978 = tpu.memref_slice %arg6[%dma_wait3A_975, %dma_wait3A_976, %dma_wait3A_977] : memref<2x80x64xf32, #tpu.memory_space<vmem>> -> memref<1x66x64xf32, #tpu.memory_space<vmem>>
    %dma_wait3A_979 = tpu.memref_squeeze %dma_wait3A_978 : memref<1x66x64xf32, #tpu.memory_space<vmem>> -> memref<66x64xf32, #tpu.memory_space<vmem>>
    %dma_wait3A_980 = arith.constant 0 : i32
    %dma_wait3A_981 = tpu.memref_slice %arg5[%dma_wait3A_974, %dma_wait3A_980] : memref<32x66xi32, #tpu.memory_space<vmem>> -> memref<1x66xi32, #tpu.memory_space<vmem>>
    %dma_wait3A_982 = tpu.memref_squeeze %dma_wait3A_981 : memref<1x66xi32, #tpu.memory_space<vmem>> -> memref<66xi32, #tpu.memory_space<vmem>>
    %dma_wait3A_983 = arith.constant 0 : i32
    %dma_wait3A_984 = arith.constant 0 : i32
    %dma_wait3A_985 = tpu.memref_slice %arg3[%dma_wait3A_983, %dma_wait3A_984] : memref<100000x64xf32, #tpu.memory_space<hbm>> -> memref<100000x64xf32, #tpu.memory_space<hbm>>
    tpu.wait_indirect_dma semaphore(%arg7 : memref<!tpu.dma_semaphore, #tpu.memory_space<semaphore_mem>>) src(%dma_wait3A_985 : memref<100000x64xf32, #tpu.memory_space<hbm>>) dst(%dma_wait3A_979 : memref<66x64xf32, #tpu.memory_space<vmem>>)
    %add3A_986 = arith.constant 2 : i32
    %add3A_987 = arith.addi %mul3A_2, %add3A_986 : i32
    %run_scoped3A_988 = arith.constant 0 : i32
    "tpu.region"() ({
      %run_scoped3A_1760 = tpu.sem_alloc : memref<!tpu.dma_semaphore, #tpu.memory_space<semaphore_mem>>
      %dma_start3A_1761 = arith.constant 0 : i32
      %dma_start3A_1762 = arith.constant 0 : i32
      %dma_start3A_1763 = tpu.memref_slice %arg6[%run_scoped3A_988, %dma_start3A_1761, %dma_start3A_1762] : memref<2x80x64xf32, #tpu.memory_space<vmem>> -> memref<1x80x64xf32, #tpu.memory_space<vmem>>
      %dma_start3A_1764 = tpu.memref_squeeze %dma_start3A_1763 : memref<1x80x64xf32, #tpu.memory_space<vmem>> -> memref<80x64xf32, #tpu.memory_space<vmem>>
      %dma_start3A_1765 = arith.constant 0 : i32
      %dma_start3A_1766 = arith.constant 0 : i32
      %dma_start3A_1767 = tpu.memref_slice %arg4[%add3A_987, %dma_start3A_1765, %dma_start3A_1766] : memref<1024x80x64xf32, #tpu.memory_space<hbm>> -> memref<1x80x64xf32, #tpu.memory_space<hbm>>
      %dma_start3A_1768 = tpu.memref_squeeze %dma_start3A_1767 : memref<1x80x64xf32, #tpu.memory_space<hbm>> -> memref<80x64xf32, #tpu.memory_space<hbm>>
      %dma_start3A_1769 = arith.constant 0 : i32
      %dma_start3A_1770 = arith.constant 0 : i32
      %dma_start3A_1771 = tpu.memref_slice %arg4[%add3A_987, %dma_start3A_1769, %dma_start3A_1770] : memref<1024x80x64xf32, #tpu.memory_space<hbm>> -> memref<1x80x64xf32, #tpu.memory_space<hbm>>
      %dma_start3A_1772 = tpu.memref_squeeze %dma_start3A_1771 : memref<1x80x64xf32, #tpu.memory_space<hbm>> -> memref<80x64xf32, #tpu.memory_space<hbm>>
      %dma_start3A_1773 = arith.constant 0 : i32
      %dma_start3A_1774 = arith.constant 0 : i32
      %dma_start3A_1775 = tpu.memref_slice %arg6[%run_scoped3A_988, %dma_start3A_1773, %dma_start3A_1774] : memref<2x80x64xf32, #tpu.memory_space<vmem>> -> memref<1x80x64xf32, #tpu.memory_space<vmem>>
      %dma_start3A_1776 = tpu.memref_squeeze %dma_start3A_1775 : memref<1x80x64xf32, #tpu.memory_space<vmem>> -> memref<80x64xf32, #tpu.memory_space<vmem>>
      tpu.enqueue_dma source(%dma_start3A_1776 : memref<80x64xf32, #tpu.memory_space<vmem>>) target(%dma_start3A_1772 : memref<80x64xf32, #tpu.memory_space<hbm>>) target_semaphore(%run_scoped3A_1760 : memref<!tpu.dma_semaphore, #tpu.memory_space<semaphore_mem>>)
      %dma_wait3A_1777 = arith.constant 0 : i32
      %dma_wait3A_1778 = arith.constant 0 : i32
      %dma_wait3A_1779 = tpu.memref_slice %arg6[%run_scoped3A_988, %dma_wait3A_1777, %dma_wait3A_1778] : memref<2x80x64xf32, #tpu.memory_space<vmem>> -> memref<1x80x64xf32, #tpu.memory_space<vmem>>
      %dma_wait3A_1780 = tpu.memref_squeeze %dma_wait3A_1779 : memref<1x80x64xf32, #tpu.memory_space<vmem>> -> memref<80x64xf32, #tpu.memory_space<vmem>>
      %dma_wait3A_1781 = arith.constant 0 : i32
      %dma_wait3A_1782 = arith.constant 0 : i32
      %dma_wait3A_1783 = tpu.memref_slice %arg4[%add3A_987, %dma_wait3A_1781, %dma_wait3A_1782] : memref<1024x80x64xf32, #tpu.memory_space<hbm>> -> memref<1x80x64xf32, #tpu.memory_space<hbm>>
      %dma_wait3A_1784 = tpu.memref_squeeze %dma_wait3A_1783 : memref<1x80x64xf32, #tpu.memory_space<hbm>> -> memref<80x64xf32, #tpu.memory_space<hbm>>
      %dma_wait3A_1785 = arith.constant 0 : i32
      %dma_wait3A_1786 = arith.constant 0 : i32
      %dma_wait3A_1787 = tpu.memref_slice %arg4[%add3A_987, %dma_wait3A_1785, %dma_wait3A_1786] : memref<1024x80x64xf32, #tpu.memory_space<hbm>> -> memref<1x80x64xf32, #tpu.memory_space<hbm>>
      %dma_wait3A_1788 = tpu.memref_squeeze %dma_wait3A_1787 : memref<1x80x64xf32, #tpu.memory_space<hbm>> -> memref<80x64xf32, #tpu.memory_space<hbm>>
      %dma_wait3A_1789 = arith.constant 0 : i32
      %dma_wait3A_1790 = arith.constant 0 : i32
      %dma_wait3A_1791 = tpu.memref_slice %arg6[%run_scoped3A_988, %dma_wait3A_1789, %dma_wait3A_1790] : memref<2x80x64xf32, #tpu.memory_space<vmem>> -> memref<1x80x64xf32, #tpu.memory_space<vmem>>
      %dma_wait3A_1792 = tpu.memref_squeeze %dma_wait3A_1791 : memref<1x80x64xf32, #tpu.memory_space<vmem>> -> memref<80x64xf32, #tpu.memory_space<vmem>>
      tpu.wait_dma2 semaphore(%run_scoped3A_1760 : memref<!tpu.dma_semaphore, #tpu.memory_space<semaphore_mem>>) src(%dma_wait3A_1792 : memref<80x64xf32, #tpu.memory_space<vmem>>) dst(%dma_wait3A_1788 : memref<80x64xf32, #tpu.memory_space<hbm>>)
      tpu.yield
    }) : () -> ()
    %dma_start3A_989 = arith.constant 4 : i32
    %dma_start3A_990 = arith.constant 0 : i32
    %dma_start3A_991 = arith.constant 0 : i32
    %dma_start3A_992 = arith.constant 0 : i32
    %dma_start3A_993 = tpu.memref_slice %arg6[%dma_start3A_990, %dma_start3A_991, %dma_start3A_992] : memref<2x80x64xf32, #tpu.memory_space<vmem>> -> memref<1x66x64xf32, #tpu.memory_space<vmem>>
    %dma_start3A_994 = tpu.memref_squeeze %dma_start3A_993 : memref<1x66x64xf32, #tpu.memory_space<vmem>> -> memref<66x64xf32, #tpu.memory_space<vmem>>
    %dma_start3A_995 = arith.constant 0 : i32
    %dma_start3A_996 = tpu.memref_slice %arg5[%dma_start3A_989, %dma_start3A_995] : memref<32x66xi32, #tpu.memory_space<vmem>> -> memref<1x66xi32, #tpu.memory_space<vmem>>
    %dma_start3A_997 = tpu.memref_squeeze %dma_start3A_996 : memref<1x66xi32, #tpu.memory_space<vmem>> -> memref<66xi32, #tpu.memory_space<vmem>>
    %dma_start3A_998 = arith.constant 0 : i32
    %dma_start3A_999 = arith.constant 0 : i32
    %dma_start3A_1000 = tpu.memref_slice %arg3[%dma_start3A_998, %dma_start3A_999] : memref<100000x64xf32, #tpu.memory_space<hbm>> -> memref<100000x64xf32, #tpu.memory_space<hbm>>
    tpu.enqueue_indirect_dma source(%dma_start3A_1000 : memref<100000x64xf32, #tpu.memory_space<hbm>>) target(%dma_start3A_994 : memref<66x64xf32, #tpu.memory_space<vmem>>) offsets(%dma_start3A_997 : memref<66xi32, #tpu.memory_space<vmem>>) semaphore(%arg7 : memref<!tpu.dma_semaphore, #tpu.memory_space<semaphore_mem>>)
    %dma_wait3A_1001 = arith.constant 3 : i32
    %dma_wait3A_1002 = arith.constant 1 : i32
    %dma_wait3A_1003 = arith.constant 0 : i32
    %dma_wait3A_1004 = arith.constant 0 : i32
    %dma_wait3A_1005 = tpu.memref_slice %arg6[%dma_wait3A_1002, %dma_wait3A_1003, %dma_wait3A_1004] : memref<2x80x64xf32, #tpu.memory_space<vmem>> -> memref<1x66x64xf32, #tpu.memory_space<vmem>>
    %dma_wait3A_1006 = tpu.memref_squeeze %dma_wait3A_1005 : memref<1x66x64xf32, #tpu.memory_space<vmem>> -> memref<66x64xf32, #tpu.memory_space<vmem>>
    %dma_wait3A_1007 = arith.constant 0 : i32
    %dma_wait3A_1008 = tpu.memref_slice %arg5[%dma_wait3A_1001, %dma_wait3A_1007] : memref<32x66xi32, #tpu.memory_space<vmem>> -> memref<1x66xi32, #tpu.memory_space<vmem>>
    %dma_wait3A_1009 = tpu.memref_squeeze %dma_wait3A_1008 : memref<1x66xi32, #tpu.memory_space<vmem>> -> memref<66xi32, #tpu.memory_space<vmem>>
    %dma_wait3A_1010 = arith.constant 0 : i32
    %dma_wait3A_1011 = arith.constant 0 : i32
    %dma_wait3A_1012 = tpu.memref_slice %arg3[%dma_wait3A_1010, %dma_wait3A_1011] : memref<100000x64xf32, #tpu.memory_space<hbm>> -> memref<100000x64xf32, #tpu.memory_space<hbm>>
    tpu.wait_indirect_dma semaphore(%arg8 : memref<!tpu.dma_semaphore, #tpu.memory_space<semaphore_mem>>) src(%dma_wait3A_1012 : memref<100000x64xf32, #tpu.memory_space<hbm>>) dst(%dma_wait3A_1006 : memref<66x64xf32, #tpu.memory_space<vmem>>)
    %add3A_1013 = arith.constant 3 : i32
    %add3A_1014 = arith.addi %mul3A_2, %add3A_1013 : i32
    %run_scoped3A_1015 = arith.constant 1 : i32
    "tpu.region"() ({
      %run_scoped3A_1760 = tpu.sem_alloc : memref<!tpu.dma_semaphore, #tpu.memory_space<semaphore_mem>>
      %dma_start3A_1761 = arith.constant 0 : i32
      %dma_start3A_1762 = arith.constant 0 : i32
      %dma_start3A_1763 = tpu.memref_slice %arg6[%run_scoped3A_1015, %dma_start3A_1761, %dma_start3A_1762] : memref<2x80x64xf32, #tpu.memory_space<vmem>> -> memref<1x80x64xf32, #tpu.memory_space<vmem>>
      %dma_start3A_1764 = tpu.memref_squeeze %dma_start3A_1763 : memref<1x80x64xf32, #tpu.memory_space<vmem>> -> memref<80x64xf32, #tpu.memory_space<vmem>>
      %dma_start3A_1765 = arith.constant 0 : i32
      %dma_start3A_1766 = arith.constant 0 : i32
      %dma_start3A_1767 = tpu.memref_slice %arg4[%add3A_1014, %dma_start3A_1765, %dma_start3A_1766] : memref<1024x80x64xf32, #tpu.memory_space<hbm>> -> memref<1x80x64xf32, #tpu.memory_space<hbm>>
      %dma_start3A_1768 = tpu.memref_squeeze %dma_start3A_1767 : memref<1x80x64xf32, #tpu.memory_space<hbm>> -> memref<80x64xf32, #tpu.memory_space<hbm>>
      %dma_start3A_1769 = arith.constant 0 : i32
      %dma_start3A_1770 = arith.constant 0 : i32
      %dma_start3A_1771 = tpu.memref_slice %arg4[%add3A_1014, %dma_start3A_1769, %dma_start3A_1770] : memref<1024x80x64xf32, #tpu.memory_space<hbm>> -> memref<1x80x64xf32, #tpu.memory_space<hbm>>
      %dma_start3A_1772 = tpu.memref_squeeze %dma_start3A_1771 : memref<1x80x64xf32, #tpu.memory_space<hbm>> -> memref<80x64xf32, #tpu.memory_space<hbm>>
      %dma_start3A_1773 = arith.constant 0 : i32
      %dma_start3A_1774 = arith.constant 0 : i32
      %dma_start3A_1775 = tpu.memref_slice %arg6[%run_scoped3A_1015, %dma_start3A_1773, %dma_start3A_1774] : memref<2x80x64xf32, #tpu.memory_space<vmem>> -> memref<1x80x64xf32, #tpu.memory_space<vmem>>
      %dma_start3A_1776 = tpu.memref_squeeze %dma_start3A_1775 : memref<1x80x64xf32, #tpu.memory_space<vmem>> -> memref<80x64xf32, #tpu.memory_space<vmem>>
      tpu.enqueue_dma source(%dma_start3A_1776 : memref<80x64xf32, #tpu.memory_space<vmem>>) target(%dma_start3A_1772 : memref<80x64xf32, #tpu.memory_space<hbm>>) target_semaphore(%run_scoped3A_1760 : memref<!tpu.dma_semaphore, #tpu.memory_space<semaphore_mem>>)
      %dma_wait3A_1777 = arith.constant 0 : i32
      %dma_wait3A_1778 = arith.constant 0 : i32
      %dma_wait3A_1779 = tpu.memref_slice %arg6[%run_scoped3A_1015, %dma_wait3A_1777, %dma_wait3A_1778] : memref<2x80x64xf32, #tpu.memory_space<vmem>> -> memref<1x80x64xf32, #tpu.memory_space<vmem>>
      %dma_wait3A_1780 = tpu.memref_squeeze %dma_wait3A_1779 : memref<1x80x64xf32, #tpu.memory_space<vmem>> -> memref<80x64xf32, #tpu.memory_space<vmem>>
      %dma_wait3A_1781 = arith.constant 0 : i32
      %dma_wait3A_1782 = arith.constant 0 : i32
      %dma_wait3A_1783 = tpu.memref_slice %arg4[%add3A_1014, %dma_wait3A_1781, %dma_wait3A_1782] : memref<1024x80x64xf32, #tpu.memory_space<hbm>> -> memref<1x80x64xf32, #tpu.memory_space<hbm>>
      %dma_wait3A_1784 = tpu.memref_squeeze %dma_wait3A_1783 : memref<1x80x64xf32, #tpu.memory_space<hbm>> -> memref<80x64xf32, #tpu.memory_space<hbm>>
      %dma_wait3A_1785 = arith.constant 0 : i32
      %dma_wait3A_1786 = arith.constant 0 : i32
      %dma_wait3A_1787 = tpu.memref_slice %arg4[%add3A_1014, %dma_wait3A_1785, %dma_wait3A_1786] : memref<1024x80x64xf32, #tpu.memory_space<hbm>> -> memref<1x80x64xf32, #tpu.memory_space<hbm>>
      %dma_wait3A_1788 = tpu.memref_squeeze %dma_wait3A_1787 : memref<1x80x64xf32, #tpu.memory_space<hbm>> -> memref<80x64xf32, #tpu.memory_space<hbm>>
      %dma_wait3A_1789 = arith.constant 0 : i32
      %dma_wait3A_1790 = arith.constant 0 : i32
      %dma_wait3A_1791 = tpu.memref_slice %arg6[%run_scoped3A_1015, %dma_wait3A_1789, %dma_wait3A_1790] : memref<2x80x64xf32, #tpu.memory_space<vmem>> -> memref<1x80x64xf32, #tpu.memory_space<vmem>>
      %dma_wait3A_1792 = tpu.memref_squeeze %dma_wait3A_1791 : memref<1x80x64xf32, #tpu.memory_space<vmem>> -> memref<80x64xf32, #tpu.memory_space<vmem>>
      tpu.wait_dma2 semaphore(%run_scoped3A_1760 : memref<!tpu.dma_semaphore, #tpu.memory_space<semaphore_mem>>) src(%dma_wait3A_1792 : memref<80x64xf32, #tpu.memory_space<vmem>>) dst(%dma_wait3A_1788 : memref<80x64xf32, #tpu.memory_space<hbm>>)
      tpu.yield
    }) : () -> ()
    %dma_start3A_1016 = arith.constant 5 : i32
    %dma_start3A_1017 = arith.constant 1 : i32
    %dma_start3A_1018 = arith.constant 0 : i32
    %dma_start3A_1019 = arith.constant 0 : i32
    %dma_start3A_1020 = tpu.memref_slice %arg6[%dma_start3A_1017, %dma_start3A_1018, %dma_start3A_1019] : memref<2x80x64xf32, #tpu.memory_space<vmem>> -> memref<1x66x64xf32, #tpu.memory_space<vmem>>
    %dma_start3A_1021 = tpu.memref_squeeze %dma_start3A_1020 : memref<1x66x64xf32, #tpu.memory_space<vmem>> -> memref<66x64xf32, #tpu.memory_space<vmem>>
    %dma_start3A_1022 = arith.constant 0 : i32
    %dma_start3A_1023 = tpu.memref_slice %arg5[%dma_start3A_1016, %dma_start3A_1022] : memref<32x66xi32, #tpu.memory_space<vmem>> -> memref<1x66xi32, #tpu.memory_space<vmem>>
    %dma_start3A_1024 = tpu.memref_squeeze %dma_start3A_1023 : memref<1x66xi32, #tpu.memory_space<vmem>> -> memref<66xi32, #tpu.memory_space<vmem>>
    %dma_start3A_1025 = arith.constant 0 : i32
    %dma_start3A_1026 = arith.constant 0 : i32
    %dma_start3A_1027 = tpu.memref_slice %arg3[%dma_start3A_1025, %dma_start3A_1026] : memref<100000x64xf32, #tpu.memory_space<hbm>> -> memref<100000x64xf32, #tpu.memory_space<hbm>>
    tpu.enqueue_indirect_dma source(%dma_start3A_1027 : memref<100000x64xf32, #tpu.memory_space<hbm>>) target(%dma_start3A_1021 : memref<66x64xf32, #tpu.memory_space<vmem>>) offsets(%dma_start3A_1024 : memref<66xi32, #tpu.memory_space<vmem>>) semaphore(%arg8 : memref<!tpu.dma_semaphore, #tpu.memory_space<semaphore_mem>>)
    %dma_wait3A_1028 = arith.constant 4 : i32
    %dma_wait3A_1029 = arith.constant 0 : i32
    %dma_wait3A_1030 = arith.constant 0 : i32
    %dma_wait3A_1031 = arith.constant 0 : i32
    %dma_wait3A_1032 = tpu.memref_slice %arg6[%dma_wait3A_1029, %dma_wait3A_1030, %dma_wait3A_1031] : memref<2x80x64xf32, #tpu.memory_space<vmem>> -> memref<1x66x64xf32, #tpu.memory_space<vmem>>
    %dma_wait3A_1033 = tpu.memref_squeeze %dma_wait3A_1032 : memref<1x66x64xf32, #tpu.memory_space<vmem>> -> memref<66x64xf32, #tpu.memory_space<vmem>>
    %dma_wait3A_1034 = arith.constant 0 : i32
    %dma_wait3A_1035 = tpu.memref_slice %arg5[%dma_wait3A_1028, %dma_wait3A_1034] : memref<32x66xi32, #tpu.memory_space<vmem>> -> memref<1x66xi32, #tpu.memory_space<vmem>>
    %dma_wait3A_1036 = tpu.memref_squeeze %dma_wait3A_1035 : memref<1x66xi32, #tpu.memory_space<vmem>> -> memref<66xi32, #tpu.memory_space<vmem>>
    %dma_wait3A_1037 = arith.constant 0 : i32
    %dma_wait3A_1038 = arith.constant 0 : i32
    %dma_wait3A_1039 = tpu.memref_slice %arg3[%dma_wait3A_1037, %dma_wait3A_1038] : memref<100000x64xf32, #tpu.memory_space<hbm>> -> memref<100000x64xf32, #tpu.memory_space<hbm>>
    tpu.wait_indirect_dma semaphore(%arg7 : memref<!tpu.dma_semaphore, #tpu.memory_space<semaphore_mem>>) src(%dma_wait3A_1039 : memref<100000x64xf32, #tpu.memory_space<hbm>>) dst(%dma_wait3A_1033 : memref<66x64xf32, #tpu.memory_space<vmem>>)
    %add3A_1040 = arith.constant 4 : i32
    %add3A_1041 = arith.addi %mul3A_2, %add3A_1040 : i32
    %run_scoped3A_1042 = arith.constant 0 : i32
    "tpu.region"() ({
      %run_scoped3A_1760 = tpu.sem_alloc : memref<!tpu.dma_semaphore, #tpu.memory_space<semaphore_mem>>
      %dma_start3A_1761 = arith.constant 0 : i32
      %dma_start3A_1762 = arith.constant 0 : i32
      %dma_start3A_1763 = tpu.memref_slice %arg6[%run_scoped3A_1042, %dma_start3A_1761, %dma_start3A_1762] : memref<2x80x64xf32, #tpu.memory_space<vmem>> -> memref<1x80x64xf32, #tpu.memory_space<vmem>>
      %dma_start3A_1764 = tpu.memref_squeeze %dma_start3A_1763 : memref<1x80x64xf32, #tpu.memory_space<vmem>> -> memref<80x64xf32, #tpu.memory_space<vmem>>
      %dma_start3A_1765 = arith.constant 0 : i32
      %dma_start3A_1766 = arith.constant 0 : i32
      %dma_start3A_1767 = tpu.memref_slice %arg4[%add3A_1041, %dma_start3A_1765, %dma_start3A_1766] : memref<1024x80x64xf32, #tpu.memory_space<hbm>> -> memref<1x80x64xf32, #tpu.memory_space<hbm>>
      %dma_start3A_1768 = tpu.memref_squeeze %dma_start3A_1767 : memref<1x80x64xf32, #tpu.memory_space<hbm>> -> memref<80x64xf32, #tpu.memory_space<hbm>>
      %dma_start3A_1769 = arith.constant 0 : i32
      %dma_start3A_1770 = arith.constant 0 : i32
      %dma_start3A_1771 = tpu.memref_slice %arg4[%add3A_1041, %dma_start3A_1769, %dma_start3A_1770] : memref<1024x80x64xf32, #tpu.memory_space<hbm>> -> memref<1x80x64xf32, #tpu.memory_space<hbm>>
      %dma_start3A_1772 = tpu.memref_squeeze %dma_start3A_1771 : memref<1x80x64xf32, #tpu.memory_space<hbm>> -> memref<80x64xf32, #tpu.memory_space<hbm>>
      %dma_start3A_1773 = arith.constant 0 : i32
      %dma_start3A_1774 = arith.constant 0 : i32
      %dma_start3A_1775 = tpu.memref_slice %arg6[%run_scoped3A_1042, %dma_start3A_1773, %dma_start3A_1774] : memref<2x80x64xf32, #tpu.memory_space<vmem>> -> memref<1x80x64xf32, #tpu.memory_space<vmem>>
      %dma_start3A_1776 = tpu.memref_squeeze %dma_start3A_1775 : memref<1x80x64xf32, #tpu.memory_space<vmem>> -> memref<80x64xf32, #tpu.memory_space<vmem>>
      tpu.enqueue_dma source(%dma_start3A_1776 : memref<80x64xf32, #tpu.memory_space<vmem>>) target(%dma_start3A_1772 : memref<80x64xf32, #tpu.memory_space<hbm>>) target_semaphore(%run_scoped3A_1760 : memref<!tpu.dma_semaphore, #tpu.memory_space<semaphore_mem>>)
      %dma_wait3A_1777 = arith.constant 0 : i32
      %dma_wait3A_1778 = arith.constant 0 : i32
      %dma_wait3A_1779 = tpu.memref_slice %arg6[%run_scoped3A_1042, %dma_wait3A_1777, %dma_wait3A_1778] : memref<2x80x64xf32, #tpu.memory_space<vmem>> -> memref<1x80x64xf32, #tpu.memory_space<vmem>>
      %dma_wait3A_1780 = tpu.memref_squeeze %dma_wait3A_1779 : memref<1x80x64xf32, #tpu.memory_space<vmem>> -> memref<80x64xf32, #tpu.memory_space<vmem>>
      %dma_wait3A_1781 = arith.constant 0 : i32
      %dma_wait3A_1782 = arith.constant 0 : i32
      %dma_wait3A_1783 = tpu.memref_slice %arg4[%add3A_1041, %dma_wait3A_1781, %dma_wait3A_1782] : memref<1024x80x64xf32, #tpu.memory_space<hbm>> -> memref<1x80x64xf32, #tpu.memory_space<hbm>>
      %dma_wait3A_1784 = tpu.memref_squeeze %dma_wait3A_1783 : memref<1x80x64xf32, #tpu.memory_space<hbm>> -> memref<80x64xf32, #tpu.memory_space<hbm>>
      %dma_wait3A_1785 = arith.constant 0 : i32
      %dma_wait3A_1786 = arith.constant 0 : i32
      %dma_wait3A_1787 = tpu.memref_slice %arg4[%add3A_1041, %dma_wait3A_1785, %dma_wait3A_1786] : memref<1024x80x64xf32, #tpu.memory_space<hbm>> -> memref<1x80x64xf32, #tpu.memory_space<hbm>>
      %dma_wait3A_1788 = tpu.memref_squeeze %dma_wait3A_1787 : memref<1x80x64xf32, #tpu.memory_space<hbm>> -> memref<80x64xf32, #tpu.memory_space<hbm>>
      %dma_wait3A_1789 = arith.constant 0 : i32
      %dma_wait3A_1790 = arith.constant 0 : i32
      %dma_wait3A_1791 = tpu.memref_slice %arg6[%run_scoped3A_1042, %dma_wait3A_1789, %dma_wait3A_1790] : memref<2x80x64xf32, #tpu.memory_space<vmem>> -> memref<1x80x64xf32, #tpu.memory_space<vmem>>
      %dma_wait3A_1792 = tpu.memref_squeeze %dma_wait3A_1791 : memref<1x80x64xf32, #tpu.memory_space<vmem>> -> memref<80x64xf32, #tpu.memory_space<vmem>>
      tpu.wait_dma2 semaphore(%run_scoped3A_1760 : memref<!tpu.dma_semaphore, #tpu.memory_space<semaphore_mem>>) src(%dma_wait3A_1792 : memref<80x64xf32, #tpu.memory_space<vmem>>) dst(%dma_wait3A_1788 : memref<80x64xf32, #tpu.memory_space<hbm>>)
      tpu.yield
    }) : () -> ()
    %dma_start3A_1043 = arith.constant 6 : i32
    %dma_start3A_1044 = arith.constant 0 : i32
    %dma_start3A_1045 = arith.constant 0 : i32
    %dma_start3A_1046 = arith.constant 0 : i32
    %dma_start3A_1047 = tpu.memref_slice %arg6[%dma_start3A_1044, %dma_start3A_1045, %dma_start3A_1046] : memref<2x80x64xf32, #tpu.memory_space<vmem>> -> memref<1x66x64xf32, #tpu.memory_space<vmem>>
    %dma_start3A_1048 = tpu.memref_squeeze %dma_start3A_1047 : memref<1x66x64xf32, #tpu.memory_space<vmem>> -> memref<66x64xf32, #tpu.memory_space<vmem>>
    %dma_start3A_1049 = arith.constant 0 : i32
    %dma_start3A_1050 = tpu.memref_slice %arg5[%dma_start3A_1043, %dma_start3A_1049] : memref<32x66xi32, #tpu.memory_space<vmem>> -> memref<1x66xi32, #tpu.memory_space<vmem>>
    %dma_start3A_1051 = tpu.memref_squeeze %dma_start3A_1050 : memref<1x66xi32, #tpu.memory_space<vmem>> -> memref<66xi32, #tpu.memory_space<vmem>>
    %dma_start3A_1052 = arith.constant 0 : i32
    %dma_start3A_1053 = arith.constant 0 : i32
    %dma_start3A_1054 = tpu.memref_slice %arg3[%dma_start3A_1052, %dma_start3A_1053] : memref<100000x64xf32, #tpu.memory_space<hbm>> -> memref<100000x64xf32, #tpu.memory_space<hbm>>
    tpu.enqueue_indirect_dma source(%dma_start3A_1054 : memref<100000x64xf32, #tpu.memory_space<hbm>>) target(%dma_start3A_1048 : memref<66x64xf32, #tpu.memory_space<vmem>>) offsets(%dma_start3A_1051 : memref<66xi32, #tpu.memory_space<vmem>>) semaphore(%arg7 : memref<!tpu.dma_semaphore, #tpu.memory_space<semaphore_mem>>)
    %dma_wait3A_1055 = arith.constant 5 : i32
    %dma_wait3A_1056 = arith.constant 1 : i32
    %dma_wait3A_1057 = arith.constant 0 : i32
    %dma_wait3A_1058 = arith.constant 0 : i32
    %dma_wait3A_1059 = tpu.memref_slice %arg6[%dma_wait3A_1056, %dma_wait3A_1057, %dma_wait3A_1058] : memref<2x80x64xf32, #tpu.memory_space<vmem>> -> memref<1x66x64xf32, #tpu.memory_space<vmem>>
    %dma_wait3A_1060 = tpu.memref_squeeze %dma_wait3A_1059 : memref<1x66x64xf32, #tpu.memory_space<vmem>> -> memref<66x64xf32, #tpu.memory_space<vmem>>
    %dma_wait3A_1061 = arith.constant 0 : i32
    %dma_wait3A_1062 = tpu.memref_slice %arg5[%dma_wait3A_1055, %dma_wait3A_1061] : memref<32x66xi32, #tpu.memory_space<vmem>> -> memref<1x66xi32, #tpu.memory_space<vmem>>
    %dma_wait3A_1063 = tpu.memref_squeeze %dma_wait3A_1062 : memref<1x66xi32, #tpu.memory_space<vmem>> -> memref<66xi32, #tpu.memory_space<vmem>>
    %dma_wait3A_1064 = arith.constant 0 : i32
    %dma_wait3A_1065 = arith.constant 0 : i32
    %dma_wait3A_1066 = tpu.memref_slice %arg3[%dma_wait3A_1064, %dma_wait3A_1065] : memref<100000x64xf32, #tpu.memory_space<hbm>> -> memref<100000x64xf32, #tpu.memory_space<hbm>>
    tpu.wait_indirect_dma semaphore(%arg8 : memref<!tpu.dma_semaphore, #tpu.memory_space<semaphore_mem>>) src(%dma_wait3A_1066 : memref<100000x64xf32, #tpu.memory_space<hbm>>) dst(%dma_wait3A_1060 : memref<66x64xf32, #tpu.memory_space<vmem>>)
    %add3A_1067 = arith.constant 5 : i32
    %add3A_1068 = arith.addi %mul3A_2, %add3A_1067 : i32
    %run_scoped3A_1069 = arith.constant 1 : i32
    "tpu.region"() ({
      %run_scoped3A_1760 = tpu.sem_alloc : memref<!tpu.dma_semaphore, #tpu.memory_space<semaphore_mem>>
      %dma_start3A_1761 = arith.constant 0 : i32
      %dma_start3A_1762 = arith.constant 0 : i32
      %dma_start3A_1763 = tpu.memref_slice %arg6[%run_scoped3A_1069, %dma_start3A_1761, %dma_start3A_1762] : memref<2x80x64xf32, #tpu.memory_space<vmem>> -> memref<1x80x64xf32, #tpu.memory_space<vmem>>
      %dma_start3A_1764 = tpu.memref_squeeze %dma_start3A_1763 : memref<1x80x64xf32, #tpu.memory_space<vmem>> -> memref<80x64xf32, #tpu.memory_space<vmem>>
      %dma_start3A_1765 = arith.constant 0 : i32
      %dma_start3A_1766 = arith.constant 0 : i32
      %dma_start3A_1767 = tpu.memref_slice %arg4[%add3A_1068, %dma_start3A_1765, %dma_start3A_1766] : memref<1024x80x64xf32, #tpu.memory_space<hbm>> -> memref<1x80x64xf32, #tpu.memory_space<hbm>>
      %dma_start3A_1768 = tpu.memref_squeeze %dma_start3A_1767 : memref<1x80x64xf32, #tpu.memory_space<hbm>> -> memref<80x64xf32, #tpu.memory_space<hbm>>
      %dma_start3A_1769 = arith.constant 0 : i32
      %dma_start3A_1770 = arith.constant 0 : i32
      %dma_start3A_1771 = tpu.memref_slice %arg4[%add3A_1068, %dma_start3A_1769, %dma_start3A_1770] : memref<1024x80x64xf32, #tpu.memory_space<hbm>> -> memref<1x80x64xf32, #tpu.memory_space<hbm>>
      %dma_start3A_1772 = tpu.memref_squeeze %dma_start3A_1771 : memref<1x80x64xf32, #tpu.memory_space<hbm>> -> memref<80x64xf32, #tpu.memory_space<hbm>>
      %dma_start3A_1773 = arith.constant 0 : i32
      %dma_start3A_1774 = arith.constant 0 : i32
      %dma_start3A_1775 = tpu.memref_slice %arg6[%run_scoped3A_1069, %dma_start3A_1773, %dma_start3A_1774] : memref<2x80x64xf32, #tpu.memory_space<vmem>> -> memref<1x80x64xf32, #tpu.memory_space<vmem>>
      %dma_start3A_1776 = tpu.memref_squeeze %dma_start3A_1775 : memref<1x80x64xf32, #tpu.memory_space<vmem>> -> memref<80x64xf32, #tpu.memory_space<vmem>>
      tpu.enqueue_dma source(%dma_start3A_1776 : memref<80x64xf32, #tpu.memory_space<vmem>>) target(%dma_start3A_1772 : memref<80x64xf32, #tpu.memory_space<hbm>>) target_semaphore(%run_scoped3A_1760 : memref<!tpu.dma_semaphore, #tpu.memory_space<semaphore_mem>>)
      %dma_wait3A_1777 = arith.constant 0 : i32
      %dma_wait3A_1778 = arith.constant 0 : i32
      %dma_wait3A_1779 = tpu.memref_slice %arg6[%run_scoped3A_1069, %dma_wait3A_1777, %dma_wait3A_1778] : memref<2x80x64xf32, #tpu.memory_space<vmem>> -> memref<1x80x64xf32, #tpu.memory_space<vmem>>
      %dma_wait3A_1780 = tpu.memref_squeeze %dma_wait3A_1779 : memref<1x80x64xf32, #tpu.memory_space<vmem>> -> memref<80x64xf32, #tpu.memory_space<vmem>>
      %dma_wait3A_1781 = arith.constant 0 : i32
      %dma_wait3A_1782 = arith.constant 0 : i32
      %dma_wait3A_1783 = tpu.memref_slice %arg4[%add3A_1068, %dma_wait3A_1781, %dma_wait3A_1782] : memref<1024x80x64xf32, #tpu.memory_space<hbm>> -> memref<1x80x64xf32, #tpu.memory_space<hbm>>
      %dma_wait3A_1784 = tpu.memref_squeeze %dma_wait3A_1783 : memref<1x80x64xf32, #tpu.memory_space<hbm>> -> memref<80x64xf32, #tpu.memory_space<hbm>>
      %dma_wait3A_1785 = arith.constant 0 : i32
      %dma_wait3A_1786 = arith.constant 0 : i32
      %dma_wait3A_1787 = tpu.memref_slice %arg4[%add3A_1068, %dma_wait3A_1785, %dma_wait3A_1786] : memref<1024x80x64xf32, #tpu.memory_space<hbm>> -> memref<1x80x64xf32, #tpu.memory_space<hbm>>
      %dma_wait3A_1788 = tpu.memref_squeeze %dma_wait3A_1787 : memref<1x80x64xf32, #tpu.memory_space<hbm>> -> memref<80x64xf32, #tpu.memory_space<hbm>>
      %dma_wait3A_1789 = arith.constant 0 : i32
      %dma_wait3A_1790 = arith.constant 0 : i32
      %dma_wait3A_1791 = tpu.memref_slice %arg6[%run_scoped3A_1069, %dma_wait3A_1789, %dma_wait3A_1790] : memref<2x80x64xf32, #tpu.memory_space<vmem>> -> memref<1x80x64xf32, #tpu.memory_space<vmem>>
      %dma_wait3A_1792 = tpu.memref_squeeze %dma_wait3A_1791 : memref<1x80x64xf32, #tpu.memory_space<vmem>> -> memref<80x64xf32, #tpu.memory_space<vmem>>
      tpu.wait_dma2 semaphore(%run_scoped3A_1760 : memref<!tpu.dma_semaphore, #tpu.memory_space<semaphore_mem>>) src(%dma_wait3A_1792 : memref<80x64xf32, #tpu.memory_space<vmem>>) dst(%dma_wait3A_1788 : memref<80x64xf32, #tpu.memory_space<hbm>>)
      tpu.yield
    }) : () -> ()
    %dma_start3A_1070 = arith.constant 7 : i32
    %dma_start3A_1071 = arith.constant 1 : i32
    %dma_start3A_1072 = arith.constant 0 : i32
    %dma_start3A_1073 = arith.constant 0 : i32
    %dma_start3A_1074 = tpu.memref_slice %arg6[%dma_start3A_1071, %dma_start3A_1072, %dma_start3A_1073] : memref<2x80x64xf32, #tpu.memory_space<vmem>> -> memref<1x66x64xf32, #tpu.memory_space<vmem>>
    %dma_start3A_1075 = tpu.memref_squeeze %dma_start3A_1074 : memref<1x66x64xf32, #tpu.memory_space<vmem>> -> memref<66x64xf32, #tpu.memory_space<vmem>>
    %dma_start3A_1076 = arith.constant 0 : i32
    %dma_start3A_1077 = tpu.memref_slice %arg5[%dma_start3A_1070, %dma_start3A_1076] : memref<32x66xi32, #tpu.memory_space<vmem>> -> memref<1x66xi32, #tpu.memory_space<vmem>>
    %dma_start3A_1078 = tpu.memref_squeeze %dma_start3A_1077 : memref<1x66xi32, #tpu.memory_space<vmem>> -> memref<66xi32, #tpu.memory_space<vmem>>
    %dma_start3A_1079 = arith.constant 0 : i32
    %dma_start3A_1080 = arith.constant 0 : i32
    %dma_start3A_1081 = tpu.memref_slice %arg3[%dma_start3A_1079, %dma_start3A_1080] : memref<100000x64xf32, #tpu.memory_space<hbm>> -> memref<100000x64xf32, #tpu.memory_space<hbm>>
    tpu.enqueue_indirect_dma source(%dma_start3A_1081 : memref<100000x64xf32, #tpu.memory_space<hbm>>) target(%dma_start3A_1075 : memref<66x64xf32, #tpu.memory_space<vmem>>) offsets(%dma_start3A_1078 : memref<66xi32, #tpu.memory_space<vmem>>) semaphore(%arg8 : memref<!tpu.dma_semaphore, #tpu.memory_space<semaphore_mem>>)
    %dma_wait3A_1082 = arith.constant 6 : i32
    %dma_wait3A_1083 = arith.constant 0 : i32
    %dma_wait3A_1084 = arith.constant 0 : i32
    %dma_wait3A_1085 = arith.constant 0 : i32
    %dma_wait3A_1086 = tpu.memref_slice %arg6[%dma_wait3A_1083, %dma_wait3A_1084, %dma_wait3A_1085] : memref<2x80x64xf32, #tpu.memory_space<vmem>> -> memref<1x66x64xf32, #tpu.memory_space<vmem>>
    %dma_wait3A_1087 = tpu.memref_squeeze %dma_wait3A_1086 : memref<1x66x64xf32, #tpu.memory_space<vmem>> -> memref<66x64xf32, #tpu.memory_space<vmem>>
    %dma_wait3A_1088 = arith.constant 0 : i32
    %dma_wait3A_1089 = tpu.memref_slice %arg5[%dma_wait3A_1082, %dma_wait3A_1088] : memref<32x66xi32, #tpu.memory_space<vmem>> -> memref<1x66xi32, #tpu.memory_space<vmem>>
    %dma_wait3A_1090 = tpu.memref_squeeze %dma_wait3A_1089 : memref<1x66xi32, #tpu.memory_space<vmem>> -> memref<66xi32, #tpu.memory_space<vmem>>
    %dma_wait3A_1091 = arith.constant 0 : i32
    %dma_wait3A_1092 = arith.constant 0 : i32
    %dma_wait3A_1093 = tpu.memref_slice %arg3[%dma_wait3A_1091, %dma_wait3A_1092] : memref<100000x64xf32, #tpu.memory_space<hbm>> -> memref<100000x64xf32, #tpu.memory_space<hbm>>
    tpu.wait_indirect_dma semaphore(%arg7 : memref<!tpu.dma_semaphore, #tpu.memory_space<semaphore_mem>>) src(%dma_wait3A_1093 : memref<100000x64xf32, #tpu.memory_space<hbm>>) dst(%dma_wait3A_1087 : memref<66x64xf32, #tpu.memory_space<vmem>>)
    %add3A_1094 = arith.constant 6 : i32
    %add3A_1095 = arith.addi %mul3A_2, %add3A_1094 : i32
    %run_scoped3A_1096 = arith.constant 0 : i32
    "tpu.region"() ({
      %run_scoped3A_1760 = tpu.sem_alloc : memref<!tpu.dma_semaphore, #tpu.memory_space<semaphore_mem>>
      %dma_start3A_1761 = arith.constant 0 : i32
      %dma_start3A_1762 = arith.constant 0 : i32
      %dma_start3A_1763 = tpu.memref_slice %arg6[%run_scoped3A_1096, %dma_start3A_1761, %dma_start3A_1762] : memref<2x80x64xf32, #tpu.memory_space<vmem>> -> memref<1x80x64xf32, #tpu.memory_space<vmem>>
      %dma_start3A_1764 = tpu.memref_squeeze %dma_start3A_1763 : memref<1x80x64xf32, #tpu.memory_space<vmem>> -> memref<80x64xf32, #tpu.memory_space<vmem>>
      %dma_start3A_1765 = arith.constant 0 : i32
      %dma_start3A_1766 = arith.constant 0 : i32
      %dma_start3A_1767 = tpu.memref_slice %arg4[%add3A_1095, %dma_start3A_1765, %dma_start3A_1766] : memref<1024x80x64xf32, #tpu.memory_space<hbm>> -> memref<1x80x64xf32, #tpu.memory_space<hbm>>
      %dma_start3A_1768 = tpu.memref_squeeze %dma_start3A_1767 : memref<1x80x64xf32, #tpu.memory_space<hbm>> -> memref<80x64xf32, #tpu.memory_space<hbm>>
      %dma_start3A_1769 = arith.constant 0 : i32
      %dma_start3A_1770 = arith.constant 0 : i32
      %dma_start3A_1771 = tpu.memref_slice %arg4[%add3A_1095, %dma_start3A_1769, %dma_start3A_1770] : memref<1024x80x64xf32, #tpu.memory_space<hbm>> -> memref<1x80x64xf32, #tpu.memory_space<hbm>>
      %dma_start3A_1772 = tpu.memref_squeeze %dma_start3A_1771 : memref<1x80x64xf32, #tpu.memory_space<hbm>> -> memref<80x64xf32, #tpu.memory_space<hbm>>
      %dma_start3A_1773 = arith.constant 0 : i32
      %dma_start3A_1774 = arith.constant 0 : i32
      %dma_start3A_1775 = tpu.memref_slice %arg6[%run_scoped3A_1096, %dma_start3A_1773, %dma_start3A_1774] : memref<2x80x64xf32, #tpu.memory_space<vmem>> -> memref<1x80x64xf32, #tpu.memory_space<vmem>>
      %dma_start3A_1776 = tpu.memref_squeeze %dma_start3A_1775 : memref<1x80x64xf32, #tpu.memory_space<vmem>> -> memref<80x64xf32, #tpu.memory_space<vmem>>
      tpu.enqueue_dma source(%dma_start3A_1776 : memref<80x64xf32, #tpu.memory_space<vmem>>) target(%dma_start3A_1772 : memref<80x64xf32, #tpu.memory_space<hbm>>) target_semaphore(%run_scoped3A_1760 : memref<!tpu.dma_semaphore, #tpu.memory_space<semaphore_mem>>)
      %dma_wait3A_1777 = arith.constant 0 : i32
      %dma_wait3A_1778 = arith.constant 0 : i32
      %dma_wait3A_1779 = tpu.memref_slice %arg6[%run_scoped3A_1096, %dma_wait3A_1777, %dma_wait3A_1778] : memref<2x80x64xf32, #tpu.memory_space<vmem>> -> memref<1x80x64xf32, #tpu.memory_space<vmem>>
      %dma_wait3A_1780 = tpu.memref_squeeze %dma_wait3A_1779 : memref<1x80x64xf32, #tpu.memory_space<vmem>> -> memref<80x64xf32, #tpu.memory_space<vmem>>
      %dma_wait3A_1781 = arith.constant 0 : i32
      %dma_wait3A_1782 = arith.constant 0 : i32
      %dma_wait3A_1783 = tpu.memref_slice %arg4[%add3A_1095, %dma_wait3A_1781, %dma_wait3A_1782] : memref<1024x80x64xf32, #tpu.memory_space<hbm>> -> memref<1x80x64xf32, #tpu.memory_space<hbm>>
      %dma_wait3A_1784 = tpu.memref_squeeze %dma_wait3A_1783 : memref<1x80x64xf32, #tpu.memory_space<hbm>> -> memref<80x64xf32, #tpu.memory_space<hbm>>
      %dma_wait3A_1785 = arith.constant 0 : i32
      %dma_wait3A_1786 = arith.constant 0 : i32
      %dma_wait3A_1787 = tpu.memref_slice %arg4[%add3A_1095, %dma_wait3A_1785, %dma_wait3A_1786] : memref<1024x80x64xf32, #tpu.memory_space<hbm>> -> memref<1x80x64xf32, #tpu.memory_space<hbm>>
      %dma_wait3A_1788 = tpu.memref_squeeze %dma_wait3A_1787 : memref<1x80x64xf32, #tpu.memory_space<hbm>> -> memref<80x64xf32, #tpu.memory_space<hbm>>
      %dma_wait3A_1789 = arith.constant 0 : i32
      %dma_wait3A_1790 = arith.constant 0 : i32
      %dma_wait3A_1791 = tpu.memref_slice %arg6[%run_scoped3A_1096, %dma_wait3A_1789, %dma_wait3A_1790] : memref<2x80x64xf32, #tpu.memory_space<vmem>> -> memref<1x80x64xf32, #tpu.memory_space<vmem>>
      %dma_wait3A_1792 = tpu.memref_squeeze %dma_wait3A_1791 : memref<1x80x64xf32, #tpu.memory_space<vmem>> -> memref<80x64xf32, #tpu.memory_space<vmem>>
      tpu.wait_dma2 semaphore(%run_scoped3A_1760 : memref<!tpu.dma_semaphore, #tpu.memory_space<semaphore_mem>>) src(%dma_wait3A_1792 : memref<80x64xf32, #tpu.memory_space<vmem>>) dst(%dma_wait3A_1788 : memref<80x64xf32, #tpu.memory_space<hbm>>)
      tpu.yield
    }) : () -> ()
    %dma_start3A_1097 = arith.constant 8 : i32
    %dma_start3A_1098 = arith.constant 0 : i32
    %dma_start3A_1099 = arith.constant 0 : i32
    %dma_start3A_1100 = arith.constant 0 : i32
    %dma_start3A_1101 = tpu.memref_slice %arg6[%dma_start3A_1098, %dma_start3A_1099, %dma_start3A_1100] : memref<2x80x64xf32, #tpu.memory_space<vmem>> -> memref<1x66x64xf32, #tpu.memory_space<vmem>>
    %dma_start3A_1102 = tpu.memref_squeeze %dma_start3A_1101 : memref<1x66x64xf32, #tpu.memory_space<vmem>> -> memref<66x64xf32, #tpu.memory_space<vmem>>
    %dma_start3A_1103 = arith.constant 0 : i32
    %dma_start3A_1104 = tpu.memref_slice %arg5[%dma_start3A_1097, %dma_start3A_1103] : memref<32x66xi32, #tpu.memory_space<vmem>> -> memref<1x66xi32, #tpu.memory_space<vmem>>
    %dma_start3A_1105 = tpu.memref_squeeze %dma_start3A_1104 : memref<1x66xi32, #tpu.memory_space<vmem>> -> memref<66xi32, #tpu.memory_space<vmem>>
    %dma_start3A_1106 = arith.constant 0 : i32
    %dma_start3A_1107 = arith.constant 0 : i32
    %dma_start3A_1108 = tpu.memref_slice %arg3[%dma_start3A_1106, %dma_start3A_1107] : memref<100000x64xf32, #tpu.memory_space<hbm>> -> memref<100000x64xf32, #tpu.memory_space<hbm>>
    tpu.enqueue_indirect_dma source(%dma_start3A_1108 : memref<100000x64xf32, #tpu.memory_space<hbm>>) target(%dma_start3A_1102 : memref<66x64xf32, #tpu.memory_space<vmem>>) offsets(%dma_start3A_1105 : memref<66xi32, #tpu.memory_space<vmem>>) semaphore(%arg7 : memref<!tpu.dma_semaphore, #tpu.memory_space<semaphore_mem>>)
    %dma_wait3A_1109 = arith.constant 7 : i32
    %dma_wait3A_1110 = arith.constant 1 : i32
    %dma_wait3A_1111 = arith.constant 0 : i32
    %dma_wait3A_1112 = arith.constant 0 : i32
    %dma_wait3A_1113 = tpu.memref_slice %arg6[%dma_wait3A_1110, %dma_wait3A_1111, %dma_wait3A_1112] : memref<2x80x64xf32, #tpu.memory_space<vmem>> -> memref<1x66x64xf32, #tpu.memory_space<vmem>>
    %dma_wait3A_1114 = tpu.memref_squeeze %dma_wait3A_1113 : memref<1x66x64xf32, #tpu.memory_space<vmem>> -> memref<66x64xf32, #tpu.memory_space<vmem>>
    %dma_wait3A_1115 = arith.constant 0 : i32
    %dma_wait3A_1116 = tpu.memref_slice %arg5[%dma_wait3A_1109, %dma_wait3A_1115] : memref<32x66xi32, #tpu.memory_space<vmem>> -> memref<1x66xi32, #tpu.memory_space<vmem>>
    %dma_wait3A_1117 = tpu.memref_squeeze %dma_wait3A_1116 : memref<1x66xi32, #tpu.memory_space<vmem>> -> memref<66xi32, #tpu.memory_space<vmem>>
    %dma_wait3A_1118 = arith.constant 0 : i32
    %dma_wait3A_1119 = arith.constant 0 : i32
    %dma_wait3A_1120 = tpu.memref_slice %arg3[%dma_wait3A_1118, %dma_wait3A_1119] : memref<100000x64xf32, #tpu.memory_space<hbm>> -> memref<100000x64xf32, #tpu.memory_space<hbm>>
    tpu.wait_indirect_dma semaphore(%arg8 : memref<!tpu.dma_semaphore, #tpu.memory_space<semaphore_mem>>) src(%dma_wait3A_1120 : memref<100000x64xf32, #tpu.memory_space<hbm>>) dst(%dma_wait3A_1114 : memref<66x64xf32, #tpu.memory_space<vmem>>)
    %add3A_1121 = arith.constant 7 : i32
    %add3A_1122 = arith.addi %mul3A_2, %add3A_1121 : i32
    %run_scoped3A_1123 = arith.constant 1 : i32
    "tpu.region"() ({
      %run_scoped3A_1760 = tpu.sem_alloc : memref<!tpu.dma_semaphore, #tpu.memory_space<semaphore_mem>>
      %dma_start3A_1761 = arith.constant 0 : i32
      %dma_start3A_1762 = arith.constant 0 : i32
      %dma_start3A_1763 = tpu.memref_slice %arg6[%run_scoped3A_1123, %dma_start3A_1761, %dma_start3A_1762] : memref<2x80x64xf32, #tpu.memory_space<vmem>> -> memref<1x80x64xf32, #tpu.memory_space<vmem>>
      %dma_start3A_1764 = tpu.memref_squeeze %dma_start3A_1763 : memref<1x80x64xf32, #tpu.memory_space<vmem>> -> memref<80x64xf32, #tpu.memory_space<vmem>>
      %dma_start3A_1765 = arith.constant 0 : i32
      %dma_start3A_1766 = arith.constant 0 : i32
      %dma_start3A_1767 = tpu.memref_slice %arg4[%add3A_1122, %dma_start3A_1765, %dma_start3A_1766] : memref<1024x80x64xf32, #tpu.memory_space<hbm>> -> memref<1x80x64xf32, #tpu.memory_space<hbm>>
      %dma_start3A_1768 = tpu.memref_squeeze %dma_start3A_1767 : memref<1x80x64xf32, #tpu.memory_space<hbm>> -> memref<80x64xf32, #tpu.memory_space<hbm>>
      %dma_start3A_1769 = arith.constant 0 : i32
      %dma_start3A_1770 = arith.constant 0 : i32
      %dma_start3A_1771 = tpu.memref_slice %arg4[%add3A_1122, %dma_start3A_1769, %dma_start3A_1770] : memref<1024x80x64xf32, #tpu.memory_space<hbm>> -> memref<1x80x64xf32, #tpu.memory_space<hbm>>
      %dma_start3A_1772 = tpu.memref_squeeze %dma_start3A_1771 : memref<1x80x64xf32, #tpu.memory_space<hbm>> -> memref<80x64xf32, #tpu.memory_space<hbm>>
      %dma_start3A_1773 = arith.constant 0 : i32
      %dma_start3A_1774 = arith.constant 0 : i32
      %dma_start3A_1775 = tpu.memref_slice %arg6[%run_scoped3A_1123, %dma_start3A_1773, %dma_start3A_1774] : memref<2x80x64xf32, #tpu.memory_space<vmem>> -> memref<1x80x64xf32, #tpu.memory_space<vmem>>
      %dma_start3A_1776 = tpu.memref_squeeze %dma_start3A_1775 : memref<1x80x64xf32, #tpu.memory_space<vmem>> -> memref<80x64xf32, #tpu.memory_space<vmem>>
      tpu.enqueue_dma source(%dma_start3A_1776 : memref<80x64xf32, #tpu.memory_space<vmem>>) target(%dma_start3A_1772 : memref<80x64xf32, #tpu.memory_space<hbm>>) target_semaphore(%run_scoped3A_1760 : memref<!tpu.dma_semaphore, #tpu.memory_space<semaphore_mem>>)
      %dma_wait3A_1777 = arith.constant 0 : i32
      %dma_wait3A_1778 = arith.constant 0 : i32
      %dma_wait3A_1779 = tpu.memref_slice %arg6[%run_scoped3A_1123, %dma_wait3A_1777, %dma_wait3A_1778] : memref<2x80x64xf32, #tpu.memory_space<vmem>> -> memref<1x80x64xf32, #tpu.memory_space<vmem>>
      %dma_wait3A_1780 = tpu.memref_squeeze %dma_wait3A_1779 : memref<1x80x64xf32, #tpu.memory_space<vmem>> -> memref<80x64xf32, #tpu.memory_space<vmem>>
      %dma_wait3A_1781 = arith.constant 0 : i32
      %dma_wait3A_1782 = arith.constant 0 : i32
      %dma_wait3A_1783 = tpu.memref_slice %arg4[%add3A_1122, %dma_wait3A_1781, %dma_wait3A_1782] : memref<1024x80x64xf32, #tpu.memory_space<hbm>> -> memref<1x80x64xf32, #tpu.memory_space<hbm>>
      %dma_wait3A_1784 = tpu.memref_squeeze %dma_wait3A_1783 : memref<1x80x64xf32, #tpu.memory_space<hbm>> -> memref<80x64xf32, #tpu.memory_space<hbm>>
      %dma_wait3A_1785 = arith.constant 0 : i32
      %dma_wait3A_1786 = arith.constant 0 : i32
      %dma_wait3A_1787 = tpu.memref_slice %arg4[%add3A_1122, %dma_wait3A_1785, %dma_wait3A_1786] : memref<1024x80x64xf32, #tpu.memory_space<hbm>> -> memref<1x80x64xf32, #tpu.memory_space<hbm>>
      %dma_wait3A_1788 = tpu.memref_squeeze %dma_wait3A_1787 : memref<1x80x64xf32, #tpu.memory_space<hbm>> -> memref<80x64xf32, #tpu.memory_space<hbm>>
      %dma_wait3A_1789 = arith.constant 0 : i32
      %dma_wait3A_1790 = arith.constant 0 : i32
      %dma_wait3A_1791 = tpu.memref_slice %arg6[%run_scoped3A_1123, %dma_wait3A_1789, %dma_wait3A_1790] : memref<2x80x64xf32, #tpu.memory_space<vmem>> -> memref<1x80x64xf32, #tpu.memory_space<vmem>>
      %dma_wait3A_1792 = tpu.memref_squeeze %dma_wait3A_1791 : memref<1x80x64xf32, #tpu.memory_space<vmem>> -> memref<80x64xf32, #tpu.memory_space<vmem>>
      tpu.wait_dma2 semaphore(%run_scoped3A_1760 : memref<!tpu.dma_semaphore, #tpu.memory_space<semaphore_mem>>) src(%dma_wait3A_1792 : memref<80x64xf32, #tpu.memory_space<vmem>>) dst(%dma_wait3A_1788 : memref<80x64xf32, #tpu.memory_space<hbm>>)
      tpu.yield
    }) : () -> ()
    %dma_start3A_1124 = arith.constant 9 : i32
    %dma_start3A_1125 = arith.constant 1 : i32
    %dma_start3A_1126 = arith.constant 0 : i32
    %dma_start3A_1127 = arith.constant 0 : i32
    %dma_start3A_1128 = tpu.memref_slice %arg6[%dma_start3A_1125, %dma_start3A_1126, %dma_start3A_1127] : memref<2x80x64xf32, #tpu.memory_space<vmem>> -> memref<1x66x64xf32, #tpu.memory_space<vmem>>
    %dma_start3A_1129 = tpu.memref_squeeze %dma_start3A_1128 : memref<1x66x64xf32, #tpu.memory_space<vmem>> -> memref<66x64xf32, #tpu.memory_space<vmem>>
    %dma_start3A_1130 = arith.constant 0 : i32
    %dma_start3A_1131 = tpu.memref_slice %arg5[%dma_start3A_1124, %dma_start3A_1130] : memref<32x66xi32, #tpu.memory_space<vmem>> -> memref<1x66xi32, #tpu.memory_space<vmem>>
    %dma_start3A_1132 = tpu.memref_squeeze %dma_start3A_1131 : memref<1x66xi32, #tpu.memory_space<vmem>> -> memref<66xi32, #tpu.memory_space<vmem>>
    %dma_start3A_1133 = arith.constant 0 : i32
    %dma_start3A_1134 = arith.constant 0 : i32
    %dma_start3A_1135 = tpu.memref_slice %arg3[%dma_start3A_1133, %dma_start3A_1134] : memref<100000x64xf32, #tpu.memory_space<hbm>> -> memref<100000x64xf32, #tpu.memory_space<hbm>>
    tpu.enqueue_indirect_dma source(%dma_start3A_1135 : memref<100000x64xf32, #tpu.memory_space<hbm>>) target(%dma_start3A_1129 : memref<66x64xf32, #tpu.memory_space<vmem>>) offsets(%dma_start3A_1132 : memref<66xi32, #tpu.memory_space<vmem>>) semaphore(%arg8 : memref<!tpu.dma_semaphore, #tpu.memory_space<semaphore_mem>>)
    %dma_wait3A_1136 = arith.constant 8 : i32
    %dma_wait3A_1137 = arith.constant 0 : i32
    %dma_wait3A_1138 = arith.constant 0 : i32
    %dma_wait3A_1139 = arith.constant 0 : i32
    %dma_wait3A_1140 = tpu.memref_slice %arg6[%dma_wait3A_1137, %dma_wait3A_1138, %dma_wait3A_1139] : memref<2x80x64xf32, #tpu.memory_space<vmem>> -> memref<1x66x64xf32, #tpu.memory_space<vmem>>
    %dma_wait3A_1141 = tpu.memref_squeeze %dma_wait3A_1140 : memref<1x66x64xf32, #tpu.memory_space<vmem>> -> memref<66x64xf32, #tpu.memory_space<vmem>>
    %dma_wait3A_1142 = arith.constant 0 : i32
    %dma_wait3A_1143 = tpu.memref_slice %arg5[%dma_wait3A_1136, %dma_wait3A_1142] : memref<32x66xi32, #tpu.memory_space<vmem>> -> memref<1x66xi32, #tpu.memory_space<vmem>>
    %dma_wait3A_1144 = tpu.memref_squeeze %dma_wait3A_1143 : memref<1x66xi32, #tpu.memory_space<vmem>> -> memref<66xi32, #tpu.memory_space<vmem>>
    %dma_wait3A_1145 = arith.constant 0 : i32
    %dma_wait3A_1146 = arith.constant 0 : i32
    %dma_wait3A_1147 = tpu.memref_slice %arg3[%dma_wait3A_1145, %dma_wait3A_1146] : memref<100000x64xf32, #tpu.memory_space<hbm>> -> memref<100000x64xf32, #tpu.memory_space<hbm>>
    tpu.wait_indirect_dma semaphore(%arg7 : memref<!tpu.dma_semaphore, #tpu.memory_space<semaphore_mem>>) src(%dma_wait3A_1147 : memref<100000x64xf32, #tpu.memory_space<hbm>>) dst(%dma_wait3A_1141 : memref<66x64xf32, #tpu.memory_space<vmem>>)
    %add3A_1148 = arith.constant 8 : i32
    %add3A_1149 = arith.addi %mul3A_2, %add3A_1148 : i32
    %run_scoped3A_1150 = arith.constant 0 : i32
    "tpu.region"() ({
      %run_scoped3A_1760 = tpu.sem_alloc : memref<!tpu.dma_semaphore, #tpu.memory_space<semaphore_mem>>
      %dma_start3A_1761 = arith.constant 0 : i32
      %dma_start3A_1762 = arith.constant 0 : i32
      %dma_start3A_1763 = tpu.memref_slice %arg6[%run_scoped3A_1150, %dma_start3A_1761, %dma_start3A_1762] : memref<2x80x64xf32, #tpu.memory_space<vmem>> -> memref<1x80x64xf32, #tpu.memory_space<vmem>>
      %dma_start3A_1764 = tpu.memref_squeeze %dma_start3A_1763 : memref<1x80x64xf32, #tpu.memory_space<vmem>> -> memref<80x64xf32, #tpu.memory_space<vmem>>
      %dma_start3A_1765 = arith.constant 0 : i32
      %dma_start3A_1766 = arith.constant 0 : i32
      %dma_start3A_1767 = tpu.memref_slice %arg4[%add3A_1149, %dma_start3A_1765, %dma_start3A_1766] : memref<1024x80x64xf32, #tpu.memory_space<hbm>> -> memref<1x80x64xf32, #tpu.memory_space<hbm>>
      %dma_start3A_1768 = tpu.memref_squeeze %dma_start3A_1767 : memref<1x80x64xf32, #tpu.memory_space<hbm>> -> memref<80x64xf32, #tpu.memory_space<hbm>>
      %dma_start3A_1769 = arith.constant 0 : i32
      %dma_start3A_1770 = arith.constant 0 : i32
      %dma_start3A_1771 = tpu.memref_slice %arg4[%add3A_1149, %dma_start3A_1769, %dma_start3A_1770] : memref<1024x80x64xf32, #tpu.memory_space<hbm>> -> memref<1x80x64xf32, #tpu.memory_space<hbm>>
      %dma_start3A_1772 = tpu.memref_squeeze %dma_start3A_1771 : memref<1x80x64xf32, #tpu.memory_space<hbm>> -> memref<80x64xf32, #tpu.memory_space<hbm>>
      %dma_start3A_1773 = arith.constant 0 : i32
      %dma_start3A_1774 = arith.constant 0 : i32
      %dma_start3A_1775 = tpu.memref_slice %arg6[%run_scoped3A_1150, %dma_start3A_1773, %dma_start3A_1774] : memref<2x80x64xf32, #tpu.memory_space<vmem>> -> memref<1x80x64xf32, #tpu.memory_space<vmem>>
      %dma_start3A_1776 = tpu.memref_squeeze %dma_start3A_1775 : memref<1x80x64xf32, #tpu.memory_space<vmem>> -> memref<80x64xf32, #tpu.memory_space<vmem>>
      tpu.enqueue_dma source(%dma_start3A_1776 : memref<80x64xf32, #tpu.memory_space<vmem>>) target(%dma_start3A_1772 : memref<80x64xf32, #tpu.memory_space<hbm>>) target_semaphore(%run_scoped3A_1760 : memref<!tpu.dma_semaphore, #tpu.memory_space<semaphore_mem>>)
      %dma_wait3A_1777 = arith.constant 0 : i32
      %dma_wait3A_1778 = arith.constant 0 : i32
      %dma_wait3A_1779 = tpu.memref_slice %arg6[%run_scoped3A_1150, %dma_wait3A_1777, %dma_wait3A_1778] : memref<2x80x64xf32, #tpu.memory_space<vmem>> -> memref<1x80x64xf32, #tpu.memory_space<vmem>>
      %dma_wait3A_1780 = tpu.memref_squeeze %dma_wait3A_1779 : memref<1x80x64xf32, #tpu.memory_space<vmem>> -> memref<80x64xf32, #tpu.memory_space<vmem>>
      %dma_wait3A_1781 = arith.constant 0 : i32
      %dma_wait3A_1782 = arith.constant 0 : i32
      %dma_wait3A_1783 = tpu.memref_slice %arg4[%add3A_1149, %dma_wait3A_1781, %dma_wait3A_1782] : memref<1024x80x64xf32, #tpu.memory_space<hbm>> -> memref<1x80x64xf32, #tpu.memory_space<hbm>>
      %dma_wait3A_1784 = tpu.memref_squeeze %dma_wait3A_1783 : memref<1x80x64xf32, #tpu.memory_space<hbm>> -> memref<80x64xf32, #tpu.memory_space<hbm>>
      %dma_wait3A_1785 = arith.constant 0 : i32
      %dma_wait3A_1786 = arith.constant 0 : i32
      %dma_wait3A_1787 = tpu.memref_slice %arg4[%add3A_1149, %dma_wait3A_1785, %dma_wait3A_1786] : memref<1024x80x64xf32, #tpu.memory_space<hbm>> -> memref<1x80x64xf32, #tpu.memory_space<hbm>>
      %dma_wait3A_1788 = tpu.memref_squeeze %dma_wait3A_1787 : memref<1x80x64xf32, #tpu.memory_space<hbm>> -> memref<80x64xf32, #tpu.memory_space<hbm>>
      %dma_wait3A_1789 = arith.constant 0 : i32
      %dma_wait3A_1790 = arith.constant 0 : i32
      %dma_wait3A_1791 = tpu.memref_slice %arg6[%run_scoped3A_1150, %dma_wait3A_1789, %dma_wait3A_1790] : memref<2x80x64xf32, #tpu.memory_space<vmem>> -> memref<1x80x64xf32, #tpu.memory_space<vmem>>
      %dma_wait3A_1792 = tpu.memref_squeeze %dma_wait3A_1791 : memref<1x80x64xf32, #tpu.memory_space<vmem>> -> memref<80x64xf32, #tpu.memory_space<vmem>>
      tpu.wait_dma2 semaphore(%run_scoped3A_1760 : memref<!tpu.dma_semaphore, #tpu.memory_space<semaphore_mem>>) src(%dma_wait3A_1792 : memref<80x64xf32, #tpu.memory_space<vmem>>) dst(%dma_wait3A_1788 : memref<80x64xf32, #tpu.memory_space<hbm>>)
      tpu.yield
    }) : () -> ()
    %dma_start3A_1151 = arith.constant 10 : i32
    %dma_start3A_1152 = arith.constant 0 : i32
    %dma_start3A_1153 = arith.constant 0 : i32
    %dma_start3A_1154 = arith.constant 0 : i32
    %dma_start3A_1155 = tpu.memref_slice %arg6[%dma_start3A_1152, %dma_start3A_1153, %dma_start3A_1154] : memref<2x80x64xf32, #tpu.memory_space<vmem>> -> memref<1x66x64xf32, #tpu.memory_space<vmem>>
    %dma_start3A_1156 = tpu.memref_squeeze %dma_start3A_1155 : memref<1x66x64xf32, #tpu.memory_space<vmem>> -> memref<66x64xf32, #tpu.memory_space<vmem>>
    %dma_start3A_1157 = arith.constant 0 : i32
    %dma_start3A_1158 = tpu.memref_slice %arg5[%dma_start3A_1151, %dma_start3A_1157] : memref<32x66xi32, #tpu.memory_space<vmem>> -> memref<1x66xi32, #tpu.memory_space<vmem>>
    %dma_start3A_1159 = tpu.memref_squeeze %dma_start3A_1158 : memref<1x66xi32, #tpu.memory_space<vmem>> -> memref<66xi32, #tpu.memory_space<vmem>>
    %dma_start3A_1160 = arith.constant 0 : i32
    %dma_start3A_1161 = arith.constant 0 : i32
    %dma_start3A_1162 = tpu.memref_slice %arg3[%dma_start3A_1160, %dma_start3A_1161] : memref<100000x64xf32, #tpu.memory_space<hbm>> -> memref<100000x64xf32, #tpu.memory_space<hbm>>
    tpu.enqueue_indirect_dma source(%dma_start3A_1162 : memref<100000x64xf32, #tpu.memory_space<hbm>>) target(%dma_start3A_1156 : memref<66x64xf32, #tpu.memory_space<vmem>>) offsets(%dma_start3A_1159 : memref<66xi32, #tpu.memory_space<vmem>>) semaphore(%arg7 : memref<!tpu.dma_semaphore, #tpu.memory_space<semaphore_mem>>)
    %dma_wait3A_1163 = arith.constant 9 : i32
    %dma_wait3A_1164 = arith.constant 1 : i32
    %dma_wait3A_1165 = arith.constant 0 : i32
    %dma_wait3A_1166 = arith.constant 0 : i32
    %dma_wait3A_1167 = tpu.memref_slice %arg6[%dma_wait3A_1164, %dma_wait3A_1165, %dma_wait3A_1166] : memref<2x80x64xf32, #tpu.memory_space<vmem>> -> memref<1x66x64xf32, #tpu.memory_space<vmem>>
    %dma_wait3A_1168 = tpu.memref_squeeze %dma_wait3A_1167 : memref<1x66x64xf32, #tpu.memory_space<vmem>> -> memref<66x64xf32, #tpu.memory_space<vmem>>
    %dma_wait3A_1169 = arith.constant 0 : i32
    %dma_wait3A_1170 = tpu.memref_slice %arg5[%dma_wait3A_1163, %dma_wait3A_1169] : memref<32x66xi32, #tpu.memory_space<vmem>> -> memref<1x66xi32, #tpu.memory_space<vmem>>
    %dma_wait3A_1171 = tpu.memref_squeeze %dma_wait3A_1170 : memref<1x66xi32, #tpu.memory_space<vmem>> -> memref<66xi32, #tpu.memory_space<vmem>>
    %dma_wait3A_1172 = arith.constant 0 : i32
    %dma_wait3A_1173 = arith.constant 0 : i32
    %dma_wait3A_1174 = tpu.memref_slice %arg3[%dma_wait3A_1172, %dma_wait3A_1173] : memref<100000x64xf32, #tpu.memory_space<hbm>> -> memref<100000x64xf32, #tpu.memory_space<hbm>>
    tpu.wait_indirect_dma semaphore(%arg8 : memref<!tpu.dma_semaphore, #tpu.memory_space<semaphore_mem>>) src(%dma_wait3A_1174 : memref<100000x64xf32, #tpu.memory_space<hbm>>) dst(%dma_wait3A_1168 : memref<66x64xf32, #tpu.memory_space<vmem>>)
    %add3A_1175 = arith.constant 9 : i32
    %add3A_1176 = arith.addi %mul3A_2, %add3A_1175 : i32
    %run_scoped3A_1177 = arith.constant 1 : i32
    "tpu.region"() ({
      %run_scoped3A_1760 = tpu.sem_alloc : memref<!tpu.dma_semaphore, #tpu.memory_space<semaphore_mem>>
      %dma_start3A_1761 = arith.constant 0 : i32
      %dma_start3A_1762 = arith.constant 0 : i32
      %dma_start3A_1763 = tpu.memref_slice %arg6[%run_scoped3A_1177, %dma_start3A_1761, %dma_start3A_1762] : memref<2x80x64xf32, #tpu.memory_space<vmem>> -> memref<1x80x64xf32, #tpu.memory_space<vmem>>
      %dma_start3A_1764 = tpu.memref_squeeze %dma_start3A_1763 : memref<1x80x64xf32, #tpu.memory_space<vmem>> -> memref<80x64xf32, #tpu.memory_space<vmem>>
      %dma_start3A_1765 = arith.constant 0 : i32
      %dma_start3A_1766 = arith.constant 0 : i32
      %dma_start3A_1767 = tpu.memref_slice %arg4[%add3A_1176, %dma_start3A_1765, %dma_start3A_1766] : memref<1024x80x64xf32, #tpu.memory_space<hbm>> -> memref<1x80x64xf32, #tpu.memory_space<hbm>>
      %dma_start3A_1768 = tpu.memref_squeeze %dma_start3A_1767 : memref<1x80x64xf32, #tpu.memory_space<hbm>> -> memref<80x64xf32, #tpu.memory_space<hbm>>
      %dma_start3A_1769 = arith.constant 0 : i32
      %dma_start3A_1770 = arith.constant 0 : i32
      %dma_start3A_1771 = tpu.memref_slice %arg4[%add3A_1176, %dma_start3A_1769, %dma_start3A_1770] : memref<1024x80x64xf32, #tpu.memory_space<hbm>> -> memref<1x80x64xf32, #tpu.memory_space<hbm>>
      %dma_start3A_1772 = tpu.memref_squeeze %dma_start3A_1771 : memref<1x80x64xf32, #tpu.memory_space<hbm>> -> memref<80x64xf32, #tpu.memory_space<hbm>>
      %dma_start3A_1773 = arith.constant 0 : i32
      %dma_start3A_1774 = arith.constant 0 : i32
      %dma_start3A_1775 = tpu.memref_slice %arg6[%run_scoped3A_1177, %dma_start3A_1773, %dma_start3A_1774] : memref<2x80x64xf32, #tpu.memory_space<vmem>> -> memref<1x80x64xf32, #tpu.memory_space<vmem>>
      %dma_start3A_1776 = tpu.memref_squeeze %dma_start3A_1775 : memref<1x80x64xf32, #tpu.memory_space<vmem>> -> memref<80x64xf32, #tpu.memory_space<vmem>>
      tpu.enqueue_dma source(%dma_start3A_1776 : memref<80x64xf32, #tpu.memory_space<vmem>>) target(%dma_start3A_1772 : memref<80x64xf32, #tpu.memory_space<hbm>>) target_semaphore(%run_scoped3A_1760 : memref<!tpu.dma_semaphore, #tpu.memory_space<semaphore_mem>>)
      %dma_wait3A_1777 = arith.constant 0 : i32
      %dma_wait3A_1778 = arith.constant 0 : i32
      %dma_wait3A_1779 = tpu.memref_slice %arg6[%run_scoped3A_1177, %dma_wait3A_1777, %dma_wait3A_1778] : memref<2x80x64xf32, #tpu.memory_space<vmem>> -> memref<1x80x64xf32, #tpu.memory_space<vmem>>
      %dma_wait3A_1780 = tpu.memref_squeeze %dma_wait3A_1779 : memref<1x80x64xf32, #tpu.memory_space<vmem>> -> memref<80x64xf32, #tpu.memory_space<vmem>>
      %dma_wait3A_1781 = arith.constant 0 : i32
      %dma_wait3A_1782 = arith.constant 0 : i32
      %dma_wait3A_1783 = tpu.memref_slice %arg4[%add3A_1176, %dma_wait3A_1781, %dma_wait3A_1782] : memref<1024x80x64xf32, #tpu.memory_space<hbm>> -> memref<1x80x64xf32, #tpu.memory_space<hbm>>
      %dma_wait3A_1784 = tpu.memref_squeeze %dma_wait3A_1783 : memref<1x80x64xf32, #tpu.memory_space<hbm>> -> memref<80x64xf32, #tpu.memory_space<hbm>>
      %dma_wait3A_1785 = arith.constant 0 : i32
      %dma_wait3A_1786 = arith.constant 0 : i32
      %dma_wait3A_1787 = tpu.memref_slice %arg4[%add3A_1176, %dma_wait3A_1785, %dma_wait3A_1786] : memref<1024x80x64xf32, #tpu.memory_space<hbm>> -> memref<1x80x64xf32, #tpu.memory_space<hbm>>
      %dma_wait3A_1788 = tpu.memref_squeeze %dma_wait3A_1787 : memref<1x80x64xf32, #tpu.memory_space<hbm>> -> memref<80x64xf32, #tpu.memory_space<hbm>>
      %dma_wait3A_1789 = arith.constant 0 : i32
      %dma_wait3A_1790 = arith.constant 0 : i32
      %dma_wait3A_1791 = tpu.memref_slice %arg6[%run_scoped3A_1177, %dma_wait3A_1789, %dma_wait3A_1790] : memref<2x80x64xf32, #tpu.memory_space<vmem>> -> memref<1x80x64xf32, #tpu.memory_space<vmem>>
      %dma_wait3A_1792 = tpu.memref_squeeze %dma_wait3A_1791 : memref<1x80x64xf32, #tpu.memory_space<vmem>> -> memref<80x64xf32, #tpu.memory_space<vmem>>
      tpu.wait_dma2 semaphore(%run_scoped3A_1760 : memref<!tpu.dma_semaphore, #tpu.memory_space<semaphore_mem>>) src(%dma_wait3A_1792 : memref<80x64xf32, #tpu.memory_space<vmem>>) dst(%dma_wait3A_1788 : memref<80x64xf32, #tpu.memory_space<hbm>>)
      tpu.yield
    }) : () -> ()
    %dma_start3A_1178 = arith.constant 11 : i32
    %dma_start3A_1179 = arith.constant 1 : i32
    %dma_start3A_1180 = arith.constant 0 : i32
    %dma_start3A_1181 = arith.constant 0 : i32
    %dma_start3A_1182 = tpu.memref_slice %arg6[%dma_start3A_1179, %dma_start3A_1180, %dma_start3A_1181] : memref<2x80x64xf32, #tpu.memory_space<vmem>> -> memref<1x66x64xf32, #tpu.memory_space<vmem>>
    %dma_start3A_1183 = tpu.memref_squeeze %dma_start3A_1182 : memref<1x66x64xf32, #tpu.memory_space<vmem>> -> memref<66x64xf32, #tpu.memory_space<vmem>>
    %dma_start3A_1184 = arith.constant 0 : i32
    %dma_start3A_1185 = tpu.memref_slice %arg5[%dma_start3A_1178, %dma_start3A_1184] : memref<32x66xi32, #tpu.memory_space<vmem>> -> memref<1x66xi32, #tpu.memory_space<vmem>>
    %dma_start3A_1186 = tpu.memref_squeeze %dma_start3A_1185 : memref<1x66xi32, #tpu.memory_space<vmem>> -> memref<66xi32, #tpu.memory_space<vmem>>
    %dma_start3A_1187 = arith.constant 0 : i32
    %dma_start3A_1188 = arith.constant 0 : i32
    %dma_start3A_1189 = tpu.memref_slice %arg3[%dma_start3A_1187, %dma_start3A_1188] : memref<100000x64xf32, #tpu.memory_space<hbm>> -> memref<100000x64xf32, #tpu.memory_space<hbm>>
    tpu.enqueue_indirect_dma source(%dma_start3A_1189 : memref<100000x64xf32, #tpu.memory_space<hbm>>) target(%dma_start3A_1183 : memref<66x64xf32, #tpu.memory_space<vmem>>) offsets(%dma_start3A_1186 : memref<66xi32, #tpu.memory_space<vmem>>) semaphore(%arg8 : memref<!tpu.dma_semaphore, #tpu.memory_space<semaphore_mem>>)
    %dma_wait3A_1190 = arith.constant 10 : i32
    %dma_wait3A_1191 = arith.constant 0 : i32
    %dma_wait3A_1192 = arith.constant 0 : i32
    %dma_wait3A_1193 = arith.constant 0 : i32
    %dma_wait3A_1194 = tpu.memref_slice %arg6[%dma_wait3A_1191, %dma_wait3A_1192, %dma_wait3A_1193] : memref<2x80x64xf32, #tpu.memory_space<vmem>> -> memref<1x66x64xf32, #tpu.memory_space<vmem>>
    %dma_wait3A_1195 = tpu.memref_squeeze %dma_wait3A_1194 : memref<1x66x64xf32, #tpu.memory_space<vmem>> -> memref<66x64xf32, #tpu.memory_space<vmem>>
    %dma_wait3A_1196 = arith.constant 0 : i32
    %dma_wait3A_1197 = tpu.memref_slice %arg5[%dma_wait3A_1190, %dma_wait3A_1196] : memref<32x66xi32, #tpu.memory_space<vmem>> -> memref<1x66xi32, #tpu.memory_space<vmem>>
    %dma_wait3A_1198 = tpu.memref_squeeze %dma_wait3A_1197 : memref<1x66xi32, #tpu.memory_space<vmem>> -> memref<66xi32, #tpu.memory_space<vmem>>
    %dma_wait3A_1199 = arith.constant 0 : i32
    %dma_wait3A_1200 = arith.constant 0 : i32
    %dma_wait3A_1201 = tpu.memref_slice %arg3[%dma_wait3A_1199, %dma_wait3A_1200] : memref<100000x64xf32, #tpu.memory_space<hbm>> -> memref<100000x64xf32, #tpu.memory_space<hbm>>
    tpu.wait_indirect_dma semaphore(%arg7 : memref<!tpu.dma_semaphore, #tpu.memory_space<semaphore_mem>>) src(%dma_wait3A_1201 : memref<100000x64xf32, #tpu.memory_space<hbm>>) dst(%dma_wait3A_1195 : memref<66x64xf32, #tpu.memory_space<vmem>>)
    %add3A_1202 = arith.constant 10 : i32
    %add3A_1203 = arith.addi %mul3A_2, %add3A_1202 : i32
    %run_scoped3A_1204 = arith.constant 0 : i32
    "tpu.region"() ({
      %run_scoped3A_1760 = tpu.sem_alloc : memref<!tpu.dma_semaphore, #tpu.memory_space<semaphore_mem>>
      %dma_start3A_1761 = arith.constant 0 : i32
      %dma_start3A_1762 = arith.constant 0 : i32
      %dma_start3A_1763 = tpu.memref_slice %arg6[%run_scoped3A_1204, %dma_start3A_1761, %dma_start3A_1762] : memref<2x80x64xf32, #tpu.memory_space<vmem>> -> memref<1x80x64xf32, #tpu.memory_space<vmem>>
      %dma_start3A_1764 = tpu.memref_squeeze %dma_start3A_1763 : memref<1x80x64xf32, #tpu.memory_space<vmem>> -> memref<80x64xf32, #tpu.memory_space<vmem>>
      %dma_start3A_1765 = arith.constant 0 : i32
      %dma_start3A_1766 = arith.constant 0 : i32
      %dma_start3A_1767 = tpu.memref_slice %arg4[%add3A_1203, %dma_start3A_1765, %dma_start3A_1766] : memref<1024x80x64xf32, #tpu.memory_space<hbm>> -> memref<1x80x64xf32, #tpu.memory_space<hbm>>
      %dma_start3A_1768 = tpu.memref_squeeze %dma_start3A_1767 : memref<1x80x64xf32, #tpu.memory_space<hbm>> -> memref<80x64xf32, #tpu.memory_space<hbm>>
      %dma_start3A_1769 = arith.constant 0 : i32
      %dma_start3A_1770 = arith.constant 0 : i32
      %dma_start3A_1771 = tpu.memref_slice %arg4[%add3A_1203, %dma_start3A_1769, %dma_start3A_1770] : memref<1024x80x64xf32, #tpu.memory_space<hbm>> -> memref<1x80x64xf32, #tpu.memory_space<hbm>>
      %dma_start3A_1772 = tpu.memref_squeeze %dma_start3A_1771 : memref<1x80x64xf32, #tpu.memory_space<hbm>> -> memref<80x64xf32, #tpu.memory_space<hbm>>
      %dma_start3A_1773 = arith.constant 0 : i32
      %dma_start3A_1774 = arith.constant 0 : i32
      %dma_start3A_1775 = tpu.memref_slice %arg6[%run_scoped3A_1204, %dma_start3A_1773, %dma_start3A_1774] : memref<2x80x64xf32, #tpu.memory_space<vmem>> -> memref<1x80x64xf32, #tpu.memory_space<vmem>>
      %dma_start3A_1776 = tpu.memref_squeeze %dma_start3A_1775 : memref<1x80x64xf32, #tpu.memory_space<vmem>> -> memref<80x64xf32, #tpu.memory_space<vmem>>
      tpu.enqueue_dma source(%dma_start3A_1776 : memref<80x64xf32, #tpu.memory_space<vmem>>) target(%dma_start3A_1772 : memref<80x64xf32, #tpu.memory_space<hbm>>) target_semaphore(%run_scoped3A_1760 : memref<!tpu.dma_semaphore, #tpu.memory_space<semaphore_mem>>)
      %dma_wait3A_1777 = arith.constant 0 : i32
      %dma_wait3A_1778 = arith.constant 0 : i32
      %dma_wait3A_1779 = tpu.memref_slice %arg6[%run_scoped3A_1204, %dma_wait3A_1777, %dma_wait3A_1778] : memref<2x80x64xf32, #tpu.memory_space<vmem>> -> memref<1x80x64xf32, #tpu.memory_space<vmem>>
      %dma_wait3A_1780 = tpu.memref_squeeze %dma_wait3A_1779 : memref<1x80x64xf32, #tpu.memory_space<vmem>> -> memref<80x64xf32, #tpu.memory_space<vmem>>
      %dma_wait3A_1781 = arith.constant 0 : i32
      %dma_wait3A_1782 = arith.constant 0 : i32
      %dma_wait3A_1783 = tpu.memref_slice %arg4[%add3A_1203, %dma_wait3A_1781, %dma_wait3A_1782] : memref<1024x80x64xf32, #tpu.memory_space<hbm>> -> memref<1x80x64xf32, #tpu.memory_space<hbm>>
      %dma_wait3A_1784 = tpu.memref_squeeze %dma_wait3A_1783 : memref<1x80x64xf32, #tpu.memory_space<hbm>> -> memref<80x64xf32, #tpu.memory_space<hbm>>
      %dma_wait3A_1785 = arith.constant 0 : i32
      %dma_wait3A_1786 = arith.constant 0 : i32
      %dma_wait3A_1787 = tpu.memref_slice %arg4[%add3A_1203, %dma_wait3A_1785, %dma_wait3A_1786] : memref<1024x80x64xf32, #tpu.memory_space<hbm>> -> memref<1x80x64xf32, #tpu.memory_space<hbm>>
      %dma_wait3A_1788 = tpu.memref_squeeze %dma_wait3A_1787 : memref<1x80x64xf32, #tpu.memory_space<hbm>> -> memref<80x64xf32, #tpu.memory_space<hbm>>
      %dma_wait3A_1789 = arith.constant 0 : i32
      %dma_wait3A_1790 = arith.constant 0 : i32
      %dma_wait3A_1791 = tpu.memref_slice %arg6[%run_scoped3A_1204, %dma_wait3A_1789, %dma_wait3A_1790] : memref<2x80x64xf32, #tpu.memory_space<vmem>> -> memref<1x80x64xf32, #tpu.memory_space<vmem>>
      %dma_wait3A_1792 = tpu.memref_squeeze %dma_wait3A_1791 : memref<1x80x64xf32, #tpu.memory_space<vmem>> -> memref<80x64xf32, #tpu.memory_space<vmem>>
      tpu.wait_dma2 semaphore(%run_scoped3A_1760 : memref<!tpu.dma_semaphore, #tpu.memory_space<semaphore_mem>>) src(%dma_wait3A_1792 : memref<80x64xf32, #tpu.memory_space<vmem>>) dst(%dma_wait3A_1788 : memref<80x64xf32, #tpu.memory_space<hbm>>)
      tpu.yield
    }) : () -> ()
    %dma_start3A_1205 = arith.constant 12 : i32
    %dma_start3A_1206 = arith.constant 0 : i32
    %dma_start3A_1207 = arith.constant 0 : i32
    %dma_start3A_1208 = arith.constant 0 : i32
    %dma_start3A_1209 = tpu.memref_slice %arg6[%dma_start3A_1206, %dma_start3A_1207, %dma_start3A_1208] : memref<2x80x64xf32, #tpu.memory_space<vmem>> -> memref<1x66x64xf32, #tpu.memory_space<vmem>>
    %dma_start3A_1210 = tpu.memref_squeeze %dma_start3A_1209 : memref<1x66x64xf32, #tpu.memory_space<vmem>> -> memref<66x64xf32, #tpu.memory_space<vmem>>
    %dma_start3A_1211 = arith.constant 0 : i32
    %dma_start3A_1212 = tpu.memref_slice %arg5[%dma_start3A_1205, %dma_start3A_1211] : memref<32x66xi32, #tpu.memory_space<vmem>> -> memref<1x66xi32, #tpu.memory_space<vmem>>
    %dma_start3A_1213 = tpu.memref_squeeze %dma_start3A_1212 : memref<1x66xi32, #tpu.memory_space<vmem>> -> memref<66xi32, #tpu.memory_space<vmem>>
    %dma_start3A_1214 = arith.constant 0 : i32
    %dma_start3A_1215 = arith.constant 0 : i32
    %dma_start3A_1216 = tpu.memref_slice %arg3[%dma_start3A_1214, %dma_start3A_1215] : memref<100000x64xf32, #tpu.memory_space<hbm>> -> memref<100000x64xf32, #tpu.memory_space<hbm>>
    tpu.enqueue_indirect_dma source(%dma_start3A_1216 : memref<100000x64xf32, #tpu.memory_space<hbm>>) target(%dma_start3A_1210 : memref<66x64xf32, #tpu.memory_space<vmem>>) offsets(%dma_start3A_1213 : memref<66xi32, #tpu.memory_space<vmem>>) semaphore(%arg7 : memref<!tpu.dma_semaphore, #tpu.memory_space<semaphore_mem>>)
    %dma_wait3A_1217 = arith.constant 11 : i32
    %dma_wait3A_1218 = arith.constant 1 : i32
    %dma_wait3A_1219 = arith.constant 0 : i32
    %dma_wait3A_1220 = arith.constant 0 : i32
    %dma_wait3A_1221 = tpu.memref_slice %arg6[%dma_wait3A_1218, %dma_wait3A_1219, %dma_wait3A_1220] : memref<2x80x64xf32, #tpu.memory_space<vmem>> -> memref<1x66x64xf32, #tpu.memory_space<vmem>>
    %dma_wait3A_1222 = tpu.memref_squeeze %dma_wait3A_1221 : memref<1x66x64xf32, #tpu.memory_space<vmem>> -> memref<66x64xf32, #tpu.memory_space<vmem>>
    %dma_wait3A_1223 = arith.constant 0 : i32
    %dma_wait3A_1224 = tpu.memref_slice %arg5[%dma_wait3A_1217, %dma_wait3A_1223] : memref<32x66xi32, #tpu.memory_space<vmem>> -> memref<1x66xi32, #tpu.memory_space<vmem>>
    %dma_wait3A_1225 = tpu.memref_squeeze %dma_wait3A_1224 : memref<1x66xi32, #tpu.memory_space<vmem>> -> memref<66xi32, #tpu.memory_space<vmem>>
    %dma_wait3A_1226 = arith.constant 0 : i32
    %dma_wait3A_1227 = arith.constant 0 : i32
    %dma_wait3A_1228 = tpu.memref_slice %arg3[%dma_wait3A_1226, %dma_wait3A_1227] : memref<100000x64xf32, #tpu.memory_space<hbm>> -> memref<100000x64xf32, #tpu.memory_space<hbm>>
    tpu.wait_indirect_dma semaphore(%arg8 : memref<!tpu.dma_semaphore, #tpu.memory_space<semaphore_mem>>) src(%dma_wait3A_1228 : memref<100000x64xf32, #tpu.memory_space<hbm>>) dst(%dma_wait3A_1222 : memref<66x64xf32, #tpu.memory_space<vmem>>)
    %add3A_1229 = arith.constant 11 : i32
    %add3A_1230 = arith.addi %mul3A_2, %add3A_1229 : i32
    %run_scoped3A_1231 = arith.constant 1 : i32
    "tpu.region"() ({
      %run_scoped3A_1760 = tpu.sem_alloc : memref<!tpu.dma_semaphore, #tpu.memory_space<semaphore_mem>>
      %dma_start3A_1761 = arith.constant 0 : i32
      %dma_start3A_1762 = arith.constant 0 : i32
      %dma_start3A_1763 = tpu.memref_slice %arg6[%run_scoped3A_1231, %dma_start3A_1761, %dma_start3A_1762] : memref<2x80x64xf32, #tpu.memory_space<vmem>> -> memref<1x80x64xf32, #tpu.memory_space<vmem>>
      %dma_start3A_1764 = tpu.memref_squeeze %dma_start3A_1763 : memref<1x80x64xf32, #tpu.memory_space<vmem>> -> memref<80x64xf32, #tpu.memory_space<vmem>>
      %dma_start3A_1765 = arith.constant 0 : i32
      %dma_start3A_1766 = arith.constant 0 : i32
      %dma_start3A_1767 = tpu.memref_slice %arg4[%add3A_1230, %dma_start3A_1765, %dma_start3A_1766] : memref<1024x80x64xf32, #tpu.memory_space<hbm>> -> memref<1x80x64xf32, #tpu.memory_space<hbm>>
      %dma_start3A_1768 = tpu.memref_squeeze %dma_start3A_1767 : memref<1x80x64xf32, #tpu.memory_space<hbm>> -> memref<80x64xf32, #tpu.memory_space<hbm>>
      %dma_start3A_1769 = arith.constant 0 : i32
      %dma_start3A_1770 = arith.constant 0 : i32
      %dma_start3A_1771 = tpu.memref_slice %arg4[%add3A_1230, %dma_start3A_1769, %dma_start3A_1770] : memref<1024x80x64xf32, #tpu.memory_space<hbm>> -> memref<1x80x64xf32, #tpu.memory_space<hbm>>
      %dma_start3A_1772 = tpu.memref_squeeze %dma_start3A_1771 : memref<1x80x64xf32, #tpu.memory_space<hbm>> -> memref<80x64xf32, #tpu.memory_space<hbm>>
      %dma_start3A_1773 = arith.constant 0 : i32
      %dma_start3A_1774 = arith.constant 0 : i32
      %dma_start3A_1775 = tpu.memref_slice %arg6[%run_scoped3A_1231, %dma_start3A_1773, %dma_start3A_1774] : memref<2x80x64xf32, #tpu.memory_space<vmem>> -> memref<1x80x64xf32, #tpu.memory_space<vmem>>
      %dma_start3A_1776 = tpu.memref_squeeze %dma_start3A_1775 : memref<1x80x64xf32, #tpu.memory_space<vmem>> -> memref<80x64xf32, #tpu.memory_space<vmem>>
      tpu.enqueue_dma source(%dma_start3A_1776 : memref<80x64xf32, #tpu.memory_space<vmem>>) target(%dma_start3A_1772 : memref<80x64xf32, #tpu.memory_space<hbm>>) target_semaphore(%run_scoped3A_1760 : memref<!tpu.dma_semaphore, #tpu.memory_space<semaphore_mem>>)
      %dma_wait3A_1777 = arith.constant 0 : i32
      %dma_wait3A_1778 = arith.constant 0 : i32
      %dma_wait3A_1779 = tpu.memref_slice %arg6[%run_scoped3A_1231, %dma_wait3A_1777, %dma_wait3A_1778] : memref<2x80x64xf32, #tpu.memory_space<vmem>> -> memref<1x80x64xf32, #tpu.memory_space<vmem>>
      %dma_wait3A_1780 = tpu.memref_squeeze %dma_wait3A_1779 : memref<1x80x64xf32, #tpu.memory_space<vmem>> -> memref<80x64xf32, #tpu.memory_space<vmem>>
      %dma_wait3A_1781 = arith.constant 0 : i32
      %dma_wait3A_1782 = arith.constant 0 : i32
      %dma_wait3A_1783 = tpu.memref_slice %arg4[%add3A_1230, %dma_wait3A_1781, %dma_wait3A_1782] : memref<1024x80x64xf32, #tpu.memory_space<hbm>> -> memref<1x80x64xf32, #tpu.memory_space<hbm>>
      %dma_wait3A_1784 = tpu.memref_squeeze %dma_wait3A_1783 : memref<1x80x64xf32, #tpu.memory_space<hbm>> -> memref<80x64xf32, #tpu.memory_space<hbm>>
      %dma_wait3A_1785 = arith.constant 0 : i32
      %dma_wait3A_1786 = arith.constant 0 : i32
      %dma_wait3A_1787 = tpu.memref_slice %arg4[%add3A_1230, %dma_wait3A_1785, %dma_wait3A_1786] : memref<1024x80x64xf32, #tpu.memory_space<hbm>> -> memref<1x80x64xf32, #tpu.memory_space<hbm>>
      %dma_wait3A_1788 = tpu.memref_squeeze %dma_wait3A_1787 : memref<1x80x64xf32, #tpu.memory_space<hbm>> -> memref<80x64xf32, #tpu.memory_space<hbm>>
      %dma_wait3A_1789 = arith.constant 0 : i32
      %dma_wait3A_1790 = arith.constant 0 : i32
      %dma_wait3A_1791 = tpu.memref_slice %arg6[%run_scoped3A_1231, %dma_wait3A_1789, %dma_wait3A_1790] : memref<2x80x64xf32, #tpu.memory_space<vmem>> -> memref<1x80x64xf32, #tpu.memory_space<vmem>>
      %dma_wait3A_1792 = tpu.memref_squeeze %dma_wait3A_1791 : memref<1x80x64xf32, #tpu.memory_space<vmem>> -> memref<80x64xf32, #tpu.memory_space<vmem>>
      tpu.wait_dma2 semaphore(%run_scoped3A_1760 : memref<!tpu.dma_semaphore, #tpu.memory_space<semaphore_mem>>) src(%dma_wait3A_1792 : memref<80x64xf32, #tpu.memory_space<vmem>>) dst(%dma_wait3A_1788 : memref<80x64xf32, #tpu.memory_space<hbm>>)
      tpu.yield
    }) : () -> ()
    %dma_start3A_1232 = arith.constant 13 : i32
    %dma_start3A_1233 = arith.constant 1 : i32
    %dma_start3A_1234 = arith.constant 0 : i32
    %dma_start3A_1235 = arith.constant 0 : i32
    %dma_start3A_1236 = tpu.memref_slice %arg6[%dma_start3A_1233, %dma_start3A_1234, %dma_start3A_1235] : memref<2x80x64xf32, #tpu.memory_space<vmem>> -> memref<1x66x64xf32, #tpu.memory_space<vmem>>
    %dma_start3A_1237 = tpu.memref_squeeze %dma_start3A_1236 : memref<1x66x64xf32, #tpu.memory_space<vmem>> -> memref<66x64xf32, #tpu.memory_space<vmem>>
    %dma_start3A_1238 = arith.constant 0 : i32
    %dma_start3A_1239 = tpu.memref_slice %arg5[%dma_start3A_1232, %dma_start3A_1238] : memref<32x66xi32, #tpu.memory_space<vmem>> -> memref<1x66xi32, #tpu.memory_space<vmem>>
    %dma_start3A_1240 = tpu.memref_squeeze %dma_start3A_1239 : memref<1x66xi32, #tpu.memory_space<vmem>> -> memref<66xi32, #tpu.memory_space<vmem>>
    %dma_start3A_1241 = arith.constant 0 : i32
    %dma_start3A_1242 = arith.constant 0 : i32
    %dma_start3A_1243 = tpu.memref_slice %arg3[%dma_start3A_1241, %dma_start3A_1242] : memref<100000x64xf32, #tpu.memory_space<hbm>> -> memref<100000x64xf32, #tpu.memory_space<hbm>>
    tpu.enqueue_indirect_dma source(%dma_start3A_1243 : memref<100000x64xf32, #tpu.memory_space<hbm>>) target(%dma_start3A_1237 : memref<66x64xf32, #tpu.memory_space<vmem>>) offsets(%dma_start3A_1240 : memref<66xi32, #tpu.memory_space<vmem>>) semaphore(%arg8 : memref<!tpu.dma_semaphore, #tpu.memory_space<semaphore_mem>>)
    %dma_wait3A_1244 = arith.constant 12 : i32
    %dma_wait3A_1245 = arith.constant 0 : i32
    %dma_wait3A_1246 = arith.constant 0 : i32
    %dma_wait3A_1247 = arith.constant 0 : i32
    %dma_wait3A_1248 = tpu.memref_slice %arg6[%dma_wait3A_1245, %dma_wait3A_1246, %dma_wait3A_1247] : memref<2x80x64xf32, #tpu.memory_space<vmem>> -> memref<1x66x64xf32, #tpu.memory_space<vmem>>
    %dma_wait3A_1249 = tpu.memref_squeeze %dma_wait3A_1248 : memref<1x66x64xf32, #tpu.memory_space<vmem>> -> memref<66x64xf32, #tpu.memory_space<vmem>>
    %dma_wait3A_1250 = arith.constant 0 : i32
    %dma_wait3A_1251 = tpu.memref_slice %arg5[%dma_wait3A_1244, %dma_wait3A_1250] : memref<32x66xi32, #tpu.memory_space<vmem>> -> memref<1x66xi32, #tpu.memory_space<vmem>>
    %dma_wait3A_1252 = tpu.memref_squeeze %dma_wait3A_1251 : memref<1x66xi32, #tpu.memory_space<vmem>> -> memref<66xi32, #tpu.memory_space<vmem>>
    %dma_wait3A_1253 = arith.constant 0 : i32
    %dma_wait3A_1254 = arith.constant 0 : i32
    %dma_wait3A_1255 = tpu.memref_slice %arg3[%dma_wait3A_1253, %dma_wait3A_1254] : memref<100000x64xf32, #tpu.memory_space<hbm>> -> memref<100000x64xf32, #tpu.memory_space<hbm>>
    tpu.wait_indirect_dma semaphore(%arg7 : memref<!tpu.dma_semaphore, #tpu.memory_space<semaphore_mem>>) src(%dma_wait3A_1255 : memref<100000x64xf32, #tpu.memory_space<hbm>>) dst(%dma_wait3A_1249 : memref<66x64xf32, #tpu.memory_space<vmem>>)
    %add3A_1256 = arith.constant 12 : i32
    %add3A_1257 = arith.addi %mul3A_2, %add3A_1256 : i32
    %run_scoped3A_1258 = arith.constant 0 : i32
    "tpu.region"() ({
      %run_scoped3A_1760 = tpu.sem_alloc : memref<!tpu.dma_semaphore, #tpu.memory_space<semaphore_mem>>
      %dma_start3A_1761 = arith.constant 0 : i32
      %dma_start3A_1762 = arith.constant 0 : i32
      %dma_start3A_1763 = tpu.memref_slice %arg6[%run_scoped3A_1258, %dma_start3A_1761, %dma_start3A_1762] : memref<2x80x64xf32, #tpu.memory_space<vmem>> -> memref<1x80x64xf32, #tpu.memory_space<vmem>>
      %dma_start3A_1764 = tpu.memref_squeeze %dma_start3A_1763 : memref<1x80x64xf32, #tpu.memory_space<vmem>> -> memref<80x64xf32, #tpu.memory_space<vmem>>
      %dma_start3A_1765 = arith.constant 0 : i32
      %dma_start3A_1766 = arith.constant 0 : i32
      %dma_start3A_1767 = tpu.memref_slice %arg4[%add3A_1257, %dma_start3A_1765, %dma_start3A_1766] : memref<1024x80x64xf32, #tpu.memory_space<hbm>> -> memref<1x80x64xf32, #tpu.memory_space<hbm>>
      %dma_start3A_1768 = tpu.memref_squeeze %dma_start3A_1767 : memref<1x80x64xf32, #tpu.memory_space<hbm>> -> memref<80x64xf32, #tpu.memory_space<hbm>>
      %dma_start3A_1769 = arith.constant 0 : i32
      %dma_start3A_1770 = arith.constant 0 : i32
      %dma_start3A_1771 = tpu.memref_slice %arg4[%add3A_1257, %dma_start3A_1769, %dma_start3A_1770] : memref<1024x80x64xf32, #tpu.memory_space<hbm>> -> memref<1x80x64xf32, #tpu.memory_space<hbm>>
      %dma_start3A_1772 = tpu.memref_squeeze %dma_start3A_1771 : memref<1x80x64xf32, #tpu.memory_space<hbm>> -> memref<80x64xf32, #tpu.memory_space<hbm>>
      %dma_start3A_1773 = arith.constant 0 : i32
      %dma_start3A_1774 = arith.constant 0 : i32
      %dma_start3A_1775 = tpu.memref_slice %arg6[%run_scoped3A_1258, %dma_start3A_1773, %dma_start3A_1774] : memref<2x80x64xf32, #tpu.memory_space<vmem>> -> memref<1x80x64xf32, #tpu.memory_space<vmem>>
      %dma_start3A_1776 = tpu.memref_squeeze %dma_start3A_1775 : memref<1x80x64xf32, #tpu.memory_space<vmem>> -> memref<80x64xf32, #tpu.memory_space<vmem>>
      tpu.enqueue_dma source(%dma_start3A_1776 : memref<80x64xf32, #tpu.memory_space<vmem>>) target(%dma_start3A_1772 : memref<80x64xf32, #tpu.memory_space<hbm>>) target_semaphore(%run_scoped3A_1760 : memref<!tpu.dma_semaphore, #tpu.memory_space<semaphore_mem>>)
      %dma_wait3A_1777 = arith.constant 0 : i32
      %dma_wait3A_1778 = arith.constant 0 : i32
      %dma_wait3A_1779 = tpu.memref_slice %arg6[%run_scoped3A_1258, %dma_wait3A_1777, %dma_wait3A_1778] : memref<2x80x64xf32, #tpu.memory_space<vmem>> -> memref<1x80x64xf32, #tpu.memory_space<vmem>>
      %dma_wait3A_1780 = tpu.memref_squeeze %dma_wait3A_1779 : memref<1x80x64xf32, #tpu.memory_space<vmem>> -> memref<80x64xf32, #tpu.memory_space<vmem>>
      %dma_wait3A_1781 = arith.constant 0 : i32
      %dma_wait3A_1782 = arith.constant 0 : i32
      %dma_wait3A_1783 = tpu.memref_slice %arg4[%add3A_1257, %dma_wait3A_1781, %dma_wait3A_1782] : memref<1024x80x64xf32, #tpu.memory_space<hbm>> -> memref<1x80x64xf32, #tpu.memory_space<hbm>>
      %dma_wait3A_1784 = tpu.memref_squeeze %dma_wait3A_1783 : memref<1x80x64xf32, #tpu.memory_space<hbm>> -> memref<80x64xf32, #tpu.memory_space<hbm>>
      %dma_wait3A_1785 = arith.constant 0 : i32
      %dma_wait3A_1786 = arith.constant 0 : i32
      %dma_wait3A_1787 = tpu.memref_slice %arg4[%add3A_1257, %dma_wait3A_1785, %dma_wait3A_1786] : memref<1024x80x64xf32, #tpu.memory_space<hbm>> -> memref<1x80x64xf32, #tpu.memory_space<hbm>>
      %dma_wait3A_1788 = tpu.memref_squeeze %dma_wait3A_1787 : memref<1x80x64xf32, #tpu.memory_space<hbm>> -> memref<80x64xf32, #tpu.memory_space<hbm>>
      %dma_wait3A_1789 = arith.constant 0 : i32
      %dma_wait3A_1790 = arith.constant 0 : i32
      %dma_wait3A_1791 = tpu.memref_slice %arg6[%run_scoped3A_1258, %dma_wait3A_1789, %dma_wait3A_1790] : memref<2x80x64xf32, #tpu.memory_space<vmem>> -> memref<1x80x64xf32, #tpu.memory_space<vmem>>
      %dma_wait3A_1792 = tpu.memref_squeeze %dma_wait3A_1791 : memref<1x80x64xf32, #tpu.memory_space<vmem>> -> memref<80x64xf32, #tpu.memory_space<vmem>>
      tpu.wait_dma2 semaphore(%run_scoped3A_1760 : memref<!tpu.dma_semaphore, #tpu.memory_space<semaphore_mem>>) src(%dma_wait3A_1792 : memref<80x64xf32, #tpu.memory_space<vmem>>) dst(%dma_wait3A_1788 : memref<80x64xf32, #tpu.memory_space<hbm>>)
      tpu.yield
    }) : () -> ()
    %dma_start3A_1259 = arith.constant 14 : i32
    %dma_start3A_1260 = arith.constant 0 : i32
    %dma_start3A_1261 = arith.constant 0 : i32
    %dma_start3A_1262 = arith.constant 0 : i32
    %dma_start3A_1263 = tpu.memref_slice %arg6[%dma_start3A_1260, %dma_start3A_1261, %dma_start3A_1262] : memref<2x80x64xf32, #tpu.memory_space<vmem>> -> memref<1x66x64xf32, #tpu.memory_space<vmem>>
    %dma_start3A_1264 = tpu.memref_squeeze %dma_start3A_1263 : memref<1x66x64xf32, #tpu.memory_space<vmem>> -> memref<66x64xf32, #tpu.memory_space<vmem>>
    %dma_start3A_1265 = arith.constant 0 : i32
    %dma_start3A_1266 = tpu.memref_slice %arg5[%dma_start3A_1259, %dma_start3A_1265] : memref<32x66xi32, #tpu.memory_space<vmem>> -> memref<1x66xi32, #tpu.memory_space<vmem>>
    %dma_start3A_1267 = tpu.memref_squeeze %dma_start3A_1266 : memref<1x66xi32, #tpu.memory_space<vmem>> -> memref<66xi32, #tpu.memory_space<vmem>>
    %dma_start3A_1268 = arith.constant 0 : i32
    %dma_start3A_1269 = arith.constant 0 : i32
    %dma_start3A_1270 = tpu.memref_slice %arg3[%dma_start3A_1268, %dma_start3A_1269] : memref<100000x64xf32, #tpu.memory_space<hbm>> -> memref<100000x64xf32, #tpu.memory_space<hbm>>
    tpu.enqueue_indirect_dma source(%dma_start3A_1270 : memref<100000x64xf32, #tpu.memory_space<hbm>>) target(%dma_start3A_1264 : memref<66x64xf32, #tpu.memory_space<vmem>>) offsets(%dma_start3A_1267 : memref<66xi32, #tpu.memory_space<vmem>>) semaphore(%arg7 : memref<!tpu.dma_semaphore, #tpu.memory_space<semaphore_mem>>)
    %dma_wait3A_1271 = arith.constant 13 : i32
    %dma_wait3A_1272 = arith.constant 1 : i32
    %dma_wait3A_1273 = arith.constant 0 : i32
    %dma_wait3A_1274 = arith.constant 0 : i32
    %dma_wait3A_1275 = tpu.memref_slice %arg6[%dma_wait3A_1272, %dma_wait3A_1273, %dma_wait3A_1274] : memref<2x80x64xf32, #tpu.memory_space<vmem>> -> memref<1x66x64xf32, #tpu.memory_space<vmem>>
    %dma_wait3A_1276 = tpu.memref_squeeze %dma_wait3A_1275 : memref<1x66x64xf32, #tpu.memory_space<vmem>> -> memref<66x64xf32, #tpu.memory_space<vmem>>
    %dma_wait3A_1277 = arith.constant 0 : i32
    %dma_wait3A_1278 = tpu.memref_slice %arg5[%dma_wait3A_1271, %dma_wait3A_1277] : memref<32x66xi32, #tpu.memory_space<vmem>> -> memref<1x66xi32, #tpu.memory_space<vmem>>
    %dma_wait3A_1279 = tpu.memref_squeeze %dma_wait3A_1278 : memref<1x66xi32, #tpu.memory_space<vmem>> -> memref<66xi32, #tpu.memory_space<vmem>>
    %dma_wait3A_1280 = arith.constant 0 : i32
    %dma_wait3A_1281 = arith.constant 0 : i32
    %dma_wait3A_1282 = tpu.memref_slice %arg3[%dma_wait3A_1280, %dma_wait3A_1281] : memref<100000x64xf32, #tpu.memory_space<hbm>> -> memref<100000x64xf32, #tpu.memory_space<hbm>>
    tpu.wait_indirect_dma semaphore(%arg8 : memref<!tpu.dma_semaphore, #tpu.memory_space<semaphore_mem>>) src(%dma_wait3A_1282 : memref<100000x64xf32, #tpu.memory_space<hbm>>) dst(%dma_wait3A_1276 : memref<66x64xf32, #tpu.memory_space<vmem>>)
    %add3A_1283 = arith.constant 13 : i32
    %add3A_1284 = arith.addi %mul3A_2, %add3A_1283 : i32
    %run_scoped3A_1285 = arith.constant 1 : i32
    "tpu.region"() ({
      %run_scoped3A_1760 = tpu.sem_alloc : memref<!tpu.dma_semaphore, #tpu.memory_space<semaphore_mem>>
      %dma_start3A_1761 = arith.constant 0 : i32
      %dma_start3A_1762 = arith.constant 0 : i32
      %dma_start3A_1763 = tpu.memref_slice %arg6[%run_scoped3A_1285, %dma_start3A_1761, %dma_start3A_1762] : memref<2x80x64xf32, #tpu.memory_space<vmem>> -> memref<1x80x64xf32, #tpu.memory_space<vmem>>
      %dma_start3A_1764 = tpu.memref_squeeze %dma_start3A_1763 : memref<1x80x64xf32, #tpu.memory_space<vmem>> -> memref<80x64xf32, #tpu.memory_space<vmem>>
      %dma_start3A_1765 = arith.constant 0 : i32
      %dma_start3A_1766 = arith.constant 0 : i32
      %dma_start3A_1767 = tpu.memref_slice %arg4[%add3A_1284, %dma_start3A_1765, %dma_start3A_1766] : memref<1024x80x64xf32, #tpu.memory_space<hbm>> -> memref<1x80x64xf32, #tpu.memory_space<hbm>>
      %dma_start3A_1768 = tpu.memref_squeeze %dma_start3A_1767 : memref<1x80x64xf32, #tpu.memory_space<hbm>> -> memref<80x64xf32, #tpu.memory_space<hbm>>
      %dma_start3A_1769 = arith.constant 0 : i32
      %dma_start3A_1770 = arith.constant 0 : i32
      %dma_start3A_1771 = tpu.memref_slice %arg4[%add3A_1284, %dma_start3A_1769, %dma_start3A_1770] : memref<1024x80x64xf32, #tpu.memory_space<hbm>> -> memref<1x80x64xf32, #tpu.memory_space<hbm>>
      %dma_start3A_1772 = tpu.memref_squeeze %dma_start3A_1771 : memref<1x80x64xf32, #tpu.memory_space<hbm>> -> memref<80x64xf32, #tpu.memory_space<hbm>>
      %dma_start3A_1773 = arith.constant 0 : i32
      %dma_start3A_1774 = arith.constant 0 : i32
      %dma_start3A_1775 = tpu.memref_slice %arg6[%run_scoped3A_1285, %dma_start3A_1773, %dma_start3A_1774] : memref<2x80x64xf32, #tpu.memory_space<vmem>> -> memref<1x80x64xf32, #tpu.memory_space<vmem>>
      %dma_start3A_1776 = tpu.memref_squeeze %dma_start3A_1775 : memref<1x80x64xf32, #tpu.memory_space<vmem>> -> memref<80x64xf32, #tpu.memory_space<vmem>>
      tpu.enqueue_dma source(%dma_start3A_1776 : memref<80x64xf32, #tpu.memory_space<vmem>>) target(%dma_start3A_1772 : memref<80x64xf32, #tpu.memory_space<hbm>>) target_semaphore(%run_scoped3A_1760 : memref<!tpu.dma_semaphore, #tpu.memory_space<semaphore_mem>>)
      %dma_wait3A_1777 = arith.constant 0 : i32
      %dma_wait3A_1778 = arith.constant 0 : i32
      %dma_wait3A_1779 = tpu.memref_slice %arg6[%run_scoped3A_1285, %dma_wait3A_1777, %dma_wait3A_1778] : memref<2x80x64xf32, #tpu.memory_space<vmem>> -> memref<1x80x64xf32, #tpu.memory_space<vmem>>
      %dma_wait3A_1780 = tpu.memref_squeeze %dma_wait3A_1779 : memref<1x80x64xf32, #tpu.memory_space<vmem>> -> memref<80x64xf32, #tpu.memory_space<vmem>>
      %dma_wait3A_1781 = arith.constant 0 : i32
      %dma_wait3A_1782 = arith.constant 0 : i32
      %dma_wait3A_1783 = tpu.memref_slice %arg4[%add3A_1284, %dma_wait3A_1781, %dma_wait3A_1782] : memref<1024x80x64xf32, #tpu.memory_space<hbm>> -> memref<1x80x64xf32, #tpu.memory_space<hbm>>
      %dma_wait3A_1784 = tpu.memref_squeeze %dma_wait3A_1783 : memref<1x80x64xf32, #tpu.memory_space<hbm>> -> memref<80x64xf32, #tpu.memory_space<hbm>>
      %dma_wait3A_1785 = arith.constant 0 : i32
      %dma_wait3A_1786 = arith.constant 0 : i32
      %dma_wait3A_1787 = tpu.memref_slice %arg4[%add3A_1284, %dma_wait3A_1785, %dma_wait3A_1786] : memref<1024x80x64xf32, #tpu.memory_space<hbm>> -> memref<1x80x64xf32, #tpu.memory_space<hbm>>
      %dma_wait3A_1788 = tpu.memref_squeeze %dma_wait3A_1787 : memref<1x80x64xf32, #tpu.memory_space<hbm>> -> memref<80x64xf32, #tpu.memory_space<hbm>>
      %dma_wait3A_1789 = arith.constant 0 : i32
      %dma_wait3A_1790 = arith.constant 0 : i32
      %dma_wait3A_1791 = tpu.memref_slice %arg6[%run_scoped3A_1285, %dma_wait3A_1789, %dma_wait3A_1790] : memref<2x80x64xf32, #tpu.memory_space<vmem>> -> memref<1x80x64xf32, #tpu.memory_space<vmem>>
      %dma_wait3A_1792 = tpu.memref_squeeze %dma_wait3A_1791 : memref<1x80x64xf32, #tpu.memory_space<vmem>> -> memref<80x64xf32, #tpu.memory_space<vmem>>
      tpu.wait_dma2 semaphore(%run_scoped3A_1760 : memref<!tpu.dma_semaphore, #tpu.memory_space<semaphore_mem>>) src(%dma_wait3A_1792 : memref<80x64xf32, #tpu.memory_space<vmem>>) dst(%dma_wait3A_1788 : memref<80x64xf32, #tpu.memory_space<hbm>>)
      tpu.yield
    }) : () -> ()
    %dma_start3A_1286 = arith.constant 15 : i32
    %dma_start3A_1287 = arith.constant 1 : i32
    %dma_start3A_1288 = arith.constant 0 : i32
    %dma_start3A_1289 = arith.constant 0 : i32
    %dma_start3A_1290 = tpu.memref_slice %arg6[%dma_start3A_1287, %dma_start3A_1288, %dma_start3A_1289] : memref<2x80x64xf32, #tpu.memory_space<vmem>> -> memref<1x66x64xf32, #tpu.memory_space<vmem>>
    %dma_start3A_1291 = tpu.memref_squeeze %dma_start3A_1290 : memref<1x66x64xf32, #tpu.memory_space<vmem>> -> memref<66x64xf32, #tpu.memory_space<vmem>>
    %dma_start3A_1292 = arith.constant 0 : i32
    %dma_start3A_1293 = tpu.memref_slice %arg5[%dma_start3A_1286, %dma_start3A_1292] : memref<32x66xi32, #tpu.memory_space<vmem>> -> memref<1x66xi32, #tpu.memory_space<vmem>>
    %dma_start3A_1294 = tpu.memref_squeeze %dma_start3A_1293 : memref<1x66xi32, #tpu.memory_space<vmem>> -> memref<66xi32, #tpu.memory_space<vmem>>
    %dma_start3A_1295 = arith.constant 0 : i32
    %dma_start3A_1296 = arith.constant 0 : i32
    %dma_start3A_1297 = tpu.memref_slice %arg3[%dma_start3A_1295, %dma_start3A_1296] : memref<100000x64xf32, #tpu.memory_space<hbm>> -> memref<100000x64xf32, #tpu.memory_space<hbm>>
    tpu.enqueue_indirect_dma source(%dma_start3A_1297 : memref<100000x64xf32, #tpu.memory_space<hbm>>) target(%dma_start3A_1291 : memref<66x64xf32, #tpu.memory_space<vmem>>) offsets(%dma_start3A_1294 : memref<66xi32, #tpu.memory_space<vmem>>) semaphore(%arg8 : memref<!tpu.dma_semaphore, #tpu.memory_space<semaphore_mem>>)
    %dma_wait3A_1298 = arith.constant 14 : i32
    %dma_wait3A_1299 = arith.constant 0 : i32
    %dma_wait3A_1300 = arith.constant 0 : i32
    %dma_wait3A_1301 = arith.constant 0 : i32
    %dma_wait3A_1302 = tpu.memref_slice %arg6[%dma_wait3A_1299, %dma_wait3A_1300, %dma_wait3A_1301] : memref<2x80x64xf32, #tpu.memory_space<vmem>> -> memref<1x66x64xf32, #tpu.memory_space<vmem>>
    %dma_wait3A_1303 = tpu.memref_squeeze %dma_wait3A_1302 : memref<1x66x64xf32, #tpu.memory_space<vmem>> -> memref<66x64xf32, #tpu.memory_space<vmem>>
    %dma_wait3A_1304 = arith.constant 0 : i32
    %dma_wait3A_1305 = tpu.memref_slice %arg5[%dma_wait3A_1298, %dma_wait3A_1304] : memref<32x66xi32, #tpu.memory_space<vmem>> -> memref<1x66xi32, #tpu.memory_space<vmem>>
    %dma_wait3A_1306 = tpu.memref_squeeze %dma_wait3A_1305 : memref<1x66xi32, #tpu.memory_space<vmem>> -> memref<66xi32, #tpu.memory_space<vmem>>
    %dma_wait3A_1307 = arith.constant 0 : i32
    %dma_wait3A_1308 = arith.constant 0 : i32
    %dma_wait3A_1309 = tpu.memref_slice %arg3[%dma_wait3A_1307, %dma_wait3A_1308] : memref<100000x64xf32, #tpu.memory_space<hbm>> -> memref<100000x64xf32, #tpu.memory_space<hbm>>
    tpu.wait_indirect_dma semaphore(%arg7 : memref<!tpu.dma_semaphore, #tpu.memory_space<semaphore_mem>>) src(%dma_wait3A_1309 : memref<100000x64xf32, #tpu.memory_space<hbm>>) dst(%dma_wait3A_1303 : memref<66x64xf32, #tpu.memory_space<vmem>>)
    %add3A_1310 = arith.constant 14 : i32
    %add3A_1311 = arith.addi %mul3A_2, %add3A_1310 : i32
    %run_scoped3A_1312 = arith.constant 0 : i32
    "tpu.region"() ({
      %run_scoped3A_1760 = tpu.sem_alloc : memref<!tpu.dma_semaphore, #tpu.memory_space<semaphore_mem>>
      %dma_start3A_1761 = arith.constant 0 : i32
      %dma_start3A_1762 = arith.constant 0 : i32
      %dma_start3A_1763 = tpu.memref_slice %arg6[%run_scoped3A_1312, %dma_start3A_1761, %dma_start3A_1762] : memref<2x80x64xf32, #tpu.memory_space<vmem>> -> memref<1x80x64xf32, #tpu.memory_space<vmem>>
      %dma_start3A_1764 = tpu.memref_squeeze %dma_start3A_1763 : memref<1x80x64xf32, #tpu.memory_space<vmem>> -> memref<80x64xf32, #tpu.memory_space<vmem>>
      %dma_start3A_1765 = arith.constant 0 : i32
      %dma_start3A_1766 = arith.constant 0 : i32
      %dma_start3A_1767 = tpu.memref_slice %arg4[%add3A_1311, %dma_start3A_1765, %dma_start3A_1766] : memref<1024x80x64xf32, #tpu.memory_space<hbm>> -> memref<1x80x64xf32, #tpu.memory_space<hbm>>
      %dma_start3A_1768 = tpu.memref_squeeze %dma_start3A_1767 : memref<1x80x64xf32, #tpu.memory_space<hbm>> -> memref<80x64xf32, #tpu.memory_space<hbm>>
      %dma_start3A_1769 = arith.constant 0 : i32
      %dma_start3A_1770 = arith.constant 0 : i32
      %dma_start3A_1771 = tpu.memref_slice %arg4[%add3A_1311, %dma_start3A_1769, %dma_start3A_1770] : memref<1024x80x64xf32, #tpu.memory_space<hbm>> -> memref<1x80x64xf32, #tpu.memory_space<hbm>>
      %dma_start3A_1772 = tpu.memref_squeeze %dma_start3A_1771 : memref<1x80x64xf32, #tpu.memory_space<hbm>> -> memref<80x64xf32, #tpu.memory_space<hbm>>
      %dma_start3A_1773 = arith.constant 0 : i32
      %dma_start3A_1774 = arith.constant 0 : i32
      %dma_start3A_1775 = tpu.memref_slice %arg6[%run_scoped3A_1312, %dma_start3A_1773, %dma_start3A_1774] : memref<2x80x64xf32, #tpu.memory_space<vmem>> -> memref<1x80x64xf32, #tpu.memory_space<vmem>>
      %dma_start3A_1776 = tpu.memref_squeeze %dma_start3A_1775 : memref<1x80x64xf32, #tpu.memory_space<vmem>> -> memref<80x64xf32, #tpu.memory_space<vmem>>
      tpu.enqueue_dma source(%dma_start3A_1776 : memref<80x64xf32, #tpu.memory_space<vmem>>) target(%dma_start3A_1772 : memref<80x64xf32, #tpu.memory_space<hbm>>) target_semaphore(%run_scoped3A_1760 : memref<!tpu.dma_semaphore, #tpu.memory_space<semaphore_mem>>)
      %dma_wait3A_1777 = arith.constant 0 : i32
      %dma_wait3A_1778 = arith.constant 0 : i32
      %dma_wait3A_1779 = tpu.memref_slice %arg6[%run_scoped3A_1312, %dma_wait3A_1777, %dma_wait3A_1778] : memref<2x80x64xf32, #tpu.memory_space<vmem>> -> memref<1x80x64xf32, #tpu.memory_space<vmem>>
      %dma_wait3A_1780 = tpu.memref_squeeze %dma_wait3A_1779 : memref<1x80x64xf32, #tpu.memory_space<vmem>> -> memref<80x64xf32, #tpu.memory_space<vmem>>
      %dma_wait3A_1781 = arith.constant 0 : i32
      %dma_wait3A_1782 = arith.constant 0 : i32
      %dma_wait3A_1783 = tpu.memref_slice %arg4[%add3A_1311, %dma_wait3A_1781, %dma_wait3A_1782] : memref<1024x80x64xf32, #tpu.memory_space<hbm>> -> memref<1x80x64xf32, #tpu.memory_space<hbm>>
      %dma_wait3A_1784 = tpu.memref_squeeze %dma_wait3A_1783 : memref<1x80x64xf32, #tpu.memory_space<hbm>> -> memref<80x64xf32, #tpu.memory_space<hbm>>
      %dma_wait3A_1785 = arith.constant 0 : i32
      %dma_wait3A_1786 = arith.constant 0 : i32
      %dma_wait3A_1787 = tpu.memref_slice %arg4[%add3A_1311, %dma_wait3A_1785, %dma_wait3A_1786] : memref<1024x80x64xf32, #tpu.memory_space<hbm>> -> memref<1x80x64xf32, #tpu.memory_space<hbm>>
      %dma_wait3A_1788 = tpu.memref_squeeze %dma_wait3A_1787 : memref<1x80x64xf32, #tpu.memory_space<hbm>> -> memref<80x64xf32, #tpu.memory_space<hbm>>
      %dma_wait3A_1789 = arith.constant 0 : i32
      %dma_wait3A_1790 = arith.constant 0 : i32
      %dma_wait3A_1791 = tpu.memref_slice %arg6[%run_scoped3A_1312, %dma_wait3A_1789, %dma_wait3A_1790] : memref<2x80x64xf32, #tpu.memory_space<vmem>> -> memref<1x80x64xf32, #tpu.memory_space<vmem>>
      %dma_wait3A_1792 = tpu.memref_squeeze %dma_wait3A_1791 : memref<1x80x64xf32, #tpu.memory_space<vmem>> -> memref<80x64xf32, #tpu.memory_space<vmem>>
      tpu.wait_dma2 semaphore(%run_scoped3A_1760 : memref<!tpu.dma_semaphore, #tpu.memory_space<semaphore_mem>>) src(%dma_wait3A_1792 : memref<80x64xf32, #tpu.memory_space<vmem>>) dst(%dma_wait3A_1788 : memref<80x64xf32, #tpu.memory_space<hbm>>)
      tpu.yield
    }) : () -> ()
    %dma_start3A_1313 = arith.constant 16 : i32
    %dma_start3A_1314 = arith.constant 0 : i32
    %dma_start3A_1315 = arith.constant 0 : i32
    %dma_start3A_1316 = arith.constant 0 : i32
    %dma_start3A_1317 = tpu.memref_slice %arg6[%dma_start3A_1314, %dma_start3A_1315, %dma_start3A_1316] : memref<2x80x64xf32, #tpu.memory_space<vmem>> -> memref<1x66x64xf32, #tpu.memory_space<vmem>>
    %dma_start3A_1318 = tpu.memref_squeeze %dma_start3A_1317 : memref<1x66x64xf32, #tpu.memory_space<vmem>> -> memref<66x64xf32, #tpu.memory_space<vmem>>
    %dma_start3A_1319 = arith.constant 0 : i32
    %dma_start3A_1320 = tpu.memref_slice %arg5[%dma_start3A_1313, %dma_start3A_1319] : memref<32x66xi32, #tpu.memory_space<vmem>> -> memref<1x66xi32, #tpu.memory_space<vmem>>
    %dma_start3A_1321 = tpu.memref_squeeze %dma_start3A_1320 : memref<1x66xi32, #tpu.memory_space<vmem>> -> memref<66xi32, #tpu.memory_space<vmem>>
    %dma_start3A_1322 = arith.constant 0 : i32
    %dma_start3A_1323 = arith.constant 0 : i32
    %dma_start3A_1324 = tpu.memref_slice %arg3[%dma_start3A_1322, %dma_start3A_1323] : memref<100000x64xf32, #tpu.memory_space<hbm>> -> memref<100000x64xf32, #tpu.memory_space<hbm>>
    tpu.enqueue_indirect_dma source(%dma_start3A_1324 : memref<100000x64xf32, #tpu.memory_space<hbm>>) target(%dma_start3A_1318 : memref<66x64xf32, #tpu.memory_space<vmem>>) offsets(%dma_start3A_1321 : memref<66xi32, #tpu.memory_space<vmem>>) semaphore(%arg7 : memref<!tpu.dma_semaphore, #tpu.memory_space<semaphore_mem>>)
    %dma_wait3A_1325 = arith.constant 15 : i32
    %dma_wait3A_1326 = arith.constant 1 : i32
    %dma_wait3A_1327 = arith.constant 0 : i32
    %dma_wait3A_1328 = arith.constant 0 : i32
    %dma_wait3A_1329 = tpu.memref_slice %arg6[%dma_wait3A_1326, %dma_wait3A_1327, %dma_wait3A_1328] : memref<2x80x64xf32, #tpu.memory_space<vmem>> -> memref<1x66x64xf32, #tpu.memory_space<vmem>>
    %dma_wait3A_1330 = tpu.memref_squeeze %dma_wait3A_1329 : memref<1x66x64xf32, #tpu.memory_space<vmem>> -> memref<66x64xf32, #tpu.memory_space<vmem>>
    %dma_wait3A_1331 = arith.constant 0 : i32
    %dma_wait3A_1332 = tpu.memref_slice %arg5[%dma_wait3A_1325, %dma_wait3A_1331] : memref<32x66xi32, #tpu.memory_space<vmem>> -> memref<1x66xi32, #tpu.memory_space<vmem>>
    %dma_wait3A_1333 = tpu.memref_squeeze %dma_wait3A_1332 : memref<1x66xi32, #tpu.memory_space<vmem>> -> memref<66xi32, #tpu.memory_space<vmem>>
    %dma_wait3A_1334 = arith.constant 0 : i32
    %dma_wait3A_1335 = arith.constant 0 : i32
    %dma_wait3A_1336 = tpu.memref_slice %arg3[%dma_wait3A_1334, %dma_wait3A_1335] : memref<100000x64xf32, #tpu.memory_space<hbm>> -> memref<100000x64xf32, #tpu.memory_space<hbm>>
    tpu.wait_indirect_dma semaphore(%arg8 : memref<!tpu.dma_semaphore, #tpu.memory_space<semaphore_mem>>) src(%dma_wait3A_1336 : memref<100000x64xf32, #tpu.memory_space<hbm>>) dst(%dma_wait3A_1330 : memref<66x64xf32, #tpu.memory_space<vmem>>)
    %add3A_1337 = arith.constant 15 : i32
    %add3A_1338 = arith.addi %mul3A_2, %add3A_1337 : i32
    %run_scoped3A_1339 = arith.constant 1 : i32
    "tpu.region"() ({
      %run_scoped3A_1760 = tpu.sem_alloc : memref<!tpu.dma_semaphore, #tpu.memory_space<semaphore_mem>>
      %dma_start3A_1761 = arith.constant 0 : i32
      %dma_start3A_1762 = arith.constant 0 : i32
      %dma_start3A_1763 = tpu.memref_slice %arg6[%run_scoped3A_1339, %dma_start3A_1761, %dma_start3A_1762] : memref<2x80x64xf32, #tpu.memory_space<vmem>> -> memref<1x80x64xf32, #tpu.memory_space<vmem>>
      %dma_start3A_1764 = tpu.memref_squeeze %dma_start3A_1763 : memref<1x80x64xf32, #tpu.memory_space<vmem>> -> memref<80x64xf32, #tpu.memory_space<vmem>>
      %dma_start3A_1765 = arith.constant 0 : i32
      %dma_start3A_1766 = arith.constant 0 : i32
      %dma_start3A_1767 = tpu.memref_slice %arg4[%add3A_1338, %dma_start3A_1765, %dma_start3A_1766] : memref<1024x80x64xf32, #tpu.memory_space<hbm>> -> memref<1x80x64xf32, #tpu.memory_space<hbm>>
      %dma_start3A_1768 = tpu.memref_squeeze %dma_start3A_1767 : memref<1x80x64xf32, #tpu.memory_space<hbm>> -> memref<80x64xf32, #tpu.memory_space<hbm>>
      %dma_start3A_1769 = arith.constant 0 : i32
      %dma_start3A_1770 = arith.constant 0 : i32
      %dma_start3A_1771 = tpu.memref_slice %arg4[%add3A_1338, %dma_start3A_1769, %dma_start3A_1770] : memref<1024x80x64xf32, #tpu.memory_space<hbm>> -> memref<1x80x64xf32, #tpu.memory_space<hbm>>
      %dma_start3A_1772 = tpu.memref_squeeze %dma_start3A_1771 : memref<1x80x64xf32, #tpu.memory_space<hbm>> -> memref<80x64xf32, #tpu.memory_space<hbm>>
      %dma_start3A_1773 = arith.constant 0 : i32
      %dma_start3A_1774 = arith.constant 0 : i32
      %dma_start3A_1775 = tpu.memref_slice %arg6[%run_scoped3A_1339, %dma_start3A_1773, %dma_start3A_1774] : memref<2x80x64xf32, #tpu.memory_space<vmem>> -> memref<1x80x64xf32, #tpu.memory_space<vmem>>
      %dma_start3A_1776 = tpu.memref_squeeze %dma_start3A_1775 : memref<1x80x64xf32, #tpu.memory_space<vmem>> -> memref<80x64xf32, #tpu.memory_space<vmem>>
      tpu.enqueue_dma source(%dma_start3A_1776 : memref<80x64xf32, #tpu.memory_space<vmem>>) target(%dma_start3A_1772 : memref<80x64xf32, #tpu.memory_space<hbm>>) target_semaphore(%run_scoped3A_1760 : memref<!tpu.dma_semaphore, #tpu.memory_space<semaphore_mem>>)
      %dma_wait3A_1777 = arith.constant 0 : i32
      %dma_wait3A_1778 = arith.constant 0 : i32
      %dma_wait3A_1779 = tpu.memref_slice %arg6[%run_scoped3A_1339, %dma_wait3A_1777, %dma_wait3A_1778] : memref<2x80x64xf32, #tpu.memory_space<vmem>> -> memref<1x80x64xf32, #tpu.memory_space<vmem>>
      %dma_wait3A_1780 = tpu.memref_squeeze %dma_wait3A_1779 : memref<1x80x64xf32, #tpu.memory_space<vmem>> -> memref<80x64xf32, #tpu.memory_space<vmem>>
      %dma_wait3A_1781 = arith.constant 0 : i32
      %dma_wait3A_1782 = arith.constant 0 : i32
      %dma_wait3A_1783 = tpu.memref_slice %arg4[%add3A_1338, %dma_wait3A_1781, %dma_wait3A_1782] : memref<1024x80x64xf32, #tpu.memory_space<hbm>> -> memref<1x80x64xf32, #tpu.memory_space<hbm>>
      %dma_wait3A_1784 = tpu.memref_squeeze %dma_wait3A_1783 : memref<1x80x64xf32, #tpu.memory_space<hbm>> -> memref<80x64xf32, #tpu.memory_space<hbm>>
      %dma_wait3A_1785 = arith.constant 0 : i32
      %dma_wait3A_1786 = arith.constant 0 : i32
      %dma_wait3A_1787 = tpu.memref_slice %arg4[%add3A_1338, %dma_wait3A_1785, %dma_wait3A_1786] : memref<1024x80x64xf32, #tpu.memory_space<hbm>> -> memref<1x80x64xf32, #tpu.memory_space<hbm>>
      %dma_wait3A_1788 = tpu.memref_squeeze %dma_wait3A_1787 : memref<1x80x64xf32, #tpu.memory_space<hbm>> -> memref<80x64xf32, #tpu.memory_space<hbm>>
      %dma_wait3A_1789 = arith.constant 0 : i32
      %dma_wait3A_1790 = arith.constant 0 : i32
      %dma_wait3A_1791 = tpu.memref_slice %arg6[%run_scoped3A_1339, %dma_wait3A_1789, %dma_wait3A_1790] : memref<2x80x64xf32, #tpu.memory_space<vmem>> -> memref<1x80x64xf32, #tpu.memory_space<vmem>>
      %dma_wait3A_1792 = tpu.memref_squeeze %dma_wait3A_1791 : memref<1x80x64xf32, #tpu.memory_space<vmem>> -> memref<80x64xf32, #tpu.memory_space<vmem>>
      tpu.wait_dma2 semaphore(%run_scoped3A_1760 : memref<!tpu.dma_semaphore, #tpu.memory_space<semaphore_mem>>) src(%dma_wait3A_1792 : memref<80x64xf32, #tpu.memory_space<vmem>>) dst(%dma_wait3A_1788 : memref<80x64xf32, #tpu.memory_space<hbm>>)
      tpu.yield
    }) : () -> ()
    %dma_start3A_1340 = arith.constant 17 : i32
    %dma_start3A_1341 = arith.constant 1 : i32
    %dma_start3A_1342 = arith.constant 0 : i32
    %dma_start3A_1343 = arith.constant 0 : i32
    %dma_start3A_1344 = tpu.memref_slice %arg6[%dma_start3A_1341, %dma_start3A_1342, %dma_start3A_1343] : memref<2x80x64xf32, #tpu.memory_space<vmem>> -> memref<1x66x64xf32, #tpu.memory_space<vmem>>
    %dma_start3A_1345 = tpu.memref_squeeze %dma_start3A_1344 : memref<1x66x64xf32, #tpu.memory_space<vmem>> -> memref<66x64xf32, #tpu.memory_space<vmem>>
    %dma_start3A_1346 = arith.constant 0 : i32
    %dma_start3A_1347 = tpu.memref_slice %arg5[%dma_start3A_1340, %dma_start3A_1346] : memref<32x66xi32, #tpu.memory_space<vmem>> -> memref<1x66xi32, #tpu.memory_space<vmem>>
    %dma_start3A_1348 = tpu.memref_squeeze %dma_start3A_1347 : memref<1x66xi32, #tpu.memory_space<vmem>> -> memref<66xi32, #tpu.memory_space<vmem>>
    %dma_start3A_1349 = arith.constant 0 : i32
    %dma_start3A_1350 = arith.constant 0 : i32
    %dma_start3A_1351 = tpu.memref_slice %arg3[%dma_start3A_1349, %dma_start3A_1350] : memref<100000x64xf32, #tpu.memory_space<hbm>> -> memref<100000x64xf32, #tpu.memory_space<hbm>>
    tpu.enqueue_indirect_dma source(%dma_start3A_1351 : memref<100000x64xf32, #tpu.memory_space<hbm>>) target(%dma_start3A_1345 : memref<66x64xf32, #tpu.memory_space<vmem>>) offsets(%dma_start3A_1348 : memref<66xi32, #tpu.memory_space<vmem>>) semaphore(%arg8 : memref<!tpu.dma_semaphore, #tpu.memory_space<semaphore_mem>>)
    %dma_wait3A_1352 = arith.constant 16 : i32
    %dma_wait3A_1353 = arith.constant 0 : i32
    %dma_wait3A_1354 = arith.constant 0 : i32
    %dma_wait3A_1355 = arith.constant 0 : i32
    %dma_wait3A_1356 = tpu.memref_slice %arg6[%dma_wait3A_1353, %dma_wait3A_1354, %dma_wait3A_1355] : memref<2x80x64xf32, #tpu.memory_space<vmem>> -> memref<1x66x64xf32, #tpu.memory_space<vmem>>
    %dma_wait3A_1357 = tpu.memref_squeeze %dma_wait3A_1356 : memref<1x66x64xf32, #tpu.memory_space<vmem>> -> memref<66x64xf32, #tpu.memory_space<vmem>>
    %dma_wait3A_1358 = arith.constant 0 : i32
    %dma_wait3A_1359 = tpu.memref_slice %arg5[%dma_wait3A_1352, %dma_wait3A_1358] : memref<32x66xi32, #tpu.memory_space<vmem>> -> memref<1x66xi32, #tpu.memory_space<vmem>>
    %dma_wait3A_1360 = tpu.memref_squeeze %dma_wait3A_1359 : memref<1x66xi32, #tpu.memory_space<vmem>> -> memref<66xi32, #tpu.memory_space<vmem>>
    %dma_wait3A_1361 = arith.constant 0 : i32
    %dma_wait3A_1362 = arith.constant 0 : i32
    %dma_wait3A_1363 = tpu.memref_slice %arg3[%dma_wait3A_1361, %dma_wait3A_1362] : memref<100000x64xf32, #tpu.memory_space<hbm>> -> memref<100000x64xf32, #tpu.memory_space<hbm>>
    tpu.wait_indirect_dma semaphore(%arg7 : memref<!tpu.dma_semaphore, #tpu.memory_space<semaphore_mem>>) src(%dma_wait3A_1363 : memref<100000x64xf32, #tpu.memory_space<hbm>>) dst(%dma_wait3A_1357 : memref<66x64xf32, #tpu.memory_space<vmem>>)
    %add3A_1364 = arith.constant 16 : i32
    %add3A_1365 = arith.addi %mul3A_2, %add3A_1364 : i32
    %run_scoped3A_1366 = arith.constant 0 : i32
    "tpu.region"() ({
      %run_scoped3A_1760 = tpu.sem_alloc : memref<!tpu.dma_semaphore, #tpu.memory_space<semaphore_mem>>
      %dma_start3A_1761 = arith.constant 0 : i32
      %dma_start3A_1762 = arith.constant 0 : i32
      %dma_start3A_1763 = tpu.memref_slice %arg6[%run_scoped3A_1366, %dma_start3A_1761, %dma_start3A_1762] : memref<2x80x64xf32, #tpu.memory_space<vmem>> -> memref<1x80x64xf32, #tpu.memory_space<vmem>>
      %dma_start3A_1764 = tpu.memref_squeeze %dma_start3A_1763 : memref<1x80x64xf32, #tpu.memory_space<vmem>> -> memref<80x64xf32, #tpu.memory_space<vmem>>
      %dma_start3A_1765 = arith.constant 0 : i32
      %dma_start3A_1766 = arith.constant 0 : i32
      %dma_start3A_1767 = tpu.memref_slice %arg4[%add3A_1365, %dma_start3A_1765, %dma_start3A_1766] : memref<1024x80x64xf32, #tpu.memory_space<hbm>> -> memref<1x80x64xf32, #tpu.memory_space<hbm>>
      %dma_start3A_1768 = tpu.memref_squeeze %dma_start3A_1767 : memref<1x80x64xf32, #tpu.memory_space<hbm>> -> memref<80x64xf32, #tpu.memory_space<hbm>>
      %dma_start3A_1769 = arith.constant 0 : i32
      %dma_start3A_1770 = arith.constant 0 : i32
      %dma_start3A_1771 = tpu.memref_slice %arg4[%add3A_1365, %dma_start3A_1769, %dma_start3A_1770] : memref<1024x80x64xf32, #tpu.memory_space<hbm>> -> memref<1x80x64xf32, #tpu.memory_space<hbm>>
      %dma_start3A_1772 = tpu.memref_squeeze %dma_start3A_1771 : memref<1x80x64xf32, #tpu.memory_space<hbm>> -> memref<80x64xf32, #tpu.memory_space<hbm>>
      %dma_start3A_1773 = arith.constant 0 : i32
      %dma_start3A_1774 = arith.constant 0 : i32
      %dma_start3A_1775 = tpu.memref_slice %arg6[%run_scoped3A_1366, %dma_start3A_1773, %dma_start3A_1774] : memref<2x80x64xf32, #tpu.memory_space<vmem>> -> memref<1x80x64xf32, #tpu.memory_space<vmem>>
      %dma_start3A_1776 = tpu.memref_squeeze %dma_start3A_1775 : memref<1x80x64xf32, #tpu.memory_space<vmem>> -> memref<80x64xf32, #tpu.memory_space<vmem>>
      tpu.enqueue_dma source(%dma_start3A_1776 : memref<80x64xf32, #tpu.memory_space<vmem>>) target(%dma_start3A_1772 : memref<80x64xf32, #tpu.memory_space<hbm>>) target_semaphore(%run_scoped3A_1760 : memref<!tpu.dma_semaphore, #tpu.memory_space<semaphore_mem>>)
      %dma_wait3A_1777 = arith.constant 0 : i32
      %dma_wait3A_1778 = arith.constant 0 : i32
      %dma_wait3A_1779 = tpu.memref_slice %arg6[%run_scoped3A_1366, %dma_wait3A_1777, %dma_wait3A_1778] : memref<2x80x64xf32, #tpu.memory_space<vmem>> -> memref<1x80x64xf32, #tpu.memory_space<vmem>>
      %dma_wait3A_1780 = tpu.memref_squeeze %dma_wait3A_1779 : memref<1x80x64xf32, #tpu.memory_space<vmem>> -> memref<80x64xf32, #tpu.memory_space<vmem>>
      %dma_wait3A_1781 = arith.constant 0 : i32
      %dma_wait3A_1782 = arith.constant 0 : i32
      %dma_wait3A_1783 = tpu.memref_slice %arg4[%add3A_1365, %dma_wait3A_1781, %dma_wait3A_1782] : memref<1024x80x64xf32, #tpu.memory_space<hbm>> -> memref<1x80x64xf32, #tpu.memory_space<hbm>>
      %dma_wait3A_1784 = tpu.memref_squeeze %dma_wait3A_1783 : memref<1x80x64xf32, #tpu.memory_space<hbm>> -> memref<80x64xf32, #tpu.memory_space<hbm>>
      %dma_wait3A_1785 = arith.constant 0 : i32
      %dma_wait3A_1786 = arith.constant 0 : i32
      %dma_wait3A_1787 = tpu.memref_slice %arg4[%add3A_1365, %dma_wait3A_1785, %dma_wait3A_1786] : memref<1024x80x64xf32, #tpu.memory_space<hbm>> -> memref<1x80x64xf32, #tpu.memory_space<hbm>>
      %dma_wait3A_1788 = tpu.memref_squeeze %dma_wait3A_1787 : memref<1x80x64xf32, #tpu.memory_space<hbm>> -> memref<80x64xf32, #tpu.memory_space<hbm>>
      %dma_wait3A_1789 = arith.constant 0 : i32
      %dma_wait3A_1790 = arith.constant 0 : i32
      %dma_wait3A_1791 = tpu.memref_slice %arg6[%run_scoped3A_1366, %dma_wait3A_1789, %dma_wait3A_1790] : memref<2x80x64xf32, #tpu.memory_space<vmem>> -> memref<1x80x64xf32, #tpu.memory_space<vmem>>
      %dma_wait3A_1792 = tpu.memref_squeeze %dma_wait3A_1791 : memref<1x80x64xf32, #tpu.memory_space<vmem>> -> memref<80x64xf32, #tpu.memory_space<vmem>>
      tpu.wait_dma2 semaphore(%run_scoped3A_1760 : memref<!tpu.dma_semaphore, #tpu.memory_space<semaphore_mem>>) src(%dma_wait3A_1792 : memref<80x64xf32, #tpu.memory_space<vmem>>) dst(%dma_wait3A_1788 : memref<80x64xf32, #tpu.memory_space<hbm>>)
      tpu.yield
    }) : () -> ()
    %dma_start3A_1367 = arith.constant 18 : i32
    %dma_start3A_1368 = arith.constant 0 : i32
    %dma_start3A_1369 = arith.constant 0 : i32
    %dma_start3A_1370 = arith.constant 0 : i32
    %dma_start3A_1371 = tpu.memref_slice %arg6[%dma_start3A_1368, %dma_start3A_1369, %dma_start3A_1370] : memref<2x80x64xf32, #tpu.memory_space<vmem>> -> memref<1x66x64xf32, #tpu.memory_space<vmem>>
    %dma_start3A_1372 = tpu.memref_squeeze %dma_start3A_1371 : memref<1x66x64xf32, #tpu.memory_space<vmem>> -> memref<66x64xf32, #tpu.memory_space<vmem>>
    %dma_start3A_1373 = arith.constant 0 : i32
    %dma_start3A_1374 = tpu.memref_slice %arg5[%dma_start3A_1367, %dma_start3A_1373] : memref<32x66xi32, #tpu.memory_space<vmem>> -> memref<1x66xi32, #tpu.memory_space<vmem>>
    %dma_start3A_1375 = tpu.memref_squeeze %dma_start3A_1374 : memref<1x66xi32, #tpu.memory_space<vmem>> -> memref<66xi32, #tpu.memory_space<vmem>>
    %dma_start3A_1376 = arith.constant 0 : i32
    %dma_start3A_1377 = arith.constant 0 : i32
    %dma_start3A_1378 = tpu.memref_slice %arg3[%dma_start3A_1376, %dma_start3A_1377] : memref<100000x64xf32, #tpu.memory_space<hbm>> -> memref<100000x64xf32, #tpu.memory_space<hbm>>
    tpu.enqueue_indirect_dma source(%dma_start3A_1378 : memref<100000x64xf32, #tpu.memory_space<hbm>>) target(%dma_start3A_1372 : memref<66x64xf32, #tpu.memory_space<vmem>>) offsets(%dma_start3A_1375 : memref<66xi32, #tpu.memory_space<vmem>>) semaphore(%arg7 : memref<!tpu.dma_semaphore, #tpu.memory_space<semaphore_mem>>)
    %dma_wait3A_1379 = arith.constant 17 : i32
    %dma_wait3A_1380 = arith.constant 1 : i32
    %dma_wait3A_1381 = arith.constant 0 : i32
    %dma_wait3A_1382 = arith.constant 0 : i32
    %dma_wait3A_1383 = tpu.memref_slice %arg6[%dma_wait3A_1380, %dma_wait3A_1381, %dma_wait3A_1382] : memref<2x80x64xf32, #tpu.memory_space<vmem>> -> memref<1x66x64xf32, #tpu.memory_space<vmem>>
    %dma_wait3A_1384 = tpu.memref_squeeze %dma_wait3A_1383 : memref<1x66x64xf32, #tpu.memory_space<vmem>> -> memref<66x64xf32, #tpu.memory_space<vmem>>
    %dma_wait3A_1385 = arith.constant 0 : i32
    %dma_wait3A_1386 = tpu.memref_slice %arg5[%dma_wait3A_1379, %dma_wait3A_1385] : memref<32x66xi32, #tpu.memory_space<vmem>> -> memref<1x66xi32, #tpu.memory_space<vmem>>
    %dma_wait3A_1387 = tpu.memref_squeeze %dma_wait3A_1386 : memref<1x66xi32, #tpu.memory_space<vmem>> -> memref<66xi32, #tpu.memory_space<vmem>>
    %dma_wait3A_1388 = arith.constant 0 : i32
    %dma_wait3A_1389 = arith.constant 0 : i32
    %dma_wait3A_1390 = tpu.memref_slice %arg3[%dma_wait3A_1388, %dma_wait3A_1389] : memref<100000x64xf32, #tpu.memory_space<hbm>> -> memref<100000x64xf32, #tpu.memory_space<hbm>>
    tpu.wait_indirect_dma semaphore(%arg8 : memref<!tpu.dma_semaphore, #tpu.memory_space<semaphore_mem>>) src(%dma_wait3A_1390 : memref<100000x64xf32, #tpu.memory_space<hbm>>) dst(%dma_wait3A_1384 : memref<66x64xf32, #tpu.memory_space<vmem>>)
    %add3A_1391 = arith.constant 17 : i32
    %add3A_1392 = arith.addi %mul3A_2, %add3A_1391 : i32
    %run_scoped3A_1393 = arith.constant 1 : i32
    "tpu.region"() ({
      %run_scoped3A_1760 = tpu.sem_alloc : memref<!tpu.dma_semaphore, #tpu.memory_space<semaphore_mem>>
      %dma_start3A_1761 = arith.constant 0 : i32
      %dma_start3A_1762 = arith.constant 0 : i32
      %dma_start3A_1763 = tpu.memref_slice %arg6[%run_scoped3A_1393, %dma_start3A_1761, %dma_start3A_1762] : memref<2x80x64xf32, #tpu.memory_space<vmem>> -> memref<1x80x64xf32, #tpu.memory_space<vmem>>
      %dma_start3A_1764 = tpu.memref_squeeze %dma_start3A_1763 : memref<1x80x64xf32, #tpu.memory_space<vmem>> -> memref<80x64xf32, #tpu.memory_space<vmem>>
      %dma_start3A_1765 = arith.constant 0 : i32
      %dma_start3A_1766 = arith.constant 0 : i32
      %dma_start3A_1767 = tpu.memref_slice %arg4[%add3A_1392, %dma_start3A_1765, %dma_start3A_1766] : memref<1024x80x64xf32, #tpu.memory_space<hbm>> -> memref<1x80x64xf32, #tpu.memory_space<hbm>>
      %dma_start3A_1768 = tpu.memref_squeeze %dma_start3A_1767 : memref<1x80x64xf32, #tpu.memory_space<hbm>> -> memref<80x64xf32, #tpu.memory_space<hbm>>
      %dma_start3A_1769 = arith.constant 0 : i32
      %dma_start3A_1770 = arith.constant 0 : i32
      %dma_start3A_1771 = tpu.memref_slice %arg4[%add3A_1392, %dma_start3A_1769, %dma_start3A_1770] : memref<1024x80x64xf32, #tpu.memory_space<hbm>> -> memref<1x80x64xf32, #tpu.memory_space<hbm>>
      %dma_start3A_1772 = tpu.memref_squeeze %dma_start3A_1771 : memref<1x80x64xf32, #tpu.memory_space<hbm>> -> memref<80x64xf32, #tpu.memory_space<hbm>>
      %dma_start3A_1773 = arith.constant 0 : i32
      %dma_start3A_1774 = arith.constant 0 : i32
      %dma_start3A_1775 = tpu.memref_slice %arg6[%run_scoped3A_1393, %dma_start3A_1773, %dma_start3A_1774] : memref<2x80x64xf32, #tpu.memory_space<vmem>> -> memref<1x80x64xf32, #tpu.memory_space<vmem>>
      %dma_start3A_1776 = tpu.memref_squeeze %dma_start3A_1775 : memref<1x80x64xf32, #tpu.memory_space<vmem>> -> memref<80x64xf32, #tpu.memory_space<vmem>>
      tpu.enqueue_dma source(%dma_start3A_1776 : memref<80x64xf32, #tpu.memory_space<vmem>>) target(%dma_start3A_1772 : memref<80x64xf32, #tpu.memory_space<hbm>>) target_semaphore(%run_scoped3A_1760 : memref<!tpu.dma_semaphore, #tpu.memory_space<semaphore_mem>>)
      %dma_wait3A_1777 = arith.constant 0 : i32
      %dma_wait3A_1778 = arith.constant 0 : i32
      %dma_wait3A_1779 = tpu.memref_slice %arg6[%run_scoped3A_1393, %dma_wait3A_1777, %dma_wait3A_1778] : memref<2x80x64xf32, #tpu.memory_space<vmem>> -> memref<1x80x64xf32, #tpu.memory_space<vmem>>
      %dma_wait3A_1780 = tpu.memref_squeeze %dma_wait3A_1779 : memref<1x80x64xf32, #tpu.memory_space<vmem>> -> memref<80x64xf32, #tpu.memory_space<vmem>>
      %dma_wait3A_1781 = arith.constant 0 : i32
      %dma_wait3A_1782 = arith.constant 0 : i32
      %dma_wait3A_1783 = tpu.memref_slice %arg4[%add3A_1392, %dma_wait3A_1781, %dma_wait3A_1782] : memref<1024x80x64xf32, #tpu.memory_space<hbm>> -> memref<1x80x64xf32, #tpu.memory_space<hbm>>
      %dma_wait3A_1784 = tpu.memref_squeeze %dma_wait3A_1783 : memref<1x80x64xf32, #tpu.memory_space<hbm>> -> memref<80x64xf32, #tpu.memory_space<hbm>>
      %dma_wait3A_1785 = arith.constant 0 : i32
      %dma_wait3A_1786 = arith.constant 0 : i32
      %dma_wait3A_1787 = tpu.memref_slice %arg4[%add3A_1392, %dma_wait3A_1785, %dma_wait3A_1786] : memref<1024x80x64xf32, #tpu.memory_space<hbm>> -> memref<1x80x64xf32, #tpu.memory_space<hbm>>
      %dma_wait3A_1788 = tpu.memref_squeeze %dma_wait3A_1787 : memref<1x80x64xf32, #tpu.memory_space<hbm>> -> memref<80x64xf32, #tpu.memory_space<hbm>>
      %dma_wait3A_1789 = arith.constant 0 : i32
      %dma_wait3A_1790 = arith.constant 0 : i32
      %dma_wait3A_1791 = tpu.memref_slice %arg6[%run_scoped3A_1393, %dma_wait3A_1789, %dma_wait3A_1790] : memref<2x80x64xf32, #tpu.memory_space<vmem>> -> memref<1x80x64xf32, #tpu.memory_space<vmem>>
      %dma_wait3A_1792 = tpu.memref_squeeze %dma_wait3A_1791 : memref<1x80x64xf32, #tpu.memory_space<vmem>> -> memref<80x64xf32, #tpu.memory_space<vmem>>
      tpu.wait_dma2 semaphore(%run_scoped3A_1760 : memref<!tpu.dma_semaphore, #tpu.memory_space<semaphore_mem>>) src(%dma_wait3A_1792 : memref<80x64xf32, #tpu.memory_space<vmem>>) dst(%dma_wait3A_1788 : memref<80x64xf32, #tpu.memory_space<hbm>>)
      tpu.yield
    }) : () -> ()
    %dma_start3A_1394 = arith.constant 19 : i32
    %dma_start3A_1395 = arith.constant 1 : i32
    %dma_start3A_1396 = arith.constant 0 : i32
    %dma_start3A_1397 = arith.constant 0 : i32
    %dma_start3A_1398 = tpu.memref_slice %arg6[%dma_start3A_1395, %dma_start3A_1396, %dma_start3A_1397] : memref<2x80x64xf32, #tpu.memory_space<vmem>> -> memref<1x66x64xf32, #tpu.memory_space<vmem>>
    %dma_start3A_1399 = tpu.memref_squeeze %dma_start3A_1398 : memref<1x66x64xf32, #tpu.memory_space<vmem>> -> memref<66x64xf32, #tpu.memory_space<vmem>>
    %dma_start3A_1400 = arith.constant 0 : i32
    %dma_start3A_1401 = tpu.memref_slice %arg5[%dma_start3A_1394, %dma_start3A_1400] : memref<32x66xi32, #tpu.memory_space<vmem>> -> memref<1x66xi32, #tpu.memory_space<vmem>>
    %dma_start3A_1402 = tpu.memref_squeeze %dma_start3A_1401 : memref<1x66xi32, #tpu.memory_space<vmem>> -> memref<66xi32, #tpu.memory_space<vmem>>
    %dma_start3A_1403 = arith.constant 0 : i32
    %dma_start3A_1404 = arith.constant 0 : i32
    %dma_start3A_1405 = tpu.memref_slice %arg3[%dma_start3A_1403, %dma_start3A_1404] : memref<100000x64xf32, #tpu.memory_space<hbm>> -> memref<100000x64xf32, #tpu.memory_space<hbm>>
    tpu.enqueue_indirect_dma source(%dma_start3A_1405 : memref<100000x64xf32, #tpu.memory_space<hbm>>) target(%dma_start3A_1399 : memref<66x64xf32, #tpu.memory_space<vmem>>) offsets(%dma_start3A_1402 : memref<66xi32, #tpu.memory_space<vmem>>) semaphore(%arg8 : memref<!tpu.dma_semaphore, #tpu.memory_space<semaphore_mem>>)
    %dma_wait3A_1406 = arith.constant 18 : i32
    %dma_wait3A_1407 = arith.constant 0 : i32
    %dma_wait3A_1408 = arith.constant 0 : i32
    %dma_wait3A_1409 = arith.constant 0 : i32
    %dma_wait3A_1410 = tpu.memref_slice %arg6[%dma_wait3A_1407, %dma_wait3A_1408, %dma_wait3A_1409] : memref<2x80x64xf32, #tpu.memory_space<vmem>> -> memref<1x66x64xf32, #tpu.memory_space<vmem>>
    %dma_wait3A_1411 = tpu.memref_squeeze %dma_wait3A_1410 : memref<1x66x64xf32, #tpu.memory_space<vmem>> -> memref<66x64xf32, #tpu.memory_space<vmem>>
    %dma_wait3A_1412 = arith.constant 0 : i32
    %dma_wait3A_1413 = tpu.memref_slice %arg5[%dma_wait3A_1406, %dma_wait3A_1412] : memref<32x66xi32, #tpu.memory_space<vmem>> -> memref<1x66xi32, #tpu.memory_space<vmem>>
    %dma_wait3A_1414 = tpu.memref_squeeze %dma_wait3A_1413 : memref<1x66xi32, #tpu.memory_space<vmem>> -> memref<66xi32, #tpu.memory_space<vmem>>
    %dma_wait3A_1415 = arith.constant 0 : i32
    %dma_wait3A_1416 = arith.constant 0 : i32
    %dma_wait3A_1417 = tpu.memref_slice %arg3[%dma_wait3A_1415, %dma_wait3A_1416] : memref<100000x64xf32, #tpu.memory_space<hbm>> -> memref<100000x64xf32, #tpu.memory_space<hbm>>
    tpu.wait_indirect_dma semaphore(%arg7 : memref<!tpu.dma_semaphore, #tpu.memory_space<semaphore_mem>>) src(%dma_wait3A_1417 : memref<100000x64xf32, #tpu.memory_space<hbm>>) dst(%dma_wait3A_1411 : memref<66x64xf32, #tpu.memory_space<vmem>>)
    %add3A_1418 = arith.constant 18 : i32
    %add3A_1419 = arith.addi %mul3A_2, %add3A_1418 : i32
    %run_scoped3A_1420 = arith.constant 0 : i32
    "tpu.region"() ({
      %run_scoped3A_1760 = tpu.sem_alloc : memref<!tpu.dma_semaphore, #tpu.memory_space<semaphore_mem>>
      %dma_start3A_1761 = arith.constant 0 : i32
      %dma_start3A_1762 = arith.constant 0 : i32
      %dma_start3A_1763 = tpu.memref_slice %arg6[%run_scoped3A_1420, %dma_start3A_1761, %dma_start3A_1762] : memref<2x80x64xf32, #tpu.memory_space<vmem>> -> memref<1x80x64xf32, #tpu.memory_space<vmem>>
      %dma_start3A_1764 = tpu.memref_squeeze %dma_start3A_1763 : memref<1x80x64xf32, #tpu.memory_space<vmem>> -> memref<80x64xf32, #tpu.memory_space<vmem>>
      %dma_start3A_1765 = arith.constant 0 : i32
      %dma_start3A_1766 = arith.constant 0 : i32
      %dma_start3A_1767 = tpu.memref_slice %arg4[%add3A_1419, %dma_start3A_1765, %dma_start3A_1766] : memref<1024x80x64xf32, #tpu.memory_space<hbm>> -> memref<1x80x64xf32, #tpu.memory_space<hbm>>
      %dma_start3A_1768 = tpu.memref_squeeze %dma_start3A_1767 : memref<1x80x64xf32, #tpu.memory_space<hbm>> -> memref<80x64xf32, #tpu.memory_space<hbm>>
      %dma_start3A_1769 = arith.constant 0 : i32
      %dma_start3A_1770 = arith.constant 0 : i32
      %dma_start3A_1771 = tpu.memref_slice %arg4[%add3A_1419, %dma_start3A_1769, %dma_start3A_1770] : memref<1024x80x64xf32, #tpu.memory_space<hbm>> -> memref<1x80x64xf32, #tpu.memory_space<hbm>>
      %dma_start3A_1772 = tpu.memref_squeeze %dma_start3A_1771 : memref<1x80x64xf32, #tpu.memory_space<hbm>> -> memref<80x64xf32, #tpu.memory_space<hbm>>
      %dma_start3A_1773 = arith.constant 0 : i32
      %dma_start3A_1774 = arith.constant 0 : i32
      %dma_start3A_1775 = tpu.memref_slice %arg6[%run_scoped3A_1420, %dma_start3A_1773, %dma_start3A_1774] : memref<2x80x64xf32, #tpu.memory_space<vmem>> -> memref<1x80x64xf32, #tpu.memory_space<vmem>>
      %dma_start3A_1776 = tpu.memref_squeeze %dma_start3A_1775 : memref<1x80x64xf32, #tpu.memory_space<vmem>> -> memref<80x64xf32, #tpu.memory_space<vmem>>
      tpu.enqueue_dma source(%dma_start3A_1776 : memref<80x64xf32, #tpu.memory_space<vmem>>) target(%dma_start3A_1772 : memref<80x64xf32, #tpu.memory_space<hbm>>) target_semaphore(%run_scoped3A_1760 : memref<!tpu.dma_semaphore, #tpu.memory_space<semaphore_mem>>)
      %dma_wait3A_1777 = arith.constant 0 : i32
      %dma_wait3A_1778 = arith.constant 0 : i32
      %dma_wait3A_1779 = tpu.memref_slice %arg6[%run_scoped3A_1420, %dma_wait3A_1777, %dma_wait3A_1778] : memref<2x80x64xf32, #tpu.memory_space<vmem>> -> memref<1x80x64xf32, #tpu.memory_space<vmem>>
      %dma_wait3A_1780 = tpu.memref_squeeze %dma_wait3A_1779 : memref<1x80x64xf32, #tpu.memory_space<vmem>> -> memref<80x64xf32, #tpu.memory_space<vmem>>
      %dma_wait3A_1781 = arith.constant 0 : i32
      %dma_wait3A_1782 = arith.constant 0 : i32
      %dma_wait3A_1783 = tpu.memref_slice %arg4[%add3A_1419, %dma_wait3A_1781, %dma_wait3A_1782] : memref<1024x80x64xf32, #tpu.memory_space<hbm>> -> memref<1x80x64xf32, #tpu.memory_space<hbm>>
      %dma_wait3A_1784 = tpu.memref_squeeze %dma_wait3A_1783 : memref<1x80x64xf32, #tpu.memory_space<hbm>> -> memref<80x64xf32, #tpu.memory_space<hbm>>
      %dma_wait3A_1785 = arith.constant 0 : i32
      %dma_wait3A_1786 = arith.constant 0 : i32
      %dma_wait3A_1787 = tpu.memref_slice %arg4[%add3A_1419, %dma_wait3A_1785, %dma_wait3A_1786] : memref<1024x80x64xf32, #tpu.memory_space<hbm>> -> memref<1x80x64xf32, #tpu.memory_space<hbm>>
      %dma_wait3A_1788 = tpu.memref_squeeze %dma_wait3A_1787 : memref<1x80x64xf32, #tpu.memory_space<hbm>> -> memref<80x64xf32, #tpu.memory_space<hbm>>
      %dma_wait3A_1789 = arith.constant 0 : i32
      %dma_wait3A_1790 = arith.constant 0 : i32
      %dma_wait3A_1791 = tpu.memref_slice %arg6[%run_scoped3A_1420, %dma_wait3A_1789, %dma_wait3A_1790] : memref<2x80x64xf32, #tpu.memory_space<vmem>> -> memref<1x80x64xf32, #tpu.memory_space<vmem>>
      %dma_wait3A_1792 = tpu.memref_squeeze %dma_wait3A_1791 : memref<1x80x64xf32, #tpu.memory_space<vmem>> -> memref<80x64xf32, #tpu.memory_space<vmem>>
      tpu.wait_dma2 semaphore(%run_scoped3A_1760 : memref<!tpu.dma_semaphore, #tpu.memory_space<semaphore_mem>>) src(%dma_wait3A_1792 : memref<80x64xf32, #tpu.memory_space<vmem>>) dst(%dma_wait3A_1788 : memref<80x64xf32, #tpu.memory_space<hbm>>)
      tpu.yield
    }) : () -> ()
    %dma_start3A_1421 = arith.constant 20 : i32
    %dma_start3A_1422 = arith.constant 0 : i32
    %dma_start3A_1423 = arith.constant 0 : i32
    %dma_start3A_1424 = arith.constant 0 : i32
    %dma_start3A_1425 = tpu.memref_slice %arg6[%dma_start3A_1422, %dma_start3A_1423, %dma_start3A_1424] : memref<2x80x64xf32, #tpu.memory_space<vmem>> -> memref<1x66x64xf32, #tpu.memory_space<vmem>>
    %dma_start3A_1426 = tpu.memref_squeeze %dma_start3A_1425 : memref<1x66x64xf32, #tpu.memory_space<vmem>> -> memref<66x64xf32, #tpu.memory_space<vmem>>
    %dma_start3A_1427 = arith.constant 0 : i32
    %dma_start3A_1428 = tpu.memref_slice %arg5[%dma_start3A_1421, %dma_start3A_1427] : memref<32x66xi32, #tpu.memory_space<vmem>> -> memref<1x66xi32, #tpu.memory_space<vmem>>
    %dma_start3A_1429 = tpu.memref_squeeze %dma_start3A_1428 : memref<1x66xi32, #tpu.memory_space<vmem>> -> memref<66xi32, #tpu.memory_space<vmem>>
    %dma_start3A_1430 = arith.constant 0 : i32
    %dma_start3A_1431 = arith.constant 0 : i32
    %dma_start3A_1432 = tpu.memref_slice %arg3[%dma_start3A_1430, %dma_start3A_1431] : memref<100000x64xf32, #tpu.memory_space<hbm>> -> memref<100000x64xf32, #tpu.memory_space<hbm>>
    tpu.enqueue_indirect_dma source(%dma_start3A_1432 : memref<100000x64xf32, #tpu.memory_space<hbm>>) target(%dma_start3A_1426 : memref<66x64xf32, #tpu.memory_space<vmem>>) offsets(%dma_start3A_1429 : memref<66xi32, #tpu.memory_space<vmem>>) semaphore(%arg7 : memref<!tpu.dma_semaphore, #tpu.memory_space<semaphore_mem>>)
    %dma_wait3A_1433 = arith.constant 19 : i32
    %dma_wait3A_1434 = arith.constant 1 : i32
    %dma_wait3A_1435 = arith.constant 0 : i32
    %dma_wait3A_1436 = arith.constant 0 : i32
    %dma_wait3A_1437 = tpu.memref_slice %arg6[%dma_wait3A_1434, %dma_wait3A_1435, %dma_wait3A_1436] : memref<2x80x64xf32, #tpu.memory_space<vmem>> -> memref<1x66x64xf32, #tpu.memory_space<vmem>>
    %dma_wait3A_1438 = tpu.memref_squeeze %dma_wait3A_1437 : memref<1x66x64xf32, #tpu.memory_space<vmem>> -> memref<66x64xf32, #tpu.memory_space<vmem>>
    %dma_wait3A_1439 = arith.constant 0 : i32
    %dma_wait3A_1440 = tpu.memref_slice %arg5[%dma_wait3A_1433, %dma_wait3A_1439] : memref<32x66xi32, #tpu.memory_space<vmem>> -> memref<1x66xi32, #tpu.memory_space<vmem>>
    %dma_wait3A_1441 = tpu.memref_squeeze %dma_wait3A_1440 : memref<1x66xi32, #tpu.memory_space<vmem>> -> memref<66xi32, #tpu.memory_space<vmem>>
    %dma_wait3A_1442 = arith.constant 0 : i32
    %dma_wait3A_1443 = arith.constant 0 : i32
    %dma_wait3A_1444 = tpu.memref_slice %arg3[%dma_wait3A_1442, %dma_wait3A_1443] : memref<100000x64xf32, #tpu.memory_space<hbm>> -> memref<100000x64xf32, #tpu.memory_space<hbm>>
    tpu.wait_indirect_dma semaphore(%arg8 : memref<!tpu.dma_semaphore, #tpu.memory_space<semaphore_mem>>) src(%dma_wait3A_1444 : memref<100000x64xf32, #tpu.memory_space<hbm>>) dst(%dma_wait3A_1438 : memref<66x64xf32, #tpu.memory_space<vmem>>)
    %add3A_1445 = arith.constant 19 : i32
    %add3A_1446 = arith.addi %mul3A_2, %add3A_1445 : i32
    %run_scoped3A_1447 = arith.constant 1 : i32
    "tpu.region"() ({
      %run_scoped3A_1760 = tpu.sem_alloc : memref<!tpu.dma_semaphore, #tpu.memory_space<semaphore_mem>>
      %dma_start3A_1761 = arith.constant 0 : i32
      %dma_start3A_1762 = arith.constant 0 : i32
      %dma_start3A_1763 = tpu.memref_slice %arg6[%run_scoped3A_1447, %dma_start3A_1761, %dma_start3A_1762] : memref<2x80x64xf32, #tpu.memory_space<vmem>> -> memref<1x80x64xf32, #tpu.memory_space<vmem>>
      %dma_start3A_1764 = tpu.memref_squeeze %dma_start3A_1763 : memref<1x80x64xf32, #tpu.memory_space<vmem>> -> memref<80x64xf32, #tpu.memory_space<vmem>>
      %dma_start3A_1765 = arith.constant 0 : i32
      %dma_start3A_1766 = arith.constant 0 : i32
      %dma_start3A_1767 = tpu.memref_slice %arg4[%add3A_1446, %dma_start3A_1765, %dma_start3A_1766] : memref<1024x80x64xf32, #tpu.memory_space<hbm>> -> memref<1x80x64xf32, #tpu.memory_space<hbm>>
      %dma_start3A_1768 = tpu.memref_squeeze %dma_start3A_1767 : memref<1x80x64xf32, #tpu.memory_space<hbm>> -> memref<80x64xf32, #tpu.memory_space<hbm>>
      %dma_start3A_1769 = arith.constant 0 : i32
      %dma_start3A_1770 = arith.constant 0 : i32
      %dma_start3A_1771 = tpu.memref_slice %arg4[%add3A_1446, %dma_start3A_1769, %dma_start3A_1770] : memref<1024x80x64xf32, #tpu.memory_space<hbm>> -> memref<1x80x64xf32, #tpu.memory_space<hbm>>
      %dma_start3A_1772 = tpu.memref_squeeze %dma_start3A_1771 : memref<1x80x64xf32, #tpu.memory_space<hbm>> -> memref<80x64xf32, #tpu.memory_space<hbm>>
      %dma_start3A_1773 = arith.constant 0 : i32
      %dma_start3A_1774 = arith.constant 0 : i32
      %dma_start3A_1775 = tpu.memref_slice %arg6[%run_scoped3A_1447, %dma_start3A_1773, %dma_start3A_1774] : memref<2x80x64xf32, #tpu.memory_space<vmem>> -> memref<1x80x64xf32, #tpu.memory_space<vmem>>
      %dma_start3A_1776 = tpu.memref_squeeze %dma_start3A_1775 : memref<1x80x64xf32, #tpu.memory_space<vmem>> -> memref<80x64xf32, #tpu.memory_space<vmem>>
      tpu.enqueue_dma source(%dma_start3A_1776 : memref<80x64xf32, #tpu.memory_space<vmem>>) target(%dma_start3A_1772 : memref<80x64xf32, #tpu.memory_space<hbm>>) target_semaphore(%run_scoped3A_1760 : memref<!tpu.dma_semaphore, #tpu.memory_space<semaphore_mem>>)
      %dma_wait3A_1777 = arith.constant 0 : i32
      %dma_wait3A_1778 = arith.constant 0 : i32
      %dma_wait3A_1779 = tpu.memref_slice %arg6[%run_scoped3A_1447, %dma_wait3A_1777, %dma_wait3A_1778] : memref<2x80x64xf32, #tpu.memory_space<vmem>> -> memref<1x80x64xf32, #tpu.memory_space<vmem>>
      %dma_wait3A_1780 = tpu.memref_squeeze %dma_wait3A_1779 : memref<1x80x64xf32, #tpu.memory_space<vmem>> -> memref<80x64xf32, #tpu.memory_space<vmem>>
      %dma_wait3A_1781 = arith.constant 0 : i32
      %dma_wait3A_1782 = arith.constant 0 : i32
      %dma_wait3A_1783 = tpu.memref_slice %arg4[%add3A_1446, %dma_wait3A_1781, %dma_wait3A_1782] : memref<1024x80x64xf32, #tpu.memory_space<hbm>> -> memref<1x80x64xf32, #tpu.memory_space<hbm>>
      %dma_wait3A_1784 = tpu.memref_squeeze %dma_wait3A_1783 : memref<1x80x64xf32, #tpu.memory_space<hbm>> -> memref<80x64xf32, #tpu.memory_space<hbm>>
      %dma_wait3A_1785 = arith.constant 0 : i32
      %dma_wait3A_1786 = arith.constant 0 : i32
      %dma_wait3A_1787 = tpu.memref_slice %arg4[%add3A_1446, %dma_wait3A_1785, %dma_wait3A_1786] : memref<1024x80x64xf32, #tpu.memory_space<hbm>> -> memref<1x80x64xf32, #tpu.memory_space<hbm>>
      %dma_wait3A_1788 = tpu.memref_squeeze %dma_wait3A_1787 : memref<1x80x64xf32, #tpu.memory_space<hbm>> -> memref<80x64xf32, #tpu.memory_space<hbm>>
      %dma_wait3A_1789 = arith.constant 0 : i32
      %dma_wait3A_1790 = arith.constant 0 : i32
      %dma_wait3A_1791 = tpu.memref_slice %arg6[%run_scoped3A_1447, %dma_wait3A_1789, %dma_wait3A_1790] : memref<2x80x64xf32, #tpu.memory_space<vmem>> -> memref<1x80x64xf32, #tpu.memory_space<vmem>>
      %dma_wait3A_1792 = tpu.memref_squeeze %dma_wait3A_1791 : memref<1x80x64xf32, #tpu.memory_space<vmem>> -> memref<80x64xf32, #tpu.memory_space<vmem>>
      tpu.wait_dma2 semaphore(%run_scoped3A_1760 : memref<!tpu.dma_semaphore, #tpu.memory_space<semaphore_mem>>) src(%dma_wait3A_1792 : memref<80x64xf32, #tpu.memory_space<vmem>>) dst(%dma_wait3A_1788 : memref<80x64xf32, #tpu.memory_space<hbm>>)
      tpu.yield
    }) : () -> ()
    %dma_start3A_1448 = arith.constant 21 : i32
    %dma_start3A_1449 = arith.constant 1 : i32
    %dma_start3A_1450 = arith.constant 0 : i32
    %dma_start3A_1451 = arith.constant 0 : i32
    %dma_start3A_1452 = tpu.memref_slice %arg6[%dma_start3A_1449, %dma_start3A_1450, %dma_start3A_1451] : memref<2x80x64xf32, #tpu.memory_space<vmem>> -> memref<1x66x64xf32, #tpu.memory_space<vmem>>
    %dma_start3A_1453 = tpu.memref_squeeze %dma_start3A_1452 : memref<1x66x64xf32, #tpu.memory_space<vmem>> -> memref<66x64xf32, #tpu.memory_space<vmem>>
    %dma_start3A_1454 = arith.constant 0 : i32
    %dma_start3A_1455 = tpu.memref_slice %arg5[%dma_start3A_1448, %dma_start3A_1454] : memref<32x66xi32, #tpu.memory_space<vmem>> -> memref<1x66xi32, #tpu.memory_space<vmem>>
    %dma_start3A_1456 = tpu.memref_squeeze %dma_start3A_1455 : memref<1x66xi32, #tpu.memory_space<vmem>> -> memref<66xi32, #tpu.memory_space<vmem>>
    %dma_start3A_1457 = arith.constant 0 : i32
    %dma_start3A_1458 = arith.constant 0 : i32
    %dma_start3A_1459 = tpu.memref_slice %arg3[%dma_start3A_1457, %dma_start3A_1458] : memref<100000x64xf32, #tpu.memory_space<hbm>> -> memref<100000x64xf32, #tpu.memory_space<hbm>>
    tpu.enqueue_indirect_dma source(%dma_start3A_1459 : memref<100000x64xf32, #tpu.memory_space<hbm>>) target(%dma_start3A_1453 : memref<66x64xf32, #tpu.memory_space<vmem>>) offsets(%dma_start3A_1456 : memref<66xi32, #tpu.memory_space<vmem>>) semaphore(%arg8 : memref<!tpu.dma_semaphore, #tpu.memory_space<semaphore_mem>>)
    %dma_wait3A_1460 = arith.constant 20 : i32
    %dma_wait3A_1461 = arith.constant 0 : i32
    %dma_wait3A_1462 = arith.constant 0 : i32
    %dma_wait3A_1463 = arith.constant 0 : i32
    %dma_wait3A_1464 = tpu.memref_slice %arg6[%dma_wait3A_1461, %dma_wait3A_1462, %dma_wait3A_1463] : memref<2x80x64xf32, #tpu.memory_space<vmem>> -> memref<1x66x64xf32, #tpu.memory_space<vmem>>
    %dma_wait3A_1465 = tpu.memref_squeeze %dma_wait3A_1464 : memref<1x66x64xf32, #tpu.memory_space<vmem>> -> memref<66x64xf32, #tpu.memory_space<vmem>>
    %dma_wait3A_1466 = arith.constant 0 : i32
    %dma_wait3A_1467 = tpu.memref_slice %arg5[%dma_wait3A_1460, %dma_wait3A_1466] : memref<32x66xi32, #tpu.memory_space<vmem>> -> memref<1x66xi32, #tpu.memory_space<vmem>>
    %dma_wait3A_1468 = tpu.memref_squeeze %dma_wait3A_1467 : memref<1x66xi32, #tpu.memory_space<vmem>> -> memref<66xi32, #tpu.memory_space<vmem>>
    %dma_wait3A_1469 = arith.constant 0 : i32
    %dma_wait3A_1470 = arith.constant 0 : i32
    %dma_wait3A_1471 = tpu.memref_slice %arg3[%dma_wait3A_1469, %dma_wait3A_1470] : memref<100000x64xf32, #tpu.memory_space<hbm>> -> memref<100000x64xf32, #tpu.memory_space<hbm>>
    tpu.wait_indirect_dma semaphore(%arg7 : memref<!tpu.dma_semaphore, #tpu.memory_space<semaphore_mem>>) src(%dma_wait3A_1471 : memref<100000x64xf32, #tpu.memory_space<hbm>>) dst(%dma_wait3A_1465 : memref<66x64xf32, #tpu.memory_space<vmem>>)
    %add3A_1472 = arith.constant 20 : i32
    %add3A_1473 = arith.addi %mul3A_2, %add3A_1472 : i32
    %run_scoped3A_1474 = arith.constant 0 : i32
    "tpu.region"() ({
      %run_scoped3A_1760 = tpu.sem_alloc : memref<!tpu.dma_semaphore, #tpu.memory_space<semaphore_mem>>
      %dma_start3A_1761 = arith.constant 0 : i32
      %dma_start3A_1762 = arith.constant 0 : i32
      %dma_start3A_1763 = tpu.memref_slice %arg6[%run_scoped3A_1474, %dma_start3A_1761, %dma_start3A_1762] : memref<2x80x64xf32, #tpu.memory_space<vmem>> -> memref<1x80x64xf32, #tpu.memory_space<vmem>>
      %dma_start3A_1764 = tpu.memref_squeeze %dma_start3A_1763 : memref<1x80x64xf32, #tpu.memory_space<vmem>> -> memref<80x64xf32, #tpu.memory_space<vmem>>
      %dma_start3A_1765 = arith.constant 0 : i32
      %dma_start3A_1766 = arith.constant 0 : i32
      %dma_start3A_1767 = tpu.memref_slice %arg4[%add3A_1473, %dma_start3A_1765, %dma_start3A_1766] : memref<1024x80x64xf32, #tpu.memory_space<hbm>> -> memref<1x80x64xf32, #tpu.memory_space<hbm>>
      %dma_start3A_1768 = tpu.memref_squeeze %dma_start3A_1767 : memref<1x80x64xf32, #tpu.memory_space<hbm>> -> memref<80x64xf32, #tpu.memory_space<hbm>>
      %dma_start3A_1769 = arith.constant 0 : i32
      %dma_start3A_1770 = arith.constant 0 : i32
      %dma_start3A_1771 = tpu.memref_slice %arg4[%add3A_1473, %dma_start3A_1769, %dma_start3A_1770] : memref<1024x80x64xf32, #tpu.memory_space<hbm>> -> memref<1x80x64xf32, #tpu.memory_space<hbm>>
      %dma_start3A_1772 = tpu.memref_squeeze %dma_start3A_1771 : memref<1x80x64xf32, #tpu.memory_space<hbm>> -> memref<80x64xf32, #tpu.memory_space<hbm>>
      %dma_start3A_1773 = arith.constant 0 : i32
      %dma_start3A_1774 = arith.constant 0 : i32
      %dma_start3A_1775 = tpu.memref_slice %arg6[%run_scoped3A_1474, %dma_start3A_1773, %dma_start3A_1774] : memref<2x80x64xf32, #tpu.memory_space<vmem>> -> memref<1x80x64xf32, #tpu.memory_space<vmem>>
      %dma_start3A_1776 = tpu.memref_squeeze %dma_start3A_1775 : memref<1x80x64xf32, #tpu.memory_space<vmem>> -> memref<80x64xf32, #tpu.memory_space<vmem>>
      tpu.enqueue_dma source(%dma_start3A_1776 : memref<80x64xf32, #tpu.memory_space<vmem>>) target(%dma_start3A_1772 : memref<80x64xf32, #tpu.memory_space<hbm>>) target_semaphore(%run_scoped3A_1760 : memref<!tpu.dma_semaphore, #tpu.memory_space<semaphore_mem>>)
      %dma_wait3A_1777 = arith.constant 0 : i32
      %dma_wait3A_1778 = arith.constant 0 : i32
      %dma_wait3A_1779 = tpu.memref_slice %arg6[%run_scoped3A_1474, %dma_wait3A_1777, %dma_wait3A_1778] : memref<2x80x64xf32, #tpu.memory_space<vmem>> -> memref<1x80x64xf32, #tpu.memory_space<vmem>>
      %dma_wait3A_1780 = tpu.memref_squeeze %dma_wait3A_1779 : memref<1x80x64xf32, #tpu.memory_space<vmem>> -> memref<80x64xf32, #tpu.memory_space<vmem>>
      %dma_wait3A_1781 = arith.constant 0 : i32
      %dma_wait3A_1782 = arith.constant 0 : i32
      %dma_wait3A_1783 = tpu.memref_slice %arg4[%add3A_1473, %dma_wait3A_1781, %dma_wait3A_1782] : memref<1024x80x64xf32, #tpu.memory_space<hbm>> -> memref<1x80x64xf32, #tpu.memory_space<hbm>>
      %dma_wait3A_1784 = tpu.memref_squeeze %dma_wait3A_1783 : memref<1x80x64xf32, #tpu.memory_space<hbm>> -> memref<80x64xf32, #tpu.memory_space<hbm>>
      %dma_wait3A_1785 = arith.constant 0 : i32
      %dma_wait3A_1786 = arith.constant 0 : i32
      %dma_wait3A_1787 = tpu.memref_slice %arg4[%add3A_1473, %dma_wait3A_1785, %dma_wait3A_1786] : memref<1024x80x64xf32, #tpu.memory_space<hbm>> -> memref<1x80x64xf32, #tpu.memory_space<hbm>>
      %dma_wait3A_1788 = tpu.memref_squeeze %dma_wait3A_1787 : memref<1x80x64xf32, #tpu.memory_space<hbm>> -> memref<80x64xf32, #tpu.memory_space<hbm>>
      %dma_wait3A_1789 = arith.constant 0 : i32
      %dma_wait3A_1790 = arith.constant 0 : i32
      %dma_wait3A_1791 = tpu.memref_slice %arg6[%run_scoped3A_1474, %dma_wait3A_1789, %dma_wait3A_1790] : memref<2x80x64xf32, #tpu.memory_space<vmem>> -> memref<1x80x64xf32, #tpu.memory_space<vmem>>
      %dma_wait3A_1792 = tpu.memref_squeeze %dma_wait3A_1791 : memref<1x80x64xf32, #tpu.memory_space<vmem>> -> memref<80x64xf32, #tpu.memory_space<vmem>>
      tpu.wait_dma2 semaphore(%run_scoped3A_1760 : memref<!tpu.dma_semaphore, #tpu.memory_space<semaphore_mem>>) src(%dma_wait3A_1792 : memref<80x64xf32, #tpu.memory_space<vmem>>) dst(%dma_wait3A_1788 : memref<80x64xf32, #tpu.memory_space<hbm>>)
      tpu.yield
    }) : () -> ()
    %dma_start3A_1475 = arith.constant 22 : i32
    %dma_start3A_1476 = arith.constant 0 : i32
    %dma_start3A_1477 = arith.constant 0 : i32
    %dma_start3A_1478 = arith.constant 0 : i32
    %dma_start3A_1479 = tpu.memref_slice %arg6[%dma_start3A_1476, %dma_start3A_1477, %dma_start3A_1478] : memref<2x80x64xf32, #tpu.memory_space<vmem>> -> memref<1x66x64xf32, #tpu.memory_space<vmem>>
    %dma_start3A_1480 = tpu.memref_squeeze %dma_start3A_1479 : memref<1x66x64xf32, #tpu.memory_space<vmem>> -> memref<66x64xf32, #tpu.memory_space<vmem>>
    %dma_start3A_1481 = arith.constant 0 : i32
    %dma_start3A_1482 = tpu.memref_slice %arg5[%dma_start3A_1475, %dma_start3A_1481] : memref<32x66xi32, #tpu.memory_space<vmem>> -> memref<1x66xi32, #tpu.memory_space<vmem>>
    %dma_start3A_1483 = tpu.memref_squeeze %dma_start3A_1482 : memref<1x66xi32, #tpu.memory_space<vmem>> -> memref<66xi32, #tpu.memory_space<vmem>>
    %dma_start3A_1484 = arith.constant 0 : i32
    %dma_start3A_1485 = arith.constant 0 : i32
    %dma_start3A_1486 = tpu.memref_slice %arg3[%dma_start3A_1484, %dma_start3A_1485] : memref<100000x64xf32, #tpu.memory_space<hbm>> -> memref<100000x64xf32, #tpu.memory_space<hbm>>
    tpu.enqueue_indirect_dma source(%dma_start3A_1486 : memref<100000x64xf32, #tpu.memory_space<hbm>>) target(%dma_start3A_1480 : memref<66x64xf32, #tpu.memory_space<vmem>>) offsets(%dma_start3A_1483 : memref<66xi32, #tpu.memory_space<vmem>>) semaphore(%arg7 : memref<!tpu.dma_semaphore, #tpu.memory_space<semaphore_mem>>)
    %dma_wait3A_1487 = arith.constant 21 : i32
    %dma_wait3A_1488 = arith.constant 1 : i32
    %dma_wait3A_1489 = arith.constant 0 : i32
    %dma_wait3A_1490 = arith.constant 0 : i32
    %dma_wait3A_1491 = tpu.memref_slice %arg6[%dma_wait3A_1488, %dma_wait3A_1489, %dma_wait3A_1490] : memref<2x80x64xf32, #tpu.memory_space<vmem>> -> memref<1x66x64xf32, #tpu.memory_space<vmem>>
    %dma_wait3A_1492 = tpu.memref_squeeze %dma_wait3A_1491 : memref<1x66x64xf32, #tpu.memory_space<vmem>> -> memref<66x64xf32, #tpu.memory_space<vmem>>
    %dma_wait3A_1493 = arith.constant 0 : i32
    %dma_wait3A_1494 = tpu.memref_slice %arg5[%dma_wait3A_1487, %dma_wait3A_1493] : memref<32x66xi32, #tpu.memory_space<vmem>> -> memref<1x66xi32, #tpu.memory_space<vmem>>
    %dma_wait3A_1495 = tpu.memref_squeeze %dma_wait3A_1494 : memref<1x66xi32, #tpu.memory_space<vmem>> -> memref<66xi32, #tpu.memory_space<vmem>>
    %dma_wait3A_1496 = arith.constant 0 : i32
    %dma_wait3A_1497 = arith.constant 0 : i32
    %dma_wait3A_1498 = tpu.memref_slice %arg3[%dma_wait3A_1496, %dma_wait3A_1497] : memref<100000x64xf32, #tpu.memory_space<hbm>> -> memref<100000x64xf32, #tpu.memory_space<hbm>>
    tpu.wait_indirect_dma semaphore(%arg8 : memref<!tpu.dma_semaphore, #tpu.memory_space<semaphore_mem>>) src(%dma_wait3A_1498 : memref<100000x64xf32, #tpu.memory_space<hbm>>) dst(%dma_wait3A_1492 : memref<66x64xf32, #tpu.memory_space<vmem>>)
    %add3A_1499 = arith.constant 21 : i32
    %add3A_1500 = arith.addi %mul3A_2, %add3A_1499 : i32
    %run_scoped3A_1501 = arith.constant 1 : i32
    "tpu.region"() ({
      %run_scoped3A_1760 = tpu.sem_alloc : memref<!tpu.dma_semaphore, #tpu.memory_space<semaphore_mem>>
      %dma_start3A_1761 = arith.constant 0 : i32
      %dma_start3A_1762 = arith.constant 0 : i32
      %dma_start3A_1763 = tpu.memref_slice %arg6[%run_scoped3A_1501, %dma_start3A_1761, %dma_start3A_1762] : memref<2x80x64xf32, #tpu.memory_space<vmem>> -> memref<1x80x64xf32, #tpu.memory_space<vmem>>
      %dma_start3A_1764 = tpu.memref_squeeze %dma_start3A_1763 : memref<1x80x64xf32, #tpu.memory_space<vmem>> -> memref<80x64xf32, #tpu.memory_space<vmem>>
      %dma_start3A_1765 = arith.constant 0 : i32
      %dma_start3A_1766 = arith.constant 0 : i32
      %dma_start3A_1767 = tpu.memref_slice %arg4[%add3A_1500, %dma_start3A_1765, %dma_start3A_1766] : memref<1024x80x64xf32, #tpu.memory_space<hbm>> -> memref<1x80x64xf32, #tpu.memory_space<hbm>>
      %dma_start3A_1768 = tpu.memref_squeeze %dma_start3A_1767 : memref<1x80x64xf32, #tpu.memory_space<hbm>> -> memref<80x64xf32, #tpu.memory_space<hbm>>
      %dma_start3A_1769 = arith.constant 0 : i32
      %dma_start3A_1770 = arith.constant 0 : i32
      %dma_start3A_1771 = tpu.memref_slice %arg4[%add3A_1500, %dma_start3A_1769, %dma_start3A_1770] : memref<1024x80x64xf32, #tpu.memory_space<hbm>> -> memref<1x80x64xf32, #tpu.memory_space<hbm>>
      %dma_start3A_1772 = tpu.memref_squeeze %dma_start3A_1771 : memref<1x80x64xf32, #tpu.memory_space<hbm>> -> memref<80x64xf32, #tpu.memory_space<hbm>>
      %dma_start3A_1773 = arith.constant 0 : i32
      %dma_start3A_1774 = arith.constant 0 : i32
      %dma_start3A_1775 = tpu.memref_slice %arg6[%run_scoped3A_1501, %dma_start3A_1773, %dma_start3A_1774] : memref<2x80x64xf32, #tpu.memory_space<vmem>> -> memref<1x80x64xf32, #tpu.memory_space<vmem>>
      %dma_start3A_1776 = tpu.memref_squeeze %dma_start3A_1775 : memref<1x80x64xf32, #tpu.memory_space<vmem>> -> memref<80x64xf32, #tpu.memory_space<vmem>>
      tpu.enqueue_dma source(%dma_start3A_1776 : memref<80x64xf32, #tpu.memory_space<vmem>>) target(%dma_start3A_1772 : memref<80x64xf32, #tpu.memory_space<hbm>>) target_semaphore(%run_scoped3A_1760 : memref<!tpu.dma_semaphore, #tpu.memory_space<semaphore_mem>>)
      %dma_wait3A_1777 = arith.constant 0 : i32
      %dma_wait3A_1778 = arith.constant 0 : i32
      %dma_wait3A_1779 = tpu.memref_slice %arg6[%run_scoped3A_1501, %dma_wait3A_1777, %dma_wait3A_1778] : memref<2x80x64xf32, #tpu.memory_space<vmem>> -> memref<1x80x64xf32, #tpu.memory_space<vmem>>
      %dma_wait3A_1780 = tpu.memref_squeeze %dma_wait3A_1779 : memref<1x80x64xf32, #tpu.memory_space<vmem>> -> memref<80x64xf32, #tpu.memory_space<vmem>>
      %dma_wait3A_1781 = arith.constant 0 : i32
      %dma_wait3A_1782 = arith.constant 0 : i32
      %dma_wait3A_1783 = tpu.memref_slice %arg4[%add3A_1500, %dma_wait3A_1781, %dma_wait3A_1782] : memref<1024x80x64xf32, #tpu.memory_space<hbm>> -> memref<1x80x64xf32, #tpu.memory_space<hbm>>
      %dma_wait3A_1784 = tpu.memref_squeeze %dma_wait3A_1783 : memref<1x80x64xf32, #tpu.memory_space<hbm>> -> memref<80x64xf32, #tpu.memory_space<hbm>>
      %dma_wait3A_1785 = arith.constant 0 : i32
      %dma_wait3A_1786 = arith.constant 0 : i32
      %dma_wait3A_1787 = tpu.memref_slice %arg4[%add3A_1500, %dma_wait3A_1785, %dma_wait3A_1786] : memref<1024x80x64xf32, #tpu.memory_space<hbm>> -> memref<1x80x64xf32, #tpu.memory_space<hbm>>
      %dma_wait3A_1788 = tpu.memref_squeeze %dma_wait3A_1787 : memref<1x80x64xf32, #tpu.memory_space<hbm>> -> memref<80x64xf32, #tpu.memory_space<hbm>>
      %dma_wait3A_1789 = arith.constant 0 : i32
      %dma_wait3A_1790 = arith.constant 0 : i32
      %dma_wait3A_1791 = tpu.memref_slice %arg6[%run_scoped3A_1501, %dma_wait3A_1789, %dma_wait3A_1790] : memref<2x80x64xf32, #tpu.memory_space<vmem>> -> memref<1x80x64xf32, #tpu.memory_space<vmem>>
      %dma_wait3A_1792 = tpu.memref_squeeze %dma_wait3A_1791 : memref<1x80x64xf32, #tpu.memory_space<vmem>> -> memref<80x64xf32, #tpu.memory_space<vmem>>
      tpu.wait_dma2 semaphore(%run_scoped3A_1760 : memref<!tpu.dma_semaphore, #tpu.memory_space<semaphore_mem>>) src(%dma_wait3A_1792 : memref<80x64xf32, #tpu.memory_space<vmem>>) dst(%dma_wait3A_1788 : memref<80x64xf32, #tpu.memory_space<hbm>>)
      tpu.yield
    }) : () -> ()
    %dma_start3A_1502 = arith.constant 23 : i32
    %dma_start3A_1503 = arith.constant 1 : i32
    %dma_start3A_1504 = arith.constant 0 : i32
    %dma_start3A_1505 = arith.constant 0 : i32
    %dma_start3A_1506 = tpu.memref_slice %arg6[%dma_start3A_1503, %dma_start3A_1504, %dma_start3A_1505] : memref<2x80x64xf32, #tpu.memory_space<vmem>> -> memref<1x66x64xf32, #tpu.memory_space<vmem>>
    %dma_start3A_1507 = tpu.memref_squeeze %dma_start3A_1506 : memref<1x66x64xf32, #tpu.memory_space<vmem>> -> memref<66x64xf32, #tpu.memory_space<vmem>>
    %dma_start3A_1508 = arith.constant 0 : i32
    %dma_start3A_1509 = tpu.memref_slice %arg5[%dma_start3A_1502, %dma_start3A_1508] : memref<32x66xi32, #tpu.memory_space<vmem>> -> memref<1x66xi32, #tpu.memory_space<vmem>>
    %dma_start3A_1510 = tpu.memref_squeeze %dma_start3A_1509 : memref<1x66xi32, #tpu.memory_space<vmem>> -> memref<66xi32, #tpu.memory_space<vmem>>
    %dma_start3A_1511 = arith.constant 0 : i32
    %dma_start3A_1512 = arith.constant 0 : i32
    %dma_start3A_1513 = tpu.memref_slice %arg3[%dma_start3A_1511, %dma_start3A_1512] : memref<100000x64xf32, #tpu.memory_space<hbm>> -> memref<100000x64xf32, #tpu.memory_space<hbm>>
    tpu.enqueue_indirect_dma source(%dma_start3A_1513 : memref<100000x64xf32, #tpu.memory_space<hbm>>) target(%dma_start3A_1507 : memref<66x64xf32, #tpu.memory_space<vmem>>) offsets(%dma_start3A_1510 : memref<66xi32, #tpu.memory_space<vmem>>) semaphore(%arg8 : memref<!tpu.dma_semaphore, #tpu.memory_space<semaphore_mem>>)
    %dma_wait3A_1514 = arith.constant 22 : i32
    %dma_wait3A_1515 = arith.constant 0 : i32
    %dma_wait3A_1516 = arith.constant 0 : i32
    %dma_wait3A_1517 = arith.constant 0 : i32
    %dma_wait3A_1518 = tpu.memref_slice %arg6[%dma_wait3A_1515, %dma_wait3A_1516, %dma_wait3A_1517] : memref<2x80x64xf32, #tpu.memory_space<vmem>> -> memref<1x66x64xf32, #tpu.memory_space<vmem>>
    %dma_wait3A_1519 = tpu.memref_squeeze %dma_wait3A_1518 : memref<1x66x64xf32, #tpu.memory_space<vmem>> -> memref<66x64xf32, #tpu.memory_space<vmem>>
    %dma_wait3A_1520 = arith.constant 0 : i32
    %dma_wait3A_1521 = tpu.memref_slice %arg5[%dma_wait3A_1514, %dma_wait3A_1520] : memref<32x66xi32, #tpu.memory_space<vmem>> -> memref<1x66xi32, #tpu.memory_space<vmem>>
    %dma_wait3A_1522 = tpu.memref_squeeze %dma_wait3A_1521 : memref<1x66xi32, #tpu.memory_space<vmem>> -> memref<66xi32, #tpu.memory_space<vmem>>
    %dma_wait3A_1523 = arith.constant 0 : i32
    %dma_wait3A_1524 = arith.constant 0 : i32
    %dma_wait3A_1525 = tpu.memref_slice %arg3[%dma_wait3A_1523, %dma_wait3A_1524] : memref<100000x64xf32, #tpu.memory_space<hbm>> -> memref<100000x64xf32, #tpu.memory_space<hbm>>
    tpu.wait_indirect_dma semaphore(%arg7 : memref<!tpu.dma_semaphore, #tpu.memory_space<semaphore_mem>>) src(%dma_wait3A_1525 : memref<100000x64xf32, #tpu.memory_space<hbm>>) dst(%dma_wait3A_1519 : memref<66x64xf32, #tpu.memory_space<vmem>>)
    %add3A_1526 = arith.constant 22 : i32
    %add3A_1527 = arith.addi %mul3A_2, %add3A_1526 : i32
    %run_scoped3A_1528 = arith.constant 0 : i32
    "tpu.region"() ({
      %run_scoped3A_1760 = tpu.sem_alloc : memref<!tpu.dma_semaphore, #tpu.memory_space<semaphore_mem>>
      %dma_start3A_1761 = arith.constant 0 : i32
      %dma_start3A_1762 = arith.constant 0 : i32
      %dma_start3A_1763 = tpu.memref_slice %arg6[%run_scoped3A_1528, %dma_start3A_1761, %dma_start3A_1762] : memref<2x80x64xf32, #tpu.memory_space<vmem>> -> memref<1x80x64xf32, #tpu.memory_space<vmem>>
      %dma_start3A_1764 = tpu.memref_squeeze %dma_start3A_1763 : memref<1x80x64xf32, #tpu.memory_space<vmem>> -> memref<80x64xf32, #tpu.memory_space<vmem>>
      %dma_start3A_1765 = arith.constant 0 : i32
      %dma_start3A_1766 = arith.constant 0 : i32
      %dma_start3A_1767 = tpu.memref_slice %arg4[%add3A_1527, %dma_start3A_1765, %dma_start3A_1766] : memref<1024x80x64xf32, #tpu.memory_space<hbm>> -> memref<1x80x64xf32, #tpu.memory_space<hbm>>
      %dma_start3A_1768 = tpu.memref_squeeze %dma_start3A_1767 : memref<1x80x64xf32, #tpu.memory_space<hbm>> -> memref<80x64xf32, #tpu.memory_space<hbm>>
      %dma_start3A_1769 = arith.constant 0 : i32
      %dma_start3A_1770 = arith.constant 0 : i32
      %dma_start3A_1771 = tpu.memref_slice %arg4[%add3A_1527, %dma_start3A_1769, %dma_start3A_1770] : memref<1024x80x64xf32, #tpu.memory_space<hbm>> -> memref<1x80x64xf32, #tpu.memory_space<hbm>>
      %dma_start3A_1772 = tpu.memref_squeeze %dma_start3A_1771 : memref<1x80x64xf32, #tpu.memory_space<hbm>> -> memref<80x64xf32, #tpu.memory_space<hbm>>
      %dma_start3A_1773 = arith.constant 0 : i32
      %dma_start3A_1774 = arith.constant 0 : i32
      %dma_start3A_1775 = tpu.memref_slice %arg6[%run_scoped3A_1528, %dma_start3A_1773, %dma_start3A_1774] : memref<2x80x64xf32, #tpu.memory_space<vmem>> -> memref<1x80x64xf32, #tpu.memory_space<vmem>>
      %dma_start3A_1776 = tpu.memref_squeeze %dma_start3A_1775 : memref<1x80x64xf32, #tpu.memory_space<vmem>> -> memref<80x64xf32, #tpu.memory_space<vmem>>
      tpu.enqueue_dma source(%dma_start3A_1776 : memref<80x64xf32, #tpu.memory_space<vmem>>) target(%dma_start3A_1772 : memref<80x64xf32, #tpu.memory_space<hbm>>) target_semaphore(%run_scoped3A_1760 : memref<!tpu.dma_semaphore, #tpu.memory_space<semaphore_mem>>)
      %dma_wait3A_1777 = arith.constant 0 : i32
      %dma_wait3A_1778 = arith.constant 0 : i32
      %dma_wait3A_1779 = tpu.memref_slice %arg6[%run_scoped3A_1528, %dma_wait3A_1777, %dma_wait3A_1778] : memref<2x80x64xf32, #tpu.memory_space<vmem>> -> memref<1x80x64xf32, #tpu.memory_space<vmem>>
      %dma_wait3A_1780 = tpu.memref_squeeze %dma_wait3A_1779 : memref<1x80x64xf32, #tpu.memory_space<vmem>> -> memref<80x64xf32, #tpu.memory_space<vmem>>
      %dma_wait3A_1781 = arith.constant 0 : i32
      %dma_wait3A_1782 = arith.constant 0 : i32
      %dma_wait3A_1783 = tpu.memref_slice %arg4[%add3A_1527, %dma_wait3A_1781, %dma_wait3A_1782] : memref<1024x80x64xf32, #tpu.memory_space<hbm>> -> memref<1x80x64xf32, #tpu.memory_space<hbm>>
      %dma_wait3A_1784 = tpu.memref_squeeze %dma_wait3A_1783 : memref<1x80x64xf32, #tpu.memory_space<hbm>> -> memref<80x64xf32, #tpu.memory_space<hbm>>
      %dma_wait3A_1785 = arith.constant 0 : i32
      %dma_wait3A_1786 = arith.constant 0 : i32
      %dma_wait3A_1787 = tpu.memref_slice %arg4[%add3A_1527, %dma_wait3A_1785, %dma_wait3A_1786] : memref<1024x80x64xf32, #tpu.memory_space<hbm>> -> memref<1x80x64xf32, #tpu.memory_space<hbm>>
      %dma_wait3A_1788 = tpu.memref_squeeze %dma_wait3A_1787 : memref<1x80x64xf32, #tpu.memory_space<hbm>> -> memref<80x64xf32, #tpu.memory_space<hbm>>
      %dma_wait3A_1789 = arith.constant 0 : i32
      %dma_wait3A_1790 = arith.constant 0 : i32
      %dma_wait3A_1791 = tpu.memref_slice %arg6[%run_scoped3A_1528, %dma_wait3A_1789, %dma_wait3A_1790] : memref<2x80x64xf32, #tpu.memory_space<vmem>> -> memref<1x80x64xf32, #tpu.memory_space<vmem>>
      %dma_wait3A_1792 = tpu.memref_squeeze %dma_wait3A_1791 : memref<1x80x64xf32, #tpu.memory_space<vmem>> -> memref<80x64xf32, #tpu.memory_space<vmem>>
      tpu.wait_dma2 semaphore(%run_scoped3A_1760 : memref<!tpu.dma_semaphore, #tpu.memory_space<semaphore_mem>>) src(%dma_wait3A_1792 : memref<80x64xf32, #tpu.memory_space<vmem>>) dst(%dma_wait3A_1788 : memref<80x64xf32, #tpu.memory_space<hbm>>)
      tpu.yield
    }) : () -> ()
    %dma_start3A_1529 = arith.constant 24 : i32
    %dma_start3A_1530 = arith.constant 0 : i32
    %dma_start3A_1531 = arith.constant 0 : i32
    %dma_start3A_1532 = arith.constant 0 : i32
    %dma_start3A_1533 = tpu.memref_slice %arg6[%dma_start3A_1530, %dma_start3A_1531, %dma_start3A_1532] : memref<2x80x64xf32, #tpu.memory_space<vmem>> -> memref<1x66x64xf32, #tpu.memory_space<vmem>>
    %dma_start3A_1534 = tpu.memref_squeeze %dma_start3A_1533 : memref<1x66x64xf32, #tpu.memory_space<vmem>> -> memref<66x64xf32, #tpu.memory_space<vmem>>
    %dma_start3A_1535 = arith.constant 0 : i32
    %dma_start3A_1536 = tpu.memref_slice %arg5[%dma_start3A_1529, %dma_start3A_1535] : memref<32x66xi32, #tpu.memory_space<vmem>> -> memref<1x66xi32, #tpu.memory_space<vmem>>
    %dma_start3A_1537 = tpu.memref_squeeze %dma_start3A_1536 : memref<1x66xi32, #tpu.memory_space<vmem>> -> memref<66xi32, #tpu.memory_space<vmem>>
    %dma_start3A_1538 = arith.constant 0 : i32
    %dma_start3A_1539 = arith.constant 0 : i32
    %dma_start3A_1540 = tpu.memref_slice %arg3[%dma_start3A_1538, %dma_start3A_1539] : memref<100000x64xf32, #tpu.memory_space<hbm>> -> memref<100000x64xf32, #tpu.memory_space<hbm>>
    tpu.enqueue_indirect_dma source(%dma_start3A_1540 : memref<100000x64xf32, #tpu.memory_space<hbm>>) target(%dma_start3A_1534 : memref<66x64xf32, #tpu.memory_space<vmem>>) offsets(%dma_start3A_1537 : memref<66xi32, #tpu.memory_space<vmem>>) semaphore(%arg7 : memref<!tpu.dma_semaphore, #tpu.memory_space<semaphore_mem>>)
    %dma_wait3A_1541 = arith.constant 23 : i32
    %dma_wait3A_1542 = arith.constant 1 : i32
    %dma_wait3A_1543 = arith.constant 0 : i32
    %dma_wait3A_1544 = arith.constant 0 : i32
    %dma_wait3A_1545 = tpu.memref_slice %arg6[%dma_wait3A_1542, %dma_wait3A_1543, %dma_wait3A_1544] : memref<2x80x64xf32, #tpu.memory_space<vmem>> -> memref<1x66x64xf32, #tpu.memory_space<vmem>>
    %dma_wait3A_1546 = tpu.memref_squeeze %dma_wait3A_1545 : memref<1x66x64xf32, #tpu.memory_space<vmem>> -> memref<66x64xf32, #tpu.memory_space<vmem>>
    %dma_wait3A_1547 = arith.constant 0 : i32
    %dma_wait3A_1548 = tpu.memref_slice %arg5[%dma_wait3A_1541, %dma_wait3A_1547] : memref<32x66xi32, #tpu.memory_space<vmem>> -> memref<1x66xi32, #tpu.memory_space<vmem>>
    %dma_wait3A_1549 = tpu.memref_squeeze %dma_wait3A_1548 : memref<1x66xi32, #tpu.memory_space<vmem>> -> memref<66xi32, #tpu.memory_space<vmem>>
    %dma_wait3A_1550 = arith.constant 0 : i32
    %dma_wait3A_1551 = arith.constant 0 : i32
    %dma_wait3A_1552 = tpu.memref_slice %arg3[%dma_wait3A_1550, %dma_wait3A_1551] : memref<100000x64xf32, #tpu.memory_space<hbm>> -> memref<100000x64xf32, #tpu.memory_space<hbm>>
    tpu.wait_indirect_dma semaphore(%arg8 : memref<!tpu.dma_semaphore, #tpu.memory_space<semaphore_mem>>) src(%dma_wait3A_1552 : memref<100000x64xf32, #tpu.memory_space<hbm>>) dst(%dma_wait3A_1546 : memref<66x64xf32, #tpu.memory_space<vmem>>)
    %add3A_1553 = arith.constant 23 : i32
    %add3A_1554 = arith.addi %mul3A_2, %add3A_1553 : i32
    %run_scoped3A_1555 = arith.constant 1 : i32
    "tpu.region"() ({
      %run_scoped3A_1760 = tpu.sem_alloc : memref<!tpu.dma_semaphore, #tpu.memory_space<semaphore_mem>>
      %dma_start3A_1761 = arith.constant 0 : i32
      %dma_start3A_1762 = arith.constant 0 : i32
      %dma_start3A_1763 = tpu.memref_slice %arg6[%run_scoped3A_1555, %dma_start3A_1761, %dma_start3A_1762] : memref<2x80x64xf32, #tpu.memory_space<vmem>> -> memref<1x80x64xf32, #tpu.memory_space<vmem>>
      %dma_start3A_1764 = tpu.memref_squeeze %dma_start3A_1763 : memref<1x80x64xf32, #tpu.memory_space<vmem>> -> memref<80x64xf32, #tpu.memory_space<vmem>>
      %dma_start3A_1765 = arith.constant 0 : i32
      %dma_start3A_1766 = arith.constant 0 : i32
      %dma_start3A_1767 = tpu.memref_slice %arg4[%add3A_1554, %dma_start3A_1765, %dma_start3A_1766] : memref<1024x80x64xf32, #tpu.memory_space<hbm>> -> memref<1x80x64xf32, #tpu.memory_space<hbm>>
      %dma_start3A_1768 = tpu.memref_squeeze %dma_start3A_1767 : memref<1x80x64xf32, #tpu.memory_space<hbm>> -> memref<80x64xf32, #tpu.memory_space<hbm>>
      %dma_start3A_1769 = arith.constant 0 : i32
      %dma_start3A_1770 = arith.constant 0 : i32
      %dma_start3A_1771 = tpu.memref_slice %arg4[%add3A_1554, %dma_start3A_1769, %dma_start3A_1770] : memref<1024x80x64xf32, #tpu.memory_space<hbm>> -> memref<1x80x64xf32, #tpu.memory_space<hbm>>
      %dma_start3A_1772 = tpu.memref_squeeze %dma_start3A_1771 : memref<1x80x64xf32, #tpu.memory_space<hbm>> -> memref<80x64xf32, #tpu.memory_space<hbm>>
      %dma_start3A_1773 = arith.constant 0 : i32
      %dma_start3A_1774 = arith.constant 0 : i32
      %dma_start3A_1775 = tpu.memref_slice %arg6[%run_scoped3A_1555, %dma_start3A_1773, %dma_start3A_1774] : memref<2x80x64xf32, #tpu.memory_space<vmem>> -> memref<1x80x64xf32, #tpu.memory_space<vmem>>
      %dma_start3A_1776 = tpu.memref_squeeze %dma_start3A_1775 : memref<1x80x64xf32, #tpu.memory_space<vmem>> -> memref<80x64xf32, #tpu.memory_space<vmem>>
      tpu.enqueue_dma source(%dma_start3A_1776 : memref<80x64xf32, #tpu.memory_space<vmem>>) target(%dma_start3A_1772 : memref<80x64xf32, #tpu.memory_space<hbm>>) target_semaphore(%run_scoped3A_1760 : memref<!tpu.dma_semaphore, #tpu.memory_space<semaphore_mem>>)
      %dma_wait3A_1777 = arith.constant 0 : i32
      %dma_wait3A_1778 = arith.constant 0 : i32
      %dma_wait3A_1779 = tpu.memref_slice %arg6[%run_scoped3A_1555, %dma_wait3A_1777, %dma_wait3A_1778] : memref<2x80x64xf32, #tpu.memory_space<vmem>> -> memref<1x80x64xf32, #tpu.memory_space<vmem>>
      %dma_wait3A_1780 = tpu.memref_squeeze %dma_wait3A_1779 : memref<1x80x64xf32, #tpu.memory_space<vmem>> -> memref<80x64xf32, #tpu.memory_space<vmem>>
      %dma_wait3A_1781 = arith.constant 0 : i32
      %dma_wait3A_1782 = arith.constant 0 : i32
      %dma_wait3A_1783 = tpu.memref_slice %arg4[%add3A_1554, %dma_wait3A_1781, %dma_wait3A_1782] : memref<1024x80x64xf32, #tpu.memory_space<hbm>> -> memref<1x80x64xf32, #tpu.memory_space<hbm>>
      %dma_wait3A_1784 = tpu.memref_squeeze %dma_wait3A_1783 : memref<1x80x64xf32, #tpu.memory_space<hbm>> -> memref<80x64xf32, #tpu.memory_space<hbm>>
      %dma_wait3A_1785 = arith.constant 0 : i32
      %dma_wait3A_1786 = arith.constant 0 : i32
      %dma_wait3A_1787 = tpu.memref_slice %arg4[%add3A_1554, %dma_wait3A_1785, %dma_wait3A_1786] : memref<1024x80x64xf32, #tpu.memory_space<hbm>> -> memref<1x80x64xf32, #tpu.memory_space<hbm>>
      %dma_wait3A_1788 = tpu.memref_squeeze %dma_wait3A_1787 : memref<1x80x64xf32, #tpu.memory_space<hbm>> -> memref<80x64xf32, #tpu.memory_space<hbm>>
      %dma_wait3A_1789 = arith.constant 0 : i32
      %dma_wait3A_1790 = arith.constant 0 : i32
      %dma_wait3A_1791 = tpu.memref_slice %arg6[%run_scoped3A_1555, %dma_wait3A_1789, %dma_wait3A_1790] : memref<2x80x64xf32, #tpu.memory_space<vmem>> -> memref<1x80x64xf32, #tpu.memory_space<vmem>>
      %dma_wait3A_1792 = tpu.memref_squeeze %dma_wait3A_1791 : memref<1x80x64xf32, #tpu.memory_space<vmem>> -> memref<80x64xf32, #tpu.memory_space<vmem>>
      tpu.wait_dma2 semaphore(%run_scoped3A_1760 : memref<!tpu.dma_semaphore, #tpu.memory_space<semaphore_mem>>) src(%dma_wait3A_1792 : memref<80x64xf32, #tpu.memory_space<vmem>>) dst(%dma_wait3A_1788 : memref<80x64xf32, #tpu.memory_space<hbm>>)
      tpu.yield
    }) : () -> ()
    %dma_start3A_1556 = arith.constant 25 : i32
    %dma_start3A_1557 = arith.constant 1 : i32
    %dma_start3A_1558 = arith.constant 0 : i32
    %dma_start3A_1559 = arith.constant 0 : i32
    %dma_start3A_1560 = tpu.memref_slice %arg6[%dma_start3A_1557, %dma_start3A_1558, %dma_start3A_1559] : memref<2x80x64xf32, #tpu.memory_space<vmem>> -> memref<1x66x64xf32, #tpu.memory_space<vmem>>
    %dma_start3A_1561 = tpu.memref_squeeze %dma_start3A_1560 : memref<1x66x64xf32, #tpu.memory_space<vmem>> -> memref<66x64xf32, #tpu.memory_space<vmem>>
    %dma_start3A_1562 = arith.constant 0 : i32
    %dma_start3A_1563 = tpu.memref_slice %arg5[%dma_start3A_1556, %dma_start3A_1562] : memref<32x66xi32, #tpu.memory_space<vmem>> -> memref<1x66xi32, #tpu.memory_space<vmem>>
    %dma_start3A_1564 = tpu.memref_squeeze %dma_start3A_1563 : memref<1x66xi32, #tpu.memory_space<vmem>> -> memref<66xi32, #tpu.memory_space<vmem>>
    %dma_start3A_1565 = arith.constant 0 : i32
    %dma_start3A_1566 = arith.constant 0 : i32
    %dma_start3A_1567 = tpu.memref_slice %arg3[%dma_start3A_1565, %dma_start3A_1566] : memref<100000x64xf32, #tpu.memory_space<hbm>> -> memref<100000x64xf32, #tpu.memory_space<hbm>>
    tpu.enqueue_indirect_dma source(%dma_start3A_1567 : memref<100000x64xf32, #tpu.memory_space<hbm>>) target(%dma_start3A_1561 : memref<66x64xf32, #tpu.memory_space<vmem>>) offsets(%dma_start3A_1564 : memref<66xi32, #tpu.memory_space<vmem>>) semaphore(%arg8 : memref<!tpu.dma_semaphore, #tpu.memory_space<semaphore_mem>>)
    %dma_wait3A_1568 = arith.constant 24 : i32
    %dma_wait3A_1569 = arith.constant 0 : i32
    %dma_wait3A_1570 = arith.constant 0 : i32
    %dma_wait3A_1571 = arith.constant 0 : i32
    %dma_wait3A_1572 = tpu.memref_slice %arg6[%dma_wait3A_1569, %dma_wait3A_1570, %dma_wait3A_1571] : memref<2x80x64xf32, #tpu.memory_space<vmem>> -> memref<1x66x64xf32, #tpu.memory_space<vmem>>
    %dma_wait3A_1573 = tpu.memref_squeeze %dma_wait3A_1572 : memref<1x66x64xf32, #tpu.memory_space<vmem>> -> memref<66x64xf32, #tpu.memory_space<vmem>>
    %dma_wait3A_1574 = arith.constant 0 : i32
    %dma_wait3A_1575 = tpu.memref_slice %arg5[%dma_wait3A_1568, %dma_wait3A_1574] : memref<32x66xi32, #tpu.memory_space<vmem>> -> memref<1x66xi32, #tpu.memory_space<vmem>>
    %dma_wait3A_1576 = tpu.memref_squeeze %dma_wait3A_1575 : memref<1x66xi32, #tpu.memory_space<vmem>> -> memref<66xi32, #tpu.memory_space<vmem>>
    %dma_wait3A_1577 = arith.constant 0 : i32
    %dma_wait3A_1578 = arith.constant 0 : i32
    %dma_wait3A_1579 = tpu.memref_slice %arg3[%dma_wait3A_1577, %dma_wait3A_1578] : memref<100000x64xf32, #tpu.memory_space<hbm>> -> memref<100000x64xf32, #tpu.memory_space<hbm>>
    tpu.wait_indirect_dma semaphore(%arg7 : memref<!tpu.dma_semaphore, #tpu.memory_space<semaphore_mem>>) src(%dma_wait3A_1579 : memref<100000x64xf32, #tpu.memory_space<hbm>>) dst(%dma_wait3A_1573 : memref<66x64xf32, #tpu.memory_space<vmem>>)
    %add3A_1580 = arith.constant 24 : i32
    %add3A_1581 = arith.addi %mul3A_2, %add3A_1580 : i32
    %run_scoped3A_1582 = arith.constant 0 : i32
    "tpu.region"() ({
      %run_scoped3A_1760 = tpu.sem_alloc : memref<!tpu.dma_semaphore, #tpu.memory_space<semaphore_mem>>
      %dma_start3A_1761 = arith.constant 0 : i32
      %dma_start3A_1762 = arith.constant 0 : i32
      %dma_start3A_1763 = tpu.memref_slice %arg6[%run_scoped3A_1582, %dma_start3A_1761, %dma_start3A_1762] : memref<2x80x64xf32, #tpu.memory_space<vmem>> -> memref<1x80x64xf32, #tpu.memory_space<vmem>>
      %dma_start3A_1764 = tpu.memref_squeeze %dma_start3A_1763 : memref<1x80x64xf32, #tpu.memory_space<vmem>> -> memref<80x64xf32, #tpu.memory_space<vmem>>
      %dma_start3A_1765 = arith.constant 0 : i32
      %dma_start3A_1766 = arith.constant 0 : i32
      %dma_start3A_1767 = tpu.memref_slice %arg4[%add3A_1581, %dma_start3A_1765, %dma_start3A_1766] : memref<1024x80x64xf32, #tpu.memory_space<hbm>> -> memref<1x80x64xf32, #tpu.memory_space<hbm>>
      %dma_start3A_1768 = tpu.memref_squeeze %dma_start3A_1767 : memref<1x80x64xf32, #tpu.memory_space<hbm>> -> memref<80x64xf32, #tpu.memory_space<hbm>>
      %dma_start3A_1769 = arith.constant 0 : i32
      %dma_start3A_1770 = arith.constant 0 : i32
      %dma_start3A_1771 = tpu.memref_slice %arg4[%add3A_1581, %dma_start3A_1769, %dma_start3A_1770] : memref<1024x80x64xf32, #tpu.memory_space<hbm>> -> memref<1x80x64xf32, #tpu.memory_space<hbm>>
      %dma_start3A_1772 = tpu.memref_squeeze %dma_start3A_1771 : memref<1x80x64xf32, #tpu.memory_space<hbm>> -> memref<80x64xf32, #tpu.memory_space<hbm>>
      %dma_start3A_1773 = arith.constant 0 : i32
      %dma_start3A_1774 = arith.constant 0 : i32
      %dma_start3A_1775 = tpu.memref_slice %arg6[%run_scoped3A_1582, %dma_start3A_1773, %dma_start3A_1774] : memref<2x80x64xf32, #tpu.memory_space<vmem>> -> memref<1x80x64xf32, #tpu.memory_space<vmem>>
      %dma_start3A_1776 = tpu.memref_squeeze %dma_start3A_1775 : memref<1x80x64xf32, #tpu.memory_space<vmem>> -> memref<80x64xf32, #tpu.memory_space<vmem>>
      tpu.enqueue_dma source(%dma_start3A_1776 : memref<80x64xf32, #tpu.memory_space<vmem>>) target(%dma_start3A_1772 : memref<80x64xf32, #tpu.memory_space<hbm>>) target_semaphore(%run_scoped3A_1760 : memref<!tpu.dma_semaphore, #tpu.memory_space<semaphore_mem>>)
      %dma_wait3A_1777 = arith.constant 0 : i32
      %dma_wait3A_1778 = arith.constant 0 : i32
      %dma_wait3A_1779 = tpu.memref_slice %arg6[%run_scoped3A_1582, %dma_wait3A_1777, %dma_wait3A_1778] : memref<2x80x64xf32, #tpu.memory_space<vmem>> -> memref<1x80x64xf32, #tpu.memory_space<vmem>>
      %dma_wait3A_1780 = tpu.memref_squeeze %dma_wait3A_1779 : memref<1x80x64xf32, #tpu.memory_space<vmem>> -> memref<80x64xf32, #tpu.memory_space<vmem>>
      %dma_wait3A_1781 = arith.constant 0 : i32
      %dma_wait3A_1782 = arith.constant 0 : i32
      %dma_wait3A_1783 = tpu.memref_slice %arg4[%add3A_1581, %dma_wait3A_1781, %dma_wait3A_1782] : memref<1024x80x64xf32, #tpu.memory_space<hbm>> -> memref<1x80x64xf32, #tpu.memory_space<hbm>>
      %dma_wait3A_1784 = tpu.memref_squeeze %dma_wait3A_1783 : memref<1x80x64xf32, #tpu.memory_space<hbm>> -> memref<80x64xf32, #tpu.memory_space<hbm>>
      %dma_wait3A_1785 = arith.constant 0 : i32
      %dma_wait3A_1786 = arith.constant 0 : i32
      %dma_wait3A_1787 = tpu.memref_slice %arg4[%add3A_1581, %dma_wait3A_1785, %dma_wait3A_1786] : memref<1024x80x64xf32, #tpu.memory_space<hbm>> -> memref<1x80x64xf32, #tpu.memory_space<hbm>>
      %dma_wait3A_1788 = tpu.memref_squeeze %dma_wait3A_1787 : memref<1x80x64xf32, #tpu.memory_space<hbm>> -> memref<80x64xf32, #tpu.memory_space<hbm>>
      %dma_wait3A_1789 = arith.constant 0 : i32
      %dma_wait3A_1790 = arith.constant 0 : i32
      %dma_wait3A_1791 = tpu.memref_slice %arg6[%run_scoped3A_1582, %dma_wait3A_1789, %dma_wait3A_1790] : memref<2x80x64xf32, #tpu.memory_space<vmem>> -> memref<1x80x64xf32, #tpu.memory_space<vmem>>
      %dma_wait3A_1792 = tpu.memref_squeeze %dma_wait3A_1791 : memref<1x80x64xf32, #tpu.memory_space<vmem>> -> memref<80x64xf32, #tpu.memory_space<vmem>>
      tpu.wait_dma2 semaphore(%run_scoped3A_1760 : memref<!tpu.dma_semaphore, #tpu.memory_space<semaphore_mem>>) src(%dma_wait3A_1792 : memref<80x64xf32, #tpu.memory_space<vmem>>) dst(%dma_wait3A_1788 : memref<80x64xf32, #tpu.memory_space<hbm>>)
      tpu.yield
    }) : () -> ()
    %dma_start3A_1583 = arith.constant 26 : i32
    %dma_start3A_1584 = arith.constant 0 : i32
    %dma_start3A_1585 = arith.constant 0 : i32
    %dma_start3A_1586 = arith.constant 0 : i32
    %dma_start3A_1587 = tpu.memref_slice %arg6[%dma_start3A_1584, %dma_start3A_1585, %dma_start3A_1586] : memref<2x80x64xf32, #tpu.memory_space<vmem>> -> memref<1x66x64xf32, #tpu.memory_space<vmem>>
    %dma_start3A_1588 = tpu.memref_squeeze %dma_start3A_1587 : memref<1x66x64xf32, #tpu.memory_space<vmem>> -> memref<66x64xf32, #tpu.memory_space<vmem>>
    %dma_start3A_1589 = arith.constant 0 : i32
    %dma_start3A_1590 = tpu.memref_slice %arg5[%dma_start3A_1583, %dma_start3A_1589] : memref<32x66xi32, #tpu.memory_space<vmem>> -> memref<1x66xi32, #tpu.memory_space<vmem>>
    %dma_start3A_1591 = tpu.memref_squeeze %dma_start3A_1590 : memref<1x66xi32, #tpu.memory_space<vmem>> -> memref<66xi32, #tpu.memory_space<vmem>>
    %dma_start3A_1592 = arith.constant 0 : i32
    %dma_start3A_1593 = arith.constant 0 : i32
    %dma_start3A_1594 = tpu.memref_slice %arg3[%dma_start3A_1592, %dma_start3A_1593] : memref<100000x64xf32, #tpu.memory_space<hbm>> -> memref<100000x64xf32, #tpu.memory_space<hbm>>
    tpu.enqueue_indirect_dma source(%dma_start3A_1594 : memref<100000x64xf32, #tpu.memory_space<hbm>>) target(%dma_start3A_1588 : memref<66x64xf32, #tpu.memory_space<vmem>>) offsets(%dma_start3A_1591 : memref<66xi32, #tpu.memory_space<vmem>>) semaphore(%arg7 : memref<!tpu.dma_semaphore, #tpu.memory_space<semaphore_mem>>)
    %dma_wait3A_1595 = arith.constant 25 : i32
    %dma_wait3A_1596 = arith.constant 1 : i32
    %dma_wait3A_1597 = arith.constant 0 : i32
    %dma_wait3A_1598 = arith.constant 0 : i32
    %dma_wait3A_1599 = tpu.memref_slice %arg6[%dma_wait3A_1596, %dma_wait3A_1597, %dma_wait3A_1598] : memref<2x80x64xf32, #tpu.memory_space<vmem>> -> memref<1x66x64xf32, #tpu.memory_space<vmem>>
    %dma_wait3A_1600 = tpu.memref_squeeze %dma_wait3A_1599 : memref<1x66x64xf32, #tpu.memory_space<vmem>> -> memref<66x64xf32, #tpu.memory_space<vmem>>
    %dma_wait3A_1601 = arith.constant 0 : i32
    %dma_wait3A_1602 = tpu.memref_slice %arg5[%dma_wait3A_1595, %dma_wait3A_1601] : memref<32x66xi32, #tpu.memory_space<vmem>> -> memref<1x66xi32, #tpu.memory_space<vmem>>
    %dma_wait3A_1603 = tpu.memref_squeeze %dma_wait3A_1602 : memref<1x66xi32, #tpu.memory_space<vmem>> -> memref<66xi32, #tpu.memory_space<vmem>>
    %dma_wait3A_1604 = arith.constant 0 : i32
    %dma_wait3A_1605 = arith.constant 0 : i32
    %dma_wait3A_1606 = tpu.memref_slice %arg3[%dma_wait3A_1604, %dma_wait3A_1605] : memref<100000x64xf32, #tpu.memory_space<hbm>> -> memref<100000x64xf32, #tpu.memory_space<hbm>>
    tpu.wait_indirect_dma semaphore(%arg8 : memref<!tpu.dma_semaphore, #tpu.memory_space<semaphore_mem>>) src(%dma_wait3A_1606 : memref<100000x64xf32, #tpu.memory_space<hbm>>) dst(%dma_wait3A_1600 : memref<66x64xf32, #tpu.memory_space<vmem>>)
    %add3A_1607 = arith.constant 25 : i32
    %add3A_1608 = arith.addi %mul3A_2, %add3A_1607 : i32
    %run_scoped3A_1609 = arith.constant 1 : i32
    "tpu.region"() ({
      %run_scoped3A_1760 = tpu.sem_alloc : memref<!tpu.dma_semaphore, #tpu.memory_space<semaphore_mem>>
      %dma_start3A_1761 = arith.constant 0 : i32
      %dma_start3A_1762 = arith.constant 0 : i32
      %dma_start3A_1763 = tpu.memref_slice %arg6[%run_scoped3A_1609, %dma_start3A_1761, %dma_start3A_1762] : memref<2x80x64xf32, #tpu.memory_space<vmem>> -> memref<1x80x64xf32, #tpu.memory_space<vmem>>
      %dma_start3A_1764 = tpu.memref_squeeze %dma_start3A_1763 : memref<1x80x64xf32, #tpu.memory_space<vmem>> -> memref<80x64xf32, #tpu.memory_space<vmem>>
      %dma_start3A_1765 = arith.constant 0 : i32
      %dma_start3A_1766 = arith.constant 0 : i32
      %dma_start3A_1767 = tpu.memref_slice %arg4[%add3A_1608, %dma_start3A_1765, %dma_start3A_1766] : memref<1024x80x64xf32, #tpu.memory_space<hbm>> -> memref<1x80x64xf32, #tpu.memory_space<hbm>>
      %dma_start3A_1768 = tpu.memref_squeeze %dma_start3A_1767 : memref<1x80x64xf32, #tpu.memory_space<hbm>> -> memref<80x64xf32, #tpu.memory_space<hbm>>
      %dma_start3A_1769 = arith.constant 0 : i32
      %dma_start3A_1770 = arith.constant 0 : i32
      %dma_start3A_1771 = tpu.memref_slice %arg4[%add3A_1608, %dma_start3A_1769, %dma_start3A_1770] : memref<1024x80x64xf32, #tpu.memory_space<hbm>> -> memref<1x80x64xf32, #tpu.memory_space<hbm>>
      %dma_start3A_1772 = tpu.memref_squeeze %dma_start3A_1771 : memref<1x80x64xf32, #tpu.memory_space<hbm>> -> memref<80x64xf32, #tpu.memory_space<hbm>>
      %dma_start3A_1773 = arith.constant 0 : i32
      %dma_start3A_1774 = arith.constant 0 : i32
      %dma_start3A_1775 = tpu.memref_slice %arg6[%run_scoped3A_1609, %dma_start3A_1773, %dma_start3A_1774] : memref<2x80x64xf32, #tpu.memory_space<vmem>> -> memref<1x80x64xf32, #tpu.memory_space<vmem>>
      %dma_start3A_1776 = tpu.memref_squeeze %dma_start3A_1775 : memref<1x80x64xf32, #tpu.memory_space<vmem>> -> memref<80x64xf32, #tpu.memory_space<vmem>>
      tpu.enqueue_dma source(%dma_start3A_1776 : memref<80x64xf32, #tpu.memory_space<vmem>>) target(%dma_start3A_1772 : memref<80x64xf32, #tpu.memory_space<hbm>>) target_semaphore(%run_scoped3A_1760 : memref<!tpu.dma_semaphore, #tpu.memory_space<semaphore_mem>>)
      %dma_wait3A_1777 = arith.constant 0 : i32
      %dma_wait3A_1778 = arith.constant 0 : i32
      %dma_wait3A_1779 = tpu.memref_slice %arg6[%run_scoped3A_1609, %dma_wait3A_1777, %dma_wait3A_1778] : memref<2x80x64xf32, #tpu.memory_space<vmem>> -> memref<1x80x64xf32, #tpu.memory_space<vmem>>
      %dma_wait3A_1780 = tpu.memref_squeeze %dma_wait3A_1779 : memref<1x80x64xf32, #tpu.memory_space<vmem>> -> memref<80x64xf32, #tpu.memory_space<vmem>>
      %dma_wait3A_1781 = arith.constant 0 : i32
      %dma_wait3A_1782 = arith.constant 0 : i32
      %dma_wait3A_1783 = tpu.memref_slice %arg4[%add3A_1608, %dma_wait3A_1781, %dma_wait3A_1782] : memref<1024x80x64xf32, #tpu.memory_space<hbm>> -> memref<1x80x64xf32, #tpu.memory_space<hbm>>
      %dma_wait3A_1784 = tpu.memref_squeeze %dma_wait3A_1783 : memref<1x80x64xf32, #tpu.memory_space<hbm>> -> memref<80x64xf32, #tpu.memory_space<hbm>>
      %dma_wait3A_1785 = arith.constant 0 : i32
      %dma_wait3A_1786 = arith.constant 0 : i32
      %dma_wait3A_1787 = tpu.memref_slice %arg4[%add3A_1608, %dma_wait3A_1785, %dma_wait3A_1786] : memref<1024x80x64xf32, #tpu.memory_space<hbm>> -> memref<1x80x64xf32, #tpu.memory_space<hbm>>
      %dma_wait3A_1788 = tpu.memref_squeeze %dma_wait3A_1787 : memref<1x80x64xf32, #tpu.memory_space<hbm>> -> memref<80x64xf32, #tpu.memory_space<hbm>>
      %dma_wait3A_1789 = arith.constant 0 : i32
      %dma_wait3A_1790 = arith.constant 0 : i32
      %dma_wait3A_1791 = tpu.memref_slice %arg6[%run_scoped3A_1609, %dma_wait3A_1789, %dma_wait3A_1790] : memref<2x80x64xf32, #tpu.memory_space<vmem>> -> memref<1x80x64xf32, #tpu.memory_space<vmem>>
      %dma_wait3A_1792 = tpu.memref_squeeze %dma_wait3A_1791 : memref<1x80x64xf32, #tpu.memory_space<vmem>> -> memref<80x64xf32, #tpu.memory_space<vmem>>
      tpu.wait_dma2 semaphore(%run_scoped3A_1760 : memref<!tpu.dma_semaphore, #tpu.memory_space<semaphore_mem>>) src(%dma_wait3A_1792 : memref<80x64xf32, #tpu.memory_space<vmem>>) dst(%dma_wait3A_1788 : memref<80x64xf32, #tpu.memory_space<hbm>>)
      tpu.yield
    }) : () -> ()
    %dma_start3A_1610 = arith.constant 27 : i32
    %dma_start3A_1611 = arith.constant 1 : i32
    %dma_start3A_1612 = arith.constant 0 : i32
    %dma_start3A_1613 = arith.constant 0 : i32
    %dma_start3A_1614 = tpu.memref_slice %arg6[%dma_start3A_1611, %dma_start3A_1612, %dma_start3A_1613] : memref<2x80x64xf32, #tpu.memory_space<vmem>> -> memref<1x66x64xf32, #tpu.memory_space<vmem>>
    %dma_start3A_1615 = tpu.memref_squeeze %dma_start3A_1614 : memref<1x66x64xf32, #tpu.memory_space<vmem>> -> memref<66x64xf32, #tpu.memory_space<vmem>>
    %dma_start3A_1616 = arith.constant 0 : i32
    %dma_start3A_1617 = tpu.memref_slice %arg5[%dma_start3A_1610, %dma_start3A_1616] : memref<32x66xi32, #tpu.memory_space<vmem>> -> memref<1x66xi32, #tpu.memory_space<vmem>>
    %dma_start3A_1618 = tpu.memref_squeeze %dma_start3A_1617 : memref<1x66xi32, #tpu.memory_space<vmem>> -> memref<66xi32, #tpu.memory_space<vmem>>
    %dma_start3A_1619 = arith.constant 0 : i32
    %dma_start3A_1620 = arith.constant 0 : i32
    %dma_start3A_1621 = tpu.memref_slice %arg3[%dma_start3A_1619, %dma_start3A_1620] : memref<100000x64xf32, #tpu.memory_space<hbm>> -> memref<100000x64xf32, #tpu.memory_space<hbm>>
    tpu.enqueue_indirect_dma source(%dma_start3A_1621 : memref<100000x64xf32, #tpu.memory_space<hbm>>) target(%dma_start3A_1615 : memref<66x64xf32, #tpu.memory_space<vmem>>) offsets(%dma_start3A_1618 : memref<66xi32, #tpu.memory_space<vmem>>) semaphore(%arg8 : memref<!tpu.dma_semaphore, #tpu.memory_space<semaphore_mem>>)
    %dma_wait3A_1622 = arith.constant 26 : i32
    %dma_wait3A_1623 = arith.constant 0 : i32
    %dma_wait3A_1624 = arith.constant 0 : i32
    %dma_wait3A_1625 = arith.constant 0 : i32
    %dma_wait3A_1626 = tpu.memref_slice %arg6[%dma_wait3A_1623, %dma_wait3A_1624, %dma_wait3A_1625] : memref<2x80x64xf32, #tpu.memory_space<vmem>> -> memref<1x66x64xf32, #tpu.memory_space<vmem>>
    %dma_wait3A_1627 = tpu.memref_squeeze %dma_wait3A_1626 : memref<1x66x64xf32, #tpu.memory_space<vmem>> -> memref<66x64xf32, #tpu.memory_space<vmem>>
    %dma_wait3A_1628 = arith.constant 0 : i32
    %dma_wait3A_1629 = tpu.memref_slice %arg5[%dma_wait3A_1622, %dma_wait3A_1628] : memref<32x66xi32, #tpu.memory_space<vmem>> -> memref<1x66xi32, #tpu.memory_space<vmem>>
    %dma_wait3A_1630 = tpu.memref_squeeze %dma_wait3A_1629 : memref<1x66xi32, #tpu.memory_space<vmem>> -> memref<66xi32, #tpu.memory_space<vmem>>
    %dma_wait3A_1631 = arith.constant 0 : i32
    %dma_wait3A_1632 = arith.constant 0 : i32
    %dma_wait3A_1633 = tpu.memref_slice %arg3[%dma_wait3A_1631, %dma_wait3A_1632] : memref<100000x64xf32, #tpu.memory_space<hbm>> -> memref<100000x64xf32, #tpu.memory_space<hbm>>
    tpu.wait_indirect_dma semaphore(%arg7 : memref<!tpu.dma_semaphore, #tpu.memory_space<semaphore_mem>>) src(%dma_wait3A_1633 : memref<100000x64xf32, #tpu.memory_space<hbm>>) dst(%dma_wait3A_1627 : memref<66x64xf32, #tpu.memory_space<vmem>>)
    %add3A_1634 = arith.constant 26 : i32
    %add3A_1635 = arith.addi %mul3A_2, %add3A_1634 : i32
    %run_scoped3A_1636 = arith.constant 0 : i32
    "tpu.region"() ({
      %run_scoped3A_1760 = tpu.sem_alloc : memref<!tpu.dma_semaphore, #tpu.memory_space<semaphore_mem>>
      %dma_start3A_1761 = arith.constant 0 : i32
      %dma_start3A_1762 = arith.constant 0 : i32
      %dma_start3A_1763 = tpu.memref_slice %arg6[%run_scoped3A_1636, %dma_start3A_1761, %dma_start3A_1762] : memref<2x80x64xf32, #tpu.memory_space<vmem>> -> memref<1x80x64xf32, #tpu.memory_space<vmem>>
      %dma_start3A_1764 = tpu.memref_squeeze %dma_start3A_1763 : memref<1x80x64xf32, #tpu.memory_space<vmem>> -> memref<80x64xf32, #tpu.memory_space<vmem>>
      %dma_start3A_1765 = arith.constant 0 : i32
      %dma_start3A_1766 = arith.constant 0 : i32
      %dma_start3A_1767 = tpu.memref_slice %arg4[%add3A_1635, %dma_start3A_1765, %dma_start3A_1766] : memref<1024x80x64xf32, #tpu.memory_space<hbm>> -> memref<1x80x64xf32, #tpu.memory_space<hbm>>
      %dma_start3A_1768 = tpu.memref_squeeze %dma_start3A_1767 : memref<1x80x64xf32, #tpu.memory_space<hbm>> -> memref<80x64xf32, #tpu.memory_space<hbm>>
      %dma_start3A_1769 = arith.constant 0 : i32
      %dma_start3A_1770 = arith.constant 0 : i32
      %dma_start3A_1771 = tpu.memref_slice %arg4[%add3A_1635, %dma_start3A_1769, %dma_start3A_1770] : memref<1024x80x64xf32, #tpu.memory_space<hbm>> -> memref<1x80x64xf32, #tpu.memory_space<hbm>>
      %dma_start3A_1772 = tpu.memref_squeeze %dma_start3A_1771 : memref<1x80x64xf32, #tpu.memory_space<hbm>> -> memref<80x64xf32, #tpu.memory_space<hbm>>
      %dma_start3A_1773 = arith.constant 0 : i32
      %dma_start3A_1774 = arith.constant 0 : i32
      %dma_start3A_1775 = tpu.memref_slice %arg6[%run_scoped3A_1636, %dma_start3A_1773, %dma_start3A_1774] : memref<2x80x64xf32, #tpu.memory_space<vmem>> -> memref<1x80x64xf32, #tpu.memory_space<vmem>>
      %dma_start3A_1776 = tpu.memref_squeeze %dma_start3A_1775 : memref<1x80x64xf32, #tpu.memory_space<vmem>> -> memref<80x64xf32, #tpu.memory_space<vmem>>
      tpu.enqueue_dma source(%dma_start3A_1776 : memref<80x64xf32, #tpu.memory_space<vmem>>) target(%dma_start3A_1772 : memref<80x64xf32, #tpu.memory_space<hbm>>) target_semaphore(%run_scoped3A_1760 : memref<!tpu.dma_semaphore, #tpu.memory_space<semaphore_mem>>)
      %dma_wait3A_1777 = arith.constant 0 : i32
      %dma_wait3A_1778 = arith.constant 0 : i32
      %dma_wait3A_1779 = tpu.memref_slice %arg6[%run_scoped3A_1636, %dma_wait3A_1777, %dma_wait3A_1778] : memref<2x80x64xf32, #tpu.memory_space<vmem>> -> memref<1x80x64xf32, #tpu.memory_space<vmem>>
      %dma_wait3A_1780 = tpu.memref_squeeze %dma_wait3A_1779 : memref<1x80x64xf32, #tpu.memory_space<vmem>> -> memref<80x64xf32, #tpu.memory_space<vmem>>
      %dma_wait3A_1781 = arith.constant 0 : i32
      %dma_wait3A_1782 = arith.constant 0 : i32
      %dma_wait3A_1783 = tpu.memref_slice %arg4[%add3A_1635, %dma_wait3A_1781, %dma_wait3A_1782] : memref<1024x80x64xf32, #tpu.memory_space<hbm>> -> memref<1x80x64xf32, #tpu.memory_space<hbm>>
      %dma_wait3A_1784 = tpu.memref_squeeze %dma_wait3A_1783 : memref<1x80x64xf32, #tpu.memory_space<hbm>> -> memref<80x64xf32, #tpu.memory_space<hbm>>
      %dma_wait3A_1785 = arith.constant 0 : i32
      %dma_wait3A_1786 = arith.constant 0 : i32
      %dma_wait3A_1787 = tpu.memref_slice %arg4[%add3A_1635, %dma_wait3A_1785, %dma_wait3A_1786] : memref<1024x80x64xf32, #tpu.memory_space<hbm>> -> memref<1x80x64xf32, #tpu.memory_space<hbm>>
      %dma_wait3A_1788 = tpu.memref_squeeze %dma_wait3A_1787 : memref<1x80x64xf32, #tpu.memory_space<hbm>> -> memref<80x64xf32, #tpu.memory_space<hbm>>
      %dma_wait3A_1789 = arith.constant 0 : i32
      %dma_wait3A_1790 = arith.constant 0 : i32
      %dma_wait3A_1791 = tpu.memref_slice %arg6[%run_scoped3A_1636, %dma_wait3A_1789, %dma_wait3A_1790] : memref<2x80x64xf32, #tpu.memory_space<vmem>> -> memref<1x80x64xf32, #tpu.memory_space<vmem>>
      %dma_wait3A_1792 = tpu.memref_squeeze %dma_wait3A_1791 : memref<1x80x64xf32, #tpu.memory_space<vmem>> -> memref<80x64xf32, #tpu.memory_space<vmem>>
      tpu.wait_dma2 semaphore(%run_scoped3A_1760 : memref<!tpu.dma_semaphore, #tpu.memory_space<semaphore_mem>>) src(%dma_wait3A_1792 : memref<80x64xf32, #tpu.memory_space<vmem>>) dst(%dma_wait3A_1788 : memref<80x64xf32, #tpu.memory_space<hbm>>)
      tpu.yield
    }) : () -> ()
    %dma_start3A_1637 = arith.constant 28 : i32
    %dma_start3A_1638 = arith.constant 0 : i32
    %dma_start3A_1639 = arith.constant 0 : i32
    %dma_start3A_1640 = arith.constant 0 : i32
    %dma_start3A_1641 = tpu.memref_slice %arg6[%dma_start3A_1638, %dma_start3A_1639, %dma_start3A_1640] : memref<2x80x64xf32, #tpu.memory_space<vmem>> -> memref<1x66x64xf32, #tpu.memory_space<vmem>>
    %dma_start3A_1642 = tpu.memref_squeeze %dma_start3A_1641 : memref<1x66x64xf32, #tpu.memory_space<vmem>> -> memref<66x64xf32, #tpu.memory_space<vmem>>
    %dma_start3A_1643 = arith.constant 0 : i32
    %dma_start3A_1644 = tpu.memref_slice %arg5[%dma_start3A_1637, %dma_start3A_1643] : memref<32x66xi32, #tpu.memory_space<vmem>> -> memref<1x66xi32, #tpu.memory_space<vmem>>
    %dma_start3A_1645 = tpu.memref_squeeze %dma_start3A_1644 : memref<1x66xi32, #tpu.memory_space<vmem>> -> memref<66xi32, #tpu.memory_space<vmem>>
    %dma_start3A_1646 = arith.constant 0 : i32
    %dma_start3A_1647 = arith.constant 0 : i32
    %dma_start3A_1648 = tpu.memref_slice %arg3[%dma_start3A_1646, %dma_start3A_1647] : memref<100000x64xf32, #tpu.memory_space<hbm>> -> memref<100000x64xf32, #tpu.memory_space<hbm>>
    tpu.enqueue_indirect_dma source(%dma_start3A_1648 : memref<100000x64xf32, #tpu.memory_space<hbm>>) target(%dma_start3A_1642 : memref<66x64xf32, #tpu.memory_space<vmem>>) offsets(%dma_start3A_1645 : memref<66xi32, #tpu.memory_space<vmem>>) semaphore(%arg7 : memref<!tpu.dma_semaphore, #tpu.memory_space<semaphore_mem>>)
    %dma_wait3A_1649 = arith.constant 27 : i32
    %dma_wait3A_1650 = arith.constant 1 : i32
    %dma_wait3A_1651 = arith.constant 0 : i32
    %dma_wait3A_1652 = arith.constant 0 : i32
    %dma_wait3A_1653 = tpu.memref_slice %arg6[%dma_wait3A_1650, %dma_wait3A_1651, %dma_wait3A_1652] : memref<2x80x64xf32, #tpu.memory_space<vmem>> -> memref<1x66x64xf32, #tpu.memory_space<vmem>>
    %dma_wait3A_1654 = tpu.memref_squeeze %dma_wait3A_1653 : memref<1x66x64xf32, #tpu.memory_space<vmem>> -> memref<66x64xf32, #tpu.memory_space<vmem>>
    %dma_wait3A_1655 = arith.constant 0 : i32
    %dma_wait3A_1656 = tpu.memref_slice %arg5[%dma_wait3A_1649, %dma_wait3A_1655] : memref<32x66xi32, #tpu.memory_space<vmem>> -> memref<1x66xi32, #tpu.memory_space<vmem>>
    %dma_wait3A_1657 = tpu.memref_squeeze %dma_wait3A_1656 : memref<1x66xi32, #tpu.memory_space<vmem>> -> memref<66xi32, #tpu.memory_space<vmem>>
    %dma_wait3A_1658 = arith.constant 0 : i32
    %dma_wait3A_1659 = arith.constant 0 : i32
    %dma_wait3A_1660 = tpu.memref_slice %arg3[%dma_wait3A_1658, %dma_wait3A_1659] : memref<100000x64xf32, #tpu.memory_space<hbm>> -> memref<100000x64xf32, #tpu.memory_space<hbm>>
    tpu.wait_indirect_dma semaphore(%arg8 : memref<!tpu.dma_semaphore, #tpu.memory_space<semaphore_mem>>) src(%dma_wait3A_1660 : memref<100000x64xf32, #tpu.memory_space<hbm>>) dst(%dma_wait3A_1654 : memref<66x64xf32, #tpu.memory_space<vmem>>)
    %add3A_1661 = arith.constant 27 : i32
    %add3A_1662 = arith.addi %mul3A_2, %add3A_1661 : i32
    %run_scoped3A_1663 = arith.constant 1 : i32
    "tpu.region"() ({
      %run_scoped3A_1760 = tpu.sem_alloc : memref<!tpu.dma_semaphore, #tpu.memory_space<semaphore_mem>>
      %dma_start3A_1761 = arith.constant 0 : i32
      %dma_start3A_1762 = arith.constant 0 : i32
      %dma_start3A_1763 = tpu.memref_slice %arg6[%run_scoped3A_1663, %dma_start3A_1761, %dma_start3A_1762] : memref<2x80x64xf32, #tpu.memory_space<vmem>> -> memref<1x80x64xf32, #tpu.memory_space<vmem>>
      %dma_start3A_1764 = tpu.memref_squeeze %dma_start3A_1763 : memref<1x80x64xf32, #tpu.memory_space<vmem>> -> memref<80x64xf32, #tpu.memory_space<vmem>>
      %dma_start3A_1765 = arith.constant 0 : i32
      %dma_start3A_1766 = arith.constant 0 : i32
      %dma_start3A_1767 = tpu.memref_slice %arg4[%add3A_1662, %dma_start3A_1765, %dma_start3A_1766] : memref<1024x80x64xf32, #tpu.memory_space<hbm>> -> memref<1x80x64xf32, #tpu.memory_space<hbm>>
      %dma_start3A_1768 = tpu.memref_squeeze %dma_start3A_1767 : memref<1x80x64xf32, #tpu.memory_space<hbm>> -> memref<80x64xf32, #tpu.memory_space<hbm>>
      %dma_start3A_1769 = arith.constant 0 : i32
      %dma_start3A_1770 = arith.constant 0 : i32
      %dma_start3A_1771 = tpu.memref_slice %arg4[%add3A_1662, %dma_start3A_1769, %dma_start3A_1770] : memref<1024x80x64xf32, #tpu.memory_space<hbm>> -> memref<1x80x64xf32, #tpu.memory_space<hbm>>
      %dma_start3A_1772 = tpu.memref_squeeze %dma_start3A_1771 : memref<1x80x64xf32, #tpu.memory_space<hbm>> -> memref<80x64xf32, #tpu.memory_space<hbm>>
      %dma_start3A_1773 = arith.constant 0 : i32
      %dma_start3A_1774 = arith.constant 0 : i32
      %dma_start3A_1775 = tpu.memref_slice %arg6[%run_scoped3A_1663, %dma_start3A_1773, %dma_start3A_1774] : memref<2x80x64xf32, #tpu.memory_space<vmem>> -> memref<1x80x64xf32, #tpu.memory_space<vmem>>
      %dma_start3A_1776 = tpu.memref_squeeze %dma_start3A_1775 : memref<1x80x64xf32, #tpu.memory_space<vmem>> -> memref<80x64xf32, #tpu.memory_space<vmem>>
      tpu.enqueue_dma source(%dma_start3A_1776 : memref<80x64xf32, #tpu.memory_space<vmem>>) target(%dma_start3A_1772 : memref<80x64xf32, #tpu.memory_space<hbm>>) target_semaphore(%run_scoped3A_1760 : memref<!tpu.dma_semaphore, #tpu.memory_space<semaphore_mem>>)
      %dma_wait3A_1777 = arith.constant 0 : i32
      %dma_wait3A_1778 = arith.constant 0 : i32
      %dma_wait3A_1779 = tpu.memref_slice %arg6[%run_scoped3A_1663, %dma_wait3A_1777, %dma_wait3A_1778] : memref<2x80x64xf32, #tpu.memory_space<vmem>> -> memref<1x80x64xf32, #tpu.memory_space<vmem>>
      %dma_wait3A_1780 = tpu.memref_squeeze %dma_wait3A_1779 : memref<1x80x64xf32, #tpu.memory_space<vmem>> -> memref<80x64xf32, #tpu.memory_space<vmem>>
      %dma_wait3A_1781 = arith.constant 0 : i32
      %dma_wait3A_1782 = arith.constant 0 : i32
      %dma_wait3A_1783 = tpu.memref_slice %arg4[%add3A_1662, %dma_wait3A_1781, %dma_wait3A_1782] : memref<1024x80x64xf32, #tpu.memory_space<hbm>> -> memref<1x80x64xf32, #tpu.memory_space<hbm>>
      %dma_wait3A_1784 = tpu.memref_squeeze %dma_wait3A_1783 : memref<1x80x64xf32, #tpu.memory_space<hbm>> -> memref<80x64xf32, #tpu.memory_space<hbm>>
      %dma_wait3A_1785 = arith.constant 0 : i32
      %dma_wait3A_1786 = arith.constant 0 : i32
      %dma_wait3A_1787 = tpu.memref_slice %arg4[%add3A_1662, %dma_wait3A_1785, %dma_wait3A_1786] : memref<1024x80x64xf32, #tpu.memory_space<hbm>> -> memref<1x80x64xf32, #tpu.memory_space<hbm>>
      %dma_wait3A_1788 = tpu.memref_squeeze %dma_wait3A_1787 : memref<1x80x64xf32, #tpu.memory_space<hbm>> -> memref<80x64xf32, #tpu.memory_space<hbm>>
      %dma_wait3A_1789 = arith.constant 0 : i32
      %dma_wait3A_1790 = arith.constant 0 : i32
      %dma_wait3A_1791 = tpu.memref_slice %arg6[%run_scoped3A_1663, %dma_wait3A_1789, %dma_wait3A_1790] : memref<2x80x64xf32, #tpu.memory_space<vmem>> -> memref<1x80x64xf32, #tpu.memory_space<vmem>>
      %dma_wait3A_1792 = tpu.memref_squeeze %dma_wait3A_1791 : memref<1x80x64xf32, #tpu.memory_space<vmem>> -> memref<80x64xf32, #tpu.memory_space<vmem>>
      tpu.wait_dma2 semaphore(%run_scoped3A_1760 : memref<!tpu.dma_semaphore, #tpu.memory_space<semaphore_mem>>) src(%dma_wait3A_1792 : memref<80x64xf32, #tpu.memory_space<vmem>>) dst(%dma_wait3A_1788 : memref<80x64xf32, #tpu.memory_space<hbm>>)
      tpu.yield
    }) : () -> ()
    %dma_start3A_1664 = arith.constant 29 : i32
    %dma_start3A_1665 = arith.constant 1 : i32
    %dma_start3A_1666 = arith.constant 0 : i32
    %dma_start3A_1667 = arith.constant 0 : i32
    %dma_start3A_1668 = tpu.memref_slice %arg6[%dma_start3A_1665, %dma_start3A_1666, %dma_start3A_1667] : memref<2x80x64xf32, #tpu.memory_space<vmem>> -> memref<1x66x64xf32, #tpu.memory_space<vmem>>
    %dma_start3A_1669 = tpu.memref_squeeze %dma_start3A_1668 : memref<1x66x64xf32, #tpu.memory_space<vmem>> -> memref<66x64xf32, #tpu.memory_space<vmem>>
    %dma_start3A_1670 = arith.constant 0 : i32
    %dma_start3A_1671 = tpu.memref_slice %arg5[%dma_start3A_1664, %dma_start3A_1670] : memref<32x66xi32, #tpu.memory_space<vmem>> -> memref<1x66xi32, #tpu.memory_space<vmem>>
    %dma_start3A_1672 = tpu.memref_squeeze %dma_start3A_1671 : memref<1x66xi32, #tpu.memory_space<vmem>> -> memref<66xi32, #tpu.memory_space<vmem>>
    %dma_start3A_1673 = arith.constant 0 : i32
    %dma_start3A_1674 = arith.constant 0 : i32
    %dma_start3A_1675 = tpu.memref_slice %arg3[%dma_start3A_1673, %dma_start3A_1674] : memref<100000x64xf32, #tpu.memory_space<hbm>> -> memref<100000x64xf32, #tpu.memory_space<hbm>>
    tpu.enqueue_indirect_dma source(%dma_start3A_1675 : memref<100000x64xf32, #tpu.memory_space<hbm>>) target(%dma_start3A_1669 : memref<66x64xf32, #tpu.memory_space<vmem>>) offsets(%dma_start3A_1672 : memref<66xi32, #tpu.memory_space<vmem>>) semaphore(%arg8 : memref<!tpu.dma_semaphore, #tpu.memory_space<semaphore_mem>>)
    %dma_wait3A_1676 = arith.constant 28 : i32
    %dma_wait3A_1677 = arith.constant 0 : i32
    %dma_wait3A_1678 = arith.constant 0 : i32
    %dma_wait3A_1679 = arith.constant 0 : i32
    %dma_wait3A_1680 = tpu.memref_slice %arg6[%dma_wait3A_1677, %dma_wait3A_1678, %dma_wait3A_1679] : memref<2x80x64xf32, #tpu.memory_space<vmem>> -> memref<1x66x64xf32, #tpu.memory_space<vmem>>
    %dma_wait3A_1681 = tpu.memref_squeeze %dma_wait3A_1680 : memref<1x66x64xf32, #tpu.memory_space<vmem>> -> memref<66x64xf32, #tpu.memory_space<vmem>>
    %dma_wait3A_1682 = arith.constant 0 : i32
    %dma_wait3A_1683 = tpu.memref_slice %arg5[%dma_wait3A_1676, %dma_wait3A_1682] : memref<32x66xi32, #tpu.memory_space<vmem>> -> memref<1x66xi32, #tpu.memory_space<vmem>>
    %dma_wait3A_1684 = tpu.memref_squeeze %dma_wait3A_1683 : memref<1x66xi32, #tpu.memory_space<vmem>> -> memref<66xi32, #tpu.memory_space<vmem>>
    %dma_wait3A_1685 = arith.constant 0 : i32
    %dma_wait3A_1686 = arith.constant 0 : i32
    %dma_wait3A_1687 = tpu.memref_slice %arg3[%dma_wait3A_1685, %dma_wait3A_1686] : memref<100000x64xf32, #tpu.memory_space<hbm>> -> memref<100000x64xf32, #tpu.memory_space<hbm>>
    tpu.wait_indirect_dma semaphore(%arg7 : memref<!tpu.dma_semaphore, #tpu.memory_space<semaphore_mem>>) src(%dma_wait3A_1687 : memref<100000x64xf32, #tpu.memory_space<hbm>>) dst(%dma_wait3A_1681 : memref<66x64xf32, #tpu.memory_space<vmem>>)
    %add3A_1688 = arith.constant 28 : i32
    %add3A_1689 = arith.addi %mul3A_2, %add3A_1688 : i32
    %run_scoped3A_1690 = arith.constant 0 : i32
    "tpu.region"() ({
      %run_scoped3A_1760 = tpu.sem_alloc : memref<!tpu.dma_semaphore, #tpu.memory_space<semaphore_mem>>
      %dma_start3A_1761 = arith.constant 0 : i32
      %dma_start3A_1762 = arith.constant 0 : i32
      %dma_start3A_1763 = tpu.memref_slice %arg6[%run_scoped3A_1690, %dma_start3A_1761, %dma_start3A_1762] : memref<2x80x64xf32, #tpu.memory_space<vmem>> -> memref<1x80x64xf32, #tpu.memory_space<vmem>>
      %dma_start3A_1764 = tpu.memref_squeeze %dma_start3A_1763 : memref<1x80x64xf32, #tpu.memory_space<vmem>> -> memref<80x64xf32, #tpu.memory_space<vmem>>
      %dma_start3A_1765 = arith.constant 0 : i32
      %dma_start3A_1766 = arith.constant 0 : i32
      %dma_start3A_1767 = tpu.memref_slice %arg4[%add3A_1689, %dma_start3A_1765, %dma_start3A_1766] : memref<1024x80x64xf32, #tpu.memory_space<hbm>> -> memref<1x80x64xf32, #tpu.memory_space<hbm>>
      %dma_start3A_1768 = tpu.memref_squeeze %dma_start3A_1767 : memref<1x80x64xf32, #tpu.memory_space<hbm>> -> memref<80x64xf32, #tpu.memory_space<hbm>>
      %dma_start3A_1769 = arith.constant 0 : i32
      %dma_start3A_1770 = arith.constant 0 : i32
      %dma_start3A_1771 = tpu.memref_slice %arg4[%add3A_1689, %dma_start3A_1769, %dma_start3A_1770] : memref<1024x80x64xf32, #tpu.memory_space<hbm>> -> memref<1x80x64xf32, #tpu.memory_space<hbm>>
      %dma_start3A_1772 = tpu.memref_squeeze %dma_start3A_1771 : memref<1x80x64xf32, #tpu.memory_space<hbm>> -> memref<80x64xf32, #tpu.memory_space<hbm>>
      %dma_start3A_1773 = arith.constant 0 : i32
      %dma_start3A_1774 = arith.constant 0 : i32
      %dma_start3A_1775 = tpu.memref_slice %arg6[%run_scoped3A_1690, %dma_start3A_1773, %dma_start3A_1774] : memref<2x80x64xf32, #tpu.memory_space<vmem>> -> memref<1x80x64xf32, #tpu.memory_space<vmem>>
      %dma_start3A_1776 = tpu.memref_squeeze %dma_start3A_1775 : memref<1x80x64xf32, #tpu.memory_space<vmem>> -> memref<80x64xf32, #tpu.memory_space<vmem>>
      tpu.enqueue_dma source(%dma_start3A_1776 : memref<80x64xf32, #tpu.memory_space<vmem>>) target(%dma_start3A_1772 : memref<80x64xf32, #tpu.memory_space<hbm>>) target_semaphore(%run_scoped3A_1760 : memref<!tpu.dma_semaphore, #tpu.memory_space<semaphore_mem>>)
      %dma_wait3A_1777 = arith.constant 0 : i32
      %dma_wait3A_1778 = arith.constant 0 : i32
      %dma_wait3A_1779 = tpu.memref_slice %arg6[%run_scoped3A_1690, %dma_wait3A_1777, %dma_wait3A_1778] : memref<2x80x64xf32, #tpu.memory_space<vmem>> -> memref<1x80x64xf32, #tpu.memory_space<vmem>>
      %dma_wait3A_1780 = tpu.memref_squeeze %dma_wait3A_1779 : memref<1x80x64xf32, #tpu.memory_space<vmem>> -> memref<80x64xf32, #tpu.memory_space<vmem>>
      %dma_wait3A_1781 = arith.constant 0 : i32
      %dma_wait3A_1782 = arith.constant 0 : i32
      %dma_wait3A_1783 = tpu.memref_slice %arg4[%add3A_1689, %dma_wait3A_1781, %dma_wait3A_1782] : memref<1024x80x64xf32, #tpu.memory_space<hbm>> -> memref<1x80x64xf32, #tpu.memory_space<hbm>>
      %dma_wait3A_1784 = tpu.memref_squeeze %dma_wait3A_1783 : memref<1x80x64xf32, #tpu.memory_space<hbm>> -> memref<80x64xf32, #tpu.memory_space<hbm>>
      %dma_wait3A_1785 = arith.constant 0 : i32
      %dma_wait3A_1786 = arith.constant 0 : i32
      %dma_wait3A_1787 = tpu.memref_slice %arg4[%add3A_1689, %dma_wait3A_1785, %dma_wait3A_1786] : memref<1024x80x64xf32, #tpu.memory_space<hbm>> -> memref<1x80x64xf32, #tpu.memory_space<hbm>>
      %dma_wait3A_1788 = tpu.memref_squeeze %dma_wait3A_1787 : memref<1x80x64xf32, #tpu.memory_space<hbm>> -> memref<80x64xf32, #tpu.memory_space<hbm>>
      %dma_wait3A_1789 = arith.constant 0 : i32
      %dma_wait3A_1790 = arith.constant 0 : i32
      %dma_wait3A_1791 = tpu.memref_slice %arg6[%run_scoped3A_1690, %dma_wait3A_1789, %dma_wait3A_1790] : memref<2x80x64xf32, #tpu.memory_space<vmem>> -> memref<1x80x64xf32, #tpu.memory_space<vmem>>
      %dma_wait3A_1792 = tpu.memref_squeeze %dma_wait3A_1791 : memref<1x80x64xf32, #tpu.memory_space<vmem>> -> memref<80x64xf32, #tpu.memory_space<vmem>>
      tpu.wait_dma2 semaphore(%run_scoped3A_1760 : memref<!tpu.dma_semaphore, #tpu.memory_space<semaphore_mem>>) src(%dma_wait3A_1792 : memref<80x64xf32, #tpu.memory_space<vmem>>) dst(%dma_wait3A_1788 : memref<80x64xf32, #tpu.memory_space<hbm>>)
      tpu.yield
    }) : () -> ()
    %dma_start3A_1691 = arith.constant 30 : i32
    %dma_start3A_1692 = arith.constant 0 : i32
    %dma_start3A_1693 = arith.constant 0 : i32
    %dma_start3A_1694 = arith.constant 0 : i32
    %dma_start3A_1695 = tpu.memref_slice %arg6[%dma_start3A_1692, %dma_start3A_1693, %dma_start3A_1694] : memref<2x80x64xf32, #tpu.memory_space<vmem>> -> memref<1x66x64xf32, #tpu.memory_space<vmem>>
    %dma_start3A_1696 = tpu.memref_squeeze %dma_start3A_1695 : memref<1x66x64xf32, #tpu.memory_space<vmem>> -> memref<66x64xf32, #tpu.memory_space<vmem>>
    %dma_start3A_1697 = arith.constant 0 : i32
    %dma_start3A_1698 = tpu.memref_slice %arg5[%dma_start3A_1691, %dma_start3A_1697] : memref<32x66xi32, #tpu.memory_space<vmem>> -> memref<1x66xi32, #tpu.memory_space<vmem>>
    %dma_start3A_1699 = tpu.memref_squeeze %dma_start3A_1698 : memref<1x66xi32, #tpu.memory_space<vmem>> -> memref<66xi32, #tpu.memory_space<vmem>>
    %dma_start3A_1700 = arith.constant 0 : i32
    %dma_start3A_1701 = arith.constant 0 : i32
    %dma_start3A_1702 = tpu.memref_slice %arg3[%dma_start3A_1700, %dma_start3A_1701] : memref<100000x64xf32, #tpu.memory_space<hbm>> -> memref<100000x64xf32, #tpu.memory_space<hbm>>
    tpu.enqueue_indirect_dma source(%dma_start3A_1702 : memref<100000x64xf32, #tpu.memory_space<hbm>>) target(%dma_start3A_1696 : memref<66x64xf32, #tpu.memory_space<vmem>>) offsets(%dma_start3A_1699 : memref<66xi32, #tpu.memory_space<vmem>>) semaphore(%arg7 : memref<!tpu.dma_semaphore, #tpu.memory_space<semaphore_mem>>)
    %dma_wait3A_1703 = arith.constant 29 : i32
    %dma_wait3A_1704 = arith.constant 1 : i32
    %dma_wait3A_1705 = arith.constant 0 : i32
    %dma_wait3A_1706 = arith.constant 0 : i32
    %dma_wait3A_1707 = tpu.memref_slice %arg6[%dma_wait3A_1704, %dma_wait3A_1705, %dma_wait3A_1706] : memref<2x80x64xf32, #tpu.memory_space<vmem>> -> memref<1x66x64xf32, #tpu.memory_space<vmem>>
    %dma_wait3A_1708 = tpu.memref_squeeze %dma_wait3A_1707 : memref<1x66x64xf32, #tpu.memory_space<vmem>> -> memref<66x64xf32, #tpu.memory_space<vmem>>
    %dma_wait3A_1709 = arith.constant 0 : i32
    %dma_wait3A_1710 = tpu.memref_slice %arg5[%dma_wait3A_1703, %dma_wait3A_1709] : memref<32x66xi32, #tpu.memory_space<vmem>> -> memref<1x66xi32, #tpu.memory_space<vmem>>
    %dma_wait3A_1711 = tpu.memref_squeeze %dma_wait3A_1710 : memref<1x66xi32, #tpu.memory_space<vmem>> -> memref<66xi32, #tpu.memory_space<vmem>>
    %dma_wait3A_1712 = arith.constant 0 : i32
    %dma_wait3A_1713 = arith.constant 0 : i32
    %dma_wait3A_1714 = tpu.memref_slice %arg3[%dma_wait3A_1712, %dma_wait3A_1713] : memref<100000x64xf32, #tpu.memory_space<hbm>> -> memref<100000x64xf32, #tpu.memory_space<hbm>>
    tpu.wait_indirect_dma semaphore(%arg8 : memref<!tpu.dma_semaphore, #tpu.memory_space<semaphore_mem>>) src(%dma_wait3A_1714 : memref<100000x64xf32, #tpu.memory_space<hbm>>) dst(%dma_wait3A_1708 : memref<66x64xf32, #tpu.memory_space<vmem>>)
    %add3A_1715 = arith.constant 29 : i32
    %add3A_1716 = arith.addi %mul3A_2, %add3A_1715 : i32
    %run_scoped3A_1717 = arith.constant 1 : i32
    "tpu.region"() ({
      %run_scoped3A_1760 = tpu.sem_alloc : memref<!tpu.dma_semaphore, #tpu.memory_space<semaphore_mem>>
      %dma_start3A_1761 = arith.constant 0 : i32
      %dma_start3A_1762 = arith.constant 0 : i32
      %dma_start3A_1763 = tpu.memref_slice %arg6[%run_scoped3A_1717, %dma_start3A_1761, %dma_start3A_1762] : memref<2x80x64xf32, #tpu.memory_space<vmem>> -> memref<1x80x64xf32, #tpu.memory_space<vmem>>
      %dma_start3A_1764 = tpu.memref_squeeze %dma_start3A_1763 : memref<1x80x64xf32, #tpu.memory_space<vmem>> -> memref<80x64xf32, #tpu.memory_space<vmem>>
      %dma_start3A_1765 = arith.constant 0 : i32
      %dma_start3A_1766 = arith.constant 0 : i32
      %dma_start3A_1767 = tpu.memref_slice %arg4[%add3A_1716, %dma_start3A_1765, %dma_start3A_1766] : memref<1024x80x64xf32, #tpu.memory_space<hbm>> -> memref<1x80x64xf32, #tpu.memory_space<hbm>>
      %dma_start3A_1768 = tpu.memref_squeeze %dma_start3A_1767 : memref<1x80x64xf32, #tpu.memory_space<hbm>> -> memref<80x64xf32, #tpu.memory_space<hbm>>
      %dma_start3A_1769 = arith.constant 0 : i32
      %dma_start3A_1770 = arith.constant 0 : i32
      %dma_start3A_1771 = tpu.memref_slice %arg4[%add3A_1716, %dma_start3A_1769, %dma_start3A_1770] : memref<1024x80x64xf32, #tpu.memory_space<hbm>> -> memref<1x80x64xf32, #tpu.memory_space<hbm>>
      %dma_start3A_1772 = tpu.memref_squeeze %dma_start3A_1771 : memref<1x80x64xf32, #tpu.memory_space<hbm>> -> memref<80x64xf32, #tpu.memory_space<hbm>>
      %dma_start3A_1773 = arith.constant 0 : i32
      %dma_start3A_1774 = arith.constant 0 : i32
      %dma_start3A_1775 = tpu.memref_slice %arg6[%run_scoped3A_1717, %dma_start3A_1773, %dma_start3A_1774] : memref<2x80x64xf32, #tpu.memory_space<vmem>> -> memref<1x80x64xf32, #tpu.memory_space<vmem>>
      %dma_start3A_1776 = tpu.memref_squeeze %dma_start3A_1775 : memref<1x80x64xf32, #tpu.memory_space<vmem>> -> memref<80x64xf32, #tpu.memory_space<vmem>>
      tpu.enqueue_dma source(%dma_start3A_1776 : memref<80x64xf32, #tpu.memory_space<vmem>>) target(%dma_start3A_1772 : memref<80x64xf32, #tpu.memory_space<hbm>>) target_semaphore(%run_scoped3A_1760 : memref<!tpu.dma_semaphore, #tpu.memory_space<semaphore_mem>>)
      %dma_wait3A_1777 = arith.constant 0 : i32
      %dma_wait3A_1778 = arith.constant 0 : i32
      %dma_wait3A_1779 = tpu.memref_slice %arg6[%run_scoped3A_1717, %dma_wait3A_1777, %dma_wait3A_1778] : memref<2x80x64xf32, #tpu.memory_space<vmem>> -> memref<1x80x64xf32, #tpu.memory_space<vmem>>
      %dma_wait3A_1780 = tpu.memref_squeeze %dma_wait3A_1779 : memref<1x80x64xf32, #tpu.memory_space<vmem>> -> memref<80x64xf32, #tpu.memory_space<vmem>>
      %dma_wait3A_1781 = arith.constant 0 : i32
      %dma_wait3A_1782 = arith.constant 0 : i32
      %dma_wait3A_1783 = tpu.memref_slice %arg4[%add3A_1716, %dma_wait3A_1781, %dma_wait3A_1782] : memref<1024x80x64xf32, #tpu.memory_space<hbm>> -> memref<1x80x64xf32, #tpu.memory_space<hbm>>
      %dma_wait3A_1784 = tpu.memref_squeeze %dma_wait3A_1783 : memref<1x80x64xf32, #tpu.memory_space<hbm>> -> memref<80x64xf32, #tpu.memory_space<hbm>>
      %dma_wait3A_1785 = arith.constant 0 : i32
      %dma_wait3A_1786 = arith.constant 0 : i32
      %dma_wait3A_1787 = tpu.memref_slice %arg4[%add3A_1716, %dma_wait3A_1785, %dma_wait3A_1786] : memref<1024x80x64xf32, #tpu.memory_space<hbm>> -> memref<1x80x64xf32, #tpu.memory_space<hbm>>
      %dma_wait3A_1788 = tpu.memref_squeeze %dma_wait3A_1787 : memref<1x80x64xf32, #tpu.memory_space<hbm>> -> memref<80x64xf32, #tpu.memory_space<hbm>>
      %dma_wait3A_1789 = arith.constant 0 : i32
      %dma_wait3A_1790 = arith.constant 0 : i32
      %dma_wait3A_1791 = tpu.memref_slice %arg6[%run_scoped3A_1717, %dma_wait3A_1789, %dma_wait3A_1790] : memref<2x80x64xf32, #tpu.memory_space<vmem>> -> memref<1x80x64xf32, #tpu.memory_space<vmem>>
      %dma_wait3A_1792 = tpu.memref_squeeze %dma_wait3A_1791 : memref<1x80x64xf32, #tpu.memory_space<vmem>> -> memref<80x64xf32, #tpu.memory_space<vmem>>
      tpu.wait_dma2 semaphore(%run_scoped3A_1760 : memref<!tpu.dma_semaphore, #tpu.memory_space<semaphore_mem>>) src(%dma_wait3A_1792 : memref<80x64xf32, #tpu.memory_space<vmem>>) dst(%dma_wait3A_1788 : memref<80x64xf32, #tpu.memory_space<hbm>>)
      tpu.yield
    }) : () -> ()
    %dma_start3A_1718 = arith.constant 31 : i32
    %dma_start3A_1719 = arith.constant 1 : i32
    %dma_start3A_1720 = arith.constant 0 : i32
    %dma_start3A_1721 = arith.constant 0 : i32
    %dma_start3A_1722 = tpu.memref_slice %arg6[%dma_start3A_1719, %dma_start3A_1720, %dma_start3A_1721] : memref<2x80x64xf32, #tpu.memory_space<vmem>> -> memref<1x66x64xf32, #tpu.memory_space<vmem>>
    %dma_start3A_1723 = tpu.memref_squeeze %dma_start3A_1722 : memref<1x66x64xf32, #tpu.memory_space<vmem>> -> memref<66x64xf32, #tpu.memory_space<vmem>>
    %dma_start3A_1724 = arith.constant 0 : i32
    %dma_start3A_1725 = tpu.memref_slice %arg5[%dma_start3A_1718, %dma_start3A_1724] : memref<32x66xi32, #tpu.memory_space<vmem>> -> memref<1x66xi32, #tpu.memory_space<vmem>>
    %dma_start3A_1726 = tpu.memref_squeeze %dma_start3A_1725 : memref<1x66xi32, #tpu.memory_space<vmem>> -> memref<66xi32, #tpu.memory_space<vmem>>
    %dma_start3A_1727 = arith.constant 0 : i32
    %dma_start3A_1728 = arith.constant 0 : i32
    %dma_start3A_1729 = tpu.memref_slice %arg3[%dma_start3A_1727, %dma_start3A_1728] : memref<100000x64xf32, #tpu.memory_space<hbm>> -> memref<100000x64xf32, #tpu.memory_space<hbm>>
    tpu.enqueue_indirect_dma source(%dma_start3A_1729 : memref<100000x64xf32, #tpu.memory_space<hbm>>) target(%dma_start3A_1723 : memref<66x64xf32, #tpu.memory_space<vmem>>) offsets(%dma_start3A_1726 : memref<66xi32, #tpu.memory_space<vmem>>) semaphore(%arg8 : memref<!tpu.dma_semaphore, #tpu.memory_space<semaphore_mem>>)
    %dma_wait3A_1730 = arith.constant 30 : i32
    %dma_wait3A_1731 = arith.constant 0 : i32
    %dma_wait3A_1732 = arith.constant 0 : i32
    %dma_wait3A_1733 = arith.constant 0 : i32
    %dma_wait3A_1734 = tpu.memref_slice %arg6[%dma_wait3A_1731, %dma_wait3A_1732, %dma_wait3A_1733] : memref<2x80x64xf32, #tpu.memory_space<vmem>> -> memref<1x66x64xf32, #tpu.memory_space<vmem>>
    %dma_wait3A_1735 = tpu.memref_squeeze %dma_wait3A_1734 : memref<1x66x64xf32, #tpu.memory_space<vmem>> -> memref<66x64xf32, #tpu.memory_space<vmem>>
    %dma_wait3A_1736 = arith.constant 0 : i32
    %dma_wait3A_1737 = tpu.memref_slice %arg5[%dma_wait3A_1730, %dma_wait3A_1736] : memref<32x66xi32, #tpu.memory_space<vmem>> -> memref<1x66xi32, #tpu.memory_space<vmem>>
    %dma_wait3A_1738 = tpu.memref_squeeze %dma_wait3A_1737 : memref<1x66xi32, #tpu.memory_space<vmem>> -> memref<66xi32, #tpu.memory_space<vmem>>
    %dma_wait3A_1739 = arith.constant 0 : i32
    %dma_wait3A_1740 = arith.constant 0 : i32
    %dma_wait3A_1741 = tpu.memref_slice %arg3[%dma_wait3A_1739, %dma_wait3A_1740] : memref<100000x64xf32, #tpu.memory_space<hbm>> -> memref<100000x64xf32, #tpu.memory_space<hbm>>
    tpu.wait_indirect_dma semaphore(%arg7 : memref<!tpu.dma_semaphore, #tpu.memory_space<semaphore_mem>>) src(%dma_wait3A_1741 : memref<100000x64xf32, #tpu.memory_space<hbm>>) dst(%dma_wait3A_1735 : memref<66x64xf32, #tpu.memory_space<vmem>>)
    %add3A_1742 = arith.constant 30 : i32
    %add3A_1743 = arith.addi %mul3A_2, %add3A_1742 : i32
    %run_scoped3A_1744 = arith.constant 0 : i32
    "tpu.region"() ({
      %run_scoped3A_1760 = tpu.sem_alloc : memref<!tpu.dma_semaphore, #tpu.memory_space<semaphore_mem>>
      %dma_start3A_1761 = arith.constant 0 : i32
      %dma_start3A_1762 = arith.constant 0 : i32
      %dma_start3A_1763 = tpu.memref_slice %arg6[%run_scoped3A_1744, %dma_start3A_1761, %dma_start3A_1762] : memref<2x80x64xf32, #tpu.memory_space<vmem>> -> memref<1x80x64xf32, #tpu.memory_space<vmem>>
      %dma_start3A_1764 = tpu.memref_squeeze %dma_start3A_1763 : memref<1x80x64xf32, #tpu.memory_space<vmem>> -> memref<80x64xf32, #tpu.memory_space<vmem>>
      %dma_start3A_1765 = arith.constant 0 : i32
      %dma_start3A_1766 = arith.constant 0 : i32
      %dma_start3A_1767 = tpu.memref_slice %arg4[%add3A_1743, %dma_start3A_1765, %dma_start3A_1766] : memref<1024x80x64xf32, #tpu.memory_space<hbm>> -> memref<1x80x64xf32, #tpu.memory_space<hbm>>
      %dma_start3A_1768 = tpu.memref_squeeze %dma_start3A_1767 : memref<1x80x64xf32, #tpu.memory_space<hbm>> -> memref<80x64xf32, #tpu.memory_space<hbm>>
      %dma_start3A_1769 = arith.constant 0 : i32
      %dma_start3A_1770 = arith.constant 0 : i32
      %dma_start3A_1771 = tpu.memref_slice %arg4[%add3A_1743, %dma_start3A_1769, %dma_start3A_1770] : memref<1024x80x64xf32, #tpu.memory_space<hbm>> -> memref<1x80x64xf32, #tpu.memory_space<hbm>>
      %dma_start3A_1772 = tpu.memref_squeeze %dma_start3A_1771 : memref<1x80x64xf32, #tpu.memory_space<hbm>> -> memref<80x64xf32, #tpu.memory_space<hbm>>
      %dma_start3A_1773 = arith.constant 0 : i32
      %dma_start3A_1774 = arith.constant 0 : i32
      %dma_start3A_1775 = tpu.memref_slice %arg6[%run_scoped3A_1744, %dma_start3A_1773, %dma_start3A_1774] : memref<2x80x64xf32, #tpu.memory_space<vmem>> -> memref<1x80x64xf32, #tpu.memory_space<vmem>>
      %dma_start3A_1776 = tpu.memref_squeeze %dma_start3A_1775 : memref<1x80x64xf32, #tpu.memory_space<vmem>> -> memref<80x64xf32, #tpu.memory_space<vmem>>
      tpu.enqueue_dma source(%dma_start3A_1776 : memref<80x64xf32, #tpu.memory_space<vmem>>) target(%dma_start3A_1772 : memref<80x64xf32, #tpu.memory_space<hbm>>) target_semaphore(%run_scoped3A_1760 : memref<!tpu.dma_semaphore, #tpu.memory_space<semaphore_mem>>)
      %dma_wait3A_1777 = arith.constant 0 : i32
      %dma_wait3A_1778 = arith.constant 0 : i32
      %dma_wait3A_1779 = tpu.memref_slice %arg6[%run_scoped3A_1744, %dma_wait3A_1777, %dma_wait3A_1778] : memref<2x80x64xf32, #tpu.memory_space<vmem>> -> memref<1x80x64xf32, #tpu.memory_space<vmem>>
      %dma_wait3A_1780 = tpu.memref_squeeze %dma_wait3A_1779 : memref<1x80x64xf32, #tpu.memory_space<vmem>> -> memref<80x64xf32, #tpu.memory_space<vmem>>
      %dma_wait3A_1781 = arith.constant 0 : i32
      %dma_wait3A_1782 = arith.constant 0 : i32
      %dma_wait3A_1783 = tpu.memref_slice %arg4[%add3A_1743, %dma_wait3A_1781, %dma_wait3A_1782] : memref<1024x80x64xf32, #tpu.memory_space<hbm>> -> memref<1x80x64xf32, #tpu.memory_space<hbm>>
      %dma_wait3A_1784 = tpu.memref_squeeze %dma_wait3A_1783 : memref<1x80x64xf32, #tpu.memory_space<hbm>> -> memref<80x64xf32, #tpu.memory_space<hbm>>
      %dma_wait3A_1785 = arith.constant 0 : i32
      %dma_wait3A_1786 = arith.constant 0 : i32
      %dma_wait3A_1787 = tpu.memref_slice %arg4[%add3A_1743, %dma_wait3A_1785, %dma_wait3A_1786] : memref<1024x80x64xf32, #tpu.memory_space<hbm>> -> memref<1x80x64xf32, #tpu.memory_space<hbm>>
      %dma_wait3A_1788 = tpu.memref_squeeze %dma_wait3A_1787 : memref<1x80x64xf32, #tpu.memory_space<hbm>> -> memref<80x64xf32, #tpu.memory_space<hbm>>
      %dma_wait3A_1789 = arith.constant 0 : i32
      %dma_wait3A_1790 = arith.constant 0 : i32
      %dma_wait3A_1791 = tpu.memref_slice %arg6[%run_scoped3A_1744, %dma_wait3A_1789, %dma_wait3A_1790] : memref<2x80x64xf32, #tpu.memory_space<vmem>> -> memref<1x80x64xf32, #tpu.memory_space<vmem>>
      %dma_wait3A_1792 = tpu.memref_squeeze %dma_wait3A_1791 : memref<1x80x64xf32, #tpu.memory_space<vmem>> -> memref<80x64xf32, #tpu.memory_space<vmem>>
      tpu.wait_dma2 semaphore(%run_scoped3A_1760 : memref<!tpu.dma_semaphore, #tpu.memory_space<semaphore_mem>>) src(%dma_wait3A_1792 : memref<80x64xf32, #tpu.memory_space<vmem>>) dst(%dma_wait3A_1788 : memref<80x64xf32, #tpu.memory_space<hbm>>)
      tpu.yield
    }) : () -> ()
    %dma_wait3A_1745 = arith.constant 31 : i32
    %dma_wait3A_1746 = arith.constant 1 : i32
    %dma_wait3A_1747 = arith.constant 0 : i32
    %dma_wait3A_1748 = arith.constant 0 : i32
    %dma_wait3A_1749 = tpu.memref_slice %arg6[%dma_wait3A_1746, %dma_wait3A_1747, %dma_wait3A_1748] : memref<2x80x64xf32, #tpu.memory_space<vmem>> -> memref<1x66x64xf32, #tpu.memory_space<vmem>>
    %dma_wait3A_1750 = tpu.memref_squeeze %dma_wait3A_1749 : memref<1x66x64xf32, #tpu.memory_space<vmem>> -> memref<66x64xf32, #tpu.memory_space<vmem>>
    %dma_wait3A_1751 = arith.constant 0 : i32
    %dma_wait3A_1752 = tpu.memref_slice %arg5[%dma_wait3A_1745, %dma_wait3A_1751] : memref<32x66xi32, #tpu.memory_space<vmem>> -> memref<1x66xi32, #tpu.memory_space<vmem>>
    %dma_wait3A_1753 = tpu.memref_squeeze %dma_wait3A_1752 : memref<1x66xi32, #tpu.memory_space<vmem>> -> memref<66xi32, #tpu.memory_space<vmem>>
    %dma_wait3A_1754 = arith.constant 0 : i32
    %dma_wait3A_1755 = arith.constant 0 : i32
    %dma_wait3A_1756 = tpu.memref_slice %arg3[%dma_wait3A_1754, %dma_wait3A_1755] : memref<100000x64xf32, #tpu.memory_space<hbm>> -> memref<100000x64xf32, #tpu.memory_space<hbm>>
    tpu.wait_indirect_dma semaphore(%arg8 : memref<!tpu.dma_semaphore, #tpu.memory_space<semaphore_mem>>) src(%dma_wait3A_1756 : memref<100000x64xf32, #tpu.memory_space<hbm>>) dst(%dma_wait3A_1750 : memref<66x64xf32, #tpu.memory_space<vmem>>)
    %add3A_1757 = arith.constant 31 : i32
    %add3A_1758 = arith.addi %mul3A_2, %add3A_1757 : i32
    %run_scoped3A_1759 = arith.constant 1 : i32
    "tpu.region"() ({
      %run_scoped3A_1760 = tpu.sem_alloc : memref<!tpu.dma_semaphore, #tpu.memory_space<semaphore_mem>>
      %dma_start3A_1761 = arith.constant 0 : i32
      %dma_start3A_1762 = arith.constant 0 : i32
      %dma_start3A_1763 = tpu.memref_slice %arg6[%run_scoped3A_1759, %dma_start3A_1761, %dma_start3A_1762] : memref<2x80x64xf32, #tpu.memory_space<vmem>> -> memref<1x80x64xf32, #tpu.memory_space<vmem>>
      %dma_start3A_1764 = tpu.memref_squeeze %dma_start3A_1763 : memref<1x80x64xf32, #tpu.memory_space<vmem>> -> memref<80x64xf32, #tpu.memory_space<vmem>>
      %dma_start3A_1765 = arith.constant 0 : i32
      %dma_start3A_1766 = arith.constant 0 : i32
      %dma_start3A_1767 = tpu.memref_slice %arg4[%add3A_1758, %dma_start3A_1765, %dma_start3A_1766] : memref<1024x80x64xf32, #tpu.memory_space<hbm>> -> memref<1x80x64xf32, #tpu.memory_space<hbm>>
      %dma_start3A_1768 = tpu.memref_squeeze %dma_start3A_1767 : memref<1x80x64xf32, #tpu.memory_space<hbm>> -> memref<80x64xf32, #tpu.memory_space<hbm>>
      %dma_start3A_1769 = arith.constant 0 : i32
      %dma_start3A_1770 = arith.constant 0 : i32
      %dma_start3A_1771 = tpu.memref_slice %arg4[%add3A_1758, %dma_start3A_1769, %dma_start3A_1770] : memref<1024x80x64xf32, #tpu.memory_space<hbm>> -> memref<1x80x64xf32, #tpu.memory_space<hbm>>
      %dma_start3A_1772 = tpu.memref_squeeze %dma_start3A_1771 : memref<1x80x64xf32, #tpu.memory_space<hbm>> -> memref<80x64xf32, #tpu.memory_space<hbm>>
      %dma_start3A_1773 = arith.constant 0 : i32
      %dma_start3A_1774 = arith.constant 0 : i32
      %dma_start3A_1775 = tpu.memref_slice %arg6[%run_scoped3A_1759, %dma_start3A_1773, %dma_start3A_1774] : memref<2x80x64xf32, #tpu.memory_space<vmem>> -> memref<1x80x64xf32, #tpu.memory_space<vmem>>
      %dma_start3A_1776 = tpu.memref_squeeze %dma_start3A_1775 : memref<1x80x64xf32, #tpu.memory_space<vmem>> -> memref<80x64xf32, #tpu.memory_space<vmem>>
      tpu.enqueue_dma source(%dma_start3A_1776 : memref<80x64xf32, #tpu.memory_space<vmem>>) target(%dma_start3A_1772 : memref<80x64xf32, #tpu.memory_space<hbm>>) target_semaphore(%run_scoped3A_1760 : memref<!tpu.dma_semaphore, #tpu.memory_space<semaphore_mem>>)
      %dma_wait3A_1777 = arith.constant 0 : i32
      %dma_wait3A_1778 = arith.constant 0 : i32
      %dma_wait3A_1779 = tpu.memref_slice %arg6[%run_scoped3A_1759, %dma_wait3A_1777, %dma_wait3A_1778] : memref<2x80x64xf32, #tpu.memory_space<vmem>> -> memref<1x80x64xf32, #tpu.memory_space<vmem>>
      %dma_wait3A_1780 = tpu.memref_squeeze %dma_wait3A_1779 : memref<1x80x64xf32, #tpu.memory_space<vmem>> -> memref<80x64xf32, #tpu.memory_space<vmem>>
      %dma_wait3A_1781 = arith.constant 0 : i32
      %dma_wait3A_1782 = arith.constant 0 : i32
      %dma_wait3A_1783 = tpu.memref_slice %arg4[%add3A_1758, %dma_wait3A_1781, %dma_wait3A_1782] : memref<1024x80x64xf32, #tpu.memory_space<hbm>> -> memref<1x80x64xf32, #tpu.memory_space<hbm>>
      %dma_wait3A_1784 = tpu.memref_squeeze %dma_wait3A_1783 : memref<1x80x64xf32, #tpu.memory_space<hbm>> -> memref<80x64xf32, #tpu.memory_space<hbm>>
      %dma_wait3A_1785 = arith.constant 0 : i32
      %dma_wait3A_1786 = arith.constant 0 : i32
      %dma_wait3A_1787 = tpu.memref_slice %arg4[%add3A_1758, %dma_wait3A_1785, %dma_wait3A_1786] : memref<1024x80x64xf32, #tpu.memory_space<hbm>> -> memref<1x80x64xf32, #tpu.memory_space<hbm>>
      %dma_wait3A_1788 = tpu.memref_squeeze %dma_wait3A_1787 : memref<1x80x64xf32, #tpu.memory_space<hbm>> -> memref<80x64xf32, #tpu.memory_space<hbm>>
      %dma_wait3A_1789 = arith.constant 0 : i32
      %dma_wait3A_1790 = arith.constant 0 : i32
      %dma_wait3A_1791 = tpu.memref_slice %arg6[%run_scoped3A_1759, %dma_wait3A_1789, %dma_wait3A_1790] : memref<2x80x64xf32, #tpu.memory_space<vmem>> -> memref<1x80x64xf32, #tpu.memory_space<vmem>>
      %dma_wait3A_1792 = tpu.memref_squeeze %dma_wait3A_1791 : memref<1x80x64xf32, #tpu.memory_space<vmem>> -> memref<80x64xf32, #tpu.memory_space<vmem>>
      tpu.wait_dma2 semaphore(%run_scoped3A_1760 : memref<!tpu.dma_semaphore, #tpu.memory_space<semaphore_mem>>) src(%dma_wait3A_1792 : memref<80x64xf32, #tpu.memory_space<vmem>>) dst(%dma_wait3A_1788 : memref<80x64xf32, #tpu.memory_space<hbm>>)
      tpu.yield
    }) : () -> ()
    return
  }
}

module attributes {stable_mosaic.version = 14 : i64} {
  func.func @_tc_interp_body(%arg0: i32, %arg1: memref<1xi32, #tpu.memory_space<smem>>, %arg2: memref<16x100xi32, #tpu.memory_space<vmem>>, %arg3: memref<16x100xi32, #tpu.memory_space<vmem>>, %arg4: memref<640x128xf32, #tpu.memory_space<vmem>>, %arg5: memref<16x100x128xf32, #tpu.memory_space<vmem>>) attributes {dimension_semantics = [#tpu.dimension_semantics<parallel>], iteration_bounds = array<i64: 64>, scalar_prefetch = 0 : i64, scratch_operands = 0 : i64, tpu.core_type = #tpu.core_type<tc>, window_params = [{transform_indices = @transform_0, window_bounds = array<i64: 1>}, {transform_indices = @transform_1, window_bounds = array<i64: 16, 100>}, {transform_indices = @transform_2, window_bounds = array<i64: 16, 100>}, {transform_indices = @transform_3, window_bounds = array<i64: 640, 128>}, {transform_indices = @transform_4, window_bounds = array<i64: 16, 100, 128>}]} {
    %get3A = arith.constant 0 : index
    %get3A_0 = memref.load %arg1[%get3A] : memref<1xi32, #tpu.memory_space<smem>>
    %convert_element_type3A = arith.sitofp %get3A_0 : i32 to f32
    %div3A = arith.constant 1.000000e+00 : f32
    %div3A_1 = arith.divf %div3A, %convert_element_type3A : f32
    %get3A_2 = arith.constant 0 : index
    %get3A_3 = arith.constant 0 : index
    %get3A_4 = vector.load %arg4[%get3A_2, %get3A_3] : memref<640x128xf32, #tpu.memory_space<vmem>>, vector<640x128xf32>
    %convert_element_type3A_5 = arith.truncf %get3A_4 : vector<640x128xf32> to vector<640x128xbf16>
    %iota3A = tpu.iota {dimensions = array<i32: 0>} : vector<128x128xi32>
    %iota3A_6 = tpu.iota {dimensions = array<i32: 1>} : vector<128x128xi32>
    %jit3A = arith.constant 64 : i32
    %div3A_7 = vector.broadcast %jit3A : i32 to vector<128x128xi32>
    %div3A_8 = arith.divsi %iota3A, %div3A_7 : vector<128x128xi32>
    %sign3A = arith.constant 0 : i32
    %sign3A_9 = vector.broadcast %sign3A : i32 to vector<128x128xi32>
    %sign3A_10 = arith.cmpi sgt, %iota3A, %sign3A_9 : vector<128x128xi32>
    %sign3A_11 = arith.extui %sign3A_10 : vector<128x128xi1> to vector<128x128xi32>
    %sign3A_12 = arith.constant 0 : i32
    %sign3A_13 = vector.broadcast %sign3A_12 : i32 to vector<128x128xi32>
    %sign3A_14 = arith.cmpi slt, %iota3A, %sign3A_13 : vector<128x128xi32>
    %sign3A_15 = arith.extui %sign3A_14 : vector<128x128xi1> to vector<128x128xi32>
    %sign3A_16 = arith.subi %sign3A_11, %sign3A_15 : vector<128x128xi32>
    %sign3A_17 = arith.constant 0 : i32
    %sign3A_18 = arith.cmpi sgt, %jit3A, %sign3A_17 : i32
    %sign3A_19 = arith.extui %sign3A_18 : i1 to i32
    %sign3A_20 = arith.constant 0 : i32
    %sign3A_21 = arith.cmpi slt, %jit3A, %sign3A_20 : i32
    %sign3A_22 = arith.extui %sign3A_21 : i1 to i32
    %sign3A_23 = arith.subi %sign3A_19, %sign3A_22 : i32
    %ne3A = vector.broadcast %sign3A_23 : i32 to vector<128x128xi32>
    %ne3A_24 = arith.cmpi ne, %sign3A_16, %ne3A : vector<128x128xi32>
    %rem3A = vector.broadcast %jit3A : i32 to vector<128x128xi32>
    %rem3A_25 = arith.remsi %iota3A, %rem3A : vector<128x128xi32>
    %ne3A_26 = arith.constant 0 : i32
    %ne3A_27 = vector.broadcast %ne3A_26 : i32 to vector<128x128xi32>
    %ne3A_28 = arith.cmpi ne, %rem3A_25, %ne3A_27 : vector<128x128xi32>
    %and3A = arith.andi %ne3A_24, %ne3A_28 : vector<128x128xi1>
    %sub3A = arith.constant 1 : i32
    %sub3A_29 = vector.broadcast %sub3A : i32 to vector<128x128xi32>
    %sub3A_30 = arith.subi %div3A_8, %sub3A_29 : vector<128x128xi32>
    %select_n3A = arith.select %and3A, %sub3A_30, %div3A_8 : vector<128x128xi1>, vector<128x128xi32>
    %jit3A_31 = arith.constant 64 : i32
    %div3A_32 = vector.broadcast %jit3A_31 : i32 to vector<128x128xi32>
    %div3A_33 = arith.divsi %iota3A_6, %div3A_32 : vector<128x128xi32>
    %sign3A_34 = arith.constant 0 : i32
    %sign3A_35 = vector.broadcast %sign3A_34 : i32 to vector<128x128xi32>
    %sign3A_36 = arith.cmpi sgt, %iota3A_6, %sign3A_35 : vector<128x128xi32>
    %sign3A_37 = arith.extui %sign3A_36 : vector<128x128xi1> to vector<128x128xi32>
    %sign3A_38 = arith.constant 0 : i32
    %sign3A_39 = vector.broadcast %sign3A_38 : i32 to vector<128x128xi32>
    %sign3A_40 = arith.cmpi slt, %iota3A_6, %sign3A_39 : vector<128x128xi32>
    %sign3A_41 = arith.extui %sign3A_40 : vector<128x128xi1> to vector<128x128xi32>
    %sign3A_42 = arith.subi %sign3A_37, %sign3A_41 : vector<128x128xi32>
    %sign3A_43 = arith.constant 0 : i32
    %sign3A_44 = arith.cmpi sgt, %jit3A_31, %sign3A_43 : i32
    %sign3A_45 = arith.extui %sign3A_44 : i1 to i32
    %sign3A_46 = arith.constant 0 : i32
    %sign3A_47 = arith.cmpi slt, %jit3A_31, %sign3A_46 : i32
    %sign3A_48 = arith.extui %sign3A_47 : i1 to i32
    %sign3A_49 = arith.subi %sign3A_45, %sign3A_48 : i32
    %ne3A_50 = vector.broadcast %sign3A_49 : i32 to vector<128x128xi32>
    %ne3A_51 = arith.cmpi ne, %sign3A_42, %ne3A_50 : vector<128x128xi32>
    %rem3A_52 = vector.broadcast %jit3A_31 : i32 to vector<128x128xi32>
    %rem3A_53 = arith.remsi %iota3A_6, %rem3A_52 : vector<128x128xi32>
    %ne3A_54 = arith.constant 0 : i32
    %ne3A_55 = vector.broadcast %ne3A_54 : i32 to vector<128x128xi32>
    %ne3A_56 = arith.cmpi ne, %rem3A_53, %ne3A_55 : vector<128x128xi32>
    %and3A_57 = arith.andi %ne3A_51, %ne3A_56 : vector<128x128xi1>
    %sub3A_58 = arith.constant 1 : i32
    %sub3A_59 = vector.broadcast %sub3A_58 : i32 to vector<128x128xi32>
    %sub3A_60 = arith.subi %div3A_33, %sub3A_59 : vector<128x128xi32>
    %select_n3A_61 = arith.select %and3A_57, %sub3A_60, %div3A_33 : vector<128x128xi1>, vector<128x128xi32>
    %eq3A = arith.cmpi eq, %select_n3A, %select_n3A_61 : vector<128x128xi32>
    %convert_element_type3A_62 = arith.extui %eq3A : vector<128x128xi1> to vector<128x128xi32>
    %convert_element_type3A_63 = arith.sitofp %convert_element_type3A_62 : vector<128x128xi32> to vector<128x128xf32>
    %convert_element_type3A_64 = arith.truncf %convert_element_type3A_63 : vector<128x128xf32> to vector<128x128xbf16>
    %mul3A = arith.mulf %convert_element_type3A_5, %convert_element_type3A_5 : vector<640x128xbf16>
    %dot_general3A = arith.constant dense<0.000000e+00> : vector<640x128xf32>
    %dot_general3A_65 = tpu.matmul %mul3A, %convert_element_type3A_64, %dot_general3A {dimension_numbers = #tpu.dot_dimension_numbers<[1], [0], [0], [1], [0, 0, 1, 1], [], []>, transpose_lhs_hint = false} : vector<640x128xbf16>, vector<128x128xbf16>, vector<640x128xf32> -> vector<640x128xf32>
    %max3A = arith.constant 1.000000e-24 : f32
    %max3A_66 = vector.broadcast %max3A : f32 to vector<640x128xf32>
    %max3A_67 = arith.maximumf %dot_general3A_65, %max3A_66 : vector<640x128xf32>
    %rsqrt3A = math.rsqrt %max3A_67 : vector<640x128xf32>
    %mul3A_68 = arith.constant 8.000000e+00 : f32
    %mul3A_69 = vector.broadcast %mul3A_68 : f32 to vector<640x128xf32>
    %mul3A_70 = arith.mulf %mul3A_69, %rsqrt3A : vector<640x128xf32>
    %min3A = arith.constant 1.000000e+00 : f32
    %min3A_71 = vector.broadcast %min3A : f32 to vector<640x128xf32>
    %min3A_72 = arith.minimumf %min3A_71, %mul3A_70 : vector<640x128xf32>
    %mul3A_73 = arith.mulf %get3A_4, %min3A_72 : vector<640x128xf32>
    %convert_element_type3A_74 = arith.truncf %mul3A_73 : vector<640x128xf32> to vector<640x128xbf16>
    %iota3A_75 = tpu.iota {dimensions = array<i32: 0>} : vector<40x100xi32>
    %convert_element_type3A_76 = arith.sitofp %iota3A_75 : vector<40x100xi32> to vector<40x100xf32>
    %mul3A_77 = arith.constant 2.000000e+00 : f32
    %mul3A_78 = vector.broadcast %mul3A_77 : f32 to vector<40x100xf32>
    %mul3A_79 = arith.mulf %mul3A_78, %convert_element_type3A_76 : vector<40x100xf32>
    %add3A = arith.constant 1.000000e+00 : f32
    %add3A_80 = vector.broadcast %add3A : f32 to vector<40x100xf32>
    %add3A_81 = arith.addf %mul3A_79, %add3A_80 : vector<40x100xf32>
    %iota3A_82 = tpu.iota {dimensions = array<i32: 1>} : vector<100x128xi32>
    %lt3A = arith.constant 64 : i32
    %lt3A_83 = vector.broadcast %lt3A : i32 to vector<100x128xi32>
    %lt3A_84 = arith.cmpi slt, %iota3A_82, %lt3A_83 : vector<100x128xi32>
    %slice3A = vector.extract_strided_slice %convert_element_type3A_74 {offsets = [0, 0], sizes = [40, 128], strides = [1, 1]} : vector<640x128xbf16> to vector<40x128xbf16>
    %roll3A = arith.constant 64 : i32
    %roll3A_85 = tpu.dynamic_rotate %slice3A by %roll3A dim 1 : vector<40x128xbf16>, i32 -> vector<40x128xbf16>
    %get3A_86 = arith.constant 0 : index
    %get3A_87 = arith.constant 0 : index
    %get3A_88 = vector.load %arg2[%get3A_86, %get3A_87] : memref<16x100xi32, #tpu.memory_space<vmem>>, vector<1x100xi32>
    %convert_element_type3A_89 = arith.sitofp %get3A_88 : vector<1x100xi32> to vector<1x100xf32>
    %mul3A_90 = vector.broadcast %div3A_1 : f32 to vector<1x100xf32>
    %mul3A_91 = arith.mulf %convert_element_type3A_89, %mul3A_90 : vector<1x100xf32>
    %get3A_92 = arith.constant 0 : index
    %get3A_93 = arith.constant 0 : index
    %get3A_94 = vector.load %arg3[%get3A_92, %get3A_93] : memref<16x100xi32, #tpu.memory_space<vmem>>, vector<1x100xi32>
    %convert_element_type3A_95 = arith.sitofp %get3A_94 : vector<1x100xi32> to vector<1x100xf32>
    %mul3A_96 = vector.broadcast %div3A_1 : f32 to vector<1x100xf32>
    %mul3A_97 = arith.mulf %convert_element_type3A_95, %mul3A_96 : vector<1x100xf32>
    %sub3A_98 = vector.broadcast %mul3A_91 : vector<1x100xf32> to vector<40x100xf32>
    %sub3A_99 = arith.subf %mul3A_79, %sub3A_98 : vector<40x100xf32>
    %convert_element_type3A_100 = arith.truncf %sub3A_99 : vector<40x100xf32> to vector<40x100xbf16>
    %abs3A = math.absf %convert_element_type3A_100 : vector<40x100xbf16>
    %sub3A_101 = arith.constant 1.000000e+00 : bf16
    %sub3A_102 = vector.broadcast %sub3A_101 : bf16 to vector<40x100xbf16>
    %sub3A_103 = arith.subf %sub3A_102, %abs3A : vector<40x100xbf16>
    %max3A_104 = arith.constant 0.000000e+00 : bf16
    %max3A_105 = vector.broadcast %max3A_104 : bf16 to vector<40x100xbf16>
    %max3A_106 = arith.maximumf %sub3A_103, %max3A_105 : vector<40x100xbf16>
    %dot_general3A_107 = arith.constant dense<0.000000e+00> : vector<100x128xf32>
    %dot_general3A_108 = tpu.matmul %max3A_106, %slice3A, %dot_general3A_107 {dimension_numbers = #tpu.dot_dimension_numbers<[0], [0], [1], [1], [0, 1, 1, 1], [], []>, transpose_lhs_hint = false} : vector<40x100xbf16>, vector<40x128xbf16>, vector<100x128xf32> -> vector<100x128xf32>
    %sub3A_109 = vector.broadcast %mul3A_91 : vector<1x100xf32> to vector<40x100xf32>
    %sub3A_110 = arith.subf %add3A_81, %sub3A_109 : vector<40x100xf32>
    %convert_element_type3A_111 = arith.truncf %sub3A_110 : vector<40x100xf32> to vector<40x100xbf16>
    %abs3A_112 = math.absf %convert_element_type3A_111 : vector<40x100xbf16>
    %sub3A_113 = arith.constant 1.000000e+00 : bf16
    %sub3A_114 = vector.broadcast %sub3A_113 : bf16 to vector<40x100xbf16>
    %sub3A_115 = arith.subf %sub3A_114, %abs3A_112 : vector<40x100xbf16>
    %max3A_116 = arith.constant 0.000000e+00 : bf16
    %max3A_117 = vector.broadcast %max3A_116 : bf16 to vector<40x100xbf16>
    %max3A_118 = arith.maximumf %sub3A_115, %max3A_117 : vector<40x100xbf16>
    %dot_general3A_119 = arith.constant dense<0.000000e+00> : vector<100x128xf32>
    %dot_general3A_120 = tpu.matmul %max3A_118, %roll3A_85, %dot_general3A_119 {dimension_numbers = #tpu.dot_dimension_numbers<[0], [0], [1], [1], [0, 1, 1, 1], [], []>, transpose_lhs_hint = false} : vector<40x100xbf16>, vector<40x128xbf16>, vector<100x128xf32> -> vector<100x128xf32>
    %sub3A_121 = vector.broadcast %mul3A_97 : vector<1x100xf32> to vector<40x100xf32>
    %sub3A_122 = arith.subf %mul3A_79, %sub3A_121 : vector<40x100xf32>
    %convert_element_type3A_123 = arith.truncf %sub3A_122 : vector<40x100xf32> to vector<40x100xbf16>
    %abs3A_124 = math.absf %convert_element_type3A_123 : vector<40x100xbf16>
    %sub3A_125 = arith.constant 1.000000e+00 : bf16
    %sub3A_126 = vector.broadcast %sub3A_125 : bf16 to vector<40x100xbf16>
    %sub3A_127 = arith.subf %sub3A_126, %abs3A_124 : vector<40x100xbf16>
    %max3A_128 = arith.constant 0.000000e+00 : bf16
    %max3A_129 = vector.broadcast %max3A_128 : bf16 to vector<40x100xbf16>
    %max3A_130 = arith.maximumf %sub3A_127, %max3A_129 : vector<40x100xbf16>
    %dot_general3A_131 = arith.constant dense<0.000000e+00> : vector<100x128xf32>
    %dot_general3A_132 = tpu.matmul %max3A_130, %roll3A_85, %dot_general3A_131 {dimension_numbers = #tpu.dot_dimension_numbers<[0], [0], [1], [1], [0, 1, 1, 1], [], []>, transpose_lhs_hint = false} : vector<40x100xbf16>, vector<40x128xbf16>, vector<100x128xf32> -> vector<100x128xf32>
    %sub3A_133 = vector.broadcast %mul3A_97 : vector<1x100xf32> to vector<40x100xf32>
    %sub3A_134 = arith.subf %add3A_81, %sub3A_133 : vector<40x100xf32>
    %convert_element_type3A_135 = arith.truncf %sub3A_134 : vector<40x100xf32> to vector<40x100xbf16>
    %abs3A_136 = math.absf %convert_element_type3A_135 : vector<40x100xbf16>
    %sub3A_137 = arith.constant 1.000000e+00 : bf16
    %sub3A_138 = vector.broadcast %sub3A_137 : bf16 to vector<40x100xbf16>
    %sub3A_139 = arith.subf %sub3A_138, %abs3A_136 : vector<40x100xbf16>
    %max3A_140 = arith.constant 0.000000e+00 : bf16
    %max3A_141 = vector.broadcast %max3A_140 : bf16 to vector<40x100xbf16>
    %max3A_142 = arith.maximumf %sub3A_139, %max3A_141 : vector<40x100xbf16>
    %dot_general3A_143 = arith.constant dense<0.000000e+00> : vector<100x128xf32>
    %dot_general3A_144 = tpu.matmul %max3A_142, %slice3A, %dot_general3A_143 {dimension_numbers = #tpu.dot_dimension_numbers<[0], [0], [1], [1], [0, 1, 1, 1], [], []>, transpose_lhs_hint = false} : vector<40x100xbf16>, vector<40x128xbf16>, vector<100x128xf32> -> vector<100x128xf32>
    %add3A_145 = arith.addf %dot_general3A_108, %dot_general3A_120 : vector<100x128xf32>
    %add3A_146 = arith.addf %dot_general3A_132, %dot_general3A_144 : vector<100x128xf32>
    %select_n3A_147 = arith.select %lt3A_84, %add3A_145, %add3A_146 : vector<100x128xi1>, vector<100x128xf32>
    %swap3A = arith.constant 0 : index
    %swap3A_148 = arith.constant 0 : index
    %swap3A_149 = arith.constant 0 : index
    %swap3A_150 = vector.load %arg5[%swap3A, %swap3A_148, %swap3A_149] : memref<16x100x128xf32, #tpu.memory_space<vmem>>, vector<1x100x128xf32>
    %swap3A_151 = vector.shape_cast %swap3A_150 : vector<1x100x128xf32> to vector<100x128xf32>
    %swap3A_152 = vector.shape_cast %select_n3A_147 : vector<100x128xf32> to vector<1x100x128xf32>
    tpu.vector_store %arg5[%swap3A, %swap3A_148, %swap3A_149], %swap3A_152 {strides = array<i32>} : memref<16x100x128xf32, #tpu.memory_space<vmem>>, vector<1x100x128xf32>,
    %slice3A_153 = vector.extract_strided_slice %convert_element_type3A_74 {offsets = [40, 0], sizes = [40, 128], strides = [1, 1]} : vector<640x128xbf16> to vector<40x128xbf16>
    %roll3A_154 = arith.constant 64 : i32
    %roll3A_155 = tpu.dynamic_rotate %slice3A_153 by %roll3A_154 dim 1 : vector<40x128xbf16>, i32 -> vector<40x128xbf16>
    %get3A_156 = arith.constant 1 : index
    %get3A_157 = arith.constant 0 : index
    %get3A_158 = vector.load %arg2[%get3A_156, %get3A_157] : memref<16x100xi32, #tpu.memory_space<vmem>>, vector<1x100xi32>
    %convert_element_type3A_159 = arith.sitofp %get3A_158 : vector<1x100xi32> to vector<1x100xf32>
    %mul3A_160 = vector.broadcast %div3A_1 : f32 to vector<1x100xf32>
    %mul3A_161 = arith.mulf %convert_element_type3A_159, %mul3A_160 : vector<1x100xf32>
    %get3A_162 = arith.constant 1 : index
    %get3A_163 = arith.constant 0 : index
    %get3A_164 = vector.load %arg3[%get3A_162, %get3A_163] : memref<16x100xi32, #tpu.memory_space<vmem>>, vector<1x100xi32>
    %convert_element_type3A_165 = arith.sitofp %get3A_164 : vector<1x100xi32> to vector<1x100xf32>
    %mul3A_166 = vector.broadcast %div3A_1 : f32 to vector<1x100xf32>
    %mul3A_167 = arith.mulf %convert_element_type3A_165, %mul3A_166 : vector<1x100xf32>
    %sub3A_168 = vector.broadcast %mul3A_161 : vector<1x100xf32> to vector<40x100xf32>
    %sub3A_169 = arith.subf %mul3A_79, %sub3A_168 : vector<40x100xf32>
    %convert_element_type3A_170 = arith.truncf %sub3A_169 : vector<40x100xf32> to vector<40x100xbf16>
    %abs3A_171 = math.absf %convert_element_type3A_170 : vector<40x100xbf16>
    %sub3A_172 = arith.constant 1.000000e+00 : bf16
    %sub3A_173 = vector.broadcast %sub3A_172 : bf16 to vector<40x100xbf16>
    %sub3A_174 = arith.subf %sub3A_173, %abs3A_171 : vector<40x100xbf16>
    %max3A_175 = arith.constant 0.000000e+00 : bf16
    %max3A_176 = vector.broadcast %max3A_175 : bf16 to vector<40x100xbf16>
    %max3A_177 = arith.maximumf %sub3A_174, %max3A_176 : vector<40x100xbf16>
    %dot_general3A_178 = arith.constant dense<0.000000e+00> : vector<100x128xf32>
    %dot_general3A_179 = tpu.matmul %max3A_177, %slice3A_153, %dot_general3A_178 {dimension_numbers = #tpu.dot_dimension_numbers<[0], [0], [1], [1], [0, 1, 1, 1], [], []>, transpose_lhs_hint = false} : vector<40x100xbf16>, vector<40x128xbf16>, vector<100x128xf32> -> vector<100x128xf32>
    %sub3A_180 = vector.broadcast %mul3A_161 : vector<1x100xf32> to vector<40x100xf32>
    %sub3A_181 = arith.subf %add3A_81, %sub3A_180 : vector<40x100xf32>
    %convert_element_type3A_182 = arith.truncf %sub3A_181 : vector<40x100xf32> to vector<40x100xbf16>
    %abs3A_183 = math.absf %convert_element_type3A_182 : vector<40x100xbf16>
    %sub3A_184 = arith.constant 1.000000e+00 : bf16
    %sub3A_185 = vector.broadcast %sub3A_184 : bf16 to vector<40x100xbf16>
    %sub3A_186 = arith.subf %sub3A_185, %abs3A_183 : vector<40x100xbf16>
    %max3A_187 = arith.constant 0.000000e+00 : bf16
    %max3A_188 = vector.broadcast %max3A_187 : bf16 to vector<40x100xbf16>
    %max3A_189 = arith.maximumf %sub3A_186, %max3A_188 : vector<40x100xbf16>
    %dot_general3A_190 = arith.constant dense<0.000000e+00> : vector<100x128xf32>
    %dot_general3A_191 = tpu.matmul %max3A_189, %roll3A_155, %dot_general3A_190 {dimension_numbers = #tpu.dot_dimension_numbers<[0], [0], [1], [1], [0, 1, 1, 1], [], []>, transpose_lhs_hint = false} : vector<40x100xbf16>, vector<40x128xbf16>, vector<100x128xf32> -> vector<100x128xf32>
    %sub3A_192 = vector.broadcast %mul3A_167 : vector<1x100xf32> to vector<40x100xf32>
    %sub3A_193 = arith.subf %mul3A_79, %sub3A_192 : vector<40x100xf32>
    %convert_element_type3A_194 = arith.truncf %sub3A_193 : vector<40x100xf32> to vector<40x100xbf16>
    %abs3A_195 = math.absf %convert_element_type3A_194 : vector<40x100xbf16>
    %sub3A_196 = arith.constant 1.000000e+00 : bf16
    %sub3A_197 = vector.broadcast %sub3A_196 : bf16 to vector<40x100xbf16>
    %sub3A_198 = arith.subf %sub3A_197, %abs3A_195 : vector<40x100xbf16>
    %max3A_199 = arith.constant 0.000000e+00 : bf16
    %max3A_200 = vector.broadcast %max3A_199 : bf16 to vector<40x100xbf16>
    %max3A_201 = arith.maximumf %sub3A_198, %max3A_200 : vector<40x100xbf16>
    %dot_general3A_202 = arith.constant dense<0.000000e+00> : vector<100x128xf32>
    %dot_general3A_203 = tpu.matmul %max3A_201, %roll3A_155, %dot_general3A_202 {dimension_numbers = #tpu.dot_dimension_numbers<[0], [0], [1], [1], [0, 1, 1, 1], [], []>, transpose_lhs_hint = false} : vector<40x100xbf16>, vector<40x128xbf16>, vector<100x128xf32> -> vector<100x128xf32>
    %sub3A_204 = vector.broadcast %mul3A_167 : vector<1x100xf32> to vector<40x100xf32>
    %sub3A_205 = arith.subf %add3A_81, %sub3A_204 : vector<40x100xf32>
    %convert_element_type3A_206 = arith.truncf %sub3A_205 : vector<40x100xf32> to vector<40x100xbf16>
    %abs3A_207 = math.absf %convert_element_type3A_206 : vector<40x100xbf16>
    %sub3A_208 = arith.constant 1.000000e+00 : bf16
    %sub3A_209 = vector.broadcast %sub3A_208 : bf16 to vector<40x100xbf16>
    %sub3A_210 = arith.subf %sub3A_209, %abs3A_207 : vector<40x100xbf16>
    %max3A_211 = arith.constant 0.000000e+00 : bf16
    %max3A_212 = vector.broadcast %max3A_211 : bf16 to vector<40x100xbf16>
    %max3A_213 = arith.maximumf %sub3A_210, %max3A_212 : vector<40x100xbf16>
    %dot_general3A_214 = arith.constant dense<0.000000e+00> : vector<100x128xf32>
    %dot_general3A_215 = tpu.matmul %max3A_213, %slice3A_153, %dot_general3A_214 {dimension_numbers = #tpu.dot_dimension_numbers<[0], [0], [1], [1], [0, 1, 1, 1], [], []>, transpose_lhs_hint = false} : vector<40x100xbf16>, vector<40x128xbf16>, vector<100x128xf32> -> vector<100x128xf32>
    %add3A_216 = arith.addf %dot_general3A_179, %dot_general3A_191 : vector<100x128xf32>
    %add3A_217 = arith.addf %dot_general3A_203, %dot_general3A_215 : vector<100x128xf32>
    %select_n3A_218 = arith.select %lt3A_84, %add3A_216, %add3A_217 : vector<100x128xi1>, vector<100x128xf32>
    %swap3A_219 = arith.constant 1 : index
    %swap3A_220 = arith.constant 0 : index
    %swap3A_221 = arith.constant 0 : index
    %swap3A_222 = vector.load %arg5[%swap3A_219, %swap3A_220, %swap3A_221] : memref<16x100x128xf32, #tpu.memory_space<vmem>>, vector<1x100x128xf32>
    %swap3A_223 = vector.shape_cast %swap3A_222 : vector<1x100x128xf32> to vector<100x128xf32>
    %swap3A_224 = vector.shape_cast %select_n3A_218 : vector<100x128xf32> to vector<1x100x128xf32>
    tpu.vector_store %arg5[%swap3A_219, %swap3A_220, %swap3A_221], %swap3A_224 {strides = array<i32>} : memref<16x100x128xf32, #tpu.memory_space<vmem>>, vector<1x100x128xf32>,
    %slice3A_225 = vector.extract_strided_slice %convert_element_type3A_74 {offsets = [80, 0], sizes = [40, 128], strides = [1, 1]} : vector<640x128xbf16> to vector<40x128xbf16>
    %roll3A_226 = arith.constant 64 : i32
    %roll3A_227 = tpu.dynamic_rotate %slice3A_225 by %roll3A_226 dim 1 : vector<40x128xbf16>, i32 -> vector<40x128xbf16>
    %get3A_228 = arith.constant 2 : index
    %get3A_229 = arith.constant 0 : index
    %get3A_230 = vector.load %arg2[%get3A_228, %get3A_229] : memref<16x100xi32, #tpu.memory_space<vmem>>, vector<1x100xi32>
    %convert_element_type3A_231 = arith.sitofp %get3A_230 : vector<1x100xi32> to vector<1x100xf32>
    %mul3A_232 = vector.broadcast %div3A_1 : f32 to vector<1x100xf32>
    %mul3A_233 = arith.mulf %convert_element_type3A_231, %mul3A_232 : vector<1x100xf32>
    %get3A_234 = arith.constant 2 : index
    %get3A_235 = arith.constant 0 : index
    %get3A_236 = vector.load %arg3[%get3A_234, %get3A_235] : memref<16x100xi32, #tpu.memory_space<vmem>>, vector<1x100xi32>
    %convert_element_type3A_237 = arith.sitofp %get3A_236 : vector<1x100xi32> to vector<1x100xf32>
    %mul3A_238 = vector.broadcast %div3A_1 : f32 to vector<1x100xf32>
    %mul3A_239 = arith.mulf %convert_element_type3A_237, %mul3A_238 : vector<1x100xf32>
    %sub3A_240 = vector.broadcast %mul3A_233 : vector<1x100xf32> to vector<40x100xf32>
    %sub3A_241 = arith.subf %mul3A_79, %sub3A_240 : vector<40x100xf32>
    %convert_element_type3A_242 = arith.truncf %sub3A_241 : vector<40x100xf32> to vector<40x100xbf16>
    %abs3A_243 = math.absf %convert_element_type3A_242 : vector<40x100xbf16>
    %sub3A_244 = arith.constant 1.000000e+00 : bf16
    %sub3A_245 = vector.broadcast %sub3A_244 : bf16 to vector<40x100xbf16>
    %sub3A_246 = arith.subf %sub3A_245, %abs3A_243 : vector<40x100xbf16>
    %max3A_247 = arith.constant 0.000000e+00 : bf16
    %max3A_248 = vector.broadcast %max3A_247 : bf16 to vector<40x100xbf16>
    %max3A_249 = arith.maximumf %sub3A_246, %max3A_248 : vector<40x100xbf16>
    %dot_general3A_250 = arith.constant dense<0.000000e+00> : vector<100x128xf32>
    %dot_general3A_251 = tpu.matmul %max3A_249, %slice3A_225, %dot_general3A_250 {dimension_numbers = #tpu.dot_dimension_numbers<[0], [0], [1], [1], [0, 1, 1, 1], [], []>, transpose_lhs_hint = false} : vector<40x100xbf16>, vector<40x128xbf16>, vector<100x128xf32> -> vector<100x128xf32>
    %sub3A_252 = vector.broadcast %mul3A_233 : vector<1x100xf32> to vector<40x100xf32>
    %sub3A_253 = arith.subf %add3A_81, %sub3A_252 : vector<40x100xf32>
    %convert_element_type3A_254 = arith.truncf %sub3A_253 : vector<40x100xf32> to vector<40x100xbf16>
    %abs3A_255 = math.absf %convert_element_type3A_254 : vector<40x100xbf16>
    %sub3A_256 = arith.constant 1.000000e+00 : bf16
    %sub3A_257 = vector.broadcast %sub3A_256 : bf16 to vector<40x100xbf16>
    %sub3A_258 = arith.subf %sub3A_257, %abs3A_255 : vector<40x100xbf16>
    %max3A_259 = arith.constant 0.000000e+00 : bf16
    %max3A_260 = vector.broadcast %max3A_259 : bf16 to vector<40x100xbf16>
    %max3A_261 = arith.maximumf %sub3A_258, %max3A_260 : vector<40x100xbf16>
    %dot_general3A_262 = arith.constant dense<0.000000e+00> : vector<100x128xf32>
    %dot_general3A_263 = tpu.matmul %max3A_261, %roll3A_227, %dot_general3A_262 {dimension_numbers = #tpu.dot_dimension_numbers<[0], [0], [1], [1], [0, 1, 1, 1], [], []>, transpose_lhs_hint = false} : vector<40x100xbf16>, vector<40x128xbf16>, vector<100x128xf32> -> vector<100x128xf32>
    %sub3A_264 = vector.broadcast %mul3A_239 : vector<1x100xf32> to vector<40x100xf32>
    %sub3A_265 = arith.subf %mul3A_79, %sub3A_264 : vector<40x100xf32>
    %convert_element_type3A_266 = arith.truncf %sub3A_265 : vector<40x100xf32> to vector<40x100xbf16>
    %abs3A_267 = math.absf %convert_element_type3A_266 : vector<40x100xbf16>
    %sub3A_268 = arith.constant 1.000000e+00 : bf16
    %sub3A_269 = vector.broadcast %sub3A_268 : bf16 to vector<40x100xbf16>
    %sub3A_270 = arith.subf %sub3A_269, %abs3A_267 : vector<40x100xbf16>
    %max3A_271 = arith.constant 0.000000e+00 : bf16
    %max3A_272 = vector.broadcast %max3A_271 : bf16 to vector<40x100xbf16>
    %max3A_273 = arith.maximumf %sub3A_270, %max3A_272 : vector<40x100xbf16>
    %dot_general3A_274 = arith.constant dense<0.000000e+00> : vector<100x128xf32>
    %dot_general3A_275 = tpu.matmul %max3A_273, %roll3A_227, %dot_general3A_274 {dimension_numbers = #tpu.dot_dimension_numbers<[0], [0], [1], [1], [0, 1, 1, 1], [], []>, transpose_lhs_hint = false} : vector<40x100xbf16>, vector<40x128xbf16>, vector<100x128xf32> -> vector<100x128xf32>
    %sub3A_276 = vector.broadcast %mul3A_239 : vector<1x100xf32> to vector<40x100xf32>
    %sub3A_277 = arith.subf %add3A_81, %sub3A_276 : vector<40x100xf32>
    %convert_element_type3A_278 = arith.truncf %sub3A_277 : vector<40x100xf32> to vector<40x100xbf16>
    %abs3A_279 = math.absf %convert_element_type3A_278 : vector<40x100xbf16>
    %sub3A_280 = arith.constant 1.000000e+00 : bf16
    %sub3A_281 = vector.broadcast %sub3A_280 : bf16 to vector<40x100xbf16>
    %sub3A_282 = arith.subf %sub3A_281, %abs3A_279 : vector<40x100xbf16>
    %max3A_283 = arith.constant 0.000000e+00 : bf16
    %max3A_284 = vector.broadcast %max3A_283 : bf16 to vector<40x100xbf16>
    %max3A_285 = arith.maximumf %sub3A_282, %max3A_284 : vector<40x100xbf16>
    %dot_general3A_286 = arith.constant dense<0.000000e+00> : vector<100x128xf32>
    %dot_general3A_287 = tpu.matmul %max3A_285, %slice3A_225, %dot_general3A_286 {dimension_numbers = #tpu.dot_dimension_numbers<[0], [0], [1], [1], [0, 1, 1, 1], [], []>, transpose_lhs_hint = false} : vector<40x100xbf16>, vector<40x128xbf16>, vector<100x128xf32> -> vector<100x128xf32>
    %add3A_288 = arith.addf %dot_general3A_251, %dot_general3A_263 : vector<100x128xf32>
    %add3A_289 = arith.addf %dot_general3A_275, %dot_general3A_287 : vector<100x128xf32>
    %select_n3A_290 = arith.select %lt3A_84, %add3A_288, %add3A_289 : vector<100x128xi1>, vector<100x128xf32>
    %swap3A_291 = arith.constant 2 : index
    %swap3A_292 = arith.constant 0 : index
    %swap3A_293 = arith.constant 0 : index
    %swap3A_294 = vector.load %arg5[%swap3A_291, %swap3A_292, %swap3A_293] : memref<16x100x128xf32, #tpu.memory_space<vmem>>, vector<1x100x128xf32>
    %swap3A_295 = vector.shape_cast %swap3A_294 : vector<1x100x128xf32> to vector<100x128xf32>
    %swap3A_296 = vector.shape_cast %select_n3A_290 : vector<100x128xf32> to vector<1x100x128xf32>
    tpu.vector_store %arg5[%swap3A_291, %swap3A_292, %swap3A_293], %swap3A_296 {strides = array<i32>} : memref<16x100x128xf32, #tpu.memory_space<vmem>>, vector<1x100x128xf32>,
    %slice3A_297 = vector.extract_strided_slice %convert_element_type3A_74 {offsets = [120, 0], sizes = [40, 128], strides = [1, 1]} : vector<640x128xbf16> to vector<40x128xbf16>
    %roll3A_298 = arith.constant 64 : i32
    %roll3A_299 = tpu.dynamic_rotate %slice3A_297 by %roll3A_298 dim 1 : vector<40x128xbf16>, i32 -> vector<40x128xbf16>
    %get3A_300 = arith.constant 3 : index
    %get3A_301 = arith.constant 0 : index
    %get3A_302 = vector.load %arg2[%get3A_300, %get3A_301] : memref<16x100xi32, #tpu.memory_space<vmem>>, vector<1x100xi32>
    %convert_element_type3A_303 = arith.sitofp %get3A_302 : vector<1x100xi32> to vector<1x100xf32>
    %mul3A_304 = vector.broadcast %div3A_1 : f32 to vector<1x100xf32>
    %mul3A_305 = arith.mulf %convert_element_type3A_303, %mul3A_304 : vector<1x100xf32>
    %get3A_306 = arith.constant 3 : index
    %get3A_307 = arith.constant 0 : index
    %get3A_308 = vector.load %arg3[%get3A_306, %get3A_307] : memref<16x100xi32, #tpu.memory_space<vmem>>, vector<1x100xi32>
    %convert_element_type3A_309 = arith.sitofp %get3A_308 : vector<1x100xi32> to vector<1x100xf32>
    %mul3A_310 = vector.broadcast %div3A_1 : f32 to vector<1x100xf32>
    %mul3A_311 = arith.mulf %convert_element_type3A_309, %mul3A_310 : vector<1x100xf32>
    %sub3A_312 = vector.broadcast %mul3A_305 : vector<1x100xf32> to vector<40x100xf32>
    %sub3A_313 = arith.subf %mul3A_79, %sub3A_312 : vector<40x100xf32>
    %convert_element_type3A_314 = arith.truncf %sub3A_313 : vector<40x100xf32> to vector<40x100xbf16>
    %abs3A_315 = math.absf %convert_element_type3A_314 : vector<40x100xbf16>
    %sub3A_316 = arith.constant 1.000000e+00 : bf16
    %sub3A_317 = vector.broadcast %sub3A_316 : bf16 to vector<40x100xbf16>
    %sub3A_318 = arith.subf %sub3A_317, %abs3A_315 : vector<40x100xbf16>
    %max3A_319 = arith.constant 0.000000e+00 : bf16
    %max3A_320 = vector.broadcast %max3A_319 : bf16 to vector<40x100xbf16>
    %max3A_321 = arith.maximumf %sub3A_318, %max3A_320 : vector<40x100xbf16>
    %dot_general3A_322 = arith.constant dense<0.000000e+00> : vector<100x128xf32>
    %dot_general3A_323 = tpu.matmul %max3A_321, %slice3A_297, %dot_general3A_322 {dimension_numbers = #tpu.dot_dimension_numbers<[0], [0], [1], [1], [0, 1, 1, 1], [], []>, transpose_lhs_hint = false} : vector<40x100xbf16>, vector<40x128xbf16>, vector<100x128xf32> -> vector<100x128xf32>
    %sub3A_324 = vector.broadcast %mul3A_305 : vector<1x100xf32> to vector<40x100xf32>
    %sub3A_325 = arith.subf %add3A_81, %sub3A_324 : vector<40x100xf32>
    %convert_element_type3A_326 = arith.truncf %sub3A_325 : vector<40x100xf32> to vector<40x100xbf16>
    %abs3A_327 = math.absf %convert_element_type3A_326 : vector<40x100xbf16>
    %sub3A_328 = arith.constant 1.000000e+00 : bf16
    %sub3A_329 = vector.broadcast %sub3A_328 : bf16 to vector<40x100xbf16>
    %sub3A_330 = arith.subf %sub3A_329, %abs3A_327 : vector<40x100xbf16>
    %max3A_331 = arith.constant 0.000000e+00 : bf16
    %max3A_332 = vector.broadcast %max3A_331 : bf16 to vector<40x100xbf16>
    %max3A_333 = arith.maximumf %sub3A_330, %max3A_332 : vector<40x100xbf16>
    %dot_general3A_334 = arith.constant dense<0.000000e+00> : vector<100x128xf32>
    %dot_general3A_335 = tpu.matmul %max3A_333, %roll3A_299, %dot_general3A_334 {dimension_numbers = #tpu.dot_dimension_numbers<[0], [0], [1], [1], [0, 1, 1, 1], [], []>, transpose_lhs_hint = false} : vector<40x100xbf16>, vector<40x128xbf16>, vector<100x128xf32> -> vector<100x128xf32>
    %sub3A_336 = vector.broadcast %mul3A_311 : vector<1x100xf32> to vector<40x100xf32>
    %sub3A_337 = arith.subf %mul3A_79, %sub3A_336 : vector<40x100xf32>
    %convert_element_type3A_338 = arith.truncf %sub3A_337 : vector<40x100xf32> to vector<40x100xbf16>
    %abs3A_339 = math.absf %convert_element_type3A_338 : vector<40x100xbf16>
    %sub3A_340 = arith.constant 1.000000e+00 : bf16
    %sub3A_341 = vector.broadcast %sub3A_340 : bf16 to vector<40x100xbf16>
    %sub3A_342 = arith.subf %sub3A_341, %abs3A_339 : vector<40x100xbf16>
    %max3A_343 = arith.constant 0.000000e+00 : bf16
    %max3A_344 = vector.broadcast %max3A_343 : bf16 to vector<40x100xbf16>
    %max3A_345 = arith.maximumf %sub3A_342, %max3A_344 : vector<40x100xbf16>
    %dot_general3A_346 = arith.constant dense<0.000000e+00> : vector<100x128xf32>
    %dot_general3A_347 = tpu.matmul %max3A_345, %roll3A_299, %dot_general3A_346 {dimension_numbers = #tpu.dot_dimension_numbers<[0], [0], [1], [1], [0, 1, 1, 1], [], []>, transpose_lhs_hint = false} : vector<40x100xbf16>, vector<40x128xbf16>, vector<100x128xf32> -> vector<100x128xf32>
    %sub3A_348 = vector.broadcast %mul3A_311 : vector<1x100xf32> to vector<40x100xf32>
    %sub3A_349 = arith.subf %add3A_81, %sub3A_348 : vector<40x100xf32>
    %convert_element_type3A_350 = arith.truncf %sub3A_349 : vector<40x100xf32> to vector<40x100xbf16>
    %abs3A_351 = math.absf %convert_element_type3A_350 : vector<40x100xbf16>
    %sub3A_352 = arith.constant 1.000000e+00 : bf16
    %sub3A_353 = vector.broadcast %sub3A_352 : bf16 to vector<40x100xbf16>
    %sub3A_354 = arith.subf %sub3A_353, %abs3A_351 : vector<40x100xbf16>
    %max3A_355 = arith.constant 0.000000e+00 : bf16
    %max3A_356 = vector.broadcast %max3A_355 : bf16 to vector<40x100xbf16>
    %max3A_357 = arith.maximumf %sub3A_354, %max3A_356 : vector<40x100xbf16>
    %dot_general3A_358 = arith.constant dense<0.000000e+00> : vector<100x128xf32>
    %dot_general3A_359 = tpu.matmul %max3A_357, %slice3A_297, %dot_general3A_358 {dimension_numbers = #tpu.dot_dimension_numbers<[0], [0], [1], [1], [0, 1, 1, 1], [], []>, transpose_lhs_hint = false} : vector<40x100xbf16>, vector<40x128xbf16>, vector<100x128xf32> -> vector<100x128xf32>
    %add3A_360 = arith.addf %dot_general3A_323, %dot_general3A_335 : vector<100x128xf32>
    %add3A_361 = arith.addf %dot_general3A_347, %dot_general3A_359 : vector<100x128xf32>
    %select_n3A_362 = arith.select %lt3A_84, %add3A_360, %add3A_361 : vector<100x128xi1>, vector<100x128xf32>
    %swap3A_363 = arith.constant 3 : index
    %swap3A_364 = arith.constant 0 : index
    %swap3A_365 = arith.constant 0 : index
    %swap3A_366 = vector.load %arg5[%swap3A_363, %swap3A_364, %swap3A_365] : memref<16x100x128xf32, #tpu.memory_space<vmem>>, vector<1x100x128xf32>
    %swap3A_367 = vector.shape_cast %swap3A_366 : vector<1x100x128xf32> to vector<100x128xf32>
    %swap3A_368 = vector.shape_cast %select_n3A_362 : vector<100x128xf32> to vector<1x100x128xf32>
    tpu.vector_store %arg5[%swap3A_363, %swap3A_364, %swap3A_365], %swap3A_368 {strides = array<i32>} : memref<16x100x128xf32, #tpu.memory_space<vmem>>, vector<1x100x128xf32>,
    %slice3A_369 = vector.extract_strided_slice %convert_element_type3A_74 {offsets = [160, 0], sizes = [40, 128], strides = [1, 1]} : vector<640x128xbf16> to vector<40x128xbf16>
    %roll3A_370 = arith.constant 64 : i32
    %roll3A_371 = tpu.dynamic_rotate %slice3A_369 by %roll3A_370 dim 1 : vector<40x128xbf16>, i32 -> vector<40x128xbf16>
    %get3A_372 = arith.constant 4 : index
    %get3A_373 = arith.constant 0 : index
    %get3A_374 = vector.load %arg2[%get3A_372, %get3A_373] : memref<16x100xi32, #tpu.memory_space<vmem>>, vector<1x100xi32>
    %convert_element_type3A_375 = arith.sitofp %get3A_374 : vector<1x100xi32> to vector<1x100xf32>
    %mul3A_376 = vector.broadcast %div3A_1 : f32 to vector<1x100xf32>
    %mul3A_377 = arith.mulf %convert_element_type3A_375, %mul3A_376 : vector<1x100xf32>
    %get3A_378 = arith.constant 4 : index
    %get3A_379 = arith.constant 0 : index
    %get3A_380 = vector.load %arg3[%get3A_378, %get3A_379] : memref<16x100xi32, #tpu.memory_space<vmem>>, vector<1x100xi32>
    %convert_element_type3A_381 = arith.sitofp %get3A_380 : vector<1x100xi32> to vector<1x100xf32>
    %mul3A_382 = vector.broadcast %div3A_1 : f32 to vector<1x100xf32>
    %mul3A_383 = arith.mulf %convert_element_type3A_381, %mul3A_382 : vector<1x100xf32>
    %sub3A_384 = vector.broadcast %mul3A_377 : vector<1x100xf32> to vector<40x100xf32>
    %sub3A_385 = arith.subf %mul3A_79, %sub3A_384 : vector<40x100xf32>
    %convert_element_type3A_386 = arith.truncf %sub3A_385 : vector<40x100xf32> to vector<40x100xbf16>
    %abs3A_387 = math.absf %convert_element_type3A_386 : vector<40x100xbf16>
    %sub3A_388 = arith.constant 1.000000e+00 : bf16
    %sub3A_389 = vector.broadcast %sub3A_388 : bf16 to vector<40x100xbf16>
    %sub3A_390 = arith.subf %sub3A_389, %abs3A_387 : vector<40x100xbf16>
    %max3A_391 = arith.constant 0.000000e+00 : bf16
    %max3A_392 = vector.broadcast %max3A_391 : bf16 to vector<40x100xbf16>
    %max3A_393 = arith.maximumf %sub3A_390, %max3A_392 : vector<40x100xbf16>
    %dot_general3A_394 = arith.constant dense<0.000000e+00> : vector<100x128xf32>
    %dot_general3A_395 = tpu.matmul %max3A_393, %slice3A_369, %dot_general3A_394 {dimension_numbers = #tpu.dot_dimension_numbers<[0], [0], [1], [1], [0, 1, 1, 1], [], []>, transpose_lhs_hint = false} : vector<40x100xbf16>, vector<40x128xbf16>, vector<100x128xf32> -> vector<100x128xf32>
    %sub3A_396 = vector.broadcast %mul3A_377 : vector<1x100xf32> to vector<40x100xf32>
    %sub3A_397 = arith.subf %add3A_81, %sub3A_396 : vector<40x100xf32>
    %convert_element_type3A_398 = arith.truncf %sub3A_397 : vector<40x100xf32> to vector<40x100xbf16>
    %abs3A_399 = math.absf %convert_element_type3A_398 : vector<40x100xbf16>
    %sub3A_400 = arith.constant 1.000000e+00 : bf16
    %sub3A_401 = vector.broadcast %sub3A_400 : bf16 to vector<40x100xbf16>
    %sub3A_402 = arith.subf %sub3A_401, %abs3A_399 : vector<40x100xbf16>
    %max3A_403 = arith.constant 0.000000e+00 : bf16
    %max3A_404 = vector.broadcast %max3A_403 : bf16 to vector<40x100xbf16>
    %max3A_405 = arith.maximumf %sub3A_402, %max3A_404 : vector<40x100xbf16>
    %dot_general3A_406 = arith.constant dense<0.000000e+00> : vector<100x128xf32>
    %dot_general3A_407 = tpu.matmul %max3A_405, %roll3A_371, %dot_general3A_406 {dimension_numbers = #tpu.dot_dimension_numbers<[0], [0], [1], [1], [0, 1, 1, 1], [], []>, transpose_lhs_hint = false} : vector<40x100xbf16>, vector<40x128xbf16>, vector<100x128xf32> -> vector<100x128xf32>
    %sub3A_408 = vector.broadcast %mul3A_383 : vector<1x100xf32> to vector<40x100xf32>
    %sub3A_409 = arith.subf %mul3A_79, %sub3A_408 : vector<40x100xf32>
    %convert_element_type3A_410 = arith.truncf %sub3A_409 : vector<40x100xf32> to vector<40x100xbf16>
    %abs3A_411 = math.absf %convert_element_type3A_410 : vector<40x100xbf16>
    %sub3A_412 = arith.constant 1.000000e+00 : bf16
    %sub3A_413 = vector.broadcast %sub3A_412 : bf16 to vector<40x100xbf16>
    %sub3A_414 = arith.subf %sub3A_413, %abs3A_411 : vector<40x100xbf16>
    %max3A_415 = arith.constant 0.000000e+00 : bf16
    %max3A_416 = vector.broadcast %max3A_415 : bf16 to vector<40x100xbf16>
    %max3A_417 = arith.maximumf %sub3A_414, %max3A_416 : vector<40x100xbf16>
    %dot_general3A_418 = arith.constant dense<0.000000e+00> : vector<100x128xf32>
    %dot_general3A_419 = tpu.matmul %max3A_417, %roll3A_371, %dot_general3A_418 {dimension_numbers = #tpu.dot_dimension_numbers<[0], [0], [1], [1], [0, 1, 1, 1], [], []>, transpose_lhs_hint = false} : vector<40x100xbf16>, vector<40x128xbf16>, vector<100x128xf32> -> vector<100x128xf32>
    %sub3A_420 = vector.broadcast %mul3A_383 : vector<1x100xf32> to vector<40x100xf32>
    %sub3A_421 = arith.subf %add3A_81, %sub3A_420 : vector<40x100xf32>
    %convert_element_type3A_422 = arith.truncf %sub3A_421 : vector<40x100xf32> to vector<40x100xbf16>
    %abs3A_423 = math.absf %convert_element_type3A_422 : vector<40x100xbf16>
    %sub3A_424 = arith.constant 1.000000e+00 : bf16
    %sub3A_425 = vector.broadcast %sub3A_424 : bf16 to vector<40x100xbf16>
    %sub3A_426 = arith.subf %sub3A_425, %abs3A_423 : vector<40x100xbf16>
    %max3A_427 = arith.constant 0.000000e+00 : bf16
    %max3A_428 = vector.broadcast %max3A_427 : bf16 to vector<40x100xbf16>
    %max3A_429 = arith.maximumf %sub3A_426, %max3A_428 : vector<40x100xbf16>
    %dot_general3A_430 = arith.constant dense<0.000000e+00> : vector<100x128xf32>
    %dot_general3A_431 = tpu.matmul %max3A_429, %slice3A_369, %dot_general3A_430 {dimension_numbers = #tpu.dot_dimension_numbers<[0], [0], [1], [1], [0, 1, 1, 1], [], []>, transpose_lhs_hint = false} : vector<40x100xbf16>, vector<40x128xbf16>, vector<100x128xf32> -> vector<100x128xf32>
    %add3A_432 = arith.addf %dot_general3A_395, %dot_general3A_407 : vector<100x128xf32>
    %add3A_433 = arith.addf %dot_general3A_419, %dot_general3A_431 : vector<100x128xf32>
    %select_n3A_434 = arith.select %lt3A_84, %add3A_432, %add3A_433 : vector<100x128xi1>, vector<100x128xf32>
    %swap3A_435 = arith.constant 4 : index
    %swap3A_436 = arith.constant 0 : index
    %swap3A_437 = arith.constant 0 : index
    %swap3A_438 = vector.load %arg5[%swap3A_435, %swap3A_436, %swap3A_437] : memref<16x100x128xf32, #tpu.memory_space<vmem>>, vector<1x100x128xf32>
    %swap3A_439 = vector.shape_cast %swap3A_438 : vector<1x100x128xf32> to vector<100x128xf32>
    %swap3A_440 = vector.shape_cast %select_n3A_434 : vector<100x128xf32> to vector<1x100x128xf32>
    tpu.vector_store %arg5[%swap3A_435, %swap3A_436, %swap3A_437], %swap3A_440 {strides = array<i32>} : memref<16x100x128xf32, #tpu.memory_space<vmem>>, vector<1x100x128xf32>,
    %slice3A_441 = vector.extract_strided_slice %convert_element_type3A_74 {offsets = [200, 0], sizes = [40, 128], strides = [1, 1]} : vector<640x128xbf16> to vector<40x128xbf16>
    %roll3A_442 = arith.constant 64 : i32
    %roll3A_443 = tpu.dynamic_rotate %slice3A_441 by %roll3A_442 dim 1 : vector<40x128xbf16>, i32 -> vector<40x128xbf16>
    %get3A_444 = arith.constant 5 : index
    %get3A_445 = arith.constant 0 : index
    %get3A_446 = vector.load %arg2[%get3A_444, %get3A_445] : memref<16x100xi32, #tpu.memory_space<vmem>>, vector<1x100xi32>
    %convert_element_type3A_447 = arith.sitofp %get3A_446 : vector<1x100xi32> to vector<1x100xf32>
    %mul3A_448 = vector.broadcast %div3A_1 : f32 to vector<1x100xf32>
    %mul3A_449 = arith.mulf %convert_element_type3A_447, %mul3A_448 : vector<1x100xf32>
    %get3A_450 = arith.constant 5 : index
    %get3A_451 = arith.constant 0 : index
    %get3A_452 = vector.load %arg3[%get3A_450, %get3A_451] : memref<16x100xi32, #tpu.memory_space<vmem>>, vector<1x100xi32>
    %convert_element_type3A_453 = arith.sitofp %get3A_452 : vector<1x100xi32> to vector<1x100xf32>
    %mul3A_454 = vector.broadcast %div3A_1 : f32 to vector<1x100xf32>
    %mul3A_455 = arith.mulf %convert_element_type3A_453, %mul3A_454 : vector<1x100xf32>
    %sub3A_456 = vector.broadcast %mul3A_449 : vector<1x100xf32> to vector<40x100xf32>
    %sub3A_457 = arith.subf %mul3A_79, %sub3A_456 : vector<40x100xf32>
    %convert_element_type3A_458 = arith.truncf %sub3A_457 : vector<40x100xf32> to vector<40x100xbf16>
    %abs3A_459 = math.absf %convert_element_type3A_458 : vector<40x100xbf16>
    %sub3A_460 = arith.constant 1.000000e+00 : bf16
    %sub3A_461 = vector.broadcast %sub3A_460 : bf16 to vector<40x100xbf16>
    %sub3A_462 = arith.subf %sub3A_461, %abs3A_459 : vector<40x100xbf16>
    %max3A_463 = arith.constant 0.000000e+00 : bf16
    %max3A_464 = vector.broadcast %max3A_463 : bf16 to vector<40x100xbf16>
    %max3A_465 = arith.maximumf %sub3A_462, %max3A_464 : vector<40x100xbf16>
    %dot_general3A_466 = arith.constant dense<0.000000e+00> : vector<100x128xf32>
    %dot_general3A_467 = tpu.matmul %max3A_465, %slice3A_441, %dot_general3A_466 {dimension_numbers = #tpu.dot_dimension_numbers<[0], [0], [1], [1], [0, 1, 1, 1], [], []>, transpose_lhs_hint = false} : vector<40x100xbf16>, vector<40x128xbf16>, vector<100x128xf32> -> vector<100x128xf32>
    %sub3A_468 = vector.broadcast %mul3A_449 : vector<1x100xf32> to vector<40x100xf32>
    %sub3A_469 = arith.subf %add3A_81, %sub3A_468 : vector<40x100xf32>
    %convert_element_type3A_470 = arith.truncf %sub3A_469 : vector<40x100xf32> to vector<40x100xbf16>
    %abs3A_471 = math.absf %convert_element_type3A_470 : vector<40x100xbf16>
    %sub3A_472 = arith.constant 1.000000e+00 : bf16
    %sub3A_473 = vector.broadcast %sub3A_472 : bf16 to vector<40x100xbf16>
    %sub3A_474 = arith.subf %sub3A_473, %abs3A_471 : vector<40x100xbf16>
    %max3A_475 = arith.constant 0.000000e+00 : bf16
    %max3A_476 = vector.broadcast %max3A_475 : bf16 to vector<40x100xbf16>
    %max3A_477 = arith.maximumf %sub3A_474, %max3A_476 : vector<40x100xbf16>
    %dot_general3A_478 = arith.constant dense<0.000000e+00> : vector<100x128xf32>
    %dot_general3A_479 = tpu.matmul %max3A_477, %roll3A_443, %dot_general3A_478 {dimension_numbers = #tpu.dot_dimension_numbers<[0], [0], [1], [1], [0, 1, 1, 1], [], []>, transpose_lhs_hint = false} : vector<40x100xbf16>, vector<40x128xbf16>, vector<100x128xf32> -> vector<100x128xf32>
    %sub3A_480 = vector.broadcast %mul3A_455 : vector<1x100xf32> to vector<40x100xf32>
    %sub3A_481 = arith.subf %mul3A_79, %sub3A_480 : vector<40x100xf32>
    %convert_element_type3A_482 = arith.truncf %sub3A_481 : vector<40x100xf32> to vector<40x100xbf16>
    %abs3A_483 = math.absf %convert_element_type3A_482 : vector<40x100xbf16>
    %sub3A_484 = arith.constant 1.000000e+00 : bf16
    %sub3A_485 = vector.broadcast %sub3A_484 : bf16 to vector<40x100xbf16>
    %sub3A_486 = arith.subf %sub3A_485, %abs3A_483 : vector<40x100xbf16>
    %max3A_487 = arith.constant 0.000000e+00 : bf16
    %max3A_488 = vector.broadcast %max3A_487 : bf16 to vector<40x100xbf16>
    %max3A_489 = arith.maximumf %sub3A_486, %max3A_488 : vector<40x100xbf16>
    %dot_general3A_490 = arith.constant dense<0.000000e+00> : vector<100x128xf32>
    %dot_general3A_491 = tpu.matmul %max3A_489, %roll3A_443, %dot_general3A_490 {dimension_numbers = #tpu.dot_dimension_numbers<[0], [0], [1], [1], [0, 1, 1, 1], [], []>, transpose_lhs_hint = false} : vector<40x100xbf16>, vector<40x128xbf16>, vector<100x128xf32> -> vector<100x128xf32>
    %sub3A_492 = vector.broadcast %mul3A_455 : vector<1x100xf32> to vector<40x100xf32>
    %sub3A_493 = arith.subf %add3A_81, %sub3A_492 : vector<40x100xf32>
    %convert_element_type3A_494 = arith.truncf %sub3A_493 : vector<40x100xf32> to vector<40x100xbf16>
    %abs3A_495 = math.absf %convert_element_type3A_494 : vector<40x100xbf16>
    %sub3A_496 = arith.constant 1.000000e+00 : bf16
    %sub3A_497 = vector.broadcast %sub3A_496 : bf16 to vector<40x100xbf16>
    %sub3A_498 = arith.subf %sub3A_497, %abs3A_495 : vector<40x100xbf16>
    %max3A_499 = arith.constant 0.000000e+00 : bf16
    %max3A_500 = vector.broadcast %max3A_499 : bf16 to vector<40x100xbf16>
    %max3A_501 = arith.maximumf %sub3A_498, %max3A_500 : vector<40x100xbf16>
    %dot_general3A_502 = arith.constant dense<0.000000e+00> : vector<100x128xf32>
    %dot_general3A_503 = tpu.matmul %max3A_501, %slice3A_441, %dot_general3A_502 {dimension_numbers = #tpu.dot_dimension_numbers<[0], [0], [1], [1], [0, 1, 1, 1], [], []>, transpose_lhs_hint = false} : vector<40x100xbf16>, vector<40x128xbf16>, vector<100x128xf32> -> vector<100x128xf32>
    %add3A_504 = arith.addf %dot_general3A_467, %dot_general3A_479 : vector<100x128xf32>
    %add3A_505 = arith.addf %dot_general3A_491, %dot_general3A_503 : vector<100x128xf32>
    %select_n3A_506 = arith.select %lt3A_84, %add3A_504, %add3A_505 : vector<100x128xi1>, vector<100x128xf32>
    %swap3A_507 = arith.constant 5 : index
    %swap3A_508 = arith.constant 0 : index
    %swap3A_509 = arith.constant 0 : index
    %swap3A_510 = vector.load %arg5[%swap3A_507, %swap3A_508, %swap3A_509] : memref<16x100x128xf32, #tpu.memory_space<vmem>>, vector<1x100x128xf32>
    %swap3A_511 = vector.shape_cast %swap3A_510 : vector<1x100x128xf32> to vector<100x128xf32>
    %swap3A_512 = vector.shape_cast %select_n3A_506 : vector<100x128xf32> to vector<1x100x128xf32>
    tpu.vector_store %arg5[%swap3A_507, %swap3A_508, %swap3A_509], %swap3A_512 {strides = array<i32>} : memref<16x100x128xf32, #tpu.memory_space<vmem>>, vector<1x100x128xf32>,
    %slice3A_513 = vector.extract_strided_slice %convert_element_type3A_74 {offsets = [240, 0], sizes = [40, 128], strides = [1, 1]} : vector<640x128xbf16> to vector<40x128xbf16>
    %roll3A_514 = arith.constant 64 : i32
    %roll3A_515 = tpu.dynamic_rotate %slice3A_513 by %roll3A_514 dim 1 : vector<40x128xbf16>, i32 -> vector<40x128xbf16>
    %get3A_516 = arith.constant 6 : index
    %get3A_517 = arith.constant 0 : index
    %get3A_518 = vector.load %arg2[%get3A_516, %get3A_517] : memref<16x100xi32, #tpu.memory_space<vmem>>, vector<1x100xi32>
    %convert_element_type3A_519 = arith.sitofp %get3A_518 : vector<1x100xi32> to vector<1x100xf32>
    %mul3A_520 = vector.broadcast %div3A_1 : f32 to vector<1x100xf32>
    %mul3A_521 = arith.mulf %convert_element_type3A_519, %mul3A_520 : vector<1x100xf32>
    %get3A_522 = arith.constant 6 : index
    %get3A_523 = arith.constant 0 : index
    %get3A_524 = vector.load %arg3[%get3A_522, %get3A_523] : memref<16x100xi32, #tpu.memory_space<vmem>>, vector<1x100xi32>
    %convert_element_type3A_525 = arith.sitofp %get3A_524 : vector<1x100xi32> to vector<1x100xf32>
    %mul3A_526 = vector.broadcast %div3A_1 : f32 to vector<1x100xf32>
    %mul3A_527 = arith.mulf %convert_element_type3A_525, %mul3A_526 : vector<1x100xf32>
    %sub3A_528 = vector.broadcast %mul3A_521 : vector<1x100xf32> to vector<40x100xf32>
    %sub3A_529 = arith.subf %mul3A_79, %sub3A_528 : vector<40x100xf32>
    %convert_element_type3A_530 = arith.truncf %sub3A_529 : vector<40x100xf32> to vector<40x100xbf16>
    %abs3A_531 = math.absf %convert_element_type3A_530 : vector<40x100xbf16>
    %sub3A_532 = arith.constant 1.000000e+00 : bf16
    %sub3A_533 = vector.broadcast %sub3A_532 : bf16 to vector<40x100xbf16>
    %sub3A_534 = arith.subf %sub3A_533, %abs3A_531 : vector<40x100xbf16>
    %max3A_535 = arith.constant 0.000000e+00 : bf16
    %max3A_536 = vector.broadcast %max3A_535 : bf16 to vector<40x100xbf16>
    %max3A_537 = arith.maximumf %sub3A_534, %max3A_536 : vector<40x100xbf16>
    %dot_general3A_538 = arith.constant dense<0.000000e+00> : vector<100x128xf32>
    %dot_general3A_539 = tpu.matmul %max3A_537, %slice3A_513, %dot_general3A_538 {dimension_numbers = #tpu.dot_dimension_numbers<[0], [0], [1], [1], [0, 1, 1, 1], [], []>, transpose_lhs_hint = false} : vector<40x100xbf16>, vector<40x128xbf16>, vector<100x128xf32> -> vector<100x128xf32>
    %sub3A_540 = vector.broadcast %mul3A_521 : vector<1x100xf32> to vector<40x100xf32>
    %sub3A_541 = arith.subf %add3A_81, %sub3A_540 : vector<40x100xf32>
    %convert_element_type3A_542 = arith.truncf %sub3A_541 : vector<40x100xf32> to vector<40x100xbf16>
    %abs3A_543 = math.absf %convert_element_type3A_542 : vector<40x100xbf16>
    %sub3A_544 = arith.constant 1.000000e+00 : bf16
    %sub3A_545 = vector.broadcast %sub3A_544 : bf16 to vector<40x100xbf16>
    %sub3A_546 = arith.subf %sub3A_545, %abs3A_543 : vector<40x100xbf16>
    %max3A_547 = arith.constant 0.000000e+00 : bf16
    %max3A_548 = vector.broadcast %max3A_547 : bf16 to vector<40x100xbf16>
    %max3A_549 = arith.maximumf %sub3A_546, %max3A_548 : vector<40x100xbf16>
    %dot_general3A_550 = arith.constant dense<0.000000e+00> : vector<100x128xf32>
    %dot_general3A_551 = tpu.matmul %max3A_549, %roll3A_515, %dot_general3A_550 {dimension_numbers = #tpu.dot_dimension_numbers<[0], [0], [1], [1], [0, 1, 1, 1], [], []>, transpose_lhs_hint = false} : vector<40x100xbf16>, vector<40x128xbf16>, vector<100x128xf32> -> vector<100x128xf32>
    %sub3A_552 = vector.broadcast %mul3A_527 : vector<1x100xf32> to vector<40x100xf32>
    %sub3A_553 = arith.subf %mul3A_79, %sub3A_552 : vector<40x100xf32>
    %convert_element_type3A_554 = arith.truncf %sub3A_553 : vector<40x100xf32> to vector<40x100xbf16>
    %abs3A_555 = math.absf %convert_element_type3A_554 : vector<40x100xbf16>
    %sub3A_556 = arith.constant 1.000000e+00 : bf16
    %sub3A_557 = vector.broadcast %sub3A_556 : bf16 to vector<40x100xbf16>
    %sub3A_558 = arith.subf %sub3A_557, %abs3A_555 : vector<40x100xbf16>
    %max3A_559 = arith.constant 0.000000e+00 : bf16
    %max3A_560 = vector.broadcast %max3A_559 : bf16 to vector<40x100xbf16>
    %max3A_561 = arith.maximumf %sub3A_558, %max3A_560 : vector<40x100xbf16>
    %dot_general3A_562 = arith.constant dense<0.000000e+00> : vector<100x128xf32>
    %dot_general3A_563 = tpu.matmul %max3A_561, %roll3A_515, %dot_general3A_562 {dimension_numbers = #tpu.dot_dimension_numbers<[0], [0], [1], [1], [0, 1, 1, 1], [], []>, transpose_lhs_hint = false} : vector<40x100xbf16>, vector<40x128xbf16>, vector<100x128xf32> -> vector<100x128xf32>
    %sub3A_564 = vector.broadcast %mul3A_527 : vector<1x100xf32> to vector<40x100xf32>
    %sub3A_565 = arith.subf %add3A_81, %sub3A_564 : vector<40x100xf32>
    %convert_element_type3A_566 = arith.truncf %sub3A_565 : vector<40x100xf32> to vector<40x100xbf16>
    %abs3A_567 = math.absf %convert_element_type3A_566 : vector<40x100xbf16>
    %sub3A_568 = arith.constant 1.000000e+00 : bf16
    %sub3A_569 = vector.broadcast %sub3A_568 : bf16 to vector<40x100xbf16>
    %sub3A_570 = arith.subf %sub3A_569, %abs3A_567 : vector<40x100xbf16>
    %max3A_571 = arith.constant 0.000000e+00 : bf16
    %max3A_572 = vector.broadcast %max3A_571 : bf16 to vector<40x100xbf16>
    %max3A_573 = arith.maximumf %sub3A_570, %max3A_572 : vector<40x100xbf16>
    %dot_general3A_574 = arith.constant dense<0.000000e+00> : vector<100x128xf32>
    %dot_general3A_575 = tpu.matmul %max3A_573, %slice3A_513, %dot_general3A_574 {dimension_numbers = #tpu.dot_dimension_numbers<[0], [0], [1], [1], [0, 1, 1, 1], [], []>, transpose_lhs_hint = false} : vector<40x100xbf16>, vector<40x128xbf16>, vector<100x128xf32> -> vector<100x128xf32>
    %add3A_576 = arith.addf %dot_general3A_539, %dot_general3A_551 : vector<100x128xf32>
    %add3A_577 = arith.addf %dot_general3A_563, %dot_general3A_575 : vector<100x128xf32>
    %select_n3A_578 = arith.select %lt3A_84, %add3A_576, %add3A_577 : vector<100x128xi1>, vector<100x128xf32>
    %swap3A_579 = arith.constant 6 : index
    %swap3A_580 = arith.constant 0 : index
    %swap3A_581 = arith.constant 0 : index
    %swap3A_582 = vector.load %arg5[%swap3A_579, %swap3A_580, %swap3A_581] : memref<16x100x128xf32, #tpu.memory_space<vmem>>, vector<1x100x128xf32>
    %swap3A_583 = vector.shape_cast %swap3A_582 : vector<1x100x128xf32> to vector<100x128xf32>
    %swap3A_584 = vector.shape_cast %select_n3A_578 : vector<100x128xf32> to vector<1x100x128xf32>
    tpu.vector_store %arg5[%swap3A_579, %swap3A_580, %swap3A_581], %swap3A_584 {strides = array<i32>} : memref<16x100x128xf32, #tpu.memory_space<vmem>>, vector<1x100x128xf32>,
    %slice3A_585 = vector.extract_strided_slice %convert_element_type3A_74 {offsets = [280, 0], sizes = [40, 128], strides = [1, 1]} : vector<640x128xbf16> to vector<40x128xbf16>
    %roll3A_586 = arith.constant 64 : i32
    %roll3A_587 = tpu.dynamic_rotate %slice3A_585 by %roll3A_586 dim 1 : vector<40x128xbf16>, i32 -> vector<40x128xbf16>
    %get3A_588 = arith.constant 7 : index
    %get3A_589 = arith.constant 0 : index
    %get3A_590 = vector.load %arg2[%get3A_588, %get3A_589] : memref<16x100xi32, #tpu.memory_space<vmem>>, vector<1x100xi32>
    %convert_element_type3A_591 = arith.sitofp %get3A_590 : vector<1x100xi32> to vector<1x100xf32>
    %mul3A_592 = vector.broadcast %div3A_1 : f32 to vector<1x100xf32>
    %mul3A_593 = arith.mulf %convert_element_type3A_591, %mul3A_592 : vector<1x100xf32>
    %get3A_594 = arith.constant 7 : index
    %get3A_595 = arith.constant 0 : index
    %get3A_596 = vector.load %arg3[%get3A_594, %get3A_595] : memref<16x100xi32, #tpu.memory_space<vmem>>, vector<1x100xi32>
    %convert_element_type3A_597 = arith.sitofp %get3A_596 : vector<1x100xi32> to vector<1x100xf32>
    %mul3A_598 = vector.broadcast %div3A_1 : f32 to vector<1x100xf32>
    %mul3A_599 = arith.mulf %convert_element_type3A_597, %mul3A_598 : vector<1x100xf32>
    %sub3A_600 = vector.broadcast %mul3A_593 : vector<1x100xf32> to vector<40x100xf32>
    %sub3A_601 = arith.subf %mul3A_79, %sub3A_600 : vector<40x100xf32>
    %convert_element_type3A_602 = arith.truncf %sub3A_601 : vector<40x100xf32> to vector<40x100xbf16>
    %abs3A_603 = math.absf %convert_element_type3A_602 : vector<40x100xbf16>
    %sub3A_604 = arith.constant 1.000000e+00 : bf16
    %sub3A_605 = vector.broadcast %sub3A_604 : bf16 to vector<40x100xbf16>
    %sub3A_606 = arith.subf %sub3A_605, %abs3A_603 : vector<40x100xbf16>
    %max3A_607 = arith.constant 0.000000e+00 : bf16
    %max3A_608 = vector.broadcast %max3A_607 : bf16 to vector<40x100xbf16>
    %max3A_609 = arith.maximumf %sub3A_606, %max3A_608 : vector<40x100xbf16>
    %dot_general3A_610 = arith.constant dense<0.000000e+00> : vector<100x128xf32>
    %dot_general3A_611 = tpu.matmul %max3A_609, %slice3A_585, %dot_general3A_610 {dimension_numbers = #tpu.dot_dimension_numbers<[0], [0], [1], [1], [0, 1, 1, 1], [], []>, transpose_lhs_hint = false} : vector<40x100xbf16>, vector<40x128xbf16>, vector<100x128xf32> -> vector<100x128xf32>
    %sub3A_612 = vector.broadcast %mul3A_593 : vector<1x100xf32> to vector<40x100xf32>
    %sub3A_613 = arith.subf %add3A_81, %sub3A_612 : vector<40x100xf32>
    %convert_element_type3A_614 = arith.truncf %sub3A_613 : vector<40x100xf32> to vector<40x100xbf16>
    %abs3A_615 = math.absf %convert_element_type3A_614 : vector<40x100xbf16>
    %sub3A_616 = arith.constant 1.000000e+00 : bf16
    %sub3A_617 = vector.broadcast %sub3A_616 : bf16 to vector<40x100xbf16>
    %sub3A_618 = arith.subf %sub3A_617, %abs3A_615 : vector<40x100xbf16>
    %max3A_619 = arith.constant 0.000000e+00 : bf16
    %max3A_620 = vector.broadcast %max3A_619 : bf16 to vector<40x100xbf16>
    %max3A_621 = arith.maximumf %sub3A_618, %max3A_620 : vector<40x100xbf16>
    %dot_general3A_622 = arith.constant dense<0.000000e+00> : vector<100x128xf32>
    %dot_general3A_623 = tpu.matmul %max3A_621, %roll3A_587, %dot_general3A_622 {dimension_numbers = #tpu.dot_dimension_numbers<[0], [0], [1], [1], [0, 1, 1, 1], [], []>, transpose_lhs_hint = false} : vector<40x100xbf16>, vector<40x128xbf16>, vector<100x128xf32> -> vector<100x128xf32>
    %sub3A_624 = vector.broadcast %mul3A_599 : vector<1x100xf32> to vector<40x100xf32>
    %sub3A_625 = arith.subf %mul3A_79, %sub3A_624 : vector<40x100xf32>
    %convert_element_type3A_626 = arith.truncf %sub3A_625 : vector<40x100xf32> to vector<40x100xbf16>
    %abs3A_627 = math.absf %convert_element_type3A_626 : vector<40x100xbf16>
    %sub3A_628 = arith.constant 1.000000e+00 : bf16
    %sub3A_629 = vector.broadcast %sub3A_628 : bf16 to vector<40x100xbf16>
    %sub3A_630 = arith.subf %sub3A_629, %abs3A_627 : vector<40x100xbf16>
    %max3A_631 = arith.constant 0.000000e+00 : bf16
    %max3A_632 = vector.broadcast %max3A_631 : bf16 to vector<40x100xbf16>
    %max3A_633 = arith.maximumf %sub3A_630, %max3A_632 : vector<40x100xbf16>
    %dot_general3A_634 = arith.constant dense<0.000000e+00> : vector<100x128xf32>
    %dot_general3A_635 = tpu.matmul %max3A_633, %roll3A_587, %dot_general3A_634 {dimension_numbers = #tpu.dot_dimension_numbers<[0], [0], [1], [1], [0, 1, 1, 1], [], []>, transpose_lhs_hint = false} : vector<40x100xbf16>, vector<40x128xbf16>, vector<100x128xf32> -> vector<100x128xf32>
    %sub3A_636 = vector.broadcast %mul3A_599 : vector<1x100xf32> to vector<40x100xf32>
    %sub3A_637 = arith.subf %add3A_81, %sub3A_636 : vector<40x100xf32>
    %convert_element_type3A_638 = arith.truncf %sub3A_637 : vector<40x100xf32> to vector<40x100xbf16>
    %abs3A_639 = math.absf %convert_element_type3A_638 : vector<40x100xbf16>
    %sub3A_640 = arith.constant 1.000000e+00 : bf16
    %sub3A_641 = vector.broadcast %sub3A_640 : bf16 to vector<40x100xbf16>
    %sub3A_642 = arith.subf %sub3A_641, %abs3A_639 : vector<40x100xbf16>
    %max3A_643 = arith.constant 0.000000e+00 : bf16
    %max3A_644 = vector.broadcast %max3A_643 : bf16 to vector<40x100xbf16>
    %max3A_645 = arith.maximumf %sub3A_642, %max3A_644 : vector<40x100xbf16>
    %dot_general3A_646 = arith.constant dense<0.000000e+00> : vector<100x128xf32>
    %dot_general3A_647 = tpu.matmul %max3A_645, %slice3A_585, %dot_general3A_646 {dimension_numbers = #tpu.dot_dimension_numbers<[0], [0], [1], [1], [0, 1, 1, 1], [], []>, transpose_lhs_hint = false} : vector<40x100xbf16>, vector<40x128xbf16>, vector<100x128xf32> -> vector<100x128xf32>
    %add3A_648 = arith.addf %dot_general3A_611, %dot_general3A_623 : vector<100x128xf32>
    %add3A_649 = arith.addf %dot_general3A_635, %dot_general3A_647 : vector<100x128xf32>
    %select_n3A_650 = arith.select %lt3A_84, %add3A_648, %add3A_649 : vector<100x128xi1>, vector<100x128xf32>
    %swap3A_651 = arith.constant 7 : index
    %swap3A_652 = arith.constant 0 : index
    %swap3A_653 = arith.constant 0 : index
    %swap3A_654 = vector.load %arg5[%swap3A_651, %swap3A_652, %swap3A_653] : memref<16x100x128xf32, #tpu.memory_space<vmem>>, vector<1x100x128xf32>
    %swap3A_655 = vector.shape_cast %swap3A_654 : vector<1x100x128xf32> to vector<100x128xf32>
    %swap3A_656 = vector.shape_cast %select_n3A_650 : vector<100x128xf32> to vector<1x100x128xf32>
    tpu.vector_store %arg5[%swap3A_651, %swap3A_652, %swap3A_653], %swap3A_656 {strides = array<i32>} : memref<16x100x128xf32, #tpu.memory_space<vmem>>, vector<1x100x128xf32>,
    %slice3A_657 = vector.extract_strided_slice %convert_element_type3A_74 {offsets = [320, 0], sizes = [40, 128], strides = [1, 1]} : vector<640x128xbf16> to vector<40x128xbf16>
    %roll3A_658 = arith.constant 64 : i32
    %roll3A_659 = tpu.dynamic_rotate %slice3A_657 by %roll3A_658 dim 1 : vector<40x128xbf16>, i32 -> vector<40x128xbf16>
    %get3A_660 = arith.constant 8 : index
    %get3A_661 = arith.constant 0 : index
    %get3A_662 = vector.load %arg2[%get3A_660, %get3A_661] : memref<16x100xi32, #tpu.memory_space<vmem>>, vector<1x100xi32>
    %convert_element_type3A_663 = arith.sitofp %get3A_662 : vector<1x100xi32> to vector<1x100xf32>
    %mul3A_664 = vector.broadcast %div3A_1 : f32 to vector<1x100xf32>
    %mul3A_665 = arith.mulf %convert_element_type3A_663, %mul3A_664 : vector<1x100xf32>
    %get3A_666 = arith.constant 8 : index
    %get3A_667 = arith.constant 0 : index
    %get3A_668 = vector.load %arg3[%get3A_666, %get3A_667] : memref<16x100xi32, #tpu.memory_space<vmem>>, vector<1x100xi32>
    %convert_element_type3A_669 = arith.sitofp %get3A_668 : vector<1x100xi32> to vector<1x100xf32>
    %mul3A_670 = vector.broadcast %div3A_1 : f32 to vector<1x100xf32>
    %mul3A_671 = arith.mulf %convert_element_type3A_669, %mul3A_670 : vector<1x100xf32>
    %sub3A_672 = vector.broadcast %mul3A_665 : vector<1x100xf32> to vector<40x100xf32>
    %sub3A_673 = arith.subf %mul3A_79, %sub3A_672 : vector<40x100xf32>
    %convert_element_type3A_674 = arith.truncf %sub3A_673 : vector<40x100xf32> to vector<40x100xbf16>
    %abs3A_675 = math.absf %convert_element_type3A_674 : vector<40x100xbf16>
    %sub3A_676 = arith.constant 1.000000e+00 : bf16
    %sub3A_677 = vector.broadcast %sub3A_676 : bf16 to vector<40x100xbf16>
    %sub3A_678 = arith.subf %sub3A_677, %abs3A_675 : vector<40x100xbf16>
    %max3A_679 = arith.constant 0.000000e+00 : bf16
    %max3A_680 = vector.broadcast %max3A_679 : bf16 to vector<40x100xbf16>
    %max3A_681 = arith.maximumf %sub3A_678, %max3A_680 : vector<40x100xbf16>
    %dot_general3A_682 = arith.constant dense<0.000000e+00> : vector<100x128xf32>
    %dot_general3A_683 = tpu.matmul %max3A_681, %slice3A_657, %dot_general3A_682 {dimension_numbers = #tpu.dot_dimension_numbers<[0], [0], [1], [1], [0, 1, 1, 1], [], []>, transpose_lhs_hint = false} : vector<40x100xbf16>, vector<40x128xbf16>, vector<100x128xf32> -> vector<100x128xf32>
    %sub3A_684 = vector.broadcast %mul3A_665 : vector<1x100xf32> to vector<40x100xf32>
    %sub3A_685 = arith.subf %add3A_81, %sub3A_684 : vector<40x100xf32>
    %convert_element_type3A_686 = arith.truncf %sub3A_685 : vector<40x100xf32> to vector<40x100xbf16>
    %abs3A_687 = math.absf %convert_element_type3A_686 : vector<40x100xbf16>
    %sub3A_688 = arith.constant 1.000000e+00 : bf16
    %sub3A_689 = vector.broadcast %sub3A_688 : bf16 to vector<40x100xbf16>
    %sub3A_690 = arith.subf %sub3A_689, %abs3A_687 : vector<40x100xbf16>
    %max3A_691 = arith.constant 0.000000e+00 : bf16
    %max3A_692 = vector.broadcast %max3A_691 : bf16 to vector<40x100xbf16>
    %max3A_693 = arith.maximumf %sub3A_690, %max3A_692 : vector<40x100xbf16>
    %dot_general3A_694 = arith.constant dense<0.000000e+00> : vector<100x128xf32>
    %dot_general3A_695 = tpu.matmul %max3A_693, %roll3A_659, %dot_general3A_694 {dimension_numbers = #tpu.dot_dimension_numbers<[0], [0], [1], [1], [0, 1, 1, 1], [], []>, transpose_lhs_hint = false} : vector<40x100xbf16>, vector<40x128xbf16>, vector<100x128xf32> -> vector<100x128xf32>
    %sub3A_696 = vector.broadcast %mul3A_671 : vector<1x100xf32> to vector<40x100xf32>
    %sub3A_697 = arith.subf %mul3A_79, %sub3A_696 : vector<40x100xf32>
    %convert_element_type3A_698 = arith.truncf %sub3A_697 : vector<40x100xf32> to vector<40x100xbf16>
    %abs3A_699 = math.absf %convert_element_type3A_698 : vector<40x100xbf16>
    %sub3A_700 = arith.constant 1.000000e+00 : bf16
    %sub3A_701 = vector.broadcast %sub3A_700 : bf16 to vector<40x100xbf16>
    %sub3A_702 = arith.subf %sub3A_701, %abs3A_699 : vector<40x100xbf16>
    %max3A_703 = arith.constant 0.000000e+00 : bf16
    %max3A_704 = vector.broadcast %max3A_703 : bf16 to vector<40x100xbf16>
    %max3A_705 = arith.maximumf %sub3A_702, %max3A_704 : vector<40x100xbf16>
    %dot_general3A_706 = arith.constant dense<0.000000e+00> : vector<100x128xf32>
    %dot_general3A_707 = tpu.matmul %max3A_705, %roll3A_659, %dot_general3A_706 {dimension_numbers = #tpu.dot_dimension_numbers<[0], [0], [1], [1], [0, 1, 1, 1], [], []>, transpose_lhs_hint = false} : vector<40x100xbf16>, vector<40x128xbf16>, vector<100x128xf32> -> vector<100x128xf32>
    %sub3A_708 = vector.broadcast %mul3A_671 : vector<1x100xf32> to vector<40x100xf32>
    %sub3A_709 = arith.subf %add3A_81, %sub3A_708 : vector<40x100xf32>
    %convert_element_type3A_710 = arith.truncf %sub3A_709 : vector<40x100xf32> to vector<40x100xbf16>
    %abs3A_711 = math.absf %convert_element_type3A_710 : vector<40x100xbf16>
    %sub3A_712 = arith.constant 1.000000e+00 : bf16
    %sub3A_713 = vector.broadcast %sub3A_712 : bf16 to vector<40x100xbf16>
    %sub3A_714 = arith.subf %sub3A_713, %abs3A_711 : vector<40x100xbf16>
    %max3A_715 = arith.constant 0.000000e+00 : bf16
    %max3A_716 = vector.broadcast %max3A_715 : bf16 to vector<40x100xbf16>
    %max3A_717 = arith.maximumf %sub3A_714, %max3A_716 : vector<40x100xbf16>
    %dot_general3A_718 = arith.constant dense<0.000000e+00> : vector<100x128xf32>
    %dot_general3A_719 = tpu.matmul %max3A_717, %slice3A_657, %dot_general3A_718 {dimension_numbers = #tpu.dot_dimension_numbers<[0], [0], [1], [1], [0, 1, 1, 1], [], []>, transpose_lhs_hint = false} : vector<40x100xbf16>, vector<40x128xbf16>, vector<100x128xf32> -> vector<100x128xf32>
    %add3A_720 = arith.addf %dot_general3A_683, %dot_general3A_695 : vector<100x128xf32>
    %add3A_721 = arith.addf %dot_general3A_707, %dot_general3A_719 : vector<100x128xf32>
    %select_n3A_722 = arith.select %lt3A_84, %add3A_720, %add3A_721 : vector<100x128xi1>, vector<100x128xf32>
    %swap3A_723 = arith.constant 8 : index
    %swap3A_724 = arith.constant 0 : index
    %swap3A_725 = arith.constant 0 : index
    %swap3A_726 = vector.load %arg5[%swap3A_723, %swap3A_724, %swap3A_725] : memref<16x100x128xf32, #tpu.memory_space<vmem>>, vector<1x100x128xf32>
    %swap3A_727 = vector.shape_cast %swap3A_726 : vector<1x100x128xf32> to vector<100x128xf32>
    %swap3A_728 = vector.shape_cast %select_n3A_722 : vector<100x128xf32> to vector<1x100x128xf32>
    tpu.vector_store %arg5[%swap3A_723, %swap3A_724, %swap3A_725], %swap3A_728 {strides = array<i32>} : memref<16x100x128xf32, #tpu.memory_space<vmem>>, vector<1x100x128xf32>,
    %slice3A_729 = vector.extract_strided_slice %convert_element_type3A_74 {offsets = [360, 0], sizes = [40, 128], strides = [1, 1]} : vector<640x128xbf16> to vector<40x128xbf16>
    %roll3A_730 = arith.constant 64 : i32
    %roll3A_731 = tpu.dynamic_rotate %slice3A_729 by %roll3A_730 dim 1 : vector<40x128xbf16>, i32 -> vector<40x128xbf16>
    %get3A_732 = arith.constant 9 : index
    %get3A_733 = arith.constant 0 : index
    %get3A_734 = vector.load %arg2[%get3A_732, %get3A_733] : memref<16x100xi32, #tpu.memory_space<vmem>>, vector<1x100xi32>
    %convert_element_type3A_735 = arith.sitofp %get3A_734 : vector<1x100xi32> to vector<1x100xf32>
    %mul3A_736 = vector.broadcast %div3A_1 : f32 to vector<1x100xf32>
    %mul3A_737 = arith.mulf %convert_element_type3A_735, %mul3A_736 : vector<1x100xf32>
    %get3A_738 = arith.constant 9 : index
    %get3A_739 = arith.constant 0 : index
    %get3A_740 = vector.load %arg3[%get3A_738, %get3A_739] : memref<16x100xi32, #tpu.memory_space<vmem>>, vector<1x100xi32>
    %convert_element_type3A_741 = arith.sitofp %get3A_740 : vector<1x100xi32> to vector<1x100xf32>
    %mul3A_742 = vector.broadcast %div3A_1 : f32 to vector<1x100xf32>
    %mul3A_743 = arith.mulf %convert_element_type3A_741, %mul3A_742 : vector<1x100xf32>
    %sub3A_744 = vector.broadcast %mul3A_737 : vector<1x100xf32> to vector<40x100xf32>
    %sub3A_745 = arith.subf %mul3A_79, %sub3A_744 : vector<40x100xf32>
    %convert_element_type3A_746 = arith.truncf %sub3A_745 : vector<40x100xf32> to vector<40x100xbf16>
    %abs3A_747 = math.absf %convert_element_type3A_746 : vector<40x100xbf16>
    %sub3A_748 = arith.constant 1.000000e+00 : bf16
    %sub3A_749 = vector.broadcast %sub3A_748 : bf16 to vector<40x100xbf16>
    %sub3A_750 = arith.subf %sub3A_749, %abs3A_747 : vector<40x100xbf16>
    %max3A_751 = arith.constant 0.000000e+00 : bf16
    %max3A_752 = vector.broadcast %max3A_751 : bf16 to vector<40x100xbf16>
    %max3A_753 = arith.maximumf %sub3A_750, %max3A_752 : vector<40x100xbf16>
    %dot_general3A_754 = arith.constant dense<0.000000e+00> : vector<100x128xf32>
    %dot_general3A_755 = tpu.matmul %max3A_753, %slice3A_729, %dot_general3A_754 {dimension_numbers = #tpu.dot_dimension_numbers<[0], [0], [1], [1], [0, 1, 1, 1], [], []>, transpose_lhs_hint = false} : vector<40x100xbf16>, vector<40x128xbf16>, vector<100x128xf32> -> vector<100x128xf32>
    %sub3A_756 = vector.broadcast %mul3A_737 : vector<1x100xf32> to vector<40x100xf32>
    %sub3A_757 = arith.subf %add3A_81, %sub3A_756 : vector<40x100xf32>
    %convert_element_type3A_758 = arith.truncf %sub3A_757 : vector<40x100xf32> to vector<40x100xbf16>
    %abs3A_759 = math.absf %convert_element_type3A_758 : vector<40x100xbf16>
    %sub3A_760 = arith.constant 1.000000e+00 : bf16
    %sub3A_761 = vector.broadcast %sub3A_760 : bf16 to vector<40x100xbf16>
    %sub3A_762 = arith.subf %sub3A_761, %abs3A_759 : vector<40x100xbf16>
    %max3A_763 = arith.constant 0.000000e+00 : bf16
    %max3A_764 = vector.broadcast %max3A_763 : bf16 to vector<40x100xbf16>
    %max3A_765 = arith.maximumf %sub3A_762, %max3A_764 : vector<40x100xbf16>
    %dot_general3A_766 = arith.constant dense<0.000000e+00> : vector<100x128xf32>
    %dot_general3A_767 = tpu.matmul %max3A_765, %roll3A_731, %dot_general3A_766 {dimension_numbers = #tpu.dot_dimension_numbers<[0], [0], [1], [1], [0, 1, 1, 1], [], []>, transpose_lhs_hint = false} : vector<40x100xbf16>, vector<40x128xbf16>, vector<100x128xf32> -> vector<100x128xf32>
    %sub3A_768 = vector.broadcast %mul3A_743 : vector<1x100xf32> to vector<40x100xf32>
    %sub3A_769 = arith.subf %mul3A_79, %sub3A_768 : vector<40x100xf32>
    %convert_element_type3A_770 = arith.truncf %sub3A_769 : vector<40x100xf32> to vector<40x100xbf16>
    %abs3A_771 = math.absf %convert_element_type3A_770 : vector<40x100xbf16>
    %sub3A_772 = arith.constant 1.000000e+00 : bf16
    %sub3A_773 = vector.broadcast %sub3A_772 : bf16 to vector<40x100xbf16>
    %sub3A_774 = arith.subf %sub3A_773, %abs3A_771 : vector<40x100xbf16>
    %max3A_775 = arith.constant 0.000000e+00 : bf16
    %max3A_776 = vector.broadcast %max3A_775 : bf16 to vector<40x100xbf16>
    %max3A_777 = arith.maximumf %sub3A_774, %max3A_776 : vector<40x100xbf16>
    %dot_general3A_778 = arith.constant dense<0.000000e+00> : vector<100x128xf32>
    %dot_general3A_779 = tpu.matmul %max3A_777, %roll3A_731, %dot_general3A_778 {dimension_numbers = #tpu.dot_dimension_numbers<[0], [0], [1], [1], [0, 1, 1, 1], [], []>, transpose_lhs_hint = false} : vector<40x100xbf16>, vector<40x128xbf16>, vector<100x128xf32> -> vector<100x128xf32>
    %sub3A_780 = vector.broadcast %mul3A_743 : vector<1x100xf32> to vector<40x100xf32>
    %sub3A_781 = arith.subf %add3A_81, %sub3A_780 : vector<40x100xf32>
    %convert_element_type3A_782 = arith.truncf %sub3A_781 : vector<40x100xf32> to vector<40x100xbf16>
    %abs3A_783 = math.absf %convert_element_type3A_782 : vector<40x100xbf16>
    %sub3A_784 = arith.constant 1.000000e+00 : bf16
    %sub3A_785 = vector.broadcast %sub3A_784 : bf16 to vector<40x100xbf16>
    %sub3A_786 = arith.subf %sub3A_785, %abs3A_783 : vector<40x100xbf16>
    %max3A_787 = arith.constant 0.000000e+00 : bf16
    %max3A_788 = vector.broadcast %max3A_787 : bf16 to vector<40x100xbf16>
    %max3A_789 = arith.maximumf %sub3A_786, %max3A_788 : vector<40x100xbf16>
    %dot_general3A_790 = arith.constant dense<0.000000e+00> : vector<100x128xf32>
    %dot_general3A_791 = tpu.matmul %max3A_789, %slice3A_729, %dot_general3A_790 {dimension_numbers = #tpu.dot_dimension_numbers<[0], [0], [1], [1], [0, 1, 1, 1], [], []>, transpose_lhs_hint = false} : vector<40x100xbf16>, vector<40x128xbf16>, vector<100x128xf32> -> vector<100x128xf32>
    %add3A_792 = arith.addf %dot_general3A_755, %dot_general3A_767 : vector<100x128xf32>
    %add3A_793 = arith.addf %dot_general3A_779, %dot_general3A_791 : vector<100x128xf32>
    %select_n3A_794 = arith.select %lt3A_84, %add3A_792, %add3A_793 : vector<100x128xi1>, vector<100x128xf32>
    %swap3A_795 = arith.constant 9 : index
    %swap3A_796 = arith.constant 0 : index
    %swap3A_797 = arith.constant 0 : index
    %swap3A_798 = vector.load %arg5[%swap3A_795, %swap3A_796, %swap3A_797] : memref<16x100x128xf32, #tpu.memory_space<vmem>>, vector<1x100x128xf32>
    %swap3A_799 = vector.shape_cast %swap3A_798 : vector<1x100x128xf32> to vector<100x128xf32>
    %swap3A_800 = vector.shape_cast %select_n3A_794 : vector<100x128xf32> to vector<1x100x128xf32>
    tpu.vector_store %arg5[%swap3A_795, %swap3A_796, %swap3A_797], %swap3A_800 {strides = array<i32>} : memref<16x100x128xf32, #tpu.memory_space<vmem>>, vector<1x100x128xf32>,
    %slice3A_801 = vector.extract_strided_slice %convert_element_type3A_74 {offsets = [400, 0], sizes = [40, 128], strides = [1, 1]} : vector<640x128xbf16> to vector<40x128xbf16>
    %roll3A_802 = arith.constant 64 : i32
    %roll3A_803 = tpu.dynamic_rotate %slice3A_801 by %roll3A_802 dim 1 : vector<40x128xbf16>, i32 -> vector<40x128xbf16>
    %get3A_804 = arith.constant 10 : index
    %get3A_805 = arith.constant 0 : index
    %get3A_806 = vector.load %arg2[%get3A_804, %get3A_805] : memref<16x100xi32, #tpu.memory_space<vmem>>, vector<1x100xi32>
    %convert_element_type3A_807 = arith.sitofp %get3A_806 : vector<1x100xi32> to vector<1x100xf32>
    %mul3A_808 = vector.broadcast %div3A_1 : f32 to vector<1x100xf32>
    %mul3A_809 = arith.mulf %convert_element_type3A_807, %mul3A_808 : vector<1x100xf32>
    %get3A_810 = arith.constant 10 : index
    %get3A_811 = arith.constant 0 : index
    %get3A_812 = vector.load %arg3[%get3A_810, %get3A_811] : memref<16x100xi32, #tpu.memory_space<vmem>>, vector<1x100xi32>
    %convert_element_type3A_813 = arith.sitofp %get3A_812 : vector<1x100xi32> to vector<1x100xf32>
    %mul3A_814 = vector.broadcast %div3A_1 : f32 to vector<1x100xf32>
    %mul3A_815 = arith.mulf %convert_element_type3A_813, %mul3A_814 : vector<1x100xf32>
    %sub3A_816 = vector.broadcast %mul3A_809 : vector<1x100xf32> to vector<40x100xf32>
    %sub3A_817 = arith.subf %mul3A_79, %sub3A_816 : vector<40x100xf32>
    %convert_element_type3A_818 = arith.truncf %sub3A_817 : vector<40x100xf32> to vector<40x100xbf16>
    %abs3A_819 = math.absf %convert_element_type3A_818 : vector<40x100xbf16>
    %sub3A_820 = arith.constant 1.000000e+00 : bf16
    %sub3A_821 = vector.broadcast %sub3A_820 : bf16 to vector<40x100xbf16>
    %sub3A_822 = arith.subf %sub3A_821, %abs3A_819 : vector<40x100xbf16>
    %max3A_823 = arith.constant 0.000000e+00 : bf16
    %max3A_824 = vector.broadcast %max3A_823 : bf16 to vector<40x100xbf16>
    %max3A_825 = arith.maximumf %sub3A_822, %max3A_824 : vector<40x100xbf16>
    %dot_general3A_826 = arith.constant dense<0.000000e+00> : vector<100x128xf32>
    %dot_general3A_827 = tpu.matmul %max3A_825, %slice3A_801, %dot_general3A_826 {dimension_numbers = #tpu.dot_dimension_numbers<[0], [0], [1], [1], [0, 1, 1, 1], [], []>, transpose_lhs_hint = false} : vector<40x100xbf16>, vector<40x128xbf16>, vector<100x128xf32> -> vector<100x128xf32>
    %sub3A_828 = vector.broadcast %mul3A_809 : vector<1x100xf32> to vector<40x100xf32>
    %sub3A_829 = arith.subf %add3A_81, %sub3A_828 : vector<40x100xf32>
    %convert_element_type3A_830 = arith.truncf %sub3A_829 : vector<40x100xf32> to vector<40x100xbf16>
    %abs3A_831 = math.absf %convert_element_type3A_830 : vector<40x100xbf16>
    %sub3A_832 = arith.constant 1.000000e+00 : bf16
    %sub3A_833 = vector.broadcast %sub3A_832 : bf16 to vector<40x100xbf16>
    %sub3A_834 = arith.subf %sub3A_833, %abs3A_831 : vector<40x100xbf16>
    %max3A_835 = arith.constant 0.000000e+00 : bf16
    %max3A_836 = vector.broadcast %max3A_835 : bf16 to vector<40x100xbf16>
    %max3A_837 = arith.maximumf %sub3A_834, %max3A_836 : vector<40x100xbf16>
    %dot_general3A_838 = arith.constant dense<0.000000e+00> : vector<100x128xf32>
    %dot_general3A_839 = tpu.matmul %max3A_837, %roll3A_803, %dot_general3A_838 {dimension_numbers = #tpu.dot_dimension_numbers<[0], [0], [1], [1], [0, 1, 1, 1], [], []>, transpose_lhs_hint = false} : vector<40x100xbf16>, vector<40x128xbf16>, vector<100x128xf32> -> vector<100x128xf32>
    %sub3A_840 = vector.broadcast %mul3A_815 : vector<1x100xf32> to vector<40x100xf32>
    %sub3A_841 = arith.subf %mul3A_79, %sub3A_840 : vector<40x100xf32>
    %convert_element_type3A_842 = arith.truncf %sub3A_841 : vector<40x100xf32> to vector<40x100xbf16>
    %abs3A_843 = math.absf %convert_element_type3A_842 : vector<40x100xbf16>
    %sub3A_844 = arith.constant 1.000000e+00 : bf16
    %sub3A_845 = vector.broadcast %sub3A_844 : bf16 to vector<40x100xbf16>
    %sub3A_846 = arith.subf %sub3A_845, %abs3A_843 : vector<40x100xbf16>
    %max3A_847 = arith.constant 0.000000e+00 : bf16
    %max3A_848 = vector.broadcast %max3A_847 : bf16 to vector<40x100xbf16>
    %max3A_849 = arith.maximumf %sub3A_846, %max3A_848 : vector<40x100xbf16>
    %dot_general3A_850 = arith.constant dense<0.000000e+00> : vector<100x128xf32>
    %dot_general3A_851 = tpu.matmul %max3A_849, %roll3A_803, %dot_general3A_850 {dimension_numbers = #tpu.dot_dimension_numbers<[0], [0], [1], [1], [0, 1, 1, 1], [], []>, transpose_lhs_hint = false} : vector<40x100xbf16>, vector<40x128xbf16>, vector<100x128xf32> -> vector<100x128xf32>
    %sub3A_852 = vector.broadcast %mul3A_815 : vector<1x100xf32> to vector<40x100xf32>
    %sub3A_853 = arith.subf %add3A_81, %sub3A_852 : vector<40x100xf32>
    %convert_element_type3A_854 = arith.truncf %sub3A_853 : vector<40x100xf32> to vector<40x100xbf16>
    %abs3A_855 = math.absf %convert_element_type3A_854 : vector<40x100xbf16>
    %sub3A_856 = arith.constant 1.000000e+00 : bf16
    %sub3A_857 = vector.broadcast %sub3A_856 : bf16 to vector<40x100xbf16>
    %sub3A_858 = arith.subf %sub3A_857, %abs3A_855 : vector<40x100xbf16>
    %max3A_859 = arith.constant 0.000000e+00 : bf16
    %max3A_860 = vector.broadcast %max3A_859 : bf16 to vector<40x100xbf16>
    %max3A_861 = arith.maximumf %sub3A_858, %max3A_860 : vector<40x100xbf16>
    %dot_general3A_862 = arith.constant dense<0.000000e+00> : vector<100x128xf32>
    %dot_general3A_863 = tpu.matmul %max3A_861, %slice3A_801, %dot_general3A_862 {dimension_numbers = #tpu.dot_dimension_numbers<[0], [0], [1], [1], [0, 1, 1, 1], [], []>, transpose_lhs_hint = false} : vector<40x100xbf16>, vector<40x128xbf16>, vector<100x128xf32> -> vector<100x128xf32>
    %add3A_864 = arith.addf %dot_general3A_827, %dot_general3A_839 : vector<100x128xf32>
    %add3A_865 = arith.addf %dot_general3A_851, %dot_general3A_863 : vector<100x128xf32>
    %select_n3A_866 = arith.select %lt3A_84, %add3A_864, %add3A_865 : vector<100x128xi1>, vector<100x128xf32>
    %swap3A_867 = arith.constant 10 : index
    %swap3A_868 = arith.constant 0 : index
    %swap3A_869 = arith.constant 0 : index
    %swap3A_870 = vector.load %arg5[%swap3A_867, %swap3A_868, %swap3A_869] : memref<16x100x128xf32, #tpu.memory_space<vmem>>, vector<1x100x128xf32>
    %swap3A_871 = vector.shape_cast %swap3A_870 : vector<1x100x128xf32> to vector<100x128xf32>
    %swap3A_872 = vector.shape_cast %select_n3A_866 : vector<100x128xf32> to vector<1x100x128xf32>
    tpu.vector_store %arg5[%swap3A_867, %swap3A_868, %swap3A_869], %swap3A_872 {strides = array<i32>} : memref<16x100x128xf32, #tpu.memory_space<vmem>>, vector<1x100x128xf32>,
    %slice3A_873 = vector.extract_strided_slice %convert_element_type3A_74 {offsets = [440, 0], sizes = [40, 128], strides = [1, 1]} : vector<640x128xbf16> to vector<40x128xbf16>
    %roll3A_874 = arith.constant 64 : i32
    %roll3A_875 = tpu.dynamic_rotate %slice3A_873 by %roll3A_874 dim 1 : vector<40x128xbf16>, i32 -> vector<40x128xbf16>
    %get3A_876 = arith.constant 11 : index
    %get3A_877 = arith.constant 0 : index
    %get3A_878 = vector.load %arg2[%get3A_876, %get3A_877] : memref<16x100xi32, #tpu.memory_space<vmem>>, vector<1x100xi32>
    %convert_element_type3A_879 = arith.sitofp %get3A_878 : vector<1x100xi32> to vector<1x100xf32>
    %mul3A_880 = vector.broadcast %div3A_1 : f32 to vector<1x100xf32>
    %mul3A_881 = arith.mulf %convert_element_type3A_879, %mul3A_880 : vector<1x100xf32>
    %get3A_882 = arith.constant 11 : index
    %get3A_883 = arith.constant 0 : index
    %get3A_884 = vector.load %arg3[%get3A_882, %get3A_883] : memref<16x100xi32, #tpu.memory_space<vmem>>, vector<1x100xi32>
    %convert_element_type3A_885 = arith.sitofp %get3A_884 : vector<1x100xi32> to vector<1x100xf32>
    %mul3A_886 = vector.broadcast %div3A_1 : f32 to vector<1x100xf32>
    %mul3A_887 = arith.mulf %convert_element_type3A_885, %mul3A_886 : vector<1x100xf32>
    %sub3A_888 = vector.broadcast %mul3A_881 : vector<1x100xf32> to vector<40x100xf32>
    %sub3A_889 = arith.subf %mul3A_79, %sub3A_888 : vector<40x100xf32>
    %convert_element_type3A_890 = arith.truncf %sub3A_889 : vector<40x100xf32> to vector<40x100xbf16>
    %abs3A_891 = math.absf %convert_element_type3A_890 : vector<40x100xbf16>
    %sub3A_892 = arith.constant 1.000000e+00 : bf16
    %sub3A_893 = vector.broadcast %sub3A_892 : bf16 to vector<40x100xbf16>
    %sub3A_894 = arith.subf %sub3A_893, %abs3A_891 : vector<40x100xbf16>
    %max3A_895 = arith.constant 0.000000e+00 : bf16
    %max3A_896 = vector.broadcast %max3A_895 : bf16 to vector<40x100xbf16>
    %max3A_897 = arith.maximumf %sub3A_894, %max3A_896 : vector<40x100xbf16>
    %dot_general3A_898 = arith.constant dense<0.000000e+00> : vector<100x128xf32>
    %dot_general3A_899 = tpu.matmul %max3A_897, %slice3A_873, %dot_general3A_898 {dimension_numbers = #tpu.dot_dimension_numbers<[0], [0], [1], [1], [0, 1, 1, 1], [], []>, transpose_lhs_hint = false} : vector<40x100xbf16>, vector<40x128xbf16>, vector<100x128xf32> -> vector<100x128xf32>
    %sub3A_900 = vector.broadcast %mul3A_881 : vector<1x100xf32> to vector<40x100xf32>
    %sub3A_901 = arith.subf %add3A_81, %sub3A_900 : vector<40x100xf32>
    %convert_element_type3A_902 = arith.truncf %sub3A_901 : vector<40x100xf32> to vector<40x100xbf16>
    %abs3A_903 = math.absf %convert_element_type3A_902 : vector<40x100xbf16>
    %sub3A_904 = arith.constant 1.000000e+00 : bf16
    %sub3A_905 = vector.broadcast %sub3A_904 : bf16 to vector<40x100xbf16>
    %sub3A_906 = arith.subf %sub3A_905, %abs3A_903 : vector<40x100xbf16>
    %max3A_907 = arith.constant 0.000000e+00 : bf16
    %max3A_908 = vector.broadcast %max3A_907 : bf16 to vector<40x100xbf16>
    %max3A_909 = arith.maximumf %sub3A_906, %max3A_908 : vector<40x100xbf16>
    %dot_general3A_910 = arith.constant dense<0.000000e+00> : vector<100x128xf32>
    %dot_general3A_911 = tpu.matmul %max3A_909, %roll3A_875, %dot_general3A_910 {dimension_numbers = #tpu.dot_dimension_numbers<[0], [0], [1], [1], [0, 1, 1, 1], [], []>, transpose_lhs_hint = false} : vector<40x100xbf16>, vector<40x128xbf16>, vector<100x128xf32> -> vector<100x128xf32>
    %sub3A_912 = vector.broadcast %mul3A_887 : vector<1x100xf32> to vector<40x100xf32>
    %sub3A_913 = arith.subf %mul3A_79, %sub3A_912 : vector<40x100xf32>
    %convert_element_type3A_914 = arith.truncf %sub3A_913 : vector<40x100xf32> to vector<40x100xbf16>
    %abs3A_915 = math.absf %convert_element_type3A_914 : vector<40x100xbf16>
    %sub3A_916 = arith.constant 1.000000e+00 : bf16
    %sub3A_917 = vector.broadcast %sub3A_916 : bf16 to vector<40x100xbf16>
    %sub3A_918 = arith.subf %sub3A_917, %abs3A_915 : vector<40x100xbf16>
    %max3A_919 = arith.constant 0.000000e+00 : bf16
    %max3A_920 = vector.broadcast %max3A_919 : bf16 to vector<40x100xbf16>
    %max3A_921 = arith.maximumf %sub3A_918, %max3A_920 : vector<40x100xbf16>
    %dot_general3A_922 = arith.constant dense<0.000000e+00> : vector<100x128xf32>
    %dot_general3A_923 = tpu.matmul %max3A_921, %roll3A_875, %dot_general3A_922 {dimension_numbers = #tpu.dot_dimension_numbers<[0], [0], [1], [1], [0, 1, 1, 1], [], []>, transpose_lhs_hint = false} : vector<40x100xbf16>, vector<40x128xbf16>, vector<100x128xf32> -> vector<100x128xf32>
    %sub3A_924 = vector.broadcast %mul3A_887 : vector<1x100xf32> to vector<40x100xf32>
    %sub3A_925 = arith.subf %add3A_81, %sub3A_924 : vector<40x100xf32>
    %convert_element_type3A_926 = arith.truncf %sub3A_925 : vector<40x100xf32> to vector<40x100xbf16>
    %abs3A_927 = math.absf %convert_element_type3A_926 : vector<40x100xbf16>
    %sub3A_928 = arith.constant 1.000000e+00 : bf16
    %sub3A_929 = vector.broadcast %sub3A_928 : bf16 to vector<40x100xbf16>
    %sub3A_930 = arith.subf %sub3A_929, %abs3A_927 : vector<40x100xbf16>
    %max3A_931 = arith.constant 0.000000e+00 : bf16
    %max3A_932 = vector.broadcast %max3A_931 : bf16 to vector<40x100xbf16>
    %max3A_933 = arith.maximumf %sub3A_930, %max3A_932 : vector<40x100xbf16>
    %dot_general3A_934 = arith.constant dense<0.000000e+00> : vector<100x128xf32>
    %dot_general3A_935 = tpu.matmul %max3A_933, %slice3A_873, %dot_general3A_934 {dimension_numbers = #tpu.dot_dimension_numbers<[0], [0], [1], [1], [0, 1, 1, 1], [], []>, transpose_lhs_hint = false} : vector<40x100xbf16>, vector<40x128xbf16>, vector<100x128xf32> -> vector<100x128xf32>
    %add3A_936 = arith.addf %dot_general3A_899, %dot_general3A_911 : vector<100x128xf32>
    %add3A_937 = arith.addf %dot_general3A_923, %dot_general3A_935 : vector<100x128xf32>
    %select_n3A_938 = arith.select %lt3A_84, %add3A_936, %add3A_937 : vector<100x128xi1>, vector<100x128xf32>
    %swap3A_939 = arith.constant 11 : index
    %swap3A_940 = arith.constant 0 : index
    %swap3A_941 = arith.constant 0 : index
    %swap3A_942 = vector.load %arg5[%swap3A_939, %swap3A_940, %swap3A_941] : memref<16x100x128xf32, #tpu.memory_space<vmem>>, vector<1x100x128xf32>
    %swap3A_943 = vector.shape_cast %swap3A_942 : vector<1x100x128xf32> to vector<100x128xf32>
    %swap3A_944 = vector.shape_cast %select_n3A_938 : vector<100x128xf32> to vector<1x100x128xf32>
    tpu.vector_store %arg5[%swap3A_939, %swap3A_940, %swap3A_941], %swap3A_944 {strides = array<i32>} : memref<16x100x128xf32, #tpu.memory_space<vmem>>, vector<1x100x128xf32>,
    %slice3A_945 = vector.extract_strided_slice %convert_element_type3A_74 {offsets = [480, 0], sizes = [40, 128], strides = [1, 1]} : vector<640x128xbf16> to vector<40x128xbf16>
    %roll3A_946 = arith.constant 64 : i32
    %roll3A_947 = tpu.dynamic_rotate %slice3A_945 by %roll3A_946 dim 1 : vector<40x128xbf16>, i32 -> vector<40x128xbf16>
    %get3A_948 = arith.constant 12 : index
    %get3A_949 = arith.constant 0 : index
    %get3A_950 = vector.load %arg2[%get3A_948, %get3A_949] : memref<16x100xi32, #tpu.memory_space<vmem>>, vector<1x100xi32>
    %convert_element_type3A_951 = arith.sitofp %get3A_950 : vector<1x100xi32> to vector<1x100xf32>
    %mul3A_952 = vector.broadcast %div3A_1 : f32 to vector<1x100xf32>
    %mul3A_953 = arith.mulf %convert_element_type3A_951, %mul3A_952 : vector<1x100xf32>
    %get3A_954 = arith.constant 12 : index
    %get3A_955 = arith.constant 0 : index
    %get3A_956 = vector.load %arg3[%get3A_954, %get3A_955] : memref<16x100xi32, #tpu.memory_space<vmem>>, vector<1x100xi32>
    %convert_element_type3A_957 = arith.sitofp %get3A_956 : vector<1x100xi32> to vector<1x100xf32>
    %mul3A_958 = vector.broadcast %div3A_1 : f32 to vector<1x100xf32>
    %mul3A_959 = arith.mulf %convert_element_type3A_957, %mul3A_958 : vector<1x100xf32>
    %sub3A_960 = vector.broadcast %mul3A_953 : vector<1x100xf32> to vector<40x100xf32>
    %sub3A_961 = arith.subf %mul3A_79, %sub3A_960 : vector<40x100xf32>
    %convert_element_type3A_962 = arith.truncf %sub3A_961 : vector<40x100xf32> to vector<40x100xbf16>
    %abs3A_963 = math.absf %convert_element_type3A_962 : vector<40x100xbf16>
    %sub3A_964 = arith.constant 1.000000e+00 : bf16
    %sub3A_965 = vector.broadcast %sub3A_964 : bf16 to vector<40x100xbf16>
    %sub3A_966 = arith.subf %sub3A_965, %abs3A_963 : vector<40x100xbf16>
    %max3A_967 = arith.constant 0.000000e+00 : bf16
    %max3A_968 = vector.broadcast %max3A_967 : bf16 to vector<40x100xbf16>
    %max3A_969 = arith.maximumf %sub3A_966, %max3A_968 : vector<40x100xbf16>
    %dot_general3A_970 = arith.constant dense<0.000000e+00> : vector<100x128xf32>
    %dot_general3A_971 = tpu.matmul %max3A_969, %slice3A_945, %dot_general3A_970 {dimension_numbers = #tpu.dot_dimension_numbers<[0], [0], [1], [1], [0, 1, 1, 1], [], []>, transpose_lhs_hint = false} : vector<40x100xbf16>, vector<40x128xbf16>, vector<100x128xf32> -> vector<100x128xf32>
    %sub3A_972 = vector.broadcast %mul3A_953 : vector<1x100xf32> to vector<40x100xf32>
    %sub3A_973 = arith.subf %add3A_81, %sub3A_972 : vector<40x100xf32>
    %convert_element_type3A_974 = arith.truncf %sub3A_973 : vector<40x100xf32> to vector<40x100xbf16>
    %abs3A_975 = math.absf %convert_element_type3A_974 : vector<40x100xbf16>
    %sub3A_976 = arith.constant 1.000000e+00 : bf16
    %sub3A_977 = vector.broadcast %sub3A_976 : bf16 to vector<40x100xbf16>
    %sub3A_978 = arith.subf %sub3A_977, %abs3A_975 : vector<40x100xbf16>
    %max3A_979 = arith.constant 0.000000e+00 : bf16
    %max3A_980 = vector.broadcast %max3A_979 : bf16 to vector<40x100xbf16>
    %max3A_981 = arith.maximumf %sub3A_978, %max3A_980 : vector<40x100xbf16>
    %dot_general3A_982 = arith.constant dense<0.000000e+00> : vector<100x128xf32>
    %dot_general3A_983 = tpu.matmul %max3A_981, %roll3A_947, %dot_general3A_982 {dimension_numbers = #tpu.dot_dimension_numbers<[0], [0], [1], [1], [0, 1, 1, 1], [], []>, transpose_lhs_hint = false} : vector<40x100xbf16>, vector<40x128xbf16>, vector<100x128xf32> -> vector<100x128xf32>
    %sub3A_984 = vector.broadcast %mul3A_959 : vector<1x100xf32> to vector<40x100xf32>
    %sub3A_985 = arith.subf %mul3A_79, %sub3A_984 : vector<40x100xf32>
    %convert_element_type3A_986 = arith.truncf %sub3A_985 : vector<40x100xf32> to vector<40x100xbf16>
    %abs3A_987 = math.absf %convert_element_type3A_986 : vector<40x100xbf16>
    %sub3A_988 = arith.constant 1.000000e+00 : bf16
    %sub3A_989 = vector.broadcast %sub3A_988 : bf16 to vector<40x100xbf16>
    %sub3A_990 = arith.subf %sub3A_989, %abs3A_987 : vector<40x100xbf16>
    %max3A_991 = arith.constant 0.000000e+00 : bf16
    %max3A_992 = vector.broadcast %max3A_991 : bf16 to vector<40x100xbf16>
    %max3A_993 = arith.maximumf %sub3A_990, %max3A_992 : vector<40x100xbf16>
    %dot_general3A_994 = arith.constant dense<0.000000e+00> : vector<100x128xf32>
    %dot_general3A_995 = tpu.matmul %max3A_993, %roll3A_947, %dot_general3A_994 {dimension_numbers = #tpu.dot_dimension_numbers<[0], [0], [1], [1], [0, 1, 1, 1], [], []>, transpose_lhs_hint = false} : vector<40x100xbf16>, vector<40x128xbf16>, vector<100x128xf32> -> vector<100x128xf32>
    %sub3A_996 = vector.broadcast %mul3A_959 : vector<1x100xf32> to vector<40x100xf32>
    %sub3A_997 = arith.subf %add3A_81, %sub3A_996 : vector<40x100xf32>
    %convert_element_type3A_998 = arith.truncf %sub3A_997 : vector<40x100xf32> to vector<40x100xbf16>
    %abs3A_999 = math.absf %convert_element_type3A_998 : vector<40x100xbf16>
    %sub3A_1000 = arith.constant 1.000000e+00 : bf16
    %sub3A_1001 = vector.broadcast %sub3A_1000 : bf16 to vector<40x100xbf16>
    %sub3A_1002 = arith.subf %sub3A_1001, %abs3A_999 : vector<40x100xbf16>
    %max3A_1003 = arith.constant 0.000000e+00 : bf16
    %max3A_1004 = vector.broadcast %max3A_1003 : bf16 to vector<40x100xbf16>
    %max3A_1005 = arith.maximumf %sub3A_1002, %max3A_1004 : vector<40x100xbf16>
    %dot_general3A_1006 = arith.constant dense<0.000000e+00> : vector<100x128xf32>
    %dot_general3A_1007 = tpu.matmul %max3A_1005, %slice3A_945, %dot_general3A_1006 {dimension_numbers = #tpu.dot_dimension_numbers<[0], [0], [1], [1], [0, 1, 1, 1], [], []>, transpose_lhs_hint = false} : vector<40x100xbf16>, vector<40x128xbf16>, vector<100x128xf32> -> vector<100x128xf32>
    %add3A_1008 = arith.addf %dot_general3A_971, %dot_general3A_983 : vector<100x128xf32>
    %add3A_1009 = arith.addf %dot_general3A_995, %dot_general3A_1007 : vector<100x128xf32>
    %select_n3A_1010 = arith.select %lt3A_84, %add3A_1008, %add3A_1009 : vector<100x128xi1>, vector<100x128xf32>
    %swap3A_1011 = arith.constant 12 : index
    %swap3A_1012 = arith.constant 0 : index
    %swap3A_1013 = arith.constant 0 : index
    %swap3A_1014 = vector.load %arg5[%swap3A_1011, %swap3A_1012, %swap3A_1013] : memref<16x100x128xf32, #tpu.memory_space<vmem>>, vector<1x100x128xf32>
    %swap3A_1015 = vector.shape_cast %swap3A_1014 : vector<1x100x128xf32> to vector<100x128xf32>
    %swap3A_1016 = vector.shape_cast %select_n3A_1010 : vector<100x128xf32> to vector<1x100x128xf32>
    tpu.vector_store %arg5[%swap3A_1011, %swap3A_1012, %swap3A_1013], %swap3A_1016 {strides = array<i32>} : memref<16x100x128xf32, #tpu.memory_space<vmem>>, vector<1x100x128xf32>,
    %slice3A_1017 = vector.extract_strided_slice %convert_element_type3A_74 {offsets = [520, 0], sizes = [40, 128], strides = [1, 1]} : vector<640x128xbf16> to vector<40x128xbf16>
    %roll3A_1018 = arith.constant 64 : i32
    %roll3A_1019 = tpu.dynamic_rotate %slice3A_1017 by %roll3A_1018 dim 1 : vector<40x128xbf16>, i32 -> vector<40x128xbf16>
    %get3A_1020 = arith.constant 13 : index
    %get3A_1021 = arith.constant 0 : index
    %get3A_1022 = vector.load %arg2[%get3A_1020, %get3A_1021] : memref<16x100xi32, #tpu.memory_space<vmem>>, vector<1x100xi32>
    %convert_element_type3A_1023 = arith.sitofp %get3A_1022 : vector<1x100xi32> to vector<1x100xf32>
    %mul3A_1024 = vector.broadcast %div3A_1 : f32 to vector<1x100xf32>
    %mul3A_1025 = arith.mulf %convert_element_type3A_1023, %mul3A_1024 : vector<1x100xf32>
    %get3A_1026 = arith.constant 13 : index
    %get3A_1027 = arith.constant 0 : index
    %get3A_1028 = vector.load %arg3[%get3A_1026, %get3A_1027] : memref<16x100xi32, #tpu.memory_space<vmem>>, vector<1x100xi32>
    %convert_element_type3A_1029 = arith.sitofp %get3A_1028 : vector<1x100xi32> to vector<1x100xf32>
    %mul3A_1030 = vector.broadcast %div3A_1 : f32 to vector<1x100xf32>
    %mul3A_1031 = arith.mulf %convert_element_type3A_1029, %mul3A_1030 : vector<1x100xf32>
    %sub3A_1032 = vector.broadcast %mul3A_1025 : vector<1x100xf32> to vector<40x100xf32>
    %sub3A_1033 = arith.subf %mul3A_79, %sub3A_1032 : vector<40x100xf32>
    %convert_element_type3A_1034 = arith.truncf %sub3A_1033 : vector<40x100xf32> to vector<40x100xbf16>
    %abs3A_1035 = math.absf %convert_element_type3A_1034 : vector<40x100xbf16>
    %sub3A_1036 = arith.constant 1.000000e+00 : bf16
    %sub3A_1037 = vector.broadcast %sub3A_1036 : bf16 to vector<40x100xbf16>
    %sub3A_1038 = arith.subf %sub3A_1037, %abs3A_1035 : vector<40x100xbf16>
    %max3A_1039 = arith.constant 0.000000e+00 : bf16
    %max3A_1040 = vector.broadcast %max3A_1039 : bf16 to vector<40x100xbf16>
    %max3A_1041 = arith.maximumf %sub3A_1038, %max3A_1040 : vector<40x100xbf16>
    %dot_general3A_1042 = arith.constant dense<0.000000e+00> : vector<100x128xf32>
    %dot_general3A_1043 = tpu.matmul %max3A_1041, %slice3A_1017, %dot_general3A_1042 {dimension_numbers = #tpu.dot_dimension_numbers<[0], [0], [1], [1], [0, 1, 1, 1], [], []>, transpose_lhs_hint = false} : vector<40x100xbf16>, vector<40x128xbf16>, vector<100x128xf32> -> vector<100x128xf32>
    %sub3A_1044 = vector.broadcast %mul3A_1025 : vector<1x100xf32> to vector<40x100xf32>
    %sub3A_1045 = arith.subf %add3A_81, %sub3A_1044 : vector<40x100xf32>
    %convert_element_type3A_1046 = arith.truncf %sub3A_1045 : vector<40x100xf32> to vector<40x100xbf16>
    %abs3A_1047 = math.absf %convert_element_type3A_1046 : vector<40x100xbf16>
    %sub3A_1048 = arith.constant 1.000000e+00 : bf16
    %sub3A_1049 = vector.broadcast %sub3A_1048 : bf16 to vector<40x100xbf16>
    %sub3A_1050 = arith.subf %sub3A_1049, %abs3A_1047 : vector<40x100xbf16>
    %max3A_1051 = arith.constant 0.000000e+00 : bf16
    %max3A_1052 = vector.broadcast %max3A_1051 : bf16 to vector<40x100xbf16>
    %max3A_1053 = arith.maximumf %sub3A_1050, %max3A_1052 : vector<40x100xbf16>
    %dot_general3A_1054 = arith.constant dense<0.000000e+00> : vector<100x128xf32>
    %dot_general3A_1055 = tpu.matmul %max3A_1053, %roll3A_1019, %dot_general3A_1054 {dimension_numbers = #tpu.dot_dimension_numbers<[0], [0], [1], [1], [0, 1, 1, 1], [], []>, transpose_lhs_hint = false} : vector<40x100xbf16>, vector<40x128xbf16>, vector<100x128xf32> -> vector<100x128xf32>
    %sub3A_1056 = vector.broadcast %mul3A_1031 : vector<1x100xf32> to vector<40x100xf32>
    %sub3A_1057 = arith.subf %mul3A_79, %sub3A_1056 : vector<40x100xf32>
    %convert_element_type3A_1058 = arith.truncf %sub3A_1057 : vector<40x100xf32> to vector<40x100xbf16>
    %abs3A_1059 = math.absf %convert_element_type3A_1058 : vector<40x100xbf16>
    %sub3A_1060 = arith.constant 1.000000e+00 : bf16
    %sub3A_1061 = vector.broadcast %sub3A_1060 : bf16 to vector<40x100xbf16>
    %sub3A_1062 = arith.subf %sub3A_1061, %abs3A_1059 : vector<40x100xbf16>
    %max3A_1063 = arith.constant 0.000000e+00 : bf16
    %max3A_1064 = vector.broadcast %max3A_1063 : bf16 to vector<40x100xbf16>
    %max3A_1065 = arith.maximumf %sub3A_1062, %max3A_1064 : vector<40x100xbf16>
    %dot_general3A_1066 = arith.constant dense<0.000000e+00> : vector<100x128xf32>
    %dot_general3A_1067 = tpu.matmul %max3A_1065, %roll3A_1019, %dot_general3A_1066 {dimension_numbers = #tpu.dot_dimension_numbers<[0], [0], [1], [1], [0, 1, 1, 1], [], []>, transpose_lhs_hint = false} : vector<40x100xbf16>, vector<40x128xbf16>, vector<100x128xf32> -> vector<100x128xf32>
    %sub3A_1068 = vector.broadcast %mul3A_1031 : vector<1x100xf32> to vector<40x100xf32>
    %sub3A_1069 = arith.subf %add3A_81, %sub3A_1068 : vector<40x100xf32>
    %convert_element_type3A_1070 = arith.truncf %sub3A_1069 : vector<40x100xf32> to vector<40x100xbf16>
    %abs3A_1071 = math.absf %convert_element_type3A_1070 : vector<40x100xbf16>
    %sub3A_1072 = arith.constant 1.000000e+00 : bf16
    %sub3A_1073 = vector.broadcast %sub3A_1072 : bf16 to vector<40x100xbf16>
    %sub3A_1074 = arith.subf %sub3A_1073, %abs3A_1071 : vector<40x100xbf16>
    %max3A_1075 = arith.constant 0.000000e+00 : bf16
    %max3A_1076 = vector.broadcast %max3A_1075 : bf16 to vector<40x100xbf16>
    %max3A_1077 = arith.maximumf %sub3A_1074, %max3A_1076 : vector<40x100xbf16>
    %dot_general3A_1078 = arith.constant dense<0.000000e+00> : vector<100x128xf32>
    %dot_general3A_1079 = tpu.matmul %max3A_1077, %slice3A_1017, %dot_general3A_1078 {dimension_numbers = #tpu.dot_dimension_numbers<[0], [0], [1], [1], [0, 1, 1, 1], [], []>, transpose_lhs_hint = false} : vector<40x100xbf16>, vector<40x128xbf16>, vector<100x128xf32> -> vector<100x128xf32>
    %add3A_1080 = arith.addf %dot_general3A_1043, %dot_general3A_1055 : vector<100x128xf32>
    %add3A_1081 = arith.addf %dot_general3A_1067, %dot_general3A_1079 : vector<100x128xf32>
    %select_n3A_1082 = arith.select %lt3A_84, %add3A_1080, %add3A_1081 : vector<100x128xi1>, vector<100x128xf32>
    %swap3A_1083 = arith.constant 13 : index
    %swap3A_1084 = arith.constant 0 : index
    %swap3A_1085 = arith.constant 0 : index
    %swap3A_1086 = vector.load %arg5[%swap3A_1083, %swap3A_1084, %swap3A_1085] : memref<16x100x128xf32, #tpu.memory_space<vmem>>, vector<1x100x128xf32>
    %swap3A_1087 = vector.shape_cast %swap3A_1086 : vector<1x100x128xf32> to vector<100x128xf32>
    %swap3A_1088 = vector.shape_cast %select_n3A_1082 : vector<100x128xf32> to vector<1x100x128xf32>
    tpu.vector_store %arg5[%swap3A_1083, %swap3A_1084, %swap3A_1085], %swap3A_1088 {strides = array<i32>} : memref<16x100x128xf32, #tpu.memory_space<vmem>>, vector<1x100x128xf32>,
    %slice3A_1089 = vector.extract_strided_slice %convert_element_type3A_74 {offsets = [560, 0], sizes = [40, 128], strides = [1, 1]} : vector<640x128xbf16> to vector<40x128xbf16>
    %roll3A_1090 = arith.constant 64 : i32
    %roll3A_1091 = tpu.dynamic_rotate %slice3A_1089 by %roll3A_1090 dim 1 : vector<40x128xbf16>, i32 -> vector<40x128xbf16>
    %get3A_1092 = arith.constant 14 : index
    %get3A_1093 = arith.constant 0 : index
    %get3A_1094 = vector.load %arg2[%get3A_1092, %get3A_1093] : memref<16x100xi32, #tpu.memory_space<vmem>>, vector<1x100xi32>
    %convert_element_type3A_1095 = arith.sitofp %get3A_1094 : vector<1x100xi32> to vector<1x100xf32>
    %mul3A_1096 = vector.broadcast %div3A_1 : f32 to vector<1x100xf32>
    %mul3A_1097 = arith.mulf %convert_element_type3A_1095, %mul3A_1096 : vector<1x100xf32>
    %get3A_1098 = arith.constant 14 : index
    %get3A_1099 = arith.constant 0 : index
    %get3A_1100 = vector.load %arg3[%get3A_1098, %get3A_1099] : memref<16x100xi32, #tpu.memory_space<vmem>>, vector<1x100xi32>
    %convert_element_type3A_1101 = arith.sitofp %get3A_1100 : vector<1x100xi32> to vector<1x100xf32>
    %mul3A_1102 = vector.broadcast %div3A_1 : f32 to vector<1x100xf32>
    %mul3A_1103 = arith.mulf %convert_element_type3A_1101, %mul3A_1102 : vector<1x100xf32>
    %sub3A_1104 = vector.broadcast %mul3A_1097 : vector<1x100xf32> to vector<40x100xf32>
    %sub3A_1105 = arith.subf %mul3A_79, %sub3A_1104 : vector<40x100xf32>
    %convert_element_type3A_1106 = arith.truncf %sub3A_1105 : vector<40x100xf32> to vector<40x100xbf16>
    %abs3A_1107 = math.absf %convert_element_type3A_1106 : vector<40x100xbf16>
    %sub3A_1108 = arith.constant 1.000000e+00 : bf16
    %sub3A_1109 = vector.broadcast %sub3A_1108 : bf16 to vector<40x100xbf16>
    %sub3A_1110 = arith.subf %sub3A_1109, %abs3A_1107 : vector<40x100xbf16>
    %max3A_1111 = arith.constant 0.000000e+00 : bf16
    %max3A_1112 = vector.broadcast %max3A_1111 : bf16 to vector<40x100xbf16>
    %max3A_1113 = arith.maximumf %sub3A_1110, %max3A_1112 : vector<40x100xbf16>
    %dot_general3A_1114 = arith.constant dense<0.000000e+00> : vector<100x128xf32>
    %dot_general3A_1115 = tpu.matmul %max3A_1113, %slice3A_1089, %dot_general3A_1114 {dimension_numbers = #tpu.dot_dimension_numbers<[0], [0], [1], [1], [0, 1, 1, 1], [], []>, transpose_lhs_hint = false} : vector<40x100xbf16>, vector<40x128xbf16>, vector<100x128xf32> -> vector<100x128xf32>
    %sub3A_1116 = vector.broadcast %mul3A_1097 : vector<1x100xf32> to vector<40x100xf32>
    %sub3A_1117 = arith.subf %add3A_81, %sub3A_1116 : vector<40x100xf32>
    %convert_element_type3A_1118 = arith.truncf %sub3A_1117 : vector<40x100xf32> to vector<40x100xbf16>
    %abs3A_1119 = math.absf %convert_element_type3A_1118 : vector<40x100xbf16>
    %sub3A_1120 = arith.constant 1.000000e+00 : bf16
    %sub3A_1121 = vector.broadcast %sub3A_1120 : bf16 to vector<40x100xbf16>
    %sub3A_1122 = arith.subf %sub3A_1121, %abs3A_1119 : vector<40x100xbf16>
    %max3A_1123 = arith.constant 0.000000e+00 : bf16
    %max3A_1124 = vector.broadcast %max3A_1123 : bf16 to vector<40x100xbf16>
    %max3A_1125 = arith.maximumf %sub3A_1122, %max3A_1124 : vector<40x100xbf16>
    %dot_general3A_1126 = arith.constant dense<0.000000e+00> : vector<100x128xf32>
    %dot_general3A_1127 = tpu.matmul %max3A_1125, %roll3A_1091, %dot_general3A_1126 {dimension_numbers = #tpu.dot_dimension_numbers<[0], [0], [1], [1], [0, 1, 1, 1], [], []>, transpose_lhs_hint = false} : vector<40x100xbf16>, vector<40x128xbf16>, vector<100x128xf32> -> vector<100x128xf32>
    %sub3A_1128 = vector.broadcast %mul3A_1103 : vector<1x100xf32> to vector<40x100xf32>
    %sub3A_1129 = arith.subf %mul3A_79, %sub3A_1128 : vector<40x100xf32>
    %convert_element_type3A_1130 = arith.truncf %sub3A_1129 : vector<40x100xf32> to vector<40x100xbf16>
    %abs3A_1131 = math.absf %convert_element_type3A_1130 : vector<40x100xbf16>
    %sub3A_1132 = arith.constant 1.000000e+00 : bf16
    %sub3A_1133 = vector.broadcast %sub3A_1132 : bf16 to vector<40x100xbf16>
    %sub3A_1134 = arith.subf %sub3A_1133, %abs3A_1131 : vector<40x100xbf16>
    %max3A_1135 = arith.constant 0.000000e+00 : bf16
    %max3A_1136 = vector.broadcast %max3A_1135 : bf16 to vector<40x100xbf16>
    %max3A_1137 = arith.maximumf %sub3A_1134, %max3A_1136 : vector<40x100xbf16>
    %dot_general3A_1138 = arith.constant dense<0.000000e+00> : vector<100x128xf32>
    %dot_general3A_1139 = tpu.matmul %max3A_1137, %roll3A_1091, %dot_general3A_1138 {dimension_numbers = #tpu.dot_dimension_numbers<[0], [0], [1], [1], [0, 1, 1, 1], [], []>, transpose_lhs_hint = false} : vector<40x100xbf16>, vector<40x128xbf16>, vector<100x128xf32> -> vector<100x128xf32>
    %sub3A_1140 = vector.broadcast %mul3A_1103 : vector<1x100xf32> to vector<40x100xf32>
    %sub3A_1141 = arith.subf %add3A_81, %sub3A_1140 : vector<40x100xf32>
    %convert_element_type3A_1142 = arith.truncf %sub3A_1141 : vector<40x100xf32> to vector<40x100xbf16>
    %abs3A_1143 = math.absf %convert_element_type3A_1142 : vector<40x100xbf16>
    %sub3A_1144 = arith.constant 1.000000e+00 : bf16
    %sub3A_1145 = vector.broadcast %sub3A_1144 : bf16 to vector<40x100xbf16>
    %sub3A_1146 = arith.subf %sub3A_1145, %abs3A_1143 : vector<40x100xbf16>
    %max3A_1147 = arith.constant 0.000000e+00 : bf16
    %max3A_1148 = vector.broadcast %max3A_1147 : bf16 to vector<40x100xbf16>
    %max3A_1149 = arith.maximumf %sub3A_1146, %max3A_1148 : vector<40x100xbf16>
    %dot_general3A_1150 = arith.constant dense<0.000000e+00> : vector<100x128xf32>
    %dot_general3A_1151 = tpu.matmul %max3A_1149, %slice3A_1089, %dot_general3A_1150 {dimension_numbers = #tpu.dot_dimension_numbers<[0], [0], [1], [1], [0, 1, 1, 1], [], []>, transpose_lhs_hint = false} : vector<40x100xbf16>, vector<40x128xbf16>, vector<100x128xf32> -> vector<100x128xf32>
    %add3A_1152 = arith.addf %dot_general3A_1115, %dot_general3A_1127 : vector<100x128xf32>
    %add3A_1153 = arith.addf %dot_general3A_1139, %dot_general3A_1151 : vector<100x128xf32>
    %select_n3A_1154 = arith.select %lt3A_84, %add3A_1152, %add3A_1153 : vector<100x128xi1>, vector<100x128xf32>
    %swap3A_1155 = arith.constant 14 : index
    %swap3A_1156 = arith.constant 0 : index
    %swap3A_1157 = arith.constant 0 : index
    %swap3A_1158 = vector.load %arg5[%swap3A_1155, %swap3A_1156, %swap3A_1157] : memref<16x100x128xf32, #tpu.memory_space<vmem>>, vector<1x100x128xf32>
    %swap3A_1159 = vector.shape_cast %swap3A_1158 : vector<1x100x128xf32> to vector<100x128xf32>
    %swap3A_1160 = vector.shape_cast %select_n3A_1154 : vector<100x128xf32> to vector<1x100x128xf32>
    tpu.vector_store %arg5[%swap3A_1155, %swap3A_1156, %swap3A_1157], %swap3A_1160 {strides = array<i32>} : memref<16x100x128xf32, #tpu.memory_space<vmem>>, vector<1x100x128xf32>,
    %slice3A_1161 = vector.extract_strided_slice %convert_element_type3A_74 {offsets = [600, 0], sizes = [40, 128], strides = [1, 1]} : vector<640x128xbf16> to vector<40x128xbf16>
    %roll3A_1162 = arith.constant 64 : i32
    %roll3A_1163 = tpu.dynamic_rotate %slice3A_1161 by %roll3A_1162 dim 1 : vector<40x128xbf16>, i32 -> vector<40x128xbf16>
    %get3A_1164 = arith.constant 15 : index
    %get3A_1165 = arith.constant 0 : index
    %get3A_1166 = vector.load %arg2[%get3A_1164, %get3A_1165] : memref<16x100xi32, #tpu.memory_space<vmem>>, vector<1x100xi32>
    %convert_element_type3A_1167 = arith.sitofp %get3A_1166 : vector<1x100xi32> to vector<1x100xf32>
    %mul3A_1168 = vector.broadcast %div3A_1 : f32 to vector<1x100xf32>
    %mul3A_1169 = arith.mulf %convert_element_type3A_1167, %mul3A_1168 : vector<1x100xf32>
    %get3A_1170 = arith.constant 15 : index
    %get3A_1171 = arith.constant 0 : index
    %get3A_1172 = vector.load %arg3[%get3A_1170, %get3A_1171] : memref<16x100xi32, #tpu.memory_space<vmem>>, vector<1x100xi32>
    %convert_element_type3A_1173 = arith.sitofp %get3A_1172 : vector<1x100xi32> to vector<1x100xf32>
    %mul3A_1174 = vector.broadcast %div3A_1 : f32 to vector<1x100xf32>
    %mul3A_1175 = arith.mulf %convert_element_type3A_1173, %mul3A_1174 : vector<1x100xf32>
    %sub3A_1176 = vector.broadcast %mul3A_1169 : vector<1x100xf32> to vector<40x100xf32>
    %sub3A_1177 = arith.subf %mul3A_79, %sub3A_1176 : vector<40x100xf32>
    %convert_element_type3A_1178 = arith.truncf %sub3A_1177 : vector<40x100xf32> to vector<40x100xbf16>
    %abs3A_1179 = math.absf %convert_element_type3A_1178 : vector<40x100xbf16>
    %sub3A_1180 = arith.constant 1.000000e+00 : bf16
    %sub3A_1181 = vector.broadcast %sub3A_1180 : bf16 to vector<40x100xbf16>
    %sub3A_1182 = arith.subf %sub3A_1181, %abs3A_1179 : vector<40x100xbf16>
    %max3A_1183 = arith.constant 0.000000e+00 : bf16
    %max3A_1184 = vector.broadcast %max3A_1183 : bf16 to vector<40x100xbf16>
    %max3A_1185 = arith.maximumf %sub3A_1182, %max3A_1184 : vector<40x100xbf16>
    %dot_general3A_1186 = arith.constant dense<0.000000e+00> : vector<100x128xf32>
    %dot_general3A_1187 = tpu.matmul %max3A_1185, %slice3A_1161, %dot_general3A_1186 {dimension_numbers = #tpu.dot_dimension_numbers<[0], [0], [1], [1], [0, 1, 1, 1], [], []>, transpose_lhs_hint = false} : vector<40x100xbf16>, vector<40x128xbf16>, vector<100x128xf32> -> vector<100x128xf32>
    %sub3A_1188 = vector.broadcast %mul3A_1169 : vector<1x100xf32> to vector<40x100xf32>
    %sub3A_1189 = arith.subf %add3A_81, %sub3A_1188 : vector<40x100xf32>
    %convert_element_type3A_1190 = arith.truncf %sub3A_1189 : vector<40x100xf32> to vector<40x100xbf16>
    %abs3A_1191 = math.absf %convert_element_type3A_1190 : vector<40x100xbf16>
    %sub3A_1192 = arith.constant 1.000000e+00 : bf16
    %sub3A_1193 = vector.broadcast %sub3A_1192 : bf16 to vector<40x100xbf16>
    %sub3A_1194 = arith.subf %sub3A_1193, %abs3A_1191 : vector<40x100xbf16>
    %max3A_1195 = arith.constant 0.000000e+00 : bf16
    %max3A_1196 = vector.broadcast %max3A_1195 : bf16 to vector<40x100xbf16>
    %max3A_1197 = arith.maximumf %sub3A_1194, %max3A_1196 : vector<40x100xbf16>
    %dot_general3A_1198 = arith.constant dense<0.000000e+00> : vector<100x128xf32>
    %dot_general3A_1199 = tpu.matmul %max3A_1197, %roll3A_1163, %dot_general3A_1198 {dimension_numbers = #tpu.dot_dimension_numbers<[0], [0], [1], [1], [0, 1, 1, 1], [], []>, transpose_lhs_hint = false} : vector<40x100xbf16>, vector<40x128xbf16>, vector<100x128xf32> -> vector<100x128xf32>
    %sub3A_1200 = vector.broadcast %mul3A_1175 : vector<1x100xf32> to vector<40x100xf32>
    %sub3A_1201 = arith.subf %mul3A_79, %sub3A_1200 : vector<40x100xf32>
    %convert_element_type3A_1202 = arith.truncf %sub3A_1201 : vector<40x100xf32> to vector<40x100xbf16>
    %abs3A_1203 = math.absf %convert_element_type3A_1202 : vector<40x100xbf16>
    %sub3A_1204 = arith.constant 1.000000e+00 : bf16
    %sub3A_1205 = vector.broadcast %sub3A_1204 : bf16 to vector<40x100xbf16>
    %sub3A_1206 = arith.subf %sub3A_1205, %abs3A_1203 : vector<40x100xbf16>
    %max3A_1207 = arith.constant 0.000000e+00 : bf16
    %max3A_1208 = vector.broadcast %max3A_1207 : bf16 to vector<40x100xbf16>
    %max3A_1209 = arith.maximumf %sub3A_1206, %max3A_1208 : vector<40x100xbf16>
    %dot_general3A_1210 = arith.constant dense<0.000000e+00> : vector<100x128xf32>
    %dot_general3A_1211 = tpu.matmul %max3A_1209, %roll3A_1163, %dot_general3A_1210 {dimension_numbers = #tpu.dot_dimension_numbers<[0], [0], [1], [1], [0, 1, 1, 1], [], []>, transpose_lhs_hint = false} : vector<40x100xbf16>, vector<40x128xbf16>, vector<100x128xf32> -> vector<100x128xf32>
    %sub3A_1212 = vector.broadcast %mul3A_1175 : vector<1x100xf32> to vector<40x100xf32>
    %sub3A_1213 = arith.subf %add3A_81, %sub3A_1212 : vector<40x100xf32>
    %convert_element_type3A_1214 = arith.truncf %sub3A_1213 : vector<40x100xf32> to vector<40x100xbf16>
    %abs3A_1215 = math.absf %convert_element_type3A_1214 : vector<40x100xbf16>
    %sub3A_1216 = arith.constant 1.000000e+00 : bf16
    %sub3A_1217 = vector.broadcast %sub3A_1216 : bf16 to vector<40x100xbf16>
    %sub3A_1218 = arith.subf %sub3A_1217, %abs3A_1215 : vector<40x100xbf16>
    %max3A_1219 = arith.constant 0.000000e+00 : bf16
    %max3A_1220 = vector.broadcast %max3A_1219 : bf16 to vector<40x100xbf16>
    %max3A_1221 = arith.maximumf %sub3A_1218, %max3A_1220 : vector<40x100xbf16>
    %dot_general3A_1222 = arith.constant dense<0.000000e+00> : vector<100x128xf32>
    %dot_general3A_1223 = tpu.matmul %max3A_1221, %slice3A_1161, %dot_general3A_1222 {dimension_numbers = #tpu.dot_dimension_numbers<[0], [0], [1], [1], [0, 1, 1, 1], [], []>, transpose_lhs_hint = false} : vector<40x100xbf16>, vector<40x128xbf16>, vector<100x128xf32> -> vector<100x128xf32>
    %add3A_1224 = arith.addf %dot_general3A_1187, %dot_general3A_1199 : vector<100x128xf32>
    %add3A_1225 = arith.addf %dot_general3A_1211, %dot_general3A_1223 : vector<100x128xf32>
    %select_n3A_1226 = arith.select %lt3A_84, %add3A_1224, %add3A_1225 : vector<100x128xi1>, vector<100x128xf32>
    %swap3A_1227 = arith.constant 15 : index
    %swap3A_1228 = arith.constant 0 : index
    %swap3A_1229 = arith.constant 0 : index
    %swap3A_1230 = vector.load %arg5[%swap3A_1227, %swap3A_1228, %swap3A_1229] : memref<16x100x128xf32, #tpu.memory_space<vmem>>, vector<1x100x128xf32>
    %swap3A_1231 = vector.shape_cast %swap3A_1230 : vector<1x100x128xf32> to vector<100x128xf32>
    %swap3A_1232 = vector.shape_cast %select_n3A_1226 : vector<100x128xf32> to vector<1x100x128xf32>
    tpu.vector_store %arg5[%swap3A_1227, %swap3A_1228, %swap3A_1229], %swap3A_1232 {strides = array<i32>} : memref<16x100x128xf32, #tpu.memory_space<vmem>>, vector<1x100x128xf32>,
    return
  }
  func.func @transform_0(%arg0: i32) -> i32 {
    %c0_i32 = arith.constant 0 : i32
    %c0_i32_0 = arith.constant 0 : i32
    return %c0_i32 : i32
  }
  func.func @transform_1(%arg0: i32) -> (i32, i32) {
    %c0_i32 = arith.constant 0 : i32
    %c0_i32_0 = arith.constant 0 : i32
    return %arg0, %c0_i32 : i32, i32
  }
  func.func @transform_2(%arg0: i32) -> (i32, i32) {
    %c0_i32 = arith.constant 0 : i32
    %c0_i32_0 = arith.constant 0 : i32
    return %arg0, %c0_i32 : i32, i32
  }
  func.func @transform_3(%arg0: i32) -> (i32, i32) {
    %c0_i32 = arith.constant 0 : i32
    %c0_i32_0 = arith.constant 0 : i32
    return %arg0, %c0_i32 : i32, i32
  }
  func.func @transform_4(%arg0: i32) -> (i32, i32, i32) {
    %c0_i32 = arith.constant 0 : i32
    %c0_i32_0 = arith.constant 0 : i32
    %c0_i32_1 = arith.constant 0 : i32
    return %arg0, %c0_i32, %c0_i32_0 : i32, i32, i32
  }
}

</mosaic_0001>

<sc_bundles>
// kernel: kernel.4.cloned.1.call-start
scs
__scs_entry_jumppad:
0x0: {  	(pc) =	sbr.rel $0x88, $3  }
0x1: {  	(tag) =	ssettag $0x0;
	lr =	simm.s32 $0x1  }
0x2: {  	[smem:$0x3F9D] =	sst lr;
	_ =	strace $0xD0000000  }
0x3: {  	_ = 	snop  }
0x4: {  	_ = 	snop  }
0x5: {  	_ = 	snop  }
0x6: {  	_ = 	snop  }
0x7: {  	_ = 	snop  }
__scs_overlays_trampoline_lowered:
0x8: {  	[smem:$0x3FAC] =	sst s0  }
0x9: {  	[smem:$0x3FAD] =	sst s1  }
0xa: {  	[smem:$0x3FAE] =	sst s2  }
0xb: {  	[smem:$0x3FAF] =	sst s3  }
0xc: {  	[smem:$0x3FB0] =	sst s4  }
0xd: {  	[smem:$0x3FB1] =	sst s5  }
0xe: {  	[smem:$0x3FB2] =	sst s6  }
0xf: {  	[smem:$0x3FB3] =	sst s7  }
0x10: {  	[smem:$0x3FB4] =	sst s8  }
0x11: {  	[smem:$0x3FB5] =	sst s9;
	s0 =	simm.s32 @!p0 $0x0  }
0x12: {  	s1 =	sld [smem:$0x3F9B];
	s0 =	simm.s32 @p0 $0x1  }
0x13: {  	[smem:$0x3FB6] =	sst s0;
	s0 =	simm.s32 @!p1 $0x0  }
0x14: {  	s2 =	sld [smem:$0x3F9A];
	s0 =	simm.s32 @p1 $0x1  }
0x15: {  	[smem:$0x3FB7] =	sst s0;
	s0 =	simm.s32 @!p2 $0x0  }
0x16: {  	s3 =	sld [smem:$0x3FDB];
	s0 =	simm.s32 @p2 $0x1  }
0x17: {  	s4 =	simm.s32 $0x1BF5;
	[smem:$0x3FB9] =	sst s0  }
0x18: {  	s0 =	sld [smem:$0x3F9C];
	_ =	swait.ge [sflag:s4], $0x0  }
0x19: {  	s7 =	sld [smem:$0x3F9D]  }
0x1a: {  	s8 =	sadd.s32 $0xFFFFE003, lr  }
0x1b: {  	s9 =	sadd.s32 $0xFFFFFEF7, lr;
	s5 =	simm.s32 $0xFFFFFFFF;
	p2 =	slt.u32 s8, $0xFFFFF086  }
0x1c: {  	p1 =	slt.u32 s9, $0xF7A;
	s5 =	simm.s32 @!p2 $0x0  }
0x1d: {  	s5 =	simm.s32 @p1 $0x1;
	p0 =	seq.s32 s7, s2  }
0x1e: {  	s7 =	smul.u32 @!p0 $0xF7A, s2;
	p2 =	seq.s32 @!p0 s5, $0x0  }
0x1f: {  	s9 =	smul.u32 $0xF7A, s1;
	s8 =	simm.s32 @!p0 $0x1BF5;
	p2 =	por !p2, p0  }
0x20: {  	[sflag:s8] =	ssyncset.s32 @!p0 $0xFFFFF086;
	s6 =	sadd.s32 @!p0 s3, s7;
	s7 =	simm.s32 @!p0 $0x108  }
0x21: {  	s3 =	sadd.s32 s3, s9;
	s6 =	sadd.s32 @!p0 $0x88, s6;
	s7 =	simm.s32 @p2 $0x1082  }
0x22: {  	[simem:s7], [sflag:s8] =	dma.local @!p0 [hbm:s6], $0xF7A  }
0x23: {  	s9 =	sor.u32 $0xD0000000, s2;
	s6 =	simm.s32 $0x108;
	_ =	swait.ge @!p0 [sflag:s8], $0x0  }
0x24: {  	s3 =	sadd.s32 $0x88, s3;
	s6 =	simm.s32 @!p1 $0x1082;
	[sflag:s4] =	ssyncset.s32 $0xFFFFF086  }
0x25: {  	[simem:s6], [sflag:s4] =	dma.local [hbm:s3], $0xF7A  }
0x26: {  	[smem:$0x3F9D] =	sst s1;
	(tag) =	ssettag s2;
	_ =	strace s9  }
0x27: {  	s1 =	sld [smem:$0x3FAD]  }
0x28: {  	s2 =	sld [smem:$0x3FAE]  }
0x29: {  	s4 =	sld [smem:$0x3FB0]  }
0x2a: {  	p0 =	seq.s32 s5, $0x0;
	s5 =	sld [smem:$0x3FB1]  }
0x2b: {  	s6 =	sld [smem:$0x3FB2]  }
0x2c: {  	s7 =	sld [smem:$0x3FB3]  }
0x2d: {  	s3 =	simm.s32 $0x108;
	s8 =	sld [smem:$0x3FB4]  }
0x2e: {  	s3 =	simm.s32 @!p0 $0x1082;
	s9 =	sld [smem:$0x3FB5]  }
0x2f: {  	lr =	sadd.s32 s0, s3;
	s0 =	sld [smem:$0x3FAC]  }
0x30: {  	s3 =	sld [smem:$0x3FAF]  }
0x31: {  	[smem:$0x3FB8] =	sst s10  }
0x32: {  	s10 =	sld [smem:$0x3FB6];
	_ =	sdelay $0x3  }
0x33: {  	p0 =	seq.s32 s10, $0x1;
	s10 =	sld [smem:$0x3FB8];
	_ =	sdelay $0x3  }
0x34: {  	[smem:$0x3FB8] =	sst s10  }
0x35: {  	s10 =	sld [smem:$0x3FB7];
	_ =	sdelay $0x3  }
0x36: {  	p1 =	seq.s32 s10, $0x1;
	s10 =	sld [smem:$0x3FB8];
	_ =	sdelay $0x3  }
0x37: {  	[smem:$0x3FB8] =	sst s10  }
0x38: {  	s10 =	sld [smem:$0x3FB9]  }
0x39: {  	_ = 	snop;
	(pc) =	sbr.ind lr, $3  }
0x3a: {  	_ = 	snop  }
0x3b: {  	_ = 	snop  }
0x3c: {  	p2 =	seq.s32 s10, $0x1;
	s10 =	sld [smem:$0x3FB8]  }
0x3d: {  	_ =	shalt  }
0x3e: {  	_ =	shalt  }
0x3f: {  	_ =	shalt  }
0x40: {  	_ =	shalt  }
0x41: {  	_ =	shalt  }
0x42: {  	_ =	shalt  }
0x43: {  	_ =	shalt  }
0x44: {  	_ =	shalt  }
0x45: {  	_ =	shalt  }
0x46: {  	_ =	shalt  }
0x47: {  	_ =	shalt  }
0x48: {  	_ =	shalt  }
0x49: {  	_ =	shalt  }
0x4a: {  	_ =	shalt  }
0x4b: {  	_ =	shalt  }
0x4c: {  	_ =	shalt  }
0x4d: {  	_ =	shalt  }
0x4e: {  	_ =	shalt  }
0x4f: {  	_ =	shalt  }
0x50: {  	_ =	shalt  }
0x51: {  	_ =	shalt  }
0x52: {  	_ =	shalt  }
0x53: {  	_ =	shalt  }
0x54: {  	_ =	shalt  }
0x55: {  	_ =	shalt  }
0x56: {  	_ =	shalt  }
0x57: {  	_ =	shalt  }
0x58: {  	_ =	shalt  }
0x59: {  	_ =	shalt  }
0x5a: {  	_ =	shalt  }
0x5b: {  	_ =	shalt  }
0x5c: {  	_ =	shalt  }
0x5d: {  	_ =	shalt  }
0x5e: {  	_ =	shalt  }
0x5f: {  	_ =	shalt  }
0x60: {  	_ =	shalt  }
0x61: {  	_ =	shalt  }
0x62: {  	_ =	shalt  }
0x63: {  	_ =	shalt  }
0x64: {  	_ =	shalt  }
0x65: {  	_ =	shalt  }
0x66: {  	_ =	shalt  }
0x67: {  	_ =	shalt  }
0x68: {  	_ =	shalt  }
0x69: {  	_ =	shalt  }
0x6a: {  	_ =	shalt  }
0x6b: {  	_ =	shalt  }
0x6c: {  	_ =	shalt  }
0x6d: {  	_ =	shalt  }
0x6e: {  	_ =	shalt  }
0x6f: {  	_ =	shalt  }
0x70: {  	_ =	shalt  }
0x71: {  	_ =	shalt  }
0x72: {  	_ =	shalt  }
0x73: {  	_ =	shalt  }
0x74: {  	_ =	shalt  }
0x75: {  	_ =	shalt  }
0x76: {  	_ =	shalt  }
0x77: {  	_ =	shalt  }
0x78: {  	_ =	shalt  }
0x79: {  	_ =	shalt  }
0x7a: {  	_ =	shalt  }
0x7b: {  	_ =	shalt  }
0x7c: {  	_ =	shalt  }
0x7d: {  	_ =	shalt  }
0x7e: {  	_ =	shalt  }
0x7f: {  	_ =	shalt  }
0x80: {  	_ =	shalt  }
0x81: {  	_ =	shalt  }
0x82: {  	_ =	shalt  }
0x83: {  	_ =	shalt  }
0x84: {  	_ =	shalt  }
0x85: {  	_ =	shalt  }
0x86: {  	_ =	shalt  }
0x87: {  	_ =	shalt  }
.Lfunc_end0:
.L_simem_size_0:
called_computation_lowered:
.L_overlay_start_0:
0x88: {  	s2 =	sld [smem:$0x3FD9]  }
0x89: {  	s3 =	sld [smem:$0x3FFE];
	_ =	sdelay $0x1  }
0x8a: {  	s1 =	srdreg.scid  }
0x8b: {  	s0 =	sand.u32 $0x1, s1  }
0x8c: {  	s17 =	sshll.u32 s0, $0xA;
	s2 =	sadd.s32 s3, s2  }
0x8d: {  	s2 =	sadd.s32 s2, s17  }
0x8e: {  	[smem:$0x3FC4] =	sst s2  }
0x8f: {  	_ = 	snop  }
0x90: {  	s2 =	sld [smem:$0x3FD0];
	(tm) =	ssettm $0x1  }
0x91: {  	s18 =	sld [smem:$0x3FFB];
	_ =	sdelay $0x3  }
0x92: {  	_ =	strace s18  }
0x93: {  	s3 =	sld [smem:$0x3FFC];
	_ =	sdelay $0x3  }
0x94: {  	_ =	strace s3  }
0x95: {  	s3 =	sld [smem:$0x3FFD];
	_ =	sdelay $0x3  }
0x96: {  	_ =	strace s3  }
0x97: {  	_ =	strace $0x8FFFFFFF  }
0x98: {  	s19 =	sld [smem:$0x3FDB];
	_ =	sdelay $0x1  }
0x99: {  	s4 =	simm.s32 $_scs_section_size  }
0x9a: {  	s5 =	simm.s32 $_size__tile_overlayer_lowered;
	s6 =	simm.s32 $_tile_overlayer_lowered  }
0x9b: {  	s22 =	simm.s32 $0x1BFF;
	s21 =	sshll.u32 s6, $0x1;
	s3 =	sadd.s32 s4, s19  }
0x9c: {  	s7 =	simm.s32 $0x0;
	s20 =	sshll.u32 s5, $0x1;
	s5 =	sadd.s32 s21, s3  }
0x9d: {  	[timem:s7], [sflag:s22] =	dma.local [hbm:s5], s20  }
0x9e: {  	_ =	swait.ge [sflag:s22], s20  }
0x9f: {  	s4 =	ssub.s32 $0x0, s20;
	[sflag:s22] =	ssyncset.done $0x0  }
0xa0: {  	[sflag:s22] =	ssyncadd.s32 s4;
	_ =	sdelay $0x1  }
0xa1: {  	s23 =	simm.s32 $0x1B8B  }
0xa2: {  	_ =	swait.ge [sflag:s23], $0x1  }
0xa3: {  	[sflag:s23] =	ssyncset.done $0x0  }
0xa4: {  	s25 =	simm.s32 $0x1B8E;
	s24 =	sld [smem:$0x3FFE];
	[sflag:s23] =	ssyncadd.s32 $0xFFFFFFFF  }
0xa5: {  	s26 =	simm.s32 $execute0_lowered;
	[smem:$0x3FD2] =	sst s25  }
0xa6: {  	s5 =	sshll.u32 s26, $0x1;
	_ =	strace $0x80000046;
	[dreg:$0x1] =	wrdreg $0xFFFFFFFF  }
0xa7: {  	s28 =	simm.s32 $_size_execute0_lowered;
	s3 =	sadd.s32 s3, s5;
	[dreg:$0x0] =	wrdreg $0x0  }
0xa8: {  	s5 =	sshll.u32 s28, $0x1;
	[dreg:$0x2] =	wrdreg s3  }
0xa9: {  	[dreg:$0x3] =	wrdreg s5  }
0xaa: {  	[dreg:$0x4] =	wrdreg $0xC0  }
0xab: {  	_ =	task [dreg:s7], $0x5FFFF  }
0xac: {  	[dreg:$0x1] =	wrdreg $0xFFFFFFFF  }
0xad: {  	[dreg:$0x0] =	wrdreg $0x60  }
0xae: {  	[dreg:$0x2] =	wrdreg s24  }
0xaf: {  	[dreg:$0x3] =	wrdreg s2  }
0xb0: {  	[dreg:$0x4] =	wrdreg $0x9  }
0xb1: {  	_ =	task.clear_ibuf [dreg:s7], $0x5FFFF;
	_ =	strace $0x90000046  }
0xb2: {  	s29 =	simm.s32 $0x9;
	_ =	strace $0x80000048  }
0xb3: {  	_ =	swait.ge [sflag:s29], $0x1  }
0xb4: {  	[sflag:s29] =	ssyncadd.s32 $0xFFFFFFFF  }
0xb5: {  	_ =	strace $0x90000048  }
0xb6: {  	_ =	sfence  }
0xb7: {  	s30 =	sld [smem:$0x0];
	_ =	sdelay $0x2  }
0xb8: {  	s31 =	sshll.u32 s1, $0xD;
	s1 =	sshrl.u32 s1, $0x2  }
0xb9: {  	s3 =	sand.u32 $0x4000, s31;
	s1 =	sadd.s32 s1, s30  }
0xba: {  	s0 =	sor.u32 s3, s0;
	s1 =	sshll.u32 s1, $0x11  }
0xbb: {  	s0 =	sor.u32 s1, s0  }
0xbc: {  	s0 =	sadd.s32 $0x8F2B, s0  }
0xbd: {  	[sflag:s0] =	ssyncadd.remote.s32 $0x1  }
0xbe: {  	_ =	sfence.sel $0xFFFF  }
0xbf: {  	[dreg:$0x0] =	wrdreg $0xFFFFFFFF;
	(pc) =	sbr.abs _section_cstart, $3  }
0xc0: {  	[dreg:$0x1] =	wrdreg $0xFFFFFFFF  }
0xc1: {  	_ =	task.clear_ibuf [dreg:s7], $0x2FFFF;
	_ =	strace $0x9FFFFFFF  }
0xc2: {  	(tm) =	ssettm $0x7FFFFFFF  }
0xc3: {  	_ =	shalt  }
tec
execute0_lowered:
.L_overlay_start_1:
0x0: {  	(tag) =	ssettag $0x1  }
0x1: {  	s1 =	srdreg.scid  }
0x2: {  	s0 =	stileid.u32;
	s1 =	sand.u32 $0x1, s1  }
0x3: {  	s2 =	sshll.u32 s0, $0x6;
	s3 =	sshll.u32 s1, $0x5  }
0x4: {  	s5 =	sor.u32 s3, s2  }
0x5: {  	s3 =	smul.u32 $0x9, s5  }
0x6: {  	s4 =	rddreg [dreg:$0x0];
	s7 =	smul.u32 $0x280, s5  }
0x7: {  	s6 =	rddreg [dreg:$0x1];
	s2 =	simm.s32 $0x0;
	s3 =	sadd.s32 s3, s4  }
0x8: {  	[smem:$0x7FF] =	sst s2;
	s8 =	sadd.s32 $0x800, s3;
	s3 =	sadd.s32 s6, s7  }
0x9: {  	_ =	strace $0x80000047;
	[dreg:$0x3] =	wrdreg s8;
	s7 =	sadd.s32 $0x280, s3  }
0xa: {  	s8 =	sadd.s32 $0x500, s3;
	[dreg:$0x4] =	wrdreg s7  }
0xb: {  	s5 =	smul.u32 $0x1400, s5;
	s9 =	sadd.s32 $0x780, s3;
	[dreg:$0x5] =	wrdreg s8  }
0xc: {  	s10 =	sadd.s32 $0xA00, s3;
	[dreg:$0x6] =	wrdreg s9  }
0xd: {  	s5 =	sshrl.u32 s5, $0x3;
	s11 =	sadd.s32 $0xC80, s3;
	[dreg:$0x7] =	wrdreg s10  }
0xe: {  	s5 =	sadd.s32 s6, s5;
	s12 =	sadd.s32 $0xF00, s3;
	[dreg:$0x8] =	wrdreg s11  }
0xf: {  	s6 =	sadd.s32 $0x1180, s5;
	[dreg:$0x9] =	wrdreg s12  }
0x10: {  	s13 =	sadd.s32 $0x1400, s5;
	[dreg:$0xa] =	wrdreg s6  }
0x11: {  	s14 =	sadd.s32 $0x1680, s5;
	[dreg:$0xb] =	wrdreg s13  }
0x12: {  	s15 =	sadd.s32 $0x1900, s5;
	[dreg:$0xc] =	wrdreg s14  }
0x13: {  	s16 =	sadd.s32 $0x1B80, s5;
	[dreg:$0xd] =	wrdreg s15  }
0x14: {  	s17 =	sadd.s32 $0x1E00, s5;
	[dreg:$0xe] =	wrdreg s16  }
0x15: {  	s18 =	sadd.s32 $0x2080, s5;
	[dreg:$0xf] =	wrdreg s17  }
0x16: {  	s19 =	sadd.s32 $0x2300, s5;
	[dreg:$0x10] =	wrdreg s18  }
0x17: {  	s20 =	sadd.s32 $0x2580, s5;
	[dreg:$0x11] =	wrdreg s19  }
0x18: {  	s21 =	sadd.s32 $0x2800, s5;
	[dreg:$0x12] =	wrdreg s20  }
0x19: {  	s22 =	sadd.s32 $0x2A80, s5;
	[dreg:$0x13] =	wrdreg s21  }
0x1a: {  	s23 =	sadd.s32 $0x2D00, s5;
	[dreg:$0x14] =	wrdreg s22  }
0x1b: {  	s24 =	sadd.s32 $0x2F80, s5;
	[dreg:$0x15] =	wrdreg s23  }
0x1c: {  	s25 =	sadd.s32 $0x3200, s5;
	[dreg:$0x16] =	wrdreg s24  }
0x1d: {  	s26 =	sadd.s32 $0x3480, s5;
	[dreg:$0x17] =	wrdreg s25  }
0x1e: {  	s0 =	sadd.s32 $0x3700, s5;
	[dreg:$0x18] =	wrdreg s26  }
0x1f: {  	[dreg:$0x19] =	wrdreg s0;
	s7 =	sadd.s32 $0x3980, s5  }
0x20: {  	s8 =	sadd.s32 $0x3C00, s5;
	[dreg:$0x1a] =	wrdreg s7  }
0x21: {  	s9 =	sadd.s32 $0x3E80, s5;
	[dreg:$0x1b] =	wrdreg s8  }
0x22: {  	s10 =	sadd.s32 $0x4100, s5;
	[dreg:$0x1c] =	wrdreg s9  }
0x23: {  	s11 =	sadd.s32 $0x4380, s5;
	[dreg:$0x1d] =	wrdreg s10  }
0x24: {  	s12 =	sadd.s32 $0x4600, s5;
	[dreg:$0x1e] =	wrdreg s11  }
0x25: {  	s28 =	simm.s32 $0x798;
	s13 =	sadd.s32 $0x4880, s5;
	[dreg:$0x1f] =	wrdreg s12  }
0x26: {  	s29 =	simm.s32 $0x7E0;
	s14 =	sadd.s32 $0x4B00, s5;
	[smem:$0x7F0] =	sst s13  }
0x27: {  	s30 =	simm.s32 $0x828;
	s5 =	sadd.s32 $0x4D80, s5;
	[smem:$0x7F1] =	sst s14  }
0x28: {  	s31 =	simm.s32 $0x870;
	s15 =	simm.s32 $0x48;
	[smem:$0x7F2] =	sst s5  }
0x29: {  	s1 =	ssub.s32 $0x2, s1;
	s16 =	simm.s32 $0x90;
	[smem:$0x7F3] =	sst s15  }
0x2a: {  	s4 =	sadd.s32 $0x2C00, s4;
	s18 =	simm.s32 $0xD8;
	[smem:$0x7F4] =	sst s16  }
0x2b: {  	s17 =	sshrl.u32 s1, $0x1;
	s19 =	simm.s32 $0x120;
	[smem:$0x7F5] =	sst s18  }
0x2c: {  	s20 =	simm.s32 $0x168;
	s6 =	simm.s32 $0x3;
	[smem:$0x7F6] =	sst s19  }
0x2d: {  	s21 =	simm.s32 $0x1B0;
	s22 =	simm.s32 $0x1F8;
	[smem:$0x7F7] =	sst s20  }
0x2e: {  	s23 =	simm.s32 $0x240;
	s24 =	simm.s32 $0x288;
	[smem:$0x7F8] =	sst s21  }
0x2f: {  	s25 =	simm.s32 $0x2D0;
	s26 =	simm.s32 $0x318;
	[smem:$0x7F9] =	sst s22  }
0x30: {  	s1 =	ssub.s32 s1, s17;
	s7 =	simm.s32 $0x42;
	[smem:$0x7FA] =	sst s23  }
0x31: {  	s8 =	simm.s32 $0x900;
	s9 =	simm.s32 $0x1D00;
	[smem:$0x7FB] =	sst s24  }
0x32: {  	s10 =	simm.s32 $0x1;
	s11 =	simm.s32 $0x2;
	[smem:$0x7FC] =	sst s25  }
0x33: {  	[smem:$0x7FD] =	sst s26;
	s12 =	simm.s32 $0x360;
	s13 =	simm.s32 $0x3A8  }
0x34: {  	s14 =	simm.s32 $0x3F0;
	s15 =	simm.s32 $0x438;
	s16 =	simm.s32 $0x480  }
0x35: {  	s17 =	simm.s32 $0x4C8;
	s18 =	simm.s32 $0x510;
	s19 =	simm.s32 $0x558  }
0x36: {  	s20 =	simm.s32 $0x5A0;
	s21 =	simm.s32 $0x5E8;
	s22 =	simm.s32 $0x630  }
0x37: {  	s23 =	simm.s32 $0x678;
	s24 =	simm.s32 $0x6C0;
	s25 =	simm.s32 $0x708  }
0x38: {  	v0 =	vimm.f32 $0.0e+00;
	s26 =	simm.s32 $0x750;
	s5 =	smax.u32 s1, $0x1;
	s1 =	simm.s32 $0x8B8  }
.LBB2_1:
0x39: {  	s0 =	rddreg [dreg:$0x3]  }
0x3a: {  	[tilespmem:s2], [sflag:$0x3] =	stream.linear.gather [hbm4b:s0+s2], $0x900, $0x38;
	[tilespmem:$0x3100] =	vst v63  }
0x3b: {  	_ =	swait.ge [sflag:s6], $0x900  }
0x3c: {  	[sflag:s6] =	ssyncset.done $0x0  }
0x3d: {  	[sflag:s6] =	ssyncadd.s32 $0xFFFFF700  }
0x3e: {  	[tilespmem:$0x1980] =	vst v0  }
0x3f: {  	[tilespmem:$0x1990] =	vst v0  }
0x40: {  	[tilespmem:$0x19A0] =	vst v0  }
0x41: {  	[tilespmem:$0x19B0] =	vst v0  }
0x42: {  	[tilespmem:$0x19C0] =	vst v0  }
0x43: {  	[tilespmem:$0x19D0] =	vst v0  }
0x44: {  	[tilespmem:$0x19E0] =	vst v0  }
0x45: {  	[tilespmem:$0x19F0] =	vst v0  }
0x46: {  	[tilespmem:$0x1A00] =	vst v0  }
0x47: {  	[tilespmem:$0x1A10] =	vst v0  }
0x48: {  	[tilespmem:$0x1A20] =	vst v0  }
0x49: {  	[tilespmem:$0x1A30] =	vst v0  }
0x4a: {  	[tilespmem:$0x1A40] =	vst v0  }
0x4b: {  	[tilespmem:$0x1A50] =	vst v0  }
0x4c: {  	[tilespmem:$0x1A60] =	vst v0  }
0x4d: {  	[tilespmem:$0x1A70] =	vst v0  }
0x4e: {  	[tilespmem:$0x1A80] =	vst v0  }
0x4f: {  	[tilespmem:$0x1A90] =	vst v0  }
0x50: {  	[tilespmem:$0x1AA0] =	vst v0  }
0x51: {  	[tilespmem:$0x1AB0] =	vst v0  }
0x52: {  	[tilespmem:$0x1AC0] =	vst v0  }
0x53: {  	[tilespmem:$0x1AD0] =	vst v0  }
0x54: {  	[tilespmem:$0x1AE0] =	vst v0  }
0x55: {  	[tilespmem:$0x1AF0] =	vst v0  }
0x56: {  	[tilespmem:$0x1B00] =	vst v0  }
0x57: {  	[tilespmem:$0x1B10] =	vst v0  }
0x58: {  	[tilespmem:$0x1B20] =	vst v0  }
0x59: {  	[tilespmem:$0x1B30] =	vst v0  }
0x5a: {  	[tilespmem:$0x1B40] =	vst v0  }
0x5b: {  	[tilespmem:$0x1B50] =	vst v0  }
0x5c: {  	[tilespmem:$0x1B60] =	vst v0  }
0x5d: {  	[tilespmem:$0x1B70] =	vst v0  }
0x5e: {  	[tilespmem:$0x1B80] =	vst v0  }
0x5f: {  	[tilespmem:$0x1B90] =	vst v0  }
0x60: {  	[tilespmem:$0x1BA0] =	vst v0  }
0x61: {  	[tilespmem:$0x1BB0] =	vst v0  }
0x62: {  	[tilespmem:$0x1BC0] =	vst v0  }
0x63: {  	[tilespmem:$0x1BD0] =	vst v0  }
0x64: {  	[tilespmem:$0x1BE0] =	vst v0  }
0x65: {  	[tilespmem:$0x1BF0] =	vst v0  }
0x66: {  	[tilespmem:$0x1C00] =	vst v0  }
0x67: {  	[tilespmem:$0x1C10] =	vst v0  }
0x68: {  	[tilespmem:$0x1C20] =	vst v0  }
0x69: {  	[tilespmem:$0x1C30] =	vst v0  }
0x6a: {  	[tilespmem:$0x1C40] =	vst v0  }
0x6b: {  	[tilespmem:$0x1C50] =	vst v0  }
0x6c: {  	[tilespmem:$0x1C60] =	vst v0  }
0x6d: {  	[tilespmem:$0x1C70] =	vst v0  }
0x6e: {  	[tilespmem:$0x1C80] =	vst v0  }
0x6f: {  	[tilespmem:$0x1C90] =	vst v0  }
0x70: {  	[tilespmem:$0x1CA0] =	vst v0  }
0x71: {  	[tilespmem:$0x1CB0] =	vst v0  }
0x72: {  	[tilespmem:$0x1CC0] =	vst v0  }
0x73: {  	[tilespmem:$0x1CD0] =	vst v0  }
0x74: {  	[tilespmem:$0x1CE0] =	vst v0  }
0x75: {  	[tilespmem:$0x1CF0] =	vst v0  }
0x76: {  	[tilespmem:$0x2D80] =	vst v0  }
0x77: {  	[tilespmem:$0x2D90] =	vst v0  }
0x78: {  	[tilespmem:$0x2DA0] =	vst v0  }
0x79: {  	[tilespmem:$0x2DB0] =	vst v0  }
0x7a: {  	[tilespmem:$0x2DC0] =	vst v0  }
0x7b: {  	[tilespmem:$0x2DD0] =	vst v0  }
0x7c: {  	[tilespmem:$0x2DE0] =	vst v0  }
0x7d: {  	[tilespmem:$0x2DF0] =	vst v0  }
0x7e: {  	[tilespmem:$0x2E00] =	vst v0  }
0x7f: {  	[tilespmem:$0x2E10] =	vst v0  }
0x80: {  	[tilespmem:$0x2E20] =	vst v0  }
0x81: {  	[tilespmem:$0x2E30] =	vst v0  }
0x82: {  	[tilespmem:$0x2E40] =	vst v0  }
0x83: {  	[tilespmem:$0x2E50] =	vst v0  }
0x84: {  	[tilespmem:$0x2E60] =	vst v0  }
0x85: {  	[tilespmem:$0x2E70] =	vst v0  }
0x86: {  	[tilespmem:$0x2E80] =	vst v0  }
0x87: {  	[tilespmem:$0x2E90] =	vst v0  }
0x88: {  	[tilespmem:$0x2EA0] =	vst v0  }
0x89: {  	[tilespmem:$0x2EB0] =	vst v0  }
0x8a: {  	[tilespmem:$0x2EC0] =	vst v0  }
0x8b: {  	[tilespmem:$0x2ED0] =	vst v0  }
0x8c: {  	[tilespmem:$0x2EE0] =	vst v0  }
0x8d: {  	[tilespmem:$0x2EF0] =	vst v0  }
0x8e: {  	[tilespmem:$0x2F00] =	vst v0  }
0x8f: {  	[tilespmem:$0x2F10] =	vst v0  }
0x90: {  	[tilespmem:$0x2F20] =	vst v0  }
0x91: {  	[tilespmem:$0x2F30] =	vst v0  }
0x92: {  	[tilespmem:$0x2F40] =	vst v0  }
0x93: {  	[tilespmem:$0x2F50] =	vst v0  }
0x94: {  	[tilespmem:$0x2F60] =	vst v0  }
0x95: {  	[tilespmem:$0x2F70] =	vst v0  }
0x96: {  	[tilespmem:$0x2F80] =	vst v0  }
0x97: {  	[tilespmem:$0x2F90] =	vst v0  }
0x98: {  	[tilespmem:$0x2FA0] =	vst v0  }
0x99: {  	[tilespmem:$0x2FB0] =	vst v0  }
0x9a: {  	[tilespmem:$0x2FC0] =	vst v0  }
0x9b: {  	[tilespmem:$0x2FD0] =	vst v0  }
0x9c: {  	[tilespmem:$0x2FE0] =	vst v0  }
0x9d: {  	[tilespmem:$0x2FF0] =	vst v0  }
0x9e: {  	[tilespmem:$0x3000] =	vst v0  }
0x9f: {  	[tilespmem:$0x3010] =	vst v0  }
0xa0: {  	[tilespmem:$0x3020] =	vst v0  }
0xa1: {  	[tilespmem:$0x3030] =	vst v0  }
0xa2: {  	[tilespmem:$0x3040] =	vst v0  }
0xa3: {  	[tilespmem:$0x3050] =	vst v0  }
0xa4: {  	[tilespmem:$0x3060] =	vst v0  }
0xa5: {  	[tilespmem:$0x3070] =	vst v0  }
0xa6: {  	[tilespmem:$0x3080] =	vst v0  }
0xa7: {  	[tilespmem:$0x3090] =	vst v0  }
0xa8: {  	[tilespmem:$0x30A0] =	vst v0  }
0xa9: {  	[tilespmem:$0x30B0] =	vst v0  }
0xaa: {  	[tilespmem:$0x30C0] =	vst v0  }
0xab: {  	[tilespmem:$0x30D0] =	vst v0  }
0xac: {  	[tilespmem:$0x30E0] =	vst v0  }
0xad: {  	s0 =	sld [smem:$0x7F3];
	[tilespmem:$0x30F0] =	vst v0  }
0xae: {  	[tilespmem:s8], [sflag:$0x1] =	stream.indirect.gather [hbm4b:s4+s7], $0x40, s2, s7, $0xb8;
	[tilespmem:$0x3100] =	vst v63  }
0xaf: {  	_ = 	snop  }
0xb0: {  	[tilespmem:s9], [sflag:$0x2] =	stream.indirect.gather [hbm4b:s4+s7], $0x40, s0, s7, $0xb8;
	[tilespmem:$0x3100] =	vst v63  }
0xb1: {  	_ =	swait.ge [sflag:s10], $0x1080  }
0xb2: {  	[sflag:s10] =	ssyncset.done $0x0  }
0xb3: {  	[sflag:s10] =	ssyncadd.s32 $0xFFFFEF80  }
0xb4: {  	[hbm4b:s3+s2] =	stream.linear.scatter [tilespmem:s8], [sflag:$0x3], $0x1400, $0x38;
	[tilespmem:$0x3100] =	vst v63  }
0xb5: {  	_ =	swait.ge [sflag:s6], $0x1400  }
0xb6: {  	s0 =	sld [smem:$0x7F4]  }
0xb7: {  	[sflag:s6] =	ssyncset.done $0x0  }
0xb8: {  	[sflag:s6] =	ssyncadd.s32 $0xFFFFEC00  }
0xb9: {  	[tilespmem:s8], [sflag:$0x1] =	stream.indirect.gather [hbm4b:s4+s7], $0x40, s0, s7, $0xb8;
	[tilespmem:$0x3100] =	vst v63  }
0xba: {  	_ =	swait.ge [sflag:s11], $0x1080  }
0xbb: {  	[sflag:s11] =	ssyncset.done $0x0  }
0xbc: {  	s0 =	rddreg [dreg:$0x4];
	[sflag:s11] =	ssyncadd.s32 $0xFFFFEF80  }
0xbd: {  	[hbm4b:s0+s2] =	stream.linear.scatter [tilespmem:s9], [sflag:$0x3], $0x1400, $0x38;
	[tilespmem:$0x3100] =	vst v63  }
0xbe: {  	_ =	swait.ge [sflag:s6], $0x1400  }
0xbf: {  	s0 =	sld [smem:$0x7F5]  }
0xc0: {  	[sflag:s6] =	ssyncset.done $0x0  }
0xc1: {  	[sflag:s6] =	ssyncadd.s32 $0xFFFFEC00  }
0xc2: {  	[tilespmem:s9], [sflag:$0x2] =	stream.indirect.gather [hbm4b:s4+s7], $0x40, s0, s7, $0xb8;
	[tilespmem:$0x3100] =	vst v63  }
0xc3: {  	_ =	swait.ge [sflag:s10], $0x1080  }
0xc4: {  	[sflag:s10] =	ssyncset.done $0x0  }
0xc5: {  	s0 =	rddreg [dreg:$0x5];
	[sflag:s10] =	ssyncadd.s32 $0xFFFFEF80  }
0xc6: {  	[hbm4b:s0+s2] =	stream.linear.scatter [tilespmem:s8], [sflag:$0x3], $0x1400, $0x38;
	[tilespmem:$0x3100] =	vst v63  }
0xc7: {  	_ =	swait.ge [sflag:s6], $0x1400  }
0xc8: {  	s0 =	sld [smem:$0x7F6]  }
0xc9: {  	[sflag:s6] =	ssyncset.done $0x0  }
0xca: {  	[sflag:s6] =	ssyncadd.s32 $0xFFFFEC00  }
0xcb: {  	[tilespmem:s8], [sflag:$0x1] =	stream.indirect.gather [hbm4b:s4+s7], $0x40, s0, s7, $0xb8;
	[tilespmem:$0x3100] =	vst v63  }
0xcc: {  	_ =	swait.ge [sflag:s11], $0x1080  }
0xcd: {  	[sflag:s11] =	ssyncset.done $0x0  }
0xce: {  	s0 =	rddreg [dreg:$0x6];
	[sflag:s11] =	ssyncadd.s32 $0xFFFFEF80  }
0xcf: {  	[hbm4b:s0+s2] =	stream.linear.scatter [tilespmem:s9], [sflag:$0x3], $0x1400, $0x38;
	[tilespmem:$0x3100] =	vst v63  }
0xd0: {  	_ =	swait.ge [sflag:s6], $0x1400  }
0xd1: {  	s0 =	sld [smem:$0x7F7]  }
0xd2: {  	[sflag:s6] =	ssyncset.done $0x0  }
0xd3: {  	[sflag:s6] =	ssyncadd.s32 $0xFFFFEC00  }
0xd4: {  	[tilespmem:s9], [sflag:$0x2] =	stream.indirect.gather [hbm4b:s4+s7], $0x40, s0, s7, $0xb8;
	[tilespmem:$0x3100] =	vst v63  }
0xd5: {  	_ =	swait.ge [sflag:s10], $0x1080  }
0xd6: {  	[sflag:s10] =	ssyncset.done $0x0  }
0xd7: {  	s0 =	rddreg [dreg:$0x7];
	[sflag:s10] =	ssyncadd.s32 $0xFFFFEF80  }
0xd8: {  	[hbm4b:s0+s2] =	stream.linear.scatter [tilespmem:s8], [sflag:$0x3], $0x1400, $0x38;
	[tilespmem:$0x3100] =	vst v63  }
0xd9: {  	_ =	swait.ge [sflag:s6], $0x1400  }
0xda: {  	s0 =	sld [smem:$0x7F8]  }
0xdb: {  	[sflag:s6] =	ssyncset.done $0x0  }
0xdc: {  	[sflag:s6] =	ssyncadd.s32 $0xFFFFEC00  }
0xdd: {  	[tilespmem:s8], [sflag:$0x1] =	stream.indirect.gather [hbm4b:s4+s7], $0x40, s0, s7, $0xb8;
	[tilespmem:$0x3100] =	vst v63  }
0xde: {  	_ =	swait.ge [sflag:s11], $0x1080  }
0xdf: {  	[sflag:s11] =	ssyncset.done $0x0  }
0xe0: {  	s0 =	rddreg [dreg:$0x8];
	[sflag:s11] =	ssyncadd.s32 $0xFFFFEF80  }
0xe1: {  	[hbm4b:s0+s2] =	stream.linear.scatter [tilespmem:s9], [sflag:$0x3], $0x1400, $0x38;
	[tilespmem:$0x3100] =	vst v63  }
0xe2: {  	_ =	swait.ge [sflag:s6], $0x1400  }
0xe3: {  	s0 =	sld [smem:$0x7F9]  }
0xe4: {  	[sflag:s6] =	ssyncset.done $0x0  }
0xe5: {  	[sflag:s6] =	ssyncadd.s32 $0xFFFFEC00  }
0xe6: {  	[tilespmem:s9], [sflag:$0x2] =	stream.indirect.gather [hbm4b:s4+s7], $0x40, s0, s7, $0xb8;
	[tilespmem:$0x3100] =	vst v63  }
0xe7: {  	_ =	swait.ge [sflag:s10], $0x1080  }
0xe8: {  	[sflag:s10] =	ssyncset.done $0x0  }
0xe9: {  	s0 =	rddreg [dreg:$0x9];
	[sflag:s10] =	ssyncadd.s32 $0xFFFFEF80  }
0xea: {  	[hbm4b:s0+s2] =	stream.linear.scatter [tilespmem:s8], [sflag:$0x3], $0x1400, $0x38;
	[tilespmem:$0x3100] =	vst v63  }
0xeb: {  	_ =	swait.ge [sflag:s6], $0x1400  }
0xec: {  	s0 =	sld [smem:$0x7FA]  }
0xed: {  	[sflag:s6] =	ssyncset.done $0x0  }
0xee: {  	[sflag:s6] =	ssyncadd.s32 $0xFFFFEC00  }
0xef: {  	[tilespmem:s8], [sflag:$0x1] =	stream.indirect.gather [hbm4b:s4+s7], $0x40, s0, s7, $0xb8;
	[tilespmem:$0x3100] =	vst v63  }
0xf0: {  	_ =	swait.ge [sflag:s11], $0x1080  }
0xf1: {  	[sflag:s11] =	ssyncset.done $0x0  }
0xf2: {  	s0 =	rddreg [dreg:$0xa];
	[sflag:s11] =	ssyncadd.s32 $0xFFFFEF80  }
0xf3: {  	[hbm4b:s0+s2] =	stream.linear.scatter [tilespmem:s9], [sflag:$0x3], $0x1400, $0x38;
	[tilespmem:$0x3100] =	vst v63  }
0xf4: {  	_ =	swait.ge [sflag:s6], $0x1400  }
0xf5: {  	s0 =	sld [smem:$0x7FB]  }
0xf6: {  	[sflag:s6] =	ssyncset.done $0x0  }
0xf7: {  	[sflag:s6] =	ssyncadd.s32 $0xFFFFEC00  }
0xf8: {  	[tilespmem:s9], [sflag:$0x2] =	stream.indirect.gather [hbm4b:s4+s7], $0x40, s0, s7, $0xb8;
	[tilespmem:$0x3100] =	vst v63  }
0xf9: {  	_ =	swait.ge [sflag:s10], $0x1080  }
0xfa: {  	[sflag:s10] =	ssyncset.done $0x0  }
0xfb: {  	s0 =	rddreg [dreg:$0xb];
	[sflag:s10] =	ssyncadd.s32 $0xFFFFEF80  }
0xfc: {  	[hbm4b:s0+s2] =	stream.linear.scatter [tilespmem:s8], [sflag:$0x3], $0x1400, $0x38;
	[tilespmem:$0x3100] =	vst v63  }
0xfd: {  	_ =	swait.ge [sflag:s6], $0x1400  }
0xfe: {  	s0 =	sld [smem:$0x7FC]  }
0xff: {  	[sflag:s6] =	ssyncset.done $0x0  }
0x100: {  	[sflag:s6] =	ssyncadd.s32 $0xFFFFEC00  }
0x101: {  	[tilespmem:s8], [sflag:$0x1] =	stream.indirect.gather [hbm4b:s4+s7], $0x40, s0, s7, $0xb8;
	[tilespmem:$0x3100] =	vst v63  }
0x102: {  	_ =	swait.ge [sflag:s11], $0x1080  }
0x103: {  	[sflag:s11] =	ssyncset.done $0x0  }
0x104: {  	s0 =	rddreg [dreg:$0xc];
	[sflag:s11] =	ssyncadd.s32 $0xFFFFEF80  }
0x105: {  	[hbm4b:s0+s2] =	stream.linear.scatter [tilespmem:s9], [sflag:$0x3], $0x1400, $0x38;
	[tilespmem:$0x3100] =	vst v63  }
0x106: {  	_ =	swait.ge [sflag:s6], $0x1400  }
0x107: {  	s0 =	sld [smem:$0x7FD]  }
0x108: {  	[sflag:s6] =	ssyncset.done $0x0  }
0x109: {  	[sflag:s6] =	ssyncadd.s32 $0xFFFFEC00  }
0x10a: {  	[tilespmem:s9], [sflag:$0x2] =	stream.indirect.gather [hbm4b:s4+s7], $0x40, s0, s7, $0xb8;
	[tilespmem:$0x3100] =	vst v63  }
0x10b: {  	_ =	swait.ge [sflag:s10], $0x1080  }
0x10c: {  	[sflag:s10] =	ssyncset.done $0x0  }
0x10d: {  	s0 =	rddreg [dreg:$0xd];
	[sflag:s10] =	ssyncadd.s32 $0xFFFFEF80  }
0x10e: {  	[hbm4b:s0+s2] =	stream.linear.scatter [tilespmem:s8], [sflag:$0x3], $0x1400, $0x38;
	[tilespmem:$0x3100] =	vst v63  }
0x10f: {  	_ =	swait.ge [sflag:s6], $0x1400  }
0x110: {  	[sflag:s6] =	ssyncset.done $0x0  }
0x111: {  	[sflag:s6] =	ssyncadd.s32 $0xFFFFEC00  }
0x112: {  	[tilespmem:s8], [sflag:$0x1] =	stream.indirect.gather [hbm4b:s4+s7], $0x40, s12, s7, $0xb8;
	[tilespmem:$0x3100] =	vst v63  }
0x113: {  	_ =	swait.ge [sflag:s11], $0x1080  }
0x114: {  	[sflag:s11] =	ssyncset.done $0x0  }
0x115: {  	s0 =	rddreg [dreg:$0xe];
	[sflag:s11] =	ssyncadd.s32 $0xFFFFEF80  }
0x116: {  	[hbm4b:s0+s2] =	stream.linear.scatter [tilespmem:s9], [sflag:$0x3], $0x1400, $0x38;
	[tilespmem:$0x3100] =	vst v63  }
0x117: {  	_ =	swait.ge [sflag:s6], $0x1400  }
0x118: {  	[sflag:s6] =	ssyncset.done $0x0  }
0x119: {  	[sflag:s6] =	ssyncadd.s32 $0xFFFFEC00  }
0x11a: {  	[tilespmem:s9], [sflag:$0x2] =	stream.indirect.gather [hbm4b:s4+s7], $0x40, s13, s7, $0xb8;
	[tilespmem:$0x3100] =	vst v63  }
0x11b: {  	_ =	swait.ge [sflag:s10], $0x1080  }
0x11c: {  	[sflag:s10] =	ssyncset.done $0x0  }
0x11d: {  	s0 =	rddreg [dreg:$0xf];
	[sflag:s10] =	ssyncadd.s32 $0xFFFFEF80  }
0x11e: {  	[hbm4b:s0+s2] =	stream.linear.scatter [tilespmem:s8], [sflag:$0x3], $0x1400, $0x38;
	[tilespmem:$0x3100] =	vst v63  }
0x11f: {  	_ =	swait.ge [sflag:s6], $0x1400  }
0x120: {  	[sflag:s6] =	ssyncset.done $0x0  }
0x121: {  	[sflag:s6] =	ssyncadd.s32 $0xFFFFEC00  }
0x122: {  	[tilespmem:s8], [sflag:$0x1] =	stream.indirect.gather [hbm4b:s4+s7], $0x40, s14, s7, $0xb8;
	[tilespmem:$0x3100] =	vst v63  }
0x123: {  	_ =	swait.ge [sflag:s11], $0x1080  }
0x124: {  	[sflag:s11] =	ssyncset.done $0x0  }
0x125: {  	s0 =	rddreg [dreg:$0x10];
	[sflag:s11] =	ssyncadd.s32 $0xFFFFEF80  }
0x126: {  	[hbm4b:s0+s2] =	stream.linear.scatter [tilespmem:s9], [sflag:$0x3], $0x1400, $0x38;
	[tilespmem:$0x3100] =	vst v63  }
0x127: {  	_ =	swait.ge [sflag:s6], $0x1400  }
0x128: {  	[sflag:s6] =	ssyncset.done $0x0  }
0x129: {  	[sflag:s6] =	ssyncadd.s32 $0xFFFFEC00  }
0x12a: {  	[tilespmem:s9], [sflag:$0x2] =	stream.indirect.gather [hbm4b:s4+s7], $0x40, s15, s7, $0xb8;
	[tilespmem:$0x3100] =	vst v63  }
0x12b: {  	_ =	swait.ge [sflag:s10], $0x1080  }
0x12c: {  	[sflag:s10] =	ssyncset.done $0x0  }
0x12d: {  	s0 =	rddreg [dreg:$0x11];
	[sflag:s10] =	ssyncadd.s32 $0xFFFFEF80  }
0x12e: {  	[hbm4b:s0+s2] =	stream.linear.scatter [tilespmem:s8], [sflag:$0x3], $0x1400, $0x38;
	[tilespmem:$0x3100] =	vst v63  }
0x12f: {  	_ =	swait.ge [sflag:s6], $0x1400  }
0x130: {  	[sflag:s6] =	ssyncset.done $0x0  }
0x131: {  	[sflag:s6] =	ssyncadd.s32 $0xFFFFEC00  }
0x132: {  	[tilespmem:s8], [sflag:$0x1] =	stream.indirect.gather [hbm4b:s4+s7], $0x40, s16, s7, $0xb8;
	[tilespmem:$0x3100] =	vst v63  }
0x133: {  	_ =	swait.ge [sflag:s11], $0x1080  }
0x134: {  	[sflag:s11] =	ssyncset.done $0x0  }
0x135: {  	s0 =	rddreg [dreg:$0x12];
	[sflag:s11] =	ssyncadd.s32 $0xFFFFEF80  }
0x136: {  	[hbm4b:s0+s2] =	stream.linear.scatter [tilespmem:s9], [sflag:$0x3], $0x1400, $0x38;
	[tilespmem:$0x3100] =	vst v63  }
0x137: {  	_ =	swait.ge [sflag:s6], $0x1400  }
0x138: {  	[sflag:s6] =	ssyncset.done $0x0  }
0x139: {  	[sflag:s6] =	ssyncadd.s32 $0xFFFFEC00  }
0x13a: {  	[tilespmem:s9], [sflag:$0x2] =	stream.indirect.gather [hbm4b:s4+s7], $0x40, s17, s7, $0xb8;
	[tilespmem:$0x3100] =	vst v63  }
0x13b: {  	_ =	swait.ge [sflag:s10], $0x1080  }
0x13c: {  	[sflag:s10] =	ssyncset.done $0x0  }
0x13d: {  	s0 =	rddreg [dreg:$0x13];
	[sflag:s10] =	ssyncadd.s32 $0xFFFFEF80  }
0x13e: {  	[hbm4b:s0+s2] =	stream.linear.scatter [tilespmem:s8], [sflag:$0x3], $0x1400, $0x38;
	[tilespmem:$0x3100] =	vst v63  }
0x13f: {  	_ =	swait.ge [sflag:s6], $0x1400  }
0x140: {  	[sflag:s6] =	ssyncset.done $0x0  }
0x141: {  	[sflag:s6] =	ssyncadd.s32 $0xFFFFEC00  }
0x142: {  	[tilespmem:s8], [sflag:$0x1] =	stream.indirect.gather [hbm4b:s4+s7], $0x40, s18, s7, $0xb8;
	[tilespmem:$0x3100] =	vst v63  }
0x143: {  	_ =	swait.ge [sflag:s11], $0x1080  }
0x144: {  	[sflag:s11] =	ssyncset.done $0x0  }
0x145: {  	s0 =	rddreg [dreg:$0x14];
	[sflag:s11] =	ssyncadd.s32 $0xFFFFEF80  }
0x146: {  	[hbm4b:s0+s2] =	stream.linear.scatter [tilespmem:s9], [sflag:$0x3], $0x1400, $0x38;
	[tilespmem:$0x3100] =	vst v63  }
0x147: {  	_ =	swait.ge [sflag:s6], $0x1400  }
0x148: {  	[sflag:s6] =	ssyncset.done $0x0  }
0x149: {  	[sflag:s6] =	ssyncadd.s32 $0xFFFFEC00  }
0x14a: {  	[tilespmem:s9], [sflag:$0x2] =	stream.indirect.gather [hbm4b:s4+s7], $0x40, s19, s7, $0xb8;
	[tilespmem:$0x3100] =	vst v63  }
0x14b: {  	_ =	swait.ge [sflag:s10], $0x1080  }
0x14c: {  	[sflag:s10] =	ssyncset.done $0x0  }
0x14d: {  	s0 =	rddreg [dreg:$0x15];
	[sflag:s10] =	ssyncadd.s32 $0xFFFFEF80  }
0x14e: {  	[hbm4b:s0+s2] =	stream.linear.scatter [tilespmem:s8], [sflag:$0x3], $0x1400, $0x38;
	[tilespmem:$0x3100] =	vst v63  }
0x14f: {  	_ =	swait.ge [sflag:s6], $0x1400  }
0x150: {  	[sflag:s6] =	ssyncset.done $0x0  }
0x151: {  	[sflag:s6] =	ssyncadd.s32 $0xFFFFEC00  }
0x152: {  	[tilespmem:s8], [sflag:$0x1] =	stream.indirect.gather [hbm4b:s4+s7], $0x40, s20, s7, $0xb8;
	[tilespmem:$0x3100] =	vst v63  }
0x153: {  	_ =	swait.ge [sflag:s11], $0x1080  }
0x154: {  	[sflag:s11] =	ssyncset.done $0x0  }
0x155: {  	s0 =	rddreg [dreg:$0x16];
	[sflag:s11] =	ssyncadd.s32 $0xFFFFEF80  }
0x156: {  	[hbm4b:s0+s2] =	stream.linear.scatter [tilespmem:s9], [sflag:$0x3], $0x1400, $0x38;
	[tilespmem:$0x3100] =	vst v63  }
0x157: {  	_ =	swait.ge [sflag:s6], $0x1400  }
0x158: {  	[sflag:s6] =	ssyncset.done $0x0  }
0x159: {  	[sflag:s6] =	ssyncadd.s32 $0xFFFFEC00  }
0x15a: {  	[tilespmem:s9], [sflag:$0x2] =	stream.indirect.gather [hbm4b:s4+s7], $0x40, s21, s7, $0xb8;
	[tilespmem:$0x3100] =	vst v63  }
0x15b: {  	_ =	swait.ge [sflag:s10], $0x1080  }
0x15c: {  	[sflag:s10] =	ssyncset.done $0x0  }
0x15d: {  	s0 =	rddreg [dreg:$0x17];
	[sflag:s10] =	ssyncadd.s32 $0xFFFFEF80  }
0x15e: {  	[hbm4b:s0+s2] =	stream.linear.scatter [tilespmem:s8], [sflag:$0x3], $0x1400, $0x38;
	[tilespmem:$0x3100] =	vst v63  }
0x15f: {  	_ =	swait.ge [sflag:s6], $0x1400  }
0x160: {  	[sflag:s6] =	ssyncset.done $0x0  }
0x161: {  	[sflag:s6] =	ssyncadd.s32 $0xFFFFEC00  }
0x162: {  	[tilespmem:s8], [sflag:$0x1] =	stream.indirect.gather [hbm4b:s4+s7], $0x40, s22, s7, $0xb8;
	[tilespmem:$0x3100] =	vst v63  }
0x163: {  	_ =	swait.ge [sflag:s11], $0x1080  }
0x164: {  	[sflag:s11] =	ssyncset.done $0x0  }
0x165: {  	s0 =	rddreg [dreg:$0x18];
	[sflag:s11] =	ssyncadd.s32 $0xFFFFEF80  }
0x166: {  	[hbm4b:s0+s2] =	stream.linear.scatter [tilespmem:s9], [sflag:$0x3], $0x1400, $0x38;
	[tilespmem:$0x3100] =	vst v63  }
0x167: {  	_ =	swait.ge [sflag:s6], $0x1400  }
0x168: {  	[sflag:s6] =	ssyncset.done $0x0  }
0x169: {  	[sflag:s6] =	ssyncadd.s32 $0xFFFFEC00  }
0x16a: {  	[tilespmem:s9], [sflag:$0x2] =	stream.indirect.gather [hbm4b:s4+s7], $0x40, s23, s7, $0xb8;
	[tilespmem:$0x3100] =	vst v63  }
0x16b: {  	_ =	swait.ge [sflag:s10], $0x1080  }
0x16c: {  	[sflag:s10] =	ssyncset.done $0x0  }
0x16d: {  	s0 =	rddreg [dreg:$0x19];
	[sflag:s10] =	ssyncadd.s32 $0xFFFFEF80  }
0x16e: {  	[hbm4b:s0+s2] =	stream.linear.scatter [tilespmem:s8], [sflag:$0x3], $0x1400, $0x38;
	[tilespmem:$0x3100] =	vst v63  }
0x16f: {  	_ =	swait.ge [sflag:s6], $0x1400  }
0x170: {  	[sflag:s6] =	ssyncset.done $0x0  }
0x171: {  	[sflag:s6] =	ssyncadd.s32 $0xFFFFEC00  }
0x172: {  	[tilespmem:s8], [sflag:$0x1] =	stream.indirect.gather [hbm4b:s4+s7], $0x40, s24, s7, $0xb8;
	[tilespmem:$0x3100] =	vst v63  }
0x173: {  	_ =	swait.ge [sflag:s11], $0x1080  }
0x174: {  	[sflag:s11] =	ssyncset.done $0x0  }
0x175: {  	s0 =	rddreg [dreg:$0x1a];
	[sflag:s11] =	ssyncadd.s32 $0xFFFFEF80  }
0x176: {  	[hbm4b:s0+s2] =	stream.linear.scatter [tilespmem:s9], [sflag:$0x3], $0x1400, $0x38;
	[tilespmem:$0x3100] =	vst v63  }
0x177: {  	_ =	swait.ge [sflag:s6], $0x1400  }
0x178: {  	[sflag:s6] =	ssyncset.done $0x0  }
0x179: {  	[sflag:s6] =	ssyncadd.s32 $0xFFFFEC00  }
0x17a: {  	[tilespmem:s9], [sflag:$0x2] =	stream.indirect.gather [hbm4b:s4+s7], $0x40, s25, s7, $0xb8;
	[tilespmem:$0x3100] =	vst v63  }
0x17b: {  	_ =	swait.ge [sflag:s10], $0x1080  }
0x17c: {  	[sflag:s10] =	ssyncset.done $0x0  }
0x17d: {  	s0 =	rddreg [dreg:$0x1b];
	[sflag:s10] =	ssyncadd.s32 $0xFFFFEF80  }
0x17e: {  	[hbm4b:s0+s2] =	stream.linear.scatter [tilespmem:s8], [sflag:$0x3], $0x1400, $0x38;
	[tilespmem:$0x3100] =	vst v63  }
0x17f: {  	_ =	swait.ge [sflag:s6], $0x1400  }
0x180: {  	[sflag:s6] =	ssyncset.done $0x0  }
0x181: {  	[sflag:s6] =	ssyncadd.s32 $0xFFFFEC00  }
0x182: {  	[tilespmem:s8], [sflag:$0x1] =	stream.indirect.gather [hbm4b:s4+s7], $0x40, s26, s7, $0xb8;
	[tilespmem:$0x3100] =	vst v63  }
0x183: {  	_ =	swait.ge [sflag:s11], $0x1080  }
0x184: {  	[sflag:s11] =	ssyncset.done $0x0  }
0x185: {  	s0 =	rddreg [dreg:$0x1c];
	[sflag:s11] =	ssyncadd.s32 $0xFFFFEF80  }
0x186: {  	[hbm4b:s0+s2] =	stream.linear.scatter [tilespmem:s9], [sflag:$0x3], $0x1400, $0x38;
	[tilespmem:$0x3100] =	vst v63  }
0x187: {  	_ =	swait.ge [sflag:s6], $0x1400  }
0x188: {  	[sflag:s6] =	ssyncset.done $0x0  }
0x189: {  	[sflag:s6] =	ssyncadd.s32 $0xFFFFEC00  }
0x18a: {  	[tilespmem:s9], [sflag:$0x2] =	stream.indirect.gather [hbm4b:s4+s7], $0x40, s28, s7, $0xb8;
	[tilespmem:$0x3100] =	vst v63  }
0x18b: {  	_ =	swait.ge [sflag:s10], $0x1080  }
0x18c: {  	[sflag:s10] =	ssyncset.done $0x0  }
0x18d: {  	s0 =	rddreg [dreg:$0x1d];
	[sflag:s10] =	ssyncadd.s32 $0xFFFFEF80  }
0x18e: {  	[hbm4b:s0+s2] =	stream.linear.scatter [tilespmem:s8], [sflag:$0x3], $0x1400, $0x38;
	[tilespmem:$0x3100] =	vst v63  }
0x18f: {  	_ =	swait.ge [sflag:s6], $0x1400  }
0x190: {  	[sflag:s6] =	ssyncset.done $0x0  }
0x191: {  	[sflag:s6] =	ssyncadd.s32 $0xFFFFEC00  }
0x192: {  	[tilespmem:s8], [sflag:$0x1] =	stream.indirect.gather [hbm4b:s4+s7], $0x40, s29, s7, $0xb8;
	[tilespmem:$0x3100] =	vst v63  }
0x193: {  	_ =	swait.ge [sflag:s11], $0x1080  }
0x194: {  	[sflag:s11] =	ssyncset.done $0x0  }
0x195: {  	s0 =	rddreg [dreg:$0x1e];
	[sflag:s11] =	ssyncadd.s32 $0xFFFFEF80  }
0x196: {  	[hbm4b:s0+s2] =	stream.linear.scatter [tilespmem:s9], [sflag:$0x3], $0x1400, $0x38;
	[tilespmem:$0x3100] =	vst v63  }
0x197: {  	_ =	swait.ge [sflag:s6], $0x1400  }
0x198: {  	[sflag:s6] =	ssyncset.done $0x0  }
0x199: {  	[sflag:s6] =	ssyncadd.s32 $0xFFFFEC00  }
0x19a: {  	[tilespmem:s9], [sflag:$0x2] =	stream.indirect.gather [hbm4b:s4+s7], $0x40, s30, s7, $0xb8;
	[tilespmem:$0x3100] =	vst v63  }
0x19b: {  	_ =	swait.ge [sflag:s10], $0x1080  }
0x19c: {  	[sflag:s10] =	ssyncset.done $0x0  }
0x19d: {  	s0 =	rddreg [dreg:$0x1f];
	[sflag:s10] =	ssyncadd.s32 $0xFFFFEF80  }
0x19e: {  	[hbm4b:s0+s2] =	stream.linear.scatter [tilespmem:s8], [sflag:$0x3], $0x1400, $0x38;
	[tilespmem:$0x3100] =	vst v63  }
0x19f: {  	_ =	swait.ge [sflag:s6], $0x1400  }
0x1a0: {  	[sflag:s6] =	ssyncset.done $0x0  }
0x1a1: {  	[sflag:s6] =	ssyncadd.s32 $0xFFFFEC00  }
0x1a2: {  	[tilespmem:s8], [sflag:$0x1] =	stream.indirect.gather [hbm4b:s4+s7], $0x40, s31, s7, $0xb8;
	[tilespmem:$0x3100] =	vst v63  }
0x1a3: {  	_ =	swait.ge [sflag:s11], $0x1080  }
0x1a4: {  	s0 =	sld [smem:$0x7F0]  }
0x1a5: {  	[sflag:s11] =	ssyncset.done $0x0  }
0x1a6: {  	[sflag:s11] =	ssyncadd.s32 $0xFFFFEF80  }
0x1a7: {  	[hbm4b:s0+s2] =	stream.linear.scatter [tilespmem:s9], [sflag:$0x3], $0x1400, $0x38;
	[tilespmem:$0x3100] =	vst v63  }
0x1a8: {  	_ =	swait.ge [sflag:s6], $0x1400  }
0x1a9: {  	[sflag:s6] =	ssyncset.done $0x0  }
0x1aa: {  	[sflag:s6] =	ssyncadd.s32 $0xFFFFEC00  }
0x1ab: {  	[tilespmem:s9], [sflag:$0x2] =	stream.indirect.gather [hbm4b:s4+s7], $0x40, s1, s7, $0xb8;
	[tilespmem:$0x3100] =	vst v63  }
0x1ac: {  	_ =	swait.ge [sflag:s10], $0x1080  }
0x1ad: {  	s0 =	sld [smem:$0x7F1]  }
0x1ae: {  	[sflag:s10] =	ssyncset.done $0x0  }
0x1af: {  	[sflag:s10] =	ssyncadd.s32 $0xFFFFEF80  }
0x1b0: {  	[hbm4b:s0+s2] =	stream.linear.scatter [tilespmem:s8], [sflag:$0x3], $0x1400, $0x38;
	[tilespmem:$0x3100] =	vst v63  }
0x1b1: {  	_ =	swait.ge [sflag:s6], $0x1400  }
0x1b2: {  	[sflag:s6] =	ssyncset.done $0x0  }
0x1b3: {  	[sflag:s6] =	ssyncadd.s32 $0xFFFFEC00  }
0x1b4: {  	_ =	swait.ge [sflag:s11], $0x1080  }
0x1b5: {  	s0 =	sld [smem:$0x7F2]  }
0x1b6: {  	p0 =	sne.s32 s5, $0x1;
	[sflag:s11] =	ssyncset.done $0x0  }
.Ltmp0:
0x1b7: {  	[sflag:s11] =	ssyncadd.s32 $0xFFFFEF80;
	(pc) =	sbr.rel @p0 .LBB2_1-.Ltmp0, $4  }
0x1b8: {  	[hbm4b:s0+s2] =	stream.linear.scatter [tilespmem:s9], [sflag:$0x3], $0x1400, $0x38;
	[tilespmem:$0x3100] =	vst v63  }
0x1b9: {  	_ =	swait.ge [sflag:s6], $0x1400  }
0x1ba: {  	[sflag:s6] =	ssyncset.done $0x0  }
0x1bb: {  	s5 =	sadd.s32 $0xFFFFFFFF, s5;
	[sflag:s6] =	ssyncadd.s32 $0xFFFFEC00  }
0x1bc: {  	_ =	sfence.sel $0x180000  }
0x1bd: {  	[bflag:$0x0] =	sbarrier.arrive $0xFFFF  }
0x1be: {  	_ =	strace $0x90000047  }
0x1bf: {  	s0 =	stileid.u32;
	[bflag:$0x2] =	sbarrier.arrive $0xFFFF  }
0x1c0: {  	p0 =	sne.s32 s0, $0x0;
	s0 =	rddreg [dreg:$0x2]  }
0x1c1: {  	s0 =	sadd.s32 @!p0 $0x100000, s0  }
0x1c2: {  	[sflag:s0] =	ssyncadd.tile.s32 @!p0 $0x1;
	_ =	shalt  }
.Lfunc_end2:
_tile_overlayer_lowered:
.L_overlay_start_2:
0x1c3: {  	(tag) =	ssettag $0x2  }
0x1c4: {  	s0 =	rddreg [dreg:$0x0];
	s2 =	stileid.u32  }
0x1c5: {  	s1 =	rddreg [dreg:$0x1];
	p0 =	sne.s32 s2, $0x0  }
0x1c6: {  	s3 =	rddreg [dreg:$0x2];
	[bflag:$0x3] =	sbarrier.arrive $0xFFFF;
	s2 =	simm.s32 @!p0 $0x1C03  }
0x1c7: {  	[timem:s3], [sflag:s2] =	dma.local @!p0 [hbm:s0], s1  }
0x1c8: {  	s0 =	simm.s32 @!p0 $0x3  }
0x1c9: {  	_ =	swait.ge @!p0 [sflag:s0], s1  }
0x1ca: {  	s1 =	ssub.s32 @!p0 $0x0, s1;
	[sflag:s0] =	ssyncset.done @!p0 $0x0  }
0x1cb: {  	[sflag:s0] =	ssyncadd.s32 @!p0 s1  }
0x1cc: {  	[bflag:$0x3] =	sbarrier.arrive $0xFFFF  }
0x1cd: {  	_ =	shalt  }

</sc_bundles>
